<compile_context>
chip_gen: v7x
topology: tpu7x:2x2x1
jax: 0.10.2.dev20260603
libtpu: 0.0.44.dev20260713+nightly
codegen_flags: <defaults>
</compile_context>

<pallas_src>
import dataclasses
import functools

import jax
import jax.numpy as jnp
from jax import lax
from jax.experimental import pallas as pl
from jax.experimental.pallas import tpu as pltpu
from jax.experimental.pallas import tpu_sc as plsc

N_NODES = 10000
N_EDGES = 320000
D_FEAT = 128
HIDDEN = 32
NUM_CLASSES = 10

NC, NS, L = 2, 16, 16
NW = NC * NS
CHUNK = 128
NCH = 80
E_PAD = NW * NCH * CHUNK
NP = 10240
SLAB = NP // NS
C_PAD = 16
ECH = 8192
PKW = 2 * ECH

_mesh = plsc.VectorSubcoreMesh(core_axis_name="c", subcore_axis_name="s")

_sc_params = pltpu.CompilerParams()
if "needs_layout_passes" in pltpu.CompilerParams.__dataclass_fields__:
    _sc_params = dataclasses.replace(_sc_params, needs_layout_passes=False)



def _deg_body(dst_hbm, ew_hbm, out_hbm, dstv, ewv, deg_sh, zb, sem):
    c = lax.axis_index("c")
    s = lax.axis_index("s")
    w = c * NS + s
    base = s * SLAB
    pltpu.sync_copy(dst_hbm.at[w], dstv)
    pltpu.sync_copy(ew_hbm.at[w], ewv)

    @pl.loop(0, SLAB, step=L)
    def _(i):
        zb[pl.ds(i, L)] = jnp.zeros((L,), jnp.float32)

    pltpu.sync_copy(zb, deg_sh.at[pl.ds(base, SLAB)])
    plsc.subcore_barrier()

    copies = [
        pltpu.async_copy(ewv.at[j], deg_sh.at[dstv.at[j]], sem, add=True)
        for j in range(NCH)
    ]
    for cp in copies:
        cp.wait()
    plsc.subcore_barrier()
    pltpu.sync_copy(deg_sh.at[pl.ds(base, SLAB)], out_hbm.at[c, pl.ds(base, SLAB)])


@functools.partial(
    pl.kernel,
    out_type=jax.ShapeDtypeStruct((NC, NP), jnp.float32),
    mesh=_mesh,
    scratch_types=[
        pltpu.VMEM((NCH, CHUNK), jnp.int32),
        pltpu.VMEM((NCH, CHUNK), jnp.float32),
        pltpu.VMEM_SHARED((NP,), jnp.float32),
        pltpu.VMEM((SLAB,), jnp.float32),
        pltpu.SemaphoreType.DMA,
    ],
    compiler_params=_sc_params,
    name="gcn_deg",
)
def _deg(dst_hbm, ew_hbm, out_hbm, dstv, ewv, deg_sh, zb, sem):
    _deg_body(dst_hbm, ew_hbm, out_hbm, dstv, ewv, deg_sh, zb, sem)


def _agg_chunk(buf, gcol, scol):
    @plsc.parallel_loop(0, ECH, step=L, unroll=8)
    def _(i):
        sd16 = buf[pl.ds(i, L)]
        s16 = jnp.bitwise_and(sd16, 0x3FFF)
        d16 = lax.shift_right_logical(sd16, 14)
        w16 = plsc.bitcast(buf[pl.ds(ECH + i, L)], jnp.float32)
        v = plsc.load_gather(gcol, [s16])
        plsc.addupdate_scatter(scol, [d16], v * w16)


def _agg_body(esplit, gt_hbm, pk_hbm, out_hbm,
              gcol, scol, buf0, buf1, pk_sh, sem0, sem1):
    etot = E_PAD // esplit
    nchk = etot // ECH
    c = lax.axis_index("c")
    s = lax.axis_index("s")
    w = c * NS + s
    if esplit == 1:
        feat = w
        ebase = 0
    else:
        feat = s
        ebase = c * etot * 2

    pltpu.sync_copy(gt_hbm.at[pl.ds(feat * NP, NP)], gcol)

    stg = etot * 2 // NS
    off = s * stg
    pltpu.sync_copy(pk_hbm.at[pl.ds(ebase + off, stg)], pk_sh.at[pl.ds(off, stg)])

    @pl.loop(0, NP, step=L, unroll=8)
    def _(i):
        scol[pl.ds(i, L)] = jnp.zeros((L,), jnp.float32)

    plsc.subcore_barrier()

    pltpu.async_copy(pk_sh.at[pl.ds(0, PKW)], buf0, sem0)

    @pl.loop(0, nchk // 2)
    def _(p):
        j0 = 2 * p
        pltpu.make_async_copy(pk_sh.at[pl.ds(j0 * PKW, PKW)], buf0, sem0).wait()
        pltpu.async_copy(pk_sh.at[pl.ds((j0 + 1) * PKW, PKW)], buf1, sem1)
        _agg_chunk(buf0, gcol, scol)
        pltpu.make_async_copy(pk_sh.at[pl.ds((j0 + 1) * PKW, PKW)], buf1, sem1).wait()

        @pl.when(p < nchk // 2 - 1)
        def _():
            pltpu.async_copy(pk_sh.at[pl.ds((j0 + 2) * PKW, PKW)], buf0, sem0)

        _agg_chunk(buf1, gcol, scol)

    pltpu.sync_copy(scol, out_hbm.at[pl.ds(w * NP, NP)])


def _make_agg(esplit):
    etot = E_PAD // esplit

    @functools.partial(
        pl.kernel,
        out_type=jax.ShapeDtypeStruct((NW * NP,), jnp.float32),
        mesh=_mesh,
        scratch_types=[
            pltpu.VMEM((NP,), jnp.float32),
            pltpu.VMEM((NP,), jnp.float32),
            pltpu.VMEM((PKW,), jnp.int32),
            pltpu.VMEM((PKW,), jnp.int32),
            pltpu.VMEM_SHARED((etot * 2,), jnp.int32),
            pltpu.SemaphoreType.DMA,
            pltpu.SemaphoreType.DMA,
        ],
        compiler_params=_sc_params,
        name=f"gcn_agg_es{esplit}",
    )
    def agg(gt_hbm, pk_hbm, out_hbm,
            gcol, scol, buf0, buf1, pk_sh, sem0, sem1):
        _agg_body(esplit, gt_hbm, pk_hbm, out_hbm,
                  gcol, scol, buf0, buf1, pk_sh, sem0, sem1)

    return agg


_agg_l1 = _make_agg(1)
_agg_l2 = _make_agg(2)



def _mm1_body(x_ref, w_ref, o_ref):
    o_ref[...] = lax.dot_general(
        w_ref[...], x_ref[...], (((0,), (1,)), ((), ())),
        preferred_element_type=jnp.float32,
        precision=lax.Precision.HIGHEST)


def _scale1_body(h_ref, da_ref, db_ref, g_ref, dis_ref):
    deg = 1.0 + da_ref[...] + db_ref[...]
    dis = lax.rsqrt(deg)
    dis_ref[...] = dis
    g_ref[...] = h_ref[...] * dis


def _tcb_body(s1_ref, g_ref, dis_ref, b1_ref, w2_ref, o_ref):
    pre = (s1_ref[...] + g_ref[...]) * dis_ref[...] + b1_ref[...]
    r = jnp.maximum(pre, 0.0)
    h2 = lax.dot_general(
        w2_ref[...], r, (((0,), (0,)), ((), ())),
        preferred_element_type=jnp.float32,
        precision=lax.Precision.HIGHEST)
    o_ref[...] = h2 * dis_ref[...]


def _tcc_body(s2_ref, g_ref, dis_ref, b2_ref, o_ref):
    s2 = s2_ref[:C_PAD, :] + s2_ref[C_PAD:, :]
    z = (s2 + g_ref[...]) * dis_ref[...] + b2_ref[...]
    zz = z[:NUM_CLASSES, :]
    m = jnp.max(zz, axis=0, keepdims=True)
    e = jnp.exp(zz - m)
    o_ref[...] = e / jnp.sum(e, axis=0, keepdims=True)


def _mm1(x_p, W1):
    return pl.pallas_call(
        _mm1_body,
        out_shape=jax.ShapeDtypeStruct((HIDDEN, NP), jnp.float32),
    )(x_p, W1)


def _scale1(h1t, da, db):
    return pl.pallas_call(
        _scale1_body,
        out_shape=(jax.ShapeDtypeStruct((HIDDEN, NP), jnp.float32),
                   jax.ShapeDtypeStruct((1, NP), jnp.float32)),
    )(h1t, da, db)


def _tcb(s1t, g1t, dist, b1c, W2p):
    return pl.pallas_call(
        _tcb_body,
        out_shape=jax.ShapeDtypeStruct((C_PAD, NP), jnp.float32),
    )(s1t, g1t, dist, b1c, W2p)


def _tcc(s2t, g2t, dist, b2c):
    return pl.pallas_call(
        _tcc_body,
        out_shape=jax.ShapeDtypeStruct((NUM_CLASSES, NP), jnp.float32),
    )(s2t, g2t, dist, b2c)



def kernel(x, edge_index, edge_weight, W1, b1, W2, b2):
    src = edge_index[0].astype(jnp.int32)
    dst = edge_index[1].astype(jnp.int32)
    pad_e = E_PAD - N_EDGES
    src_e = jnp.pad(src, (0, pad_e))
    dst_e = jnp.pad(dst, (0, pad_e))
    ew_e = jnp.pad(edge_weight, (0, pad_e))
    ew_bits = lax.bitcast_convert_type(ew_e, jnp.int32)
    sd_e = jnp.bitwise_or(src_e, jnp.left_shift(dst_e, 14))
    pk_e = jnp.concatenate(
        [sd_e.reshape(-1, 1, ECH), ew_bits.reshape(-1, 1, ECH)],
        axis=1).reshape(-1)
    dst_p = dst_e.reshape(NW, NCH, CHUNK)
    ew_p = ew_e.reshape(NW, NCH, CHUNK)
    x_p = jnp.pad(x, ((0, NP - N_NODES), (0, 0)))
    W2p = jnp.pad(W2, ((0, 0), (0, C_PAD - NUM_CLASSES)))
    b2c = jnp.pad(b2, (0, C_PAD - NUM_CLASSES)).reshape(C_PAD, 1)
    b1c = b1.reshape(HIDDEN, 1)

    degp = _deg(dst_p, ew_p)
    h1t = _mm1(x_p, W1)
    g1t, dist = _scale1(h1t, degp[0].reshape(1, NP), degp[1].reshape(1, NP))
    s1t = _agg_l1(g1t.reshape(-1), pk_e)
    g2t = _tcb(s1t.reshape(HIDDEN, NP), g1t, dist, b1c, W2p)
    s2t = _agg_l2(g2t.reshape(-1), pk_e)
    out_t = _tcc(s2t.reshape(NW, NP), g2t, dist, b2c)
    return out_t[:, :N_NODES].T

# --- scband reference (transcript-rebuilt; emitter-appended) ---
"""Pipeline reference for scband-gcn-70145405878400 (READ-ONLY COPY).

The authoritative reference and input builder live on the scoring server;
editing this copy changes nothing except your own understanding.
"""

import jax, jax.numpy as jnp
import numpy as np

N_NODES = 10000
N_EDGES = 320000
D_FEAT = 128
HIDDEN = 32
NUM_CLASSES = 10


def setup_inputs(seed: int = 0) -> dict:
    key = jax.random.key(seed)
    k_x, k_ei, k_ew, k_w1, k_b1, k_w2, k_b2 = jax.random.split(key, 7)
    x = jax.random.normal(k_x, (N_NODES, D_FEAT), dtype=jnp.float32)
    edge_index = jax.random.randint(k_ei, (2, N_EDGES), 0, N_NODES, dtype=jnp.int64)
    edge_weight = jax.random.uniform(k_ew, (N_EDGES,), dtype=jnp.float32)
    s1 = 1.0 / np.sqrt(D_FEAT)
    s2 = 1.0 / np.sqrt(HIDDEN)
    W1 = jax.random.uniform(k_w1, (D_FEAT, HIDDEN), dtype=jnp.float32, minval=-s1, maxval=s1)
    b1 = jax.random.uniform(k_b1, (HIDDEN,), dtype=jnp.float32, minval=-s1, maxval=s1)
    W2 = jax.random.uniform(k_w2, (HIDDEN, NUM_CLASSES), dtype=jnp.float32, minval=-s2, maxval=s2)
    b2 = jax.random.uniform(k_b2, (NUM_CLASSES,), dtype=jnp.float32, minval=-s2, maxval=s2)
    return {"x": x, "edge_index": edge_index, "edge_weight": edge_weight,
            "W1": W1, "b1": b1, "W2": W2, "b2": b2}


def gcn_conv(x, edge_index, edge_weight, W, b):
    num_nodes = x.shape[0]
    # linear transform
    h = x @ W
    src = edge_index[0]
    dst = edge_index[1]
    # add self-loops with weight 1 (PyG GCNConv default)
    loop = jnp.arange(num_nodes, dtype=src.dtype)
    src = jnp.concatenate([src, loop])
    dst = jnp.concatenate([dst, loop])
    ew = jnp.concatenate([edge_weight, jnp.ones((num_nodes,), dtype=edge_weight.dtype)])
    # symmetric normalization: D^{-1/2} A D^{-1/2}
    deg = jnp.zeros((num_nodes,), dtype=h.dtype).at[dst].add(ew)
    deg_inv_sqrt = jnp.where(deg > 0, deg ** -0.5, 0.0)
    norm = deg_inv_sqrt[src] * ew * deg_inv_sqrt[dst]
    # message passing: gather from src, scatter-add to dst
    msg = h[src] * norm[:, None]
    out = jnp.zeros((num_nodes, h.shape[1]), dtype=h.dtype).at[dst].add(msg)
    return out + b


def reference(x, edge_index, edge_weight, W1, b1, W2, b2):
    h = gcn_conv(x, edge_index, edge_weight, W1, b1)
    h = jax.nn.relu(h)
    h = gcn_conv(h, edge_index, edge_weight, W2, b2)
    return jax.nn.softmax(h, axis=1)

if __name__ == "__main__":
    import jax
    _d = setup_inputs()
    print(jax.jit(kernel)(*tuple(_d.values())))

</pallas_src>

<mosaic_0001>
#map = affine_map<(d0, d1) -> (0, 0, 0)>
#map1 = affine_map<(d0, d1) -> (0, 0)>
module attributes {stable_mosaic.version = 14 : i64} {
  func.func @gcn_deg(%arg0: i32, %arg1: i32, %arg2: memref<32x80x128xi32, #tpu.memory_space<hbm>>, %arg3: memref<32x80x128xf32, #tpu.memory_space<hbm>>, %arg4: memref<2x10240xf32, #tpu.memory_space<hbm>>, %arg5: memref<80x128xi32, #tpu.memory_space<vmem>>, %arg6: memref<80x128xf32, #tpu.memory_space<vmem>>, %arg7: memref<10240xf32, #tpu.memory_space<vmem_shared>>, %arg8: memref<640xf32, #tpu.memory_space<vmem>>, %arg9: memref<!tpu.dma_semaphore, #tpu.memory_space<semaphore_mem>>) attributes {dimension_semantics = [#tpu.dimension_semantics<core_parallel>, #tpu.dimension_semantics<subcore_parallel>], iteration_bounds = array<i64: 2, 16>, scalar_prefetch = 0 : i64, scratch_operands = 5 : i64, tpu.core_type = #tpu.core_type<sc_vector_subcore>, window_params = [{transform_indices = #map}, {transform_indices = #map}, {transform_indices = #map1}]} {
    %mul3A = arith.constant 16 : i32
    %mul3A_0 = arith.muli %arg0, %mul3A : i32
    %add3A = arith.addi %mul3A_0, %arg1 : i32
    %mul3A_1 = arith.constant 640 : i32
    %mul3A_2 = arith.muli %arg1, %mul3A_1 : i32
    "tpu.region"() ({
      %run_scoped3A = tpu.sem_alloc : memref<!tpu.dma_semaphore, #tpu.memory_space<semaphore_mem>>
      %dma_start3A_1606 = arith.constant 0 : i32
      %dma_start3A_1607 = arith.constant 0 : i32
      %dma_start3A_1608 = tpu.memref_slice %arg2[%add3A, %dma_start3A_1606, %dma_start3A_1607] : memref<32x80x128xi32, #tpu.memory_space<hbm>> -> memref<1x80x128xi32, #tpu.memory_space<hbm>>
      %dma_start3A_1609 = tpu.memref_squeeze %dma_start3A_1608 : memref<1x80x128xi32, #tpu.memory_space<hbm>> -> memref<80x128xi32, #tpu.memory_space<hbm>>
      %dma_start3A_1610 = arith.constant 0 : i32
      %dma_start3A_1611 = arith.constant 0 : i32
      %dma_start3A_1612 = tpu.memref_slice %arg2[%add3A, %dma_start3A_1610, %dma_start3A_1611] : memref<32x80x128xi32, #tpu.memory_space<hbm>> -> memref<1x80x128xi32, #tpu.memory_space<hbm>>
      %dma_start3A_1613 = tpu.memref_squeeze %dma_start3A_1612 : memref<1x80x128xi32, #tpu.memory_space<hbm>> -> memref<80x128xi32, #tpu.memory_space<hbm>>
      tpu.enqueue_dma source(%dma_start3A_1613 : memref<80x128xi32, #tpu.memory_space<hbm>>) target(%arg5 : memref<80x128xi32, #tpu.memory_space<vmem>>) target_semaphore(%run_scoped3A : memref<!tpu.dma_semaphore, #tpu.memory_space<semaphore_mem>>)
      %dma_wait3A_1614 = arith.constant 0 : i32
      %dma_wait3A_1615 = arith.constant 0 : i32
      %dma_wait3A_1616 = tpu.memref_slice %arg2[%add3A, %dma_wait3A_1614, %dma_wait3A_1615] : memref<32x80x128xi32, #tpu.memory_space<hbm>> -> memref<1x80x128xi32, #tpu.memory_space<hbm>>
      %dma_wait3A_1617 = tpu.memref_squeeze %dma_wait3A_1616 : memref<1x80x128xi32, #tpu.memory_space<hbm>> -> memref<80x128xi32, #tpu.memory_space<hbm>>
      %dma_wait3A_1618 = arith.constant 0 : i32
      %dma_wait3A_1619 = arith.constant 0 : i32
      %dma_wait3A_1620 = tpu.memref_slice %arg2[%add3A, %dma_wait3A_1618, %dma_wait3A_1619] : memref<32x80x128xi32, #tpu.memory_space<hbm>> -> memref<1x80x128xi32, #tpu.memory_space<hbm>>
      %dma_wait3A_1621 = tpu.memref_squeeze %dma_wait3A_1620 : memref<1x80x128xi32, #tpu.memory_space<hbm>> -> memref<80x128xi32, #tpu.memory_space<hbm>>
      tpu.wait_dma2 semaphore(%run_scoped3A : memref<!tpu.dma_semaphore, #tpu.memory_space<semaphore_mem>>) src(%dma_wait3A_1621 : memref<80x128xi32, #tpu.memory_space<hbm>>) dst(%arg5 : memref<80x128xi32, #tpu.memory_space<vmem>>)
      tpu.yield
    }) : () -> ()
    "tpu.region"() ({
      %run_scoped3A = tpu.sem_alloc : memref<!tpu.dma_semaphore, #tpu.memory_space<semaphore_mem>>
      %dma_start3A_1606 = arith.constant 0 : i32
      %dma_start3A_1607 = arith.constant 0 : i32
      %dma_start3A_1608 = tpu.memref_slice %arg3[%add3A, %dma_start3A_1606, %dma_start3A_1607] : memref<32x80x128xf32, #tpu.memory_space<hbm>> -> memref<1x80x128xf32, #tpu.memory_space<hbm>>
      %dma_start3A_1609 = tpu.memref_squeeze %dma_start3A_1608 : memref<1x80x128xf32, #tpu.memory_space<hbm>> -> memref<80x128xf32, #tpu.memory_space<hbm>>
      %dma_start3A_1610 = arith.constant 0 : i32
      %dma_start3A_1611 = arith.constant 0 : i32
      %dma_start3A_1612 = tpu.memref_slice %arg3[%add3A, %dma_start3A_1610, %dma_start3A_1611] : memref<32x80x128xf32, #tpu.memory_space<hbm>> -> memref<1x80x128xf32, #tpu.memory_space<hbm>>
      %dma_start3A_1613 = tpu.memref_squeeze %dma_start3A_1612 : memref<1x80x128xf32, #tpu.memory_space<hbm>> -> memref<80x128xf32, #tpu.memory_space<hbm>>
      tpu.enqueue_dma source(%dma_start3A_1613 : memref<80x128xf32, #tpu.memory_space<hbm>>) target(%arg6 : memref<80x128xf32, #tpu.memory_space<vmem>>) target_semaphore(%run_scoped3A : memref<!tpu.dma_semaphore, #tpu.memory_space<semaphore_mem>>)
      %dma_wait3A_1614 = arith.constant 0 : i32
      %dma_wait3A_1615 = arith.constant 0 : i32
      %dma_wait3A_1616 = tpu.memref_slice %arg3[%add3A, %dma_wait3A_1614, %dma_wait3A_1615] : memref<32x80x128xf32, #tpu.memory_space<hbm>> -> memref<1x80x128xf32, #tpu.memory_space<hbm>>
      %dma_wait3A_1617 = tpu.memref_squeeze %dma_wait3A_1616 : memref<1x80x128xf32, #tpu.memory_space<hbm>> -> memref<80x128xf32, #tpu.memory_space<hbm>>
      %dma_wait3A_1618 = arith.constant 0 : i32
      %dma_wait3A_1619 = arith.constant 0 : i32
      %dma_wait3A_1620 = tpu.memref_slice %arg3[%add3A, %dma_wait3A_1618, %dma_wait3A_1619] : memref<32x80x128xf32, #tpu.memory_space<hbm>> -> memref<1x80x128xf32, #tpu.memory_space<hbm>>
      %dma_wait3A_1621 = tpu.memref_squeeze %dma_wait3A_1620 : memref<1x80x128xf32, #tpu.memory_space<hbm>> -> memref<80x128xf32, #tpu.memory_space<hbm>>
      tpu.wait_dma2 semaphore(%run_scoped3A : memref<!tpu.dma_semaphore, #tpu.memory_space<semaphore_mem>>) src(%dma_wait3A_1621 : memref<80x128xf32, #tpu.memory_space<hbm>>) dst(%arg6 : memref<80x128xf32, #tpu.memory_space<vmem>>)
      tpu.yield
    }) : () -> ()
    %scan3A = arith.constant 0 : i32
    %scan3A_3 = arith.constant 40 : i32
    %scan3A_4 = arith.addi %scan3A, %scan3A_3 : i32
    %scan3A_5 = arith.constant 1 : i32
    scf.for %scan3A_1606 = %scan3A to %scan3A_4 step %scan3A_5  : i32 {
      %mul3A_1607 = arith.constant 16 : i32
      %mul3A_1608 = arith.muli %scan3A_1606, %mul3A_1607 : i32
      %add3A_1609 = arith.constant 0 : i32
      %add3A_1610 = arith.addi %add3A_1609, %mul3A_1608 : i32
      %broadcast_in_dim3A = arith.constant 0.000000e+00 : f32
      %broadcast_in_dim3A_1611 = vector.broadcast %broadcast_in_dim3A : f32 to vector<16xf32>
      %swap3A = arith.index_cast %add3A_1610 : i32 to index
      %swap3A_1612 = tpu.vector_load %arg8[%swap3A] {strides = array<i32>} : memref<640xf32, #tpu.memory_space<vmem>>, vector<16xf32>,
      tpu.vector_store %arg8[%swap3A], %broadcast_in_dim3A_1611 {strides = array<i32>} : memref<640xf32, #tpu.memory_space<vmem>>, vector<16xf32>,
    }
    %scan3A_6 = arith.constant 40 : i32
    "tpu.region"() ({
      %run_scoped3A = tpu.sem_alloc : memref<!tpu.dma_semaphore, #tpu.memory_space<semaphore_mem>>
      %dma_start3A_1606 = tpu.memref_slice %arg7[%mul3A_2] : memref<10240xf32, #tpu.memory_space<vmem_shared>> -> memref<640xf32, #tpu.memory_space<vmem_shared>>
      %dma_start3A_1607 = tpu.memref_slice %arg7[%mul3A_2] : memref<10240xf32, #tpu.memory_space<vmem_shared>> -> memref<640xf32, #tpu.memory_space<vmem_shared>>
      tpu.enqueue_dma source(%arg8 : memref<640xf32, #tpu.memory_space<vmem>>) target(%dma_start3A_1607 : memref<640xf32, #tpu.memory_space<vmem_shared>>) target_semaphore(%run_scoped3A : memref<!tpu.dma_semaphore, #tpu.memory_space<semaphore_mem>>)
      %dma_wait3A_1608 = tpu.memref_slice %arg7[%mul3A_2] : memref<10240xf32, #tpu.memory_space<vmem_shared>> -> memref<640xf32, #tpu.memory_space<vmem_shared>>
      %dma_wait3A_1609 = tpu.memref_slice %arg7[%mul3A_2] : memref<10240xf32, #tpu.memory_space<vmem_shared>> -> memref<640xf32, #tpu.memory_space<vmem_shared>>
      tpu.wait_dma2 semaphore(%run_scoped3A : memref<!tpu.dma_semaphore, #tpu.memory_space<semaphore_mem>>) src(%arg8 : memref<640xf32, #tpu.memory_space<vmem>>) dst(%dma_wait3A_1609 : memref<640xf32, #tpu.memory_space<vmem_shared>>)
      tpu.yield
    }) : () -> ()
    %barrier3A = arith.constant 0 : index
    tpu.barrier barrier_id(%barrier3A)
    %dma_start3A = arith.constant 0 : i32
    %dma_start3A_7 = arith.constant 0 : i32
    %dma_start3A_8 = arith.constant 0 : i32
    %dma_start3A_9 = tpu.memref_slice %arg6[%dma_start3A, %dma_start3A_8] : memref<80x128xf32, #tpu.memory_space<vmem>> -> memref<1x128xf32, #tpu.memory_space<vmem>>
    %dma_start3A_10 = tpu.memref_squeeze %dma_start3A_9 : memref<1x128xf32, #tpu.memory_space<vmem>> -> memref<128xf32, #tpu.memory_space<vmem>>
    %dma_start3A_11 = arith.constant 0 : i32
    %dma_start3A_12 = tpu.memref_slice %arg5[%dma_start3A_7, %dma_start3A_11] : memref<80x128xi32, #tpu.memory_space<vmem>> -> memref<1x128xi32, #tpu.memory_space<vmem>>
    %dma_start3A_13 = tpu.memref_squeeze %dma_start3A_12 : memref<1x128xi32, #tpu.memory_space<vmem>> -> memref<128xi32, #tpu.memory_space<vmem>>
    %dma_start3A_14 = arith.constant 0 : i32
    %dma_start3A_15 = tpu.memref_slice %arg7[%dma_start3A_14] : memref<10240xf32, #tpu.memory_space<vmem_shared>> -> memref<10240xf32, #tpu.memory_space<vmem_shared>>
    tpu.enqueue_indirect_dma source(%dma_start3A_10 : memref<128xf32, #tpu.memory_space<vmem>>) target(%dma_start3A_15 : memref<10240xf32, #tpu.memory_space<vmem_shared>>) offsets(%dma_start3A_13 : memref<128xi32, #tpu.memory_space<vmem>>) semaphore(%arg9 : memref<!tpu.dma_semaphore, #tpu.memory_space<semaphore_mem>>) {add = true}
    %dma_start3A_16 = arith.constant 1 : i32
    %dma_start3A_17 = arith.constant 1 : i32
    %dma_start3A_18 = arith.constant 0 : i32
    %dma_start3A_19 = tpu.memref_slice %arg6[%dma_start3A_16, %dma_start3A_18] : memref<80x128xf32, #tpu.memory_space<vmem>> -> memref<1x128xf32, #tpu.memory_space<vmem>>
    %dma_start3A_20 = tpu.memref_squeeze %dma_start3A_19 : memref<1x128xf32, #tpu.memory_space<vmem>> -> memref<128xf32, #tpu.memory_space<vmem>>
    %dma_start3A_21 = arith.constant 0 : i32
    %dma_start3A_22 = tpu.memref_slice %arg5[%dma_start3A_17, %dma_start3A_21] : memref<80x128xi32, #tpu.memory_space<vmem>> -> memref<1x128xi32, #tpu.memory_space<vmem>>
    %dma_start3A_23 = tpu.memref_squeeze %dma_start3A_22 : memref<1x128xi32, #tpu.memory_space<vmem>> -> memref<128xi32, #tpu.memory_space<vmem>>
    %dma_start3A_24 = arith.constant 0 : i32
    %dma_start3A_25 = tpu.memref_slice %arg7[%dma_start3A_24] : memref<10240xf32, #tpu.memory_space<vmem_shared>> -> memref<10240xf32, #tpu.memory_space<vmem_shared>>
    tpu.enqueue_indirect_dma source(%dma_start3A_20 : memref<128xf32, #tpu.memory_space<vmem>>) target(%dma_start3A_25 : memref<10240xf32, #tpu.memory_space<vmem_shared>>) offsets(%dma_start3A_23 : memref<128xi32, #tpu.memory_space<vmem>>) semaphore(%arg9 : memref<!tpu.dma_semaphore, #tpu.memory_space<semaphore_mem>>) {add = true}
    %dma_start3A_26 = arith.constant 2 : i32
    %dma_start3A_27 = arith.constant 2 : i32
    %dma_start3A_28 = arith.constant 0 : i32
    %dma_start3A_29 = tpu.memref_slice %arg6[%dma_start3A_26, %dma_start3A_28] : memref<80x128xf32, #tpu.memory_space<vmem>> -> memref<1x128xf32, #tpu.memory_space<vmem>>
    %dma_start3A_30 = tpu.memref_squeeze %dma_start3A_29 : memref<1x128xf32, #tpu.memory_space<vmem>> -> memref<128xf32, #tpu.memory_space<vmem>>
    %dma_start3A_31 = arith.constant 0 : i32
    %dma_start3A_32 = tpu.memref_slice %arg5[%dma_start3A_27, %dma_start3A_31] : memref<80x128xi32, #tpu.memory_space<vmem>> -> memref<1x128xi32, #tpu.memory_space<vmem>>
    %dma_start3A_33 = tpu.memref_squeeze %dma_start3A_32 : memref<1x128xi32, #tpu.memory_space<vmem>> -> memref<128xi32, #tpu.memory_space<vmem>>
    %dma_start3A_34 = arith.constant 0 : i32
    %dma_start3A_35 = tpu.memref_slice %arg7[%dma_start3A_34] : memref<10240xf32, #tpu.memory_space<vmem_shared>> -> memref<10240xf32, #tpu.memory_space<vmem_shared>>
    tpu.enqueue_indirect_dma source(%dma_start3A_30 : memref<128xf32, #tpu.memory_space<vmem>>) target(%dma_start3A_35 : memref<10240xf32, #tpu.memory_space<vmem_shared>>) offsets(%dma_start3A_33 : memref<128xi32, #tpu.memory_space<vmem>>) semaphore(%arg9 : memref<!tpu.dma_semaphore, #tpu.memory_space<semaphore_mem>>) {add = true}
    %dma_start3A_36 = arith.constant 3 : i32
    %dma_start3A_37 = arith.constant 3 : i32
    %dma_start3A_38 = arith.constant 0 : i32
    %dma_start3A_39 = tpu.memref_slice %arg6[%dma_start3A_36, %dma_start3A_38] : memref<80x128xf32, #tpu.memory_space<vmem>> -> memref<1x128xf32, #tpu.memory_space<vmem>>
    %dma_start3A_40 = tpu.memref_squeeze %dma_start3A_39 : memref<1x128xf32, #tpu.memory_space<vmem>> -> memref<128xf32, #tpu.memory_space<vmem>>
    %dma_start3A_41 = arith.constant 0 : i32
    %dma_start3A_42 = tpu.memref_slice %arg5[%dma_start3A_37, %dma_start3A_41] : memref<80x128xi32, #tpu.memory_space<vmem>> -> memref<1x128xi32, #tpu.memory_space<vmem>>
    %dma_start3A_43 = tpu.memref_squeeze %dma_start3A_42 : memref<1x128xi32, #tpu.memory_space<vmem>> -> memref<128xi32, #tpu.memory_space<vmem>>
    %dma_start3A_44 = arith.constant 0 : i32
    %dma_start3A_45 = tpu.memref_slice %arg7[%dma_start3A_44] : memref<10240xf32, #tpu.memory_space<vmem_shared>> -> memref<10240xf32, #tpu.memory_space<vmem_shared>>
    tpu.enqueue_indirect_dma source(%dma_start3A_40 : memref<128xf32, #tpu.memory_space<vmem>>) target(%dma_start3A_45 : memref<10240xf32, #tpu.memory_space<vmem_shared>>) offsets(%dma_start3A_43 : memref<128xi32, #tpu.memory_space<vmem>>) semaphore(%arg9 : memref<!tpu.dma_semaphore, #tpu.memory_space<semaphore_mem>>) {add = true}
    %dma_start3A_46 = arith.constant 4 : i32
    %dma_start3A_47 = arith.constant 4 : i32
    %dma_start3A_48 = arith.constant 0 : i32
    %dma_start3A_49 = tpu.memref_slice %arg6[%dma_start3A_46, %dma_start3A_48] : memref<80x128xf32, #tpu.memory_space<vmem>> -> memref<1x128xf32, #tpu.memory_space<vmem>>
    %dma_start3A_50 = tpu.memref_squeeze %dma_start3A_49 : memref<1x128xf32, #tpu.memory_space<vmem>> -> memref<128xf32, #tpu.memory_space<vmem>>
    %dma_start3A_51 = arith.constant 0 : i32
    %dma_start3A_52 = tpu.memref_slice %arg5[%dma_start3A_47, %dma_start3A_51] : memref<80x128xi32, #tpu.memory_space<vmem>> -> memref<1x128xi32, #tpu.memory_space<vmem>>
    %dma_start3A_53 = tpu.memref_squeeze %dma_start3A_52 : memref<1x128xi32, #tpu.memory_space<vmem>> -> memref<128xi32, #tpu.memory_space<vmem>>
    %dma_start3A_54 = arith.constant 0 : i32
    %dma_start3A_55 = tpu.memref_slice %arg7[%dma_start3A_54] : memref<10240xf32, #tpu.memory_space<vmem_shared>> -> memref<10240xf32, #tpu.memory_space<vmem_shared>>
    tpu.enqueue_indirect_dma source(%dma_start3A_50 : memref<128xf32, #tpu.memory_space<vmem>>) target(%dma_start3A_55 : memref<10240xf32, #tpu.memory_space<vmem_shared>>) offsets(%dma_start3A_53 : memref<128xi32, #tpu.memory_space<vmem>>) semaphore(%arg9 : memref<!tpu.dma_semaphore, #tpu.memory_space<semaphore_mem>>) {add = true}
    %dma_start3A_56 = arith.constant 5 : i32
    %dma_start3A_57 = arith.constant 5 : i32
    %dma_start3A_58 = arith.constant 0 : i32
    %dma_start3A_59 = tpu.memref_slice %arg6[%dma_start3A_56, %dma_start3A_58] : memref<80x128xf32, #tpu.memory_space<vmem>> -> memref<1x128xf32, #tpu.memory_space<vmem>>
    %dma_start3A_60 = tpu.memref_squeeze %dma_start3A_59 : memref<1x128xf32, #tpu.memory_space<vmem>> -> memref<128xf32, #tpu.memory_space<vmem>>
    %dma_start3A_61 = arith.constant 0 : i32
    %dma_start3A_62 = tpu.memref_slice %arg5[%dma_start3A_57, %dma_start3A_61] : memref<80x128xi32, #tpu.memory_space<vmem>> -> memref<1x128xi32, #tpu.memory_space<vmem>>
    %dma_start3A_63 = tpu.memref_squeeze %dma_start3A_62 : memref<1x128xi32, #tpu.memory_space<vmem>> -> memref<128xi32, #tpu.memory_space<vmem>>
    %dma_start3A_64 = arith.constant 0 : i32
    %dma_start3A_65 = tpu.memref_slice %arg7[%dma_start3A_64] : memref<10240xf32, #tpu.memory_space<vmem_shared>> -> memref<10240xf32, #tpu.memory_space<vmem_shared>>
    tpu.enqueue_indirect_dma source(%dma_start3A_60 : memref<128xf32, #tpu.memory_space<vmem>>) target(%dma_start3A_65 : memref<10240xf32, #tpu.memory_space<vmem_shared>>) offsets(%dma_start3A_63 : memref<128xi32, #tpu.memory_space<vmem>>) semaphore(%arg9 : memref<!tpu.dma_semaphore, #tpu.memory_space<semaphore_mem>>) {add = true}
    %dma_start3A_66 = arith.constant 6 : i32
    %dma_start3A_67 = arith.constant 6 : i32
    %dma_start3A_68 = arith.constant 0 : i32
    %dma_start3A_69 = tpu.memref_slice %arg6[%dma_start3A_66, %dma_start3A_68] : memref<80x128xf32, #tpu.memory_space<vmem>> -> memref<1x128xf32, #tpu.memory_space<vmem>>
    %dma_start3A_70 = tpu.memref_squeeze %dma_start3A_69 : memref<1x128xf32, #tpu.memory_space<vmem>> -> memref<128xf32, #tpu.memory_space<vmem>>
    %dma_start3A_71 = arith.constant 0 : i32
    %dma_start3A_72 = tpu.memref_slice %arg5[%dma_start3A_67, %dma_start3A_71] : memref<80x128xi32, #tpu.memory_space<vmem>> -> memref<1x128xi32, #tpu.memory_space<vmem>>
    %dma_start3A_73 = tpu.memref_squeeze %dma_start3A_72 : memref<1x128xi32, #tpu.memory_space<vmem>> -> memref<128xi32, #tpu.memory_space<vmem>>
    %dma_start3A_74 = arith.constant 0 : i32
    %dma_start3A_75 = tpu.memref_slice %arg7[%dma_start3A_74] : memref<10240xf32, #tpu.memory_space<vmem_shared>> -> memref<10240xf32, #tpu.memory_space<vmem_shared>>
    tpu.enqueue_indirect_dma source(%dma_start3A_70 : memref<128xf32, #tpu.memory_space<vmem>>) target(%dma_start3A_75 : memref<10240xf32, #tpu.memory_space<vmem_shared>>) offsets(%dma_start3A_73 : memref<128xi32, #tpu.memory_space<vmem>>) semaphore(%arg9 : memref<!tpu.dma_semaphore, #tpu.memory_space<semaphore_mem>>) {add = true}
    %dma_start3A_76 = arith.constant 7 : i32
    %dma_start3A_77 = arith.constant 7 : i32
    %dma_start3A_78 = arith.constant 0 : i32
    %dma_start3A_79 = tpu.memref_slice %arg6[%dma_start3A_76, %dma_start3A_78] : memref<80x128xf32, #tpu.memory_space<vmem>> -> memref<1x128xf32, #tpu.memory_space<vmem>>
    %dma_start3A_80 = tpu.memref_squeeze %dma_start3A_79 : memref<1x128xf32, #tpu.memory_space<vmem>> -> memref<128xf32, #tpu.memory_space<vmem>>
    %dma_start3A_81 = arith.constant 0 : i32
    %dma_start3A_82 = tpu.memref_slice %arg5[%dma_start3A_77, %dma_start3A_81] : memref<80x128xi32, #tpu.memory_space<vmem>> -> memref<1x128xi32, #tpu.memory_space<vmem>>
    %dma_start3A_83 = tpu.memref_squeeze %dma_start3A_82 : memref<1x128xi32, #tpu.memory_space<vmem>> -> memref<128xi32, #tpu.memory_space<vmem>>
    %dma_start3A_84 = arith.constant 0 : i32
    %dma_start3A_85 = tpu.memref_slice %arg7[%dma_start3A_84] : memref<10240xf32, #tpu.memory_space<vmem_shared>> -> memref<10240xf32, #tpu.memory_space<vmem_shared>>
    tpu.enqueue_indirect_dma source(%dma_start3A_80 : memref<128xf32, #tpu.memory_space<vmem>>) target(%dma_start3A_85 : memref<10240xf32, #tpu.memory_space<vmem_shared>>) offsets(%dma_start3A_83 : memref<128xi32, #tpu.memory_space<vmem>>) semaphore(%arg9 : memref<!tpu.dma_semaphore, #tpu.memory_space<semaphore_mem>>) {add = true}
    %dma_start3A_86 = arith.constant 8 : i32
    %dma_start3A_87 = arith.constant 8 : i32
    %dma_start3A_88 = arith.constant 0 : i32
    %dma_start3A_89 = tpu.memref_slice %arg6[%dma_start3A_86, %dma_start3A_88] : memref<80x128xf32, #tpu.memory_space<vmem>> -> memref<1x128xf32, #tpu.memory_space<vmem>>
    %dma_start3A_90 = tpu.memref_squeeze %dma_start3A_89 : memref<1x128xf32, #tpu.memory_space<vmem>> -> memref<128xf32, #tpu.memory_space<vmem>>
    %dma_start3A_91 = arith.constant 0 : i32
    %dma_start3A_92 = tpu.memref_slice %arg5[%dma_start3A_87, %dma_start3A_91] : memref<80x128xi32, #tpu.memory_space<vmem>> -> memref<1x128xi32, #tpu.memory_space<vmem>>
    %dma_start3A_93 = tpu.memref_squeeze %dma_start3A_92 : memref<1x128xi32, #tpu.memory_space<vmem>> -> memref<128xi32, #tpu.memory_space<vmem>>
    %dma_start3A_94 = arith.constant 0 : i32
    %dma_start3A_95 = tpu.memref_slice %arg7[%dma_start3A_94] : memref<10240xf32, #tpu.memory_space<vmem_shared>> -> memref<10240xf32, #tpu.memory_space<vmem_shared>>
    tpu.enqueue_indirect_dma source(%dma_start3A_90 : memref<128xf32, #tpu.memory_space<vmem>>) target(%dma_start3A_95 : memref<10240xf32, #tpu.memory_space<vmem_shared>>) offsets(%dma_start3A_93 : memref<128xi32, #tpu.memory_space<vmem>>) semaphore(%arg9 : memref<!tpu.dma_semaphore, #tpu.memory_space<semaphore_mem>>) {add = true}
    %dma_start3A_96 = arith.constant 9 : i32
    %dma_start3A_97 = arith.constant 9 : i32
    %dma_start3A_98 = arith.constant 0 : i32
    %dma_start3A_99 = tpu.memref_slice %arg6[%dma_start3A_96, %dma_start3A_98] : memref<80x128xf32, #tpu.memory_space<vmem>> -> memref<1x128xf32, #tpu.memory_space<vmem>>
    %dma_start3A_100 = tpu.memref_squeeze %dma_start3A_99 : memref<1x128xf32, #tpu.memory_space<vmem>> -> memref<128xf32, #tpu.memory_space<vmem>>
    %dma_start3A_101 = arith.constant 0 : i32
    %dma_start3A_102 = tpu.memref_slice %arg5[%dma_start3A_97, %dma_start3A_101] : memref<80x128xi32, #tpu.memory_space<vmem>> -> memref<1x128xi32, #tpu.memory_space<vmem>>
    %dma_start3A_103 = tpu.memref_squeeze %dma_start3A_102 : memref<1x128xi32, #tpu.memory_space<vmem>> -> memref<128xi32, #tpu.memory_space<vmem>>
    %dma_start3A_104 = arith.constant 0 : i32
    %dma_start3A_105 = tpu.memref_slice %arg7[%dma_start3A_104] : memref<10240xf32, #tpu.memory_space<vmem_shared>> -> memref<10240xf32, #tpu.memory_space<vmem_shared>>
    tpu.enqueue_indirect_dma source(%dma_start3A_100 : memref<128xf32, #tpu.memory_space<vmem>>) target(%dma_start3A_105 : memref<10240xf32, #tpu.memory_space<vmem_shared>>) offsets(%dma_start3A_103 : memref<128xi32, #tpu.memory_space<vmem>>) semaphore(%arg9 : memref<!tpu.dma_semaphore, #tpu.memory_space<semaphore_mem>>) {add = true}
    %dma_start3A_106 = arith.constant 10 : i32
    %dma_start3A_107 = arith.constant 10 : i32
    %dma_start3A_108 = arith.constant 0 : i32
    %dma_start3A_109 = tpu.memref_slice %arg6[%dma_start3A_106, %dma_start3A_108] : memref<80x128xf32, #tpu.memory_space<vmem>> -> memref<1x128xf32, #tpu.memory_space<vmem>>
    %dma_start3A_110 = tpu.memref_squeeze %dma_start3A_109 : memref<1x128xf32, #tpu.memory_space<vmem>> -> memref<128xf32, #tpu.memory_space<vmem>>
    %dma_start3A_111 = arith.constant 0 : i32
    %dma_start3A_112 = tpu.memref_slice %arg5[%dma_start3A_107, %dma_start3A_111] : memref<80x128xi32, #tpu.memory_space<vmem>> -> memref<1x128xi32, #tpu.memory_space<vmem>>
    %dma_start3A_113 = tpu.memref_squeeze %dma_start3A_112 : memref<1x128xi32, #tpu.memory_space<vmem>> -> memref<128xi32, #tpu.memory_space<vmem>>
    %dma_start3A_114 = arith.constant 0 : i32
    %dma_start3A_115 = tpu.memref_slice %arg7[%dma_start3A_114] : memref<10240xf32, #tpu.memory_space<vmem_shared>> -> memref<10240xf32, #tpu.memory_space<vmem_shared>>
    tpu.enqueue_indirect_dma source(%dma_start3A_110 : memref<128xf32, #tpu.memory_space<vmem>>) target(%dma_start3A_115 : memref<10240xf32, #tpu.memory_space<vmem_shared>>) offsets(%dma_start3A_113 : memref<128xi32, #tpu.memory_space<vmem>>) semaphore(%arg9 : memref<!tpu.dma_semaphore, #tpu.memory_space<semaphore_mem>>) {add = true}
    %dma_start3A_116 = arith.constant 11 : i32
    %dma_start3A_117 = arith.constant 11 : i32
    %dma_start3A_118 = arith.constant 0 : i32
    %dma_start3A_119 = tpu.memref_slice %arg6[%dma_start3A_116, %dma_start3A_118] : memref<80x128xf32, #tpu.memory_space<vmem>> -> memref<1x128xf32, #tpu.memory_space<vmem>>
    %dma_start3A_120 = tpu.memref_squeeze %dma_start3A_119 : memref<1x128xf32, #tpu.memory_space<vmem>> -> memref<128xf32, #tpu.memory_space<vmem>>
    %dma_start3A_121 = arith.constant 0 : i32
    %dma_start3A_122 = tpu.memref_slice %arg5[%dma_start3A_117, %dma_start3A_121] : memref<80x128xi32, #tpu.memory_space<vmem>> -> memref<1x128xi32, #tpu.memory_space<vmem>>
    %dma_start3A_123 = tpu.memref_squeeze %dma_start3A_122 : memref<1x128xi32, #tpu.memory_space<vmem>> -> memref<128xi32, #tpu.memory_space<vmem>>
    %dma_start3A_124 = arith.constant 0 : i32
    %dma_start3A_125 = tpu.memref_slice %arg7[%dma_start3A_124] : memref<10240xf32, #tpu.memory_space<vmem_shared>> -> memref<10240xf32, #tpu.memory_space<vmem_shared>>
    tpu.enqueue_indirect_dma source(%dma_start3A_120 : memref<128xf32, #tpu.memory_space<vmem>>) target(%dma_start3A_125 : memref<10240xf32, #tpu.memory_space<vmem_shared>>) offsets(%dma_start3A_123 : memref<128xi32, #tpu.memory_space<vmem>>) semaphore(%arg9 : memref<!tpu.dma_semaphore, #tpu.memory_space<semaphore_mem>>) {add = true}
    %dma_start3A_126 = arith.constant 12 : i32
    %dma_start3A_127 = arith.constant 12 : i32
    %dma_start3A_128 = arith.constant 0 : i32
    %dma_start3A_129 = tpu.memref_slice %arg6[%dma_start3A_126, %dma_start3A_128] : memref<80x128xf32, #tpu.memory_space<vmem>> -> memref<1x128xf32, #tpu.memory_space<vmem>>
    %dma_start3A_130 = tpu.memref_squeeze %dma_start3A_129 : memref<1x128xf32, #tpu.memory_space<vmem>> -> memref<128xf32, #tpu.memory_space<vmem>>
    %dma_start3A_131 = arith.constant 0 : i32
    %dma_start3A_132 = tpu.memref_slice %arg5[%dma_start3A_127, %dma_start3A_131] : memref<80x128xi32, #tpu.memory_space<vmem>> -> memref<1x128xi32, #tpu.memory_space<vmem>>
    %dma_start3A_133 = tpu.memref_squeeze %dma_start3A_132 : memref<1x128xi32, #tpu.memory_space<vmem>> -> memref<128xi32, #tpu.memory_space<vmem>>
    %dma_start3A_134 = arith.constant 0 : i32
    %dma_start3A_135 = tpu.memref_slice %arg7[%dma_start3A_134] : memref<10240xf32, #tpu.memory_space<vmem_shared>> -> memref<10240xf32, #tpu.memory_space<vmem_shared>>
    tpu.enqueue_indirect_dma source(%dma_start3A_130 : memref<128xf32, #tpu.memory_space<vmem>>) target(%dma_start3A_135 : memref<10240xf32, #tpu.memory_space<vmem_shared>>) offsets(%dma_start3A_133 : memref<128xi32, #tpu.memory_space<vmem>>) semaphore(%arg9 : memref<!tpu.dma_semaphore, #tpu.memory_space<semaphore_mem>>) {add = true}
    %dma_start3A_136 = arith.constant 13 : i32
    %dma_start3A_137 = arith.constant 13 : i32
    %dma_start3A_138 = arith.constant 0 : i32
    %dma_start3A_139 = tpu.memref_slice %arg6[%dma_start3A_136, %dma_start3A_138] : memref<80x128xf32, #tpu.memory_space<vmem>> -> memref<1x128xf32, #tpu.memory_space<vmem>>
    %dma_start3A_140 = tpu.memref_squeeze %dma_start3A_139 : memref<1x128xf32, #tpu.memory_space<vmem>> -> memref<128xf32, #tpu.memory_space<vmem>>
    %dma_start3A_141 = arith.constant 0 : i32
    %dma_start3A_142 = tpu.memref_slice %arg5[%dma_start3A_137, %dma_start3A_141] : memref<80x128xi32, #tpu.memory_space<vmem>> -> memref<1x128xi32, #tpu.memory_space<vmem>>
    %dma_start3A_143 = tpu.memref_squeeze %dma_start3A_142 : memref<1x128xi32, #tpu.memory_space<vmem>> -> memref<128xi32, #tpu.memory_space<vmem>>
    %dma_start3A_144 = arith.constant 0 : i32
    %dma_start3A_145 = tpu.memref_slice %arg7[%dma_start3A_144] : memref<10240xf32, #tpu.memory_space<vmem_shared>> -> memref<10240xf32, #tpu.memory_space<vmem_shared>>
    tpu.enqueue_indirect_dma source(%dma_start3A_140 : memref<128xf32, #tpu.memory_space<vmem>>) target(%dma_start3A_145 : memref<10240xf32, #tpu.memory_space<vmem_shared>>) offsets(%dma_start3A_143 : memref<128xi32, #tpu.memory_space<vmem>>) semaphore(%arg9 : memref<!tpu.dma_semaphore, #tpu.memory_space<semaphore_mem>>) {add = true}
    %dma_start3A_146 = arith.constant 14 : i32
    %dma_start3A_147 = arith.constant 14 : i32
    %dma_start3A_148 = arith.constant 0 : i32
    %dma_start3A_149 = tpu.memref_slice %arg6[%dma_start3A_146, %dma_start3A_148] : memref<80x128xf32, #tpu.memory_space<vmem>> -> memref<1x128xf32, #tpu.memory_space<vmem>>
    %dma_start3A_150 = tpu.memref_squeeze %dma_start3A_149 : memref<1x128xf32, #tpu.memory_space<vmem>> -> memref<128xf32, #tpu.memory_space<vmem>>
    %dma_start3A_151 = arith.constant 0 : i32
    %dma_start3A_152 = tpu.memref_slice %arg5[%dma_start3A_147, %dma_start3A_151] : memref<80x128xi32, #tpu.memory_space<vmem>> -> memref<1x128xi32, #tpu.memory_space<vmem>>
    %dma_start3A_153 = tpu.memref_squeeze %dma_start3A_152 : memref<1x128xi32, #tpu.memory_space<vmem>> -> memref<128xi32, #tpu.memory_space<vmem>>
    %dma_start3A_154 = arith.constant 0 : i32
    %dma_start3A_155 = tpu.memref_slice %arg7[%dma_start3A_154] : memref<10240xf32, #tpu.memory_space<vmem_shared>> -> memref<10240xf32, #tpu.memory_space<vmem_shared>>
    tpu.enqueue_indirect_dma source(%dma_start3A_150 : memref<128xf32, #tpu.memory_space<vmem>>) target(%dma_start3A_155 : memref<10240xf32, #tpu.memory_space<vmem_shared>>) offsets(%dma_start3A_153 : memref<128xi32, #tpu.memory_space<vmem>>) semaphore(%arg9 : memref<!tpu.dma_semaphore, #tpu.memory_space<semaphore_mem>>) {add = true}
    %dma_start3A_156 = arith.constant 15 : i32
    %dma_start3A_157 = arith.constant 15 : i32
    %dma_start3A_158 = arith.constant 0 : i32
    %dma_start3A_159 = tpu.memref_slice %arg6[%dma_start3A_156, %dma_start3A_158] : memref<80x128xf32, #tpu.memory_space<vmem>> -> memref<1x128xf32, #tpu.memory_space<vmem>>
    %dma_start3A_160 = tpu.memref_squeeze %dma_start3A_159 : memref<1x128xf32, #tpu.memory_space<vmem>> -> memref<128xf32, #tpu.memory_space<vmem>>
    %dma_start3A_161 = arith.constant 0 : i32
    %dma_start3A_162 = tpu.memref_slice %arg5[%dma_start3A_157, %dma_start3A_161] : memref<80x128xi32, #tpu.memory_space<vmem>> -> memref<1x128xi32, #tpu.memory_space<vmem>>
    %dma_start3A_163 = tpu.memref_squeeze %dma_start3A_162 : memref<1x128xi32, #tpu.memory_space<vmem>> -> memref<128xi32, #tpu.memory_space<vmem>>
    %dma_start3A_164 = arith.constant 0 : i32
    %dma_start3A_165 = tpu.memref_slice %arg7[%dma_start3A_164] : memref<10240xf32, #tpu.memory_space<vmem_shared>> -> memref<10240xf32, #tpu.memory_space<vmem_shared>>
    tpu.enqueue_indirect_dma source(%dma_start3A_160 : memref<128xf32, #tpu.memory_space<vmem>>) target(%dma_start3A_165 : memref<10240xf32, #tpu.memory_space<vmem_shared>>) offsets(%dma_start3A_163 : memref<128xi32, #tpu.memory_space<vmem>>) semaphore(%arg9 : memref<!tpu.dma_semaphore, #tpu.memory_space<semaphore_mem>>) {add = true}
    %dma_start3A_166 = arith.constant 16 : i32
    %dma_start3A_167 = arith.constant 16 : i32
    %dma_start3A_168 = arith.constant 0 : i32
    %dma_start3A_169 = tpu.memref_slice %arg6[%dma_start3A_166, %dma_start3A_168] : memref<80x128xf32, #tpu.memory_space<vmem>> -> memref<1x128xf32, #tpu.memory_space<vmem>>
    %dma_start3A_170 = tpu.memref_squeeze %dma_start3A_169 : memref<1x128xf32, #tpu.memory_space<vmem>> -> memref<128xf32, #tpu.memory_space<vmem>>
    %dma_start3A_171 = arith.constant 0 : i32
    %dma_start3A_172 = tpu.memref_slice %arg5[%dma_start3A_167, %dma_start3A_171] : memref<80x128xi32, #tpu.memory_space<vmem>> -> memref<1x128xi32, #tpu.memory_space<vmem>>
    %dma_start3A_173 = tpu.memref_squeeze %dma_start3A_172 : memref<1x128xi32, #tpu.memory_space<vmem>> -> memref<128xi32, #tpu.memory_space<vmem>>
    %dma_start3A_174 = arith.constant 0 : i32
    %dma_start3A_175 = tpu.memref_slice %arg7[%dma_start3A_174] : memref<10240xf32, #tpu.memory_space<vmem_shared>> -> memref<10240xf32, #tpu.memory_space<vmem_shared>>
    tpu.enqueue_indirect_dma source(%dma_start3A_170 : memref<128xf32, #tpu.memory_space<vmem>>) target(%dma_start3A_175 : memref<10240xf32, #tpu.memory_space<vmem_shared>>) offsets(%dma_start3A_173 : memref<128xi32, #tpu.memory_space<vmem>>) semaphore(%arg9 : memref<!tpu.dma_semaphore, #tpu.memory_space<semaphore_mem>>) {add = true}
    %dma_start3A_176 = arith.constant 17 : i32
    %dma_start3A_177 = arith.constant 17 : i32
    %dma_start3A_178 = arith.constant 0 : i32
    %dma_start3A_179 = tpu.memref_slice %arg6[%dma_start3A_176, %dma_start3A_178] : memref<80x128xf32, #tpu.memory_space<vmem>> -> memref<1x128xf32, #tpu.memory_space<vmem>>
    %dma_start3A_180 = tpu.memref_squeeze %dma_start3A_179 : memref<1x128xf32, #tpu.memory_space<vmem>> -> memref<128xf32, #tpu.memory_space<vmem>>
    %dma_start3A_181 = arith.constant 0 : i32
    %dma_start3A_182 = tpu.memref_slice %arg5[%dma_start3A_177, %dma_start3A_181] : memref<80x128xi32, #tpu.memory_space<vmem>> -> memref<1x128xi32, #tpu.memory_space<vmem>>
    %dma_start3A_183 = tpu.memref_squeeze %dma_start3A_182 : memref<1x128xi32, #tpu.memory_space<vmem>> -> memref<128xi32, #tpu.memory_space<vmem>>
    %dma_start3A_184 = arith.constant 0 : i32
    %dma_start3A_185 = tpu.memref_slice %arg7[%dma_start3A_184] : memref<10240xf32, #tpu.memory_space<vmem_shared>> -> memref<10240xf32, #tpu.memory_space<vmem_shared>>
    tpu.enqueue_indirect_dma source(%dma_start3A_180 : memref<128xf32, #tpu.memory_space<vmem>>) target(%dma_start3A_185 : memref<10240xf32, #tpu.memory_space<vmem_shared>>) offsets(%dma_start3A_183 : memref<128xi32, #tpu.memory_space<vmem>>) semaphore(%arg9 : memref<!tpu.dma_semaphore, #tpu.memory_space<semaphore_mem>>) {add = true}
    %dma_start3A_186 = arith.constant 18 : i32
    %dma_start3A_187 = arith.constant 18 : i32
    %dma_start3A_188 = arith.constant 0 : i32
    %dma_start3A_189 = tpu.memref_slice %arg6[%dma_start3A_186, %dma_start3A_188] : memref<80x128xf32, #tpu.memory_space<vmem>> -> memref<1x128xf32, #tpu.memory_space<vmem>>
    %dma_start3A_190 = tpu.memref_squeeze %dma_start3A_189 : memref<1x128xf32, #tpu.memory_space<vmem>> -> memref<128xf32, #tpu.memory_space<vmem>>
    %dma_start3A_191 = arith.constant 0 : i32
    %dma_start3A_192 = tpu.memref_slice %arg5[%dma_start3A_187, %dma_start3A_191] : memref<80x128xi32, #tpu.memory_space<vmem>> -> memref<1x128xi32, #tpu.memory_space<vmem>>
    %dma_start3A_193 = tpu.memref_squeeze %dma_start3A_192 : memref<1x128xi32, #tpu.memory_space<vmem>> -> memref<128xi32, #tpu.memory_space<vmem>>
    %dma_start3A_194 = arith.constant 0 : i32
    %dma_start3A_195 = tpu.memref_slice %arg7[%dma_start3A_194] : memref<10240xf32, #tpu.memory_space<vmem_shared>> -> memref<10240xf32, #tpu.memory_space<vmem_shared>>
    tpu.enqueue_indirect_dma source(%dma_start3A_190 : memref<128xf32, #tpu.memory_space<vmem>>) target(%dma_start3A_195 : memref<10240xf32, #tpu.memory_space<vmem_shared>>) offsets(%dma_start3A_193 : memref<128xi32, #tpu.memory_space<vmem>>) semaphore(%arg9 : memref<!tpu.dma_semaphore, #tpu.memory_space<semaphore_mem>>) {add = true}
    %dma_start3A_196 = arith.constant 19 : i32
    %dma_start3A_197 = arith.constant 19 : i32
    %dma_start3A_198 = arith.constant 0 : i32
    %dma_start3A_199 = tpu.memref_slice %arg6[%dma_start3A_196, %dma_start3A_198] : memref<80x128xf32, #tpu.memory_space<vmem>> -> memref<1x128xf32, #tpu.memory_space<vmem>>
    %dma_start3A_200 = tpu.memref_squeeze %dma_start3A_199 : memref<1x128xf32, #tpu.memory_space<vmem>> -> memref<128xf32, #tpu.memory_space<vmem>>
    %dma_start3A_201 = arith.constant 0 : i32
    %dma_start3A_202 = tpu.memref_slice %arg5[%dma_start3A_197, %dma_start3A_201] : memref<80x128xi32, #tpu.memory_space<vmem>> -> memref<1x128xi32, #tpu.memory_space<vmem>>
    %dma_start3A_203 = tpu.memref_squeeze %dma_start3A_202 : memref<1x128xi32, #tpu.memory_space<vmem>> -> memref<128xi32, #tpu.memory_space<vmem>>
    %dma_start3A_204 = arith.constant 0 : i32
    %dma_start3A_205 = tpu.memref_slice %arg7[%dma_start3A_204] : memref<10240xf32, #tpu.memory_space<vmem_shared>> -> memref<10240xf32, #tpu.memory_space<vmem_shared>>
    tpu.enqueue_indirect_dma source(%dma_start3A_200 : memref<128xf32, #tpu.memory_space<vmem>>) target(%dma_start3A_205 : memref<10240xf32, #tpu.memory_space<vmem_shared>>) offsets(%dma_start3A_203 : memref<128xi32, #tpu.memory_space<vmem>>) semaphore(%arg9 : memref<!tpu.dma_semaphore, #tpu.memory_space<semaphore_mem>>) {add = true}
    %dma_start3A_206 = arith.constant 20 : i32
    %dma_start3A_207 = arith.constant 20 : i32
    %dma_start3A_208 = arith.constant 0 : i32
    %dma_start3A_209 = tpu.memref_slice %arg6[%dma_start3A_206, %dma_start3A_208] : memref<80x128xf32, #tpu.memory_space<vmem>> -> memref<1x128xf32, #tpu.memory_space<vmem>>
    %dma_start3A_210 = tpu.memref_squeeze %dma_start3A_209 : memref<1x128xf32, #tpu.memory_space<vmem>> -> memref<128xf32, #tpu.memory_space<vmem>>
    %dma_start3A_211 = arith.constant 0 : i32
    %dma_start3A_212 = tpu.memref_slice %arg5[%dma_start3A_207, %dma_start3A_211] : memref<80x128xi32, #tpu.memory_space<vmem>> -> memref<1x128xi32, #tpu.memory_space<vmem>>
    %dma_start3A_213 = tpu.memref_squeeze %dma_start3A_212 : memref<1x128xi32, #tpu.memory_space<vmem>> -> memref<128xi32, #tpu.memory_space<vmem>>
    %dma_start3A_214 = arith.constant 0 : i32
    %dma_start3A_215 = tpu.memref_slice %arg7[%dma_start3A_214] : memref<10240xf32, #tpu.memory_space<vmem_shared>> -> memref<10240xf32, #tpu.memory_space<vmem_shared>>
    tpu.enqueue_indirect_dma source(%dma_start3A_210 : memref<128xf32, #tpu.memory_space<vmem>>) target(%dma_start3A_215 : memref<10240xf32, #tpu.memory_space<vmem_shared>>) offsets(%dma_start3A_213 : memref<128xi32, #tpu.memory_space<vmem>>) semaphore(%arg9 : memref<!tpu.dma_semaphore, #tpu.memory_space<semaphore_mem>>) {add = true}
    %dma_start3A_216 = arith.constant 21 : i32
    %dma_start3A_217 = arith.constant 21 : i32
    %dma_start3A_218 = arith.constant 0 : i32
    %dma_start3A_219 = tpu.memref_slice %arg6[%dma_start3A_216, %dma_start3A_218] : memref<80x128xf32, #tpu.memory_space<vmem>> -> memref<1x128xf32, #tpu.memory_space<vmem>>
    %dma_start3A_220 = tpu.memref_squeeze %dma_start3A_219 : memref<1x128xf32, #tpu.memory_space<vmem>> -> memref<128xf32, #tpu.memory_space<vmem>>
    %dma_start3A_221 = arith.constant 0 : i32
    %dma_start3A_222 = tpu.memref_slice %arg5[%dma_start3A_217, %dma_start3A_221] : memref<80x128xi32, #tpu.memory_space<vmem>> -> memref<1x128xi32, #tpu.memory_space<vmem>>
    %dma_start3A_223 = tpu.memref_squeeze %dma_start3A_222 : memref<1x128xi32, #tpu.memory_space<vmem>> -> memref<128xi32, #tpu.memory_space<vmem>>
    %dma_start3A_224 = arith.constant 0 : i32
    %dma_start3A_225 = tpu.memref_slice %arg7[%dma_start3A_224] : memref<10240xf32, #tpu.memory_space<vmem_shared>> -> memref<10240xf32, #tpu.memory_space<vmem_shared>>
    tpu.enqueue_indirect_dma source(%dma_start3A_220 : memref<128xf32, #tpu.memory_space<vmem>>) target(%dma_start3A_225 : memref<10240xf32, #tpu.memory_space<vmem_shared>>) offsets(%dma_start3A_223 : memref<128xi32, #tpu.memory_space<vmem>>) semaphore(%arg9 : memref<!tpu.dma_semaphore, #tpu.memory_space<semaphore_mem>>) {add = true}
    %dma_start3A_226 = arith.constant 22 : i32
    %dma_start3A_227 = arith.constant 22 : i32
    %dma_start3A_228 = arith.constant 0 : i32
    %dma_start3A_229 = tpu.memref_slice %arg6[%dma_start3A_226, %dma_start3A_228] : memref<80x128xf32, #tpu.memory_space<vmem>> -> memref<1x128xf32, #tpu.memory_space<vmem>>
    %dma_start3A_230 = tpu.memref_squeeze %dma_start3A_229 : memref<1x128xf32, #tpu.memory_space<vmem>> -> memref<128xf32, #tpu.memory_space<vmem>>
    %dma_start3A_231 = arith.constant 0 : i32
    %dma_start3A_232 = tpu.memref_slice %arg5[%dma_start3A_227, %dma_start3A_231] : memref<80x128xi32, #tpu.memory_space<vmem>> -> memref<1x128xi32, #tpu.memory_space<vmem>>
    %dma_start3A_233 = tpu.memref_squeeze %dma_start3A_232 : memref<1x128xi32, #tpu.memory_space<vmem>> -> memref<128xi32, #tpu.memory_space<vmem>>
    %dma_start3A_234 = arith.constant 0 : i32
    %dma_start3A_235 = tpu.memref_slice %arg7[%dma_start3A_234] : memref<10240xf32, #tpu.memory_space<vmem_shared>> -> memref<10240xf32, #tpu.memory_space<vmem_shared>>
    tpu.enqueue_indirect_dma source(%dma_start3A_230 : memref<128xf32, #tpu.memory_space<vmem>>) target(%dma_start3A_235 : memref<10240xf32, #tpu.memory_space<vmem_shared>>) offsets(%dma_start3A_233 : memref<128xi32, #tpu.memory_space<vmem>>) semaphore(%arg9 : memref<!tpu.dma_semaphore, #tpu.memory_space<semaphore_mem>>) {add = true}
    %dma_start3A_236 = arith.constant 23 : i32
    %dma_start3A_237 = arith.constant 23 : i32
    %dma_start3A_238 = arith.constant 0 : i32
    %dma_start3A_239 = tpu.memref_slice %arg6[%dma_start3A_236, %dma_start3A_238] : memref<80x128xf32, #tpu.memory_space<vmem>> -> memref<1x128xf32, #tpu.memory_space<vmem>>
    %dma_start3A_240 = tpu.memref_squeeze %dma_start3A_239 : memref<1x128xf32, #tpu.memory_space<vmem>> -> memref<128xf32, #tpu.memory_space<vmem>>
    %dma_start3A_241 = arith.constant 0 : i32
    %dma_start3A_242 = tpu.memref_slice %arg5[%dma_start3A_237, %dma_start3A_241] : memref<80x128xi32, #tpu.memory_space<vmem>> -> memref<1x128xi32, #tpu.memory_space<vmem>>
    %dma_start3A_243 = tpu.memref_squeeze %dma_start3A_242 : memref<1x128xi32, #tpu.memory_space<vmem>> -> memref<128xi32, #tpu.memory_space<vmem>>
    %dma_start3A_244 = arith.constant 0 : i32
    %dma_start3A_245 = tpu.memref_slice %arg7[%dma_start3A_244] : memref<10240xf32, #tpu.memory_space<vmem_shared>> -> memref<10240xf32, #tpu.memory_space<vmem_shared>>
    tpu.enqueue_indirect_dma source(%dma_start3A_240 : memref<128xf32, #tpu.memory_space<vmem>>) target(%dma_start3A_245 : memref<10240xf32, #tpu.memory_space<vmem_shared>>) offsets(%dma_start3A_243 : memref<128xi32, #tpu.memory_space<vmem>>) semaphore(%arg9 : memref<!tpu.dma_semaphore, #tpu.memory_space<semaphore_mem>>) {add = true}
    %dma_start3A_246 = arith.constant 24 : i32
    %dma_start3A_247 = arith.constant 24 : i32
    %dma_start3A_248 = arith.constant 0 : i32
    %dma_start3A_249 = tpu.memref_slice %arg6[%dma_start3A_246, %dma_start3A_248] : memref<80x128xf32, #tpu.memory_space<vmem>> -> memref<1x128xf32, #tpu.memory_space<vmem>>
    %dma_start3A_250 = tpu.memref_squeeze %dma_start3A_249 : memref<1x128xf32, #tpu.memory_space<vmem>> -> memref<128xf32, #tpu.memory_space<vmem>>
    %dma_start3A_251 = arith.constant 0 : i32
    %dma_start3A_252 = tpu.memref_slice %arg5[%dma_start3A_247, %dma_start3A_251] : memref<80x128xi32, #tpu.memory_space<vmem>> -> memref<1x128xi32, #tpu.memory_space<vmem>>
    %dma_start3A_253 = tpu.memref_squeeze %dma_start3A_252 : memref<1x128xi32, #tpu.memory_space<vmem>> -> memref<128xi32, #tpu.memory_space<vmem>>
    %dma_start3A_254 = arith.constant 0 : i32
    %dma_start3A_255 = tpu.memref_slice %arg7[%dma_start3A_254] : memref<10240xf32, #tpu.memory_space<vmem_shared>> -> memref<10240xf32, #tpu.memory_space<vmem_shared>>
    tpu.enqueue_indirect_dma source(%dma_start3A_250 : memref<128xf32, #tpu.memory_space<vmem>>) target(%dma_start3A_255 : memref<10240xf32, #tpu.memory_space<vmem_shared>>) offsets(%dma_start3A_253 : memref<128xi32, #tpu.memory_space<vmem>>) semaphore(%arg9 : memref<!tpu.dma_semaphore, #tpu.memory_space<semaphore_mem>>) {add = true}
    %dma_start3A_256 = arith.constant 25 : i32
    %dma_start3A_257 = arith.constant 25 : i32
    %dma_start3A_258 = arith.constant 0 : i32
    %dma_start3A_259 = tpu.memref_slice %arg6[%dma_start3A_256, %dma_start3A_258] : memref<80x128xf32, #tpu.memory_space<vmem>> -> memref<1x128xf32, #tpu.memory_space<vmem>>
    %dma_start3A_260 = tpu.memref_squeeze %dma_start3A_259 : memref<1x128xf32, #tpu.memory_space<vmem>> -> memref<128xf32, #tpu.memory_space<vmem>>
    %dma_start3A_261 = arith.constant 0 : i32
    %dma_start3A_262 = tpu.memref_slice %arg5[%dma_start3A_257, %dma_start3A_261] : memref<80x128xi32, #tpu.memory_space<vmem>> -> memref<1x128xi32, #tpu.memory_space<vmem>>
    %dma_start3A_263 = tpu.memref_squeeze %dma_start3A_262 : memref<1x128xi32, #tpu.memory_space<vmem>> -> memref<128xi32, #tpu.memory_space<vmem>>
    %dma_start3A_264 = arith.constant 0 : i32
    %dma_start3A_265 = tpu.memref_slice %arg7[%dma_start3A_264] : memref<10240xf32, #tpu.memory_space<vmem_shared>> -> memref<10240xf32, #tpu.memory_space<vmem_shared>>
    tpu.enqueue_indirect_dma source(%dma_start3A_260 : memref<128xf32, #tpu.memory_space<vmem>>) target(%dma_start3A_265 : memref<10240xf32, #tpu.memory_space<vmem_shared>>) offsets(%dma_start3A_263 : memref<128xi32, #tpu.memory_space<vmem>>) semaphore(%arg9 : memref<!tpu.dma_semaphore, #tpu.memory_space<semaphore_mem>>) {add = true}
    %dma_start3A_266 = arith.constant 26 : i32
    %dma_start3A_267 = arith.constant 26 : i32
    %dma_start3A_268 = arith.constant 0 : i32
    %dma_start3A_269 = tpu.memref_slice %arg6[%dma_start3A_266, %dma_start3A_268] : memref<80x128xf32, #tpu.memory_space<vmem>> -> memref<1x128xf32, #tpu.memory_space<vmem>>
    %dma_start3A_270 = tpu.memref_squeeze %dma_start3A_269 : memref<1x128xf32, #tpu.memory_space<vmem>> -> memref<128xf32, #tpu.memory_space<vmem>>
    %dma_start3A_271 = arith.constant 0 : i32
    %dma_start3A_272 = tpu.memref_slice %arg5[%dma_start3A_267, %dma_start3A_271] : memref<80x128xi32, #tpu.memory_space<vmem>> -> memref<1x128xi32, #tpu.memory_space<vmem>>
    %dma_start3A_273 = tpu.memref_squeeze %dma_start3A_272 : memref<1x128xi32, #tpu.memory_space<vmem>> -> memref<128xi32, #tpu.memory_space<vmem>>
    %dma_start3A_274 = arith.constant 0 : i32
    %dma_start3A_275 = tpu.memref_slice %arg7[%dma_start3A_274] : memref<10240xf32, #tpu.memory_space<vmem_shared>> -> memref<10240xf32, #tpu.memory_space<vmem_shared>>
    tpu.enqueue_indirect_dma source(%dma_start3A_270 : memref<128xf32, #tpu.memory_space<vmem>>) target(%dma_start3A_275 : memref<10240xf32, #tpu.memory_space<vmem_shared>>) offsets(%dma_start3A_273 : memref<128xi32, #tpu.memory_space<vmem>>) semaphore(%arg9 : memref<!tpu.dma_semaphore, #tpu.memory_space<semaphore_mem>>) {add = true}
    %dma_start3A_276 = arith.constant 27 : i32
    %dma_start3A_277 = arith.constant 27 : i32
    %dma_start3A_278 = arith.constant 0 : i32
    %dma_start3A_279 = tpu.memref_slice %arg6[%dma_start3A_276, %dma_start3A_278] : memref<80x128xf32, #tpu.memory_space<vmem>> -> memref<1x128xf32, #tpu.memory_space<vmem>>
    %dma_start3A_280 = tpu.memref_squeeze %dma_start3A_279 : memref<1x128xf32, #tpu.memory_space<vmem>> -> memref<128xf32, #tpu.memory_space<vmem>>
    %dma_start3A_281 = arith.constant 0 : i32
    %dma_start3A_282 = tpu.memref_slice %arg5[%dma_start3A_277, %dma_start3A_281] : memref<80x128xi32, #tpu.memory_space<vmem>> -> memref<1x128xi32, #tpu.memory_space<vmem>>
    %dma_start3A_283 = tpu.memref_squeeze %dma_start3A_282 : memref<1x128xi32, #tpu.memory_space<vmem>> -> memref<128xi32, #tpu.memory_space<vmem>>
    %dma_start3A_284 = arith.constant 0 : i32
    %dma_start3A_285 = tpu.memref_slice %arg7[%dma_start3A_284] : memref<10240xf32, #tpu.memory_space<vmem_shared>> -> memref<10240xf32, #tpu.memory_space<vmem_shared>>
    tpu.enqueue_indirect_dma source(%dma_start3A_280 : memref<128xf32, #tpu.memory_space<vmem>>) target(%dma_start3A_285 : memref<10240xf32, #tpu.memory_space<vmem_shared>>) offsets(%dma_start3A_283 : memref<128xi32, #tpu.memory_space<vmem>>) semaphore(%arg9 : memref<!tpu.dma_semaphore, #tpu.memory_space<semaphore_mem>>) {add = true}
    %dma_start3A_286 = arith.constant 28 : i32
    %dma_start3A_287 = arith.constant 28 : i32
    %dma_start3A_288 = arith.constant 0 : i32
    %dma_start3A_289 = tpu.memref_slice %arg6[%dma_start3A_286, %dma_start3A_288] : memref<80x128xf32, #tpu.memory_space<vmem>> -> memref<1x128xf32, #tpu.memory_space<vmem>>
    %dma_start3A_290 = tpu.memref_squeeze %dma_start3A_289 : memref<1x128xf32, #tpu.memory_space<vmem>> -> memref<128xf32, #tpu.memory_space<vmem>>
    %dma_start3A_291 = arith.constant 0 : i32
    %dma_start3A_292 = tpu.memref_slice %arg5[%dma_start3A_287, %dma_start3A_291] : memref<80x128xi32, #tpu.memory_space<vmem>> -> memref<1x128xi32, #tpu.memory_space<vmem>>
    %dma_start3A_293 = tpu.memref_squeeze %dma_start3A_292 : memref<1x128xi32, #tpu.memory_space<vmem>> -> memref<128xi32, #tpu.memory_space<vmem>>
    %dma_start3A_294 = arith.constant 0 : i32
    %dma_start3A_295 = tpu.memref_slice %arg7[%dma_start3A_294] : memref<10240xf32, #tpu.memory_space<vmem_shared>> -> memref<10240xf32, #tpu.memory_space<vmem_shared>>
    tpu.enqueue_indirect_dma source(%dma_start3A_290 : memref<128xf32, #tpu.memory_space<vmem>>) target(%dma_start3A_295 : memref<10240xf32, #tpu.memory_space<vmem_shared>>) offsets(%dma_start3A_293 : memref<128xi32, #tpu.memory_space<vmem>>) semaphore(%arg9 : memref<!tpu.dma_semaphore, #tpu.memory_space<semaphore_mem>>) {add = true}
    %dma_start3A_296 = arith.constant 29 : i32
    %dma_start3A_297 = arith.constant 29 : i32
    %dma_start3A_298 = arith.constant 0 : i32
    %dma_start3A_299 = tpu.memref_slice %arg6[%dma_start3A_296, %dma_start3A_298] : memref<80x128xf32, #tpu.memory_space<vmem>> -> memref<1x128xf32, #tpu.memory_space<vmem>>
    %dma_start3A_300 = tpu.memref_squeeze %dma_start3A_299 : memref<1x128xf32, #tpu.memory_space<vmem>> -> memref<128xf32, #tpu.memory_space<vmem>>
    %dma_start3A_301 = arith.constant 0 : i32
    %dma_start3A_302 = tpu.memref_slice %arg5[%dma_start3A_297, %dma_start3A_301] : memref<80x128xi32, #tpu.memory_space<vmem>> -> memref<1x128xi32, #tpu.memory_space<vmem>>
    %dma_start3A_303 = tpu.memref_squeeze %dma_start3A_302 : memref<1x128xi32, #tpu.memory_space<vmem>> -> memref<128xi32, #tpu.memory_space<vmem>>
    %dma_start3A_304 = arith.constant 0 : i32
    %dma_start3A_305 = tpu.memref_slice %arg7[%dma_start3A_304] : memref<10240xf32, #tpu.memory_space<vmem_shared>> -> memref<10240xf32, #tpu.memory_space<vmem_shared>>
    tpu.enqueue_indirect_dma source(%dma_start3A_300 : memref<128xf32, #tpu.memory_space<vmem>>) target(%dma_start3A_305 : memref<10240xf32, #tpu.memory_space<vmem_shared>>) offsets(%dma_start3A_303 : memref<128xi32, #tpu.memory_space<vmem>>) semaphore(%arg9 : memref<!tpu.dma_semaphore, #tpu.memory_space<semaphore_mem>>) {add = true}
    %dma_start3A_306 = arith.constant 30 : i32
    %dma_start3A_307 = arith.constant 30 : i32
    %dma_start3A_308 = arith.constant 0 : i32
    %dma_start3A_309 = tpu.memref_slice %arg6[%dma_start3A_306, %dma_start3A_308] : memref<80x128xf32, #tpu.memory_space<vmem>> -> memref<1x128xf32, #tpu.memory_space<vmem>>
    %dma_start3A_310 = tpu.memref_squeeze %dma_start3A_309 : memref<1x128xf32, #tpu.memory_space<vmem>> -> memref<128xf32, #tpu.memory_space<vmem>>
    %dma_start3A_311 = arith.constant 0 : i32
    %dma_start3A_312 = tpu.memref_slice %arg5[%dma_start3A_307, %dma_start3A_311] : memref<80x128xi32, #tpu.memory_space<vmem>> -> memref<1x128xi32, #tpu.memory_space<vmem>>
    %dma_start3A_313 = tpu.memref_squeeze %dma_start3A_312 : memref<1x128xi32, #tpu.memory_space<vmem>> -> memref<128xi32, #tpu.memory_space<vmem>>
    %dma_start3A_314 = arith.constant 0 : i32
    %dma_start3A_315 = tpu.memref_slice %arg7[%dma_start3A_314] : memref<10240xf32, #tpu.memory_space<vmem_shared>> -> memref<10240xf32, #tpu.memory_space<vmem_shared>>
    tpu.enqueue_indirect_dma source(%dma_start3A_310 : memref<128xf32, #tpu.memory_space<vmem>>) target(%dma_start3A_315 : memref<10240xf32, #tpu.memory_space<vmem_shared>>) offsets(%dma_start3A_313 : memref<128xi32, #tpu.memory_space<vmem>>) semaphore(%arg9 : memref<!tpu.dma_semaphore, #tpu.memory_space<semaphore_mem>>) {add = true}
    %dma_start3A_316 = arith.constant 31 : i32
    %dma_start3A_317 = arith.constant 31 : i32
    %dma_start3A_318 = arith.constant 0 : i32
    %dma_start3A_319 = tpu.memref_slice %arg6[%dma_start3A_316, %dma_start3A_318] : memref<80x128xf32, #tpu.memory_space<vmem>> -> memref<1x128xf32, #tpu.memory_space<vmem>>
    %dma_start3A_320 = tpu.memref_squeeze %dma_start3A_319 : memref<1x128xf32, #tpu.memory_space<vmem>> -> memref<128xf32, #tpu.memory_space<vmem>>
    %dma_start3A_321 = arith.constant 0 : i32
    %dma_start3A_322 = tpu.memref_slice %arg5[%dma_start3A_317, %dma_start3A_321] : memref<80x128xi32, #tpu.memory_space<vmem>> -> memref<1x128xi32, #tpu.memory_space<vmem>>
    %dma_start3A_323 = tpu.memref_squeeze %dma_start3A_322 : memref<1x128xi32, #tpu.memory_space<vmem>> -> memref<128xi32, #tpu.memory_space<vmem>>
    %dma_start3A_324 = arith.constant 0 : i32
    %dma_start3A_325 = tpu.memref_slice %arg7[%dma_start3A_324] : memref<10240xf32, #tpu.memory_space<vmem_shared>> -> memref<10240xf32, #tpu.memory_space<vmem_shared>>
    tpu.enqueue_indirect_dma source(%dma_start3A_320 : memref<128xf32, #tpu.memory_space<vmem>>) target(%dma_start3A_325 : memref<10240xf32, #tpu.memory_space<vmem_shared>>) offsets(%dma_start3A_323 : memref<128xi32, #tpu.memory_space<vmem>>) semaphore(%arg9 : memref<!tpu.dma_semaphore, #tpu.memory_space<semaphore_mem>>) {add = true}
    %dma_start3A_326 = arith.constant 32 : i32
    %dma_start3A_327 = arith.constant 32 : i32
    %dma_start3A_328 = arith.constant 0 : i32
    %dma_start3A_329 = tpu.memref_slice %arg6[%dma_start3A_326, %dma_start3A_328] : memref<80x128xf32, #tpu.memory_space<vmem>> -> memref<1x128xf32, #tpu.memory_space<vmem>>
    %dma_start3A_330 = tpu.memref_squeeze %dma_start3A_329 : memref<1x128xf32, #tpu.memory_space<vmem>> -> memref<128xf32, #tpu.memory_space<vmem>>
    %dma_start3A_331 = arith.constant 0 : i32
    %dma_start3A_332 = tpu.memref_slice %arg5[%dma_start3A_327, %dma_start3A_331] : memref<80x128xi32, #tpu.memory_space<vmem>> -> memref<1x128xi32, #tpu.memory_space<vmem>>
    %dma_start3A_333 = tpu.memref_squeeze %dma_start3A_332 : memref<1x128xi32, #tpu.memory_space<vmem>> -> memref<128xi32, #tpu.memory_space<vmem>>
    %dma_start3A_334 = arith.constant 0 : i32
    %dma_start3A_335 = tpu.memref_slice %arg7[%dma_start3A_334] : memref<10240xf32, #tpu.memory_space<vmem_shared>> -> memref<10240xf32, #tpu.memory_space<vmem_shared>>
    tpu.enqueue_indirect_dma source(%dma_start3A_330 : memref<128xf32, #tpu.memory_space<vmem>>) target(%dma_start3A_335 : memref<10240xf32, #tpu.memory_space<vmem_shared>>) offsets(%dma_start3A_333 : memref<128xi32, #tpu.memory_space<vmem>>) semaphore(%arg9 : memref<!tpu.dma_semaphore, #tpu.memory_space<semaphore_mem>>) {add = true}
    %dma_start3A_336 = arith.constant 33 : i32
    %dma_start3A_337 = arith.constant 33 : i32
    %dma_start3A_338 = arith.constant 0 : i32
    %dma_start3A_339 = tpu.memref_slice %arg6[%dma_start3A_336, %dma_start3A_338] : memref<80x128xf32, #tpu.memory_space<vmem>> -> memref<1x128xf32, #tpu.memory_space<vmem>>
    %dma_start3A_340 = tpu.memref_squeeze %dma_start3A_339 : memref<1x128xf32, #tpu.memory_space<vmem>> -> memref<128xf32, #tpu.memory_space<vmem>>
    %dma_start3A_341 = arith.constant 0 : i32
    %dma_start3A_342 = tpu.memref_slice %arg5[%dma_start3A_337, %dma_start3A_341] : memref<80x128xi32, #tpu.memory_space<vmem>> -> memref<1x128xi32, #tpu.memory_space<vmem>>
    %dma_start3A_343 = tpu.memref_squeeze %dma_start3A_342 : memref<1x128xi32, #tpu.memory_space<vmem>> -> memref<128xi32, #tpu.memory_space<vmem>>
    %dma_start3A_344 = arith.constant 0 : i32
    %dma_start3A_345 = tpu.memref_slice %arg7[%dma_start3A_344] : memref<10240xf32, #tpu.memory_space<vmem_shared>> -> memref<10240xf32, #tpu.memory_space<vmem_shared>>
    tpu.enqueue_indirect_dma source(%dma_start3A_340 : memref<128xf32, #tpu.memory_space<vmem>>) target(%dma_start3A_345 : memref<10240xf32, #tpu.memory_space<vmem_shared>>) offsets(%dma_start3A_343 : memref<128xi32, #tpu.memory_space<vmem>>) semaphore(%arg9 : memref<!tpu.dma_semaphore, #tpu.memory_space<semaphore_mem>>) {add = true}
    %dma_start3A_346 = arith.constant 34 : i32
    %dma_start3A_347 = arith.constant 34 : i32
    %dma_start3A_348 = arith.constant 0 : i32
    %dma_start3A_349 = tpu.memref_slice %arg6[%dma_start3A_346, %dma_start3A_348] : memref<80x128xf32, #tpu.memory_space<vmem>> -> memref<1x128xf32, #tpu.memory_space<vmem>>
    %dma_start3A_350 = tpu.memref_squeeze %dma_start3A_349 : memref<1x128xf32, #tpu.memory_space<vmem>> -> memref<128xf32, #tpu.memory_space<vmem>>
    %dma_start3A_351 = arith.constant 0 : i32
    %dma_start3A_352 = tpu.memref_slice %arg5[%dma_start3A_347, %dma_start3A_351] : memref<80x128xi32, #tpu.memory_space<vmem>> -> memref<1x128xi32, #tpu.memory_space<vmem>>
    %dma_start3A_353 = tpu.memref_squeeze %dma_start3A_352 : memref<1x128xi32, #tpu.memory_space<vmem>> -> memref<128xi32, #tpu.memory_space<vmem>>
    %dma_start3A_354 = arith.constant 0 : i32
    %dma_start3A_355 = tpu.memref_slice %arg7[%dma_start3A_354] : memref<10240xf32, #tpu.memory_space<vmem_shared>> -> memref<10240xf32, #tpu.memory_space<vmem_shared>>
    tpu.enqueue_indirect_dma source(%dma_start3A_350 : memref<128xf32, #tpu.memory_space<vmem>>) target(%dma_start3A_355 : memref<10240xf32, #tpu.memory_space<vmem_shared>>) offsets(%dma_start3A_353 : memref<128xi32, #tpu.memory_space<vmem>>) semaphore(%arg9 : memref<!tpu.dma_semaphore, #tpu.memory_space<semaphore_mem>>) {add = true}
    %dma_start3A_356 = arith.constant 35 : i32
    %dma_start3A_357 = arith.constant 35 : i32
    %dma_start3A_358 = arith.constant 0 : i32
    %dma_start3A_359 = tpu.memref_slice %arg6[%dma_start3A_356, %dma_start3A_358] : memref<80x128xf32, #tpu.memory_space<vmem>> -> memref<1x128xf32, #tpu.memory_space<vmem>>
    %dma_start3A_360 = tpu.memref_squeeze %dma_start3A_359 : memref<1x128xf32, #tpu.memory_space<vmem>> -> memref<128xf32, #tpu.memory_space<vmem>>
    %dma_start3A_361 = arith.constant 0 : i32
    %dma_start3A_362 = tpu.memref_slice %arg5[%dma_start3A_357, %dma_start3A_361] : memref<80x128xi32, #tpu.memory_space<vmem>> -> memref<1x128xi32, #tpu.memory_space<vmem>>
    %dma_start3A_363 = tpu.memref_squeeze %dma_start3A_362 : memref<1x128xi32, #tpu.memory_space<vmem>> -> memref<128xi32, #tpu.memory_space<vmem>>
    %dma_start3A_364 = arith.constant 0 : i32
    %dma_start3A_365 = tpu.memref_slice %arg7[%dma_start3A_364] : memref<10240xf32, #tpu.memory_space<vmem_shared>> -> memref<10240xf32, #tpu.memory_space<vmem_shared>>
    tpu.enqueue_indirect_dma source(%dma_start3A_360 : memref<128xf32, #tpu.memory_space<vmem>>) target(%dma_start3A_365 : memref<10240xf32, #tpu.memory_space<vmem_shared>>) offsets(%dma_start3A_363 : memref<128xi32, #tpu.memory_space<vmem>>) semaphore(%arg9 : memref<!tpu.dma_semaphore, #tpu.memory_space<semaphore_mem>>) {add = true}
    %dma_start3A_366 = arith.constant 36 : i32
    %dma_start3A_367 = arith.constant 36 : i32
    %dma_start3A_368 = arith.constant 0 : i32
    %dma_start3A_369 = tpu.memref_slice %arg6[%dma_start3A_366, %dma_start3A_368] : memref<80x128xf32, #tpu.memory_space<vmem>> -> memref<1x128xf32, #tpu.memory_space<vmem>>
    %dma_start3A_370 = tpu.memref_squeeze %dma_start3A_369 : memref<1x128xf32, #tpu.memory_space<vmem>> -> memref<128xf32, #tpu.memory_space<vmem>>
    %dma_start3A_371 = arith.constant 0 : i32
    %dma_start3A_372 = tpu.memref_slice %arg5[%dma_start3A_367, %dma_start3A_371] : memref<80x128xi32, #tpu.memory_space<vmem>> -> memref<1x128xi32, #tpu.memory_space<vmem>>
    %dma_start3A_373 = tpu.memref_squeeze %dma_start3A_372 : memref<1x128xi32, #tpu.memory_space<vmem>> -> memref<128xi32, #tpu.memory_space<vmem>>
    %dma_start3A_374 = arith.constant 0 : i32
    %dma_start3A_375 = tpu.memref_slice %arg7[%dma_start3A_374] : memref<10240xf32, #tpu.memory_space<vmem_shared>> -> memref<10240xf32, #tpu.memory_space<vmem_shared>>
    tpu.enqueue_indirect_dma source(%dma_start3A_370 : memref<128xf32, #tpu.memory_space<vmem>>) target(%dma_start3A_375 : memref<10240xf32, #tpu.memory_space<vmem_shared>>) offsets(%dma_start3A_373 : memref<128xi32, #tpu.memory_space<vmem>>) semaphore(%arg9 : memref<!tpu.dma_semaphore, #tpu.memory_space<semaphore_mem>>) {add = true}
    %dma_start3A_376 = arith.constant 37 : i32
    %dma_start3A_377 = arith.constant 37 : i32
    %dma_start3A_378 = arith.constant 0 : i32
    %dma_start3A_379 = tpu.memref_slice %arg6[%dma_start3A_376, %dma_start3A_378] : memref<80x128xf32, #tpu.memory_space<vmem>> -> memref<1x128xf32, #tpu.memory_space<vmem>>
    %dma_start3A_380 = tpu.memref_squeeze %dma_start3A_379 : memref<1x128xf32, #tpu.memory_space<vmem>> -> memref<128xf32, #tpu.memory_space<vmem>>
    %dma_start3A_381 = arith.constant 0 : i32
    %dma_start3A_382 = tpu.memref_slice %arg5[%dma_start3A_377, %dma_start3A_381] : memref<80x128xi32, #tpu.memory_space<vmem>> -> memref<1x128xi32, #tpu.memory_space<vmem>>
    %dma_start3A_383 = tpu.memref_squeeze %dma_start3A_382 : memref<1x128xi32, #tpu.memory_space<vmem>> -> memref<128xi32, #tpu.memory_space<vmem>>
    %dma_start3A_384 = arith.constant 0 : i32
    %dma_start3A_385 = tpu.memref_slice %arg7[%dma_start3A_384] : memref<10240xf32, #tpu.memory_space<vmem_shared>> -> memref<10240xf32, #tpu.memory_space<vmem_shared>>
    tpu.enqueue_indirect_dma source(%dma_start3A_380 : memref<128xf32, #tpu.memory_space<vmem>>) target(%dma_start3A_385 : memref<10240xf32, #tpu.memory_space<vmem_shared>>) offsets(%dma_start3A_383 : memref<128xi32, #tpu.memory_space<vmem>>) semaphore(%arg9 : memref<!tpu.dma_semaphore, #tpu.memory_space<semaphore_mem>>) {add = true}
    %dma_start3A_386 = arith.constant 38 : i32
    %dma_start3A_387 = arith.constant 38 : i32
    %dma_start3A_388 = arith.constant 0 : i32
    %dma_start3A_389 = tpu.memref_slice %arg6[%dma_start3A_386, %dma_start3A_388] : memref<80x128xf32, #tpu.memory_space<vmem>> -> memref<1x128xf32, #tpu.memory_space<vmem>>
    %dma_start3A_390 = tpu.memref_squeeze %dma_start3A_389 : memref<1x128xf32, #tpu.memory_space<vmem>> -> memref<128xf32, #tpu.memory_space<vmem>>
    %dma_start3A_391 = arith.constant 0 : i32
    %dma_start3A_392 = tpu.memref_slice %arg5[%dma_start3A_387, %dma_start3A_391] : memref<80x128xi32, #tpu.memory_space<vmem>> -> memref<1x128xi32, #tpu.memory_space<vmem>>
    %dma_start3A_393 = tpu.memref_squeeze %dma_start3A_392 : memref<1x128xi32, #tpu.memory_space<vmem>> -> memref<128xi32, #tpu.memory_space<vmem>>
    %dma_start3A_394 = arith.constant 0 : i32
    %dma_start3A_395 = tpu.memref_slice %arg7[%dma_start3A_394] : memref<10240xf32, #tpu.memory_space<vmem_shared>> -> memref<10240xf32, #tpu.memory_space<vmem_shared>>
    tpu.enqueue_indirect_dma source(%dma_start3A_390 : memref<128xf32, #tpu.memory_space<vmem>>) target(%dma_start3A_395 : memref<10240xf32, #tpu.memory_space<vmem_shared>>) offsets(%dma_start3A_393 : memref<128xi32, #tpu.memory_space<vmem>>) semaphore(%arg9 : memref<!tpu.dma_semaphore, #tpu.memory_space<semaphore_mem>>) {add = true}
    %dma_start3A_396 = arith.constant 39 : i32
    %dma_start3A_397 = arith.constant 39 : i32
    %dma_start3A_398 = arith.constant 0 : i32
    %dma_start3A_399 = tpu.memref_slice %arg6[%dma_start3A_396, %dma_start3A_398] : memref<80x128xf32, #tpu.memory_space<vmem>> -> memref<1x128xf32, #tpu.memory_space<vmem>>
    %dma_start3A_400 = tpu.memref_squeeze %dma_start3A_399 : memref<1x128xf32, #tpu.memory_space<vmem>> -> memref<128xf32, #tpu.memory_space<vmem>>
    %dma_start3A_401 = arith.constant 0 : i32
    %dma_start3A_402 = tpu.memref_slice %arg5[%dma_start3A_397, %dma_start3A_401] : memref<80x128xi32, #tpu.memory_space<vmem>> -> memref<1x128xi32, #tpu.memory_space<vmem>>
    %dma_start3A_403 = tpu.memref_squeeze %dma_start3A_402 : memref<1x128xi32, #tpu.memory_space<vmem>> -> memref<128xi32, #tpu.memory_space<vmem>>
    %dma_start3A_404 = arith.constant 0 : i32
    %dma_start3A_405 = tpu.memref_slice %arg7[%dma_start3A_404] : memref<10240xf32, #tpu.memory_space<vmem_shared>> -> memref<10240xf32, #tpu.memory_space<vmem_shared>>
    tpu.enqueue_indirect_dma source(%dma_start3A_400 : memref<128xf32, #tpu.memory_space<vmem>>) target(%dma_start3A_405 : memref<10240xf32, #tpu.memory_space<vmem_shared>>) offsets(%dma_start3A_403 : memref<128xi32, #tpu.memory_space<vmem>>) semaphore(%arg9 : memref<!tpu.dma_semaphore, #tpu.memory_space<semaphore_mem>>) {add = true}
    %dma_start3A_406 = arith.constant 40 : i32
    %dma_start3A_407 = arith.constant 40 : i32
    %dma_start3A_408 = arith.constant 0 : i32
    %dma_start3A_409 = tpu.memref_slice %arg6[%dma_start3A_406, %dma_start3A_408] : memref<80x128xf32, #tpu.memory_space<vmem>> -> memref<1x128xf32, #tpu.memory_space<vmem>>
    %dma_start3A_410 = tpu.memref_squeeze %dma_start3A_409 : memref<1x128xf32, #tpu.memory_space<vmem>> -> memref<128xf32, #tpu.memory_space<vmem>>
    %dma_start3A_411 = arith.constant 0 : i32
    %dma_start3A_412 = tpu.memref_slice %arg5[%dma_start3A_407, %dma_start3A_411] : memref<80x128xi32, #tpu.memory_space<vmem>> -> memref<1x128xi32, #tpu.memory_space<vmem>>
    %dma_start3A_413 = tpu.memref_squeeze %dma_start3A_412 : memref<1x128xi32, #tpu.memory_space<vmem>> -> memref<128xi32, #tpu.memory_space<vmem>>
    %dma_start3A_414 = arith.constant 0 : i32
    %dma_start3A_415 = tpu.memref_slice %arg7[%dma_start3A_414] : memref<10240xf32, #tpu.memory_space<vmem_shared>> -> memref<10240xf32, #tpu.memory_space<vmem_shared>>
    tpu.enqueue_indirect_dma source(%dma_start3A_410 : memref<128xf32, #tpu.memory_space<vmem>>) target(%dma_start3A_415 : memref<10240xf32, #tpu.memory_space<vmem_shared>>) offsets(%dma_start3A_413 : memref<128xi32, #tpu.memory_space<vmem>>) semaphore(%arg9 : memref<!tpu.dma_semaphore, #tpu.memory_space<semaphore_mem>>) {add = true}
    %dma_start3A_416 = arith.constant 41 : i32
    %dma_start3A_417 = arith.constant 41 : i32
    %dma_start3A_418 = arith.constant 0 : i32
    %dma_start3A_419 = tpu.memref_slice %arg6[%dma_start3A_416, %dma_start3A_418] : memref<80x128xf32, #tpu.memory_space<vmem>> -> memref<1x128xf32, #tpu.memory_space<vmem>>
    %dma_start3A_420 = tpu.memref_squeeze %dma_start3A_419 : memref<1x128xf32, #tpu.memory_space<vmem>> -> memref<128xf32, #tpu.memory_space<vmem>>
    %dma_start3A_421 = arith.constant 0 : i32
    %dma_start3A_422 = tpu.memref_slice %arg5[%dma_start3A_417, %dma_start3A_421] : memref<80x128xi32, #tpu.memory_space<vmem>> -> memref<1x128xi32, #tpu.memory_space<vmem>>
    %dma_start3A_423 = tpu.memref_squeeze %dma_start3A_422 : memref<1x128xi32, #tpu.memory_space<vmem>> -> memref<128xi32, #tpu.memory_space<vmem>>
    %dma_start3A_424 = arith.constant 0 : i32
    %dma_start3A_425 = tpu.memref_slice %arg7[%dma_start3A_424] : memref<10240xf32, #tpu.memory_space<vmem_shared>> -> memref<10240xf32, #tpu.memory_space<vmem_shared>>
    tpu.enqueue_indirect_dma source(%dma_start3A_420 : memref<128xf32, #tpu.memory_space<vmem>>) target(%dma_start3A_425 : memref<10240xf32, #tpu.memory_space<vmem_shared>>) offsets(%dma_start3A_423 : memref<128xi32, #tpu.memory_space<vmem>>) semaphore(%arg9 : memref<!tpu.dma_semaphore, #tpu.memory_space<semaphore_mem>>) {add = true}
    %dma_start3A_426 = arith.constant 42 : i32
    %dma_start3A_427 = arith.constant 42 : i32
    %dma_start3A_428 = arith.constant 0 : i32
    %dma_start3A_429 = tpu.memref_slice %arg6[%dma_start3A_426, %dma_start3A_428] : memref<80x128xf32, #tpu.memory_space<vmem>> -> memref<1x128xf32, #tpu.memory_space<vmem>>
    %dma_start3A_430 = tpu.memref_squeeze %dma_start3A_429 : memref<1x128xf32, #tpu.memory_space<vmem>> -> memref<128xf32, #tpu.memory_space<vmem>>
    %dma_start3A_431 = arith.constant 0 : i32
    %dma_start3A_432 = tpu.memref_slice %arg5[%dma_start3A_427, %dma_start3A_431] : memref<80x128xi32, #tpu.memory_space<vmem>> -> memref<1x128xi32, #tpu.memory_space<vmem>>
    %dma_start3A_433 = tpu.memref_squeeze %dma_start3A_432 : memref<1x128xi32, #tpu.memory_space<vmem>> -> memref<128xi32, #tpu.memory_space<vmem>>
    %dma_start3A_434 = arith.constant 0 : i32
    %dma_start3A_435 = tpu.memref_slice %arg7[%dma_start3A_434] : memref<10240xf32, #tpu.memory_space<vmem_shared>> -> memref<10240xf32, #tpu.memory_space<vmem_shared>>
    tpu.enqueue_indirect_dma source(%dma_start3A_430 : memref<128xf32, #tpu.memory_space<vmem>>) target(%dma_start3A_435 : memref<10240xf32, #tpu.memory_space<vmem_shared>>) offsets(%dma_start3A_433 : memref<128xi32, #tpu.memory_space<vmem>>) semaphore(%arg9 : memref<!tpu.dma_semaphore, #tpu.memory_space<semaphore_mem>>) {add = true}
    %dma_start3A_436 = arith.constant 43 : i32
    %dma_start3A_437 = arith.constant 43 : i32
    %dma_start3A_438 = arith.constant 0 : i32
    %dma_start3A_439 = tpu.memref_slice %arg6[%dma_start3A_436, %dma_start3A_438] : memref<80x128xf32, #tpu.memory_space<vmem>> -> memref<1x128xf32, #tpu.memory_space<vmem>>
    %dma_start3A_440 = tpu.memref_squeeze %dma_start3A_439 : memref<1x128xf32, #tpu.memory_space<vmem>> -> memref<128xf32, #tpu.memory_space<vmem>>
    %dma_start3A_441 = arith.constant 0 : i32
    %dma_start3A_442 = tpu.memref_slice %arg5[%dma_start3A_437, %dma_start3A_441] : memref<80x128xi32, #tpu.memory_space<vmem>> -> memref<1x128xi32, #tpu.memory_space<vmem>>
    %dma_start3A_443 = tpu.memref_squeeze %dma_start3A_442 : memref<1x128xi32, #tpu.memory_space<vmem>> -> memref<128xi32, #tpu.memory_space<vmem>>
    %dma_start3A_444 = arith.constant 0 : i32
    %dma_start3A_445 = tpu.memref_slice %arg7[%dma_start3A_444] : memref<10240xf32, #tpu.memory_space<vmem_shared>> -> memref<10240xf32, #tpu.memory_space<vmem_shared>>
    tpu.enqueue_indirect_dma source(%dma_start3A_440 : memref<128xf32, #tpu.memory_space<vmem>>) target(%dma_start3A_445 : memref<10240xf32, #tpu.memory_space<vmem_shared>>) offsets(%dma_start3A_443 : memref<128xi32, #tpu.memory_space<vmem>>) semaphore(%arg9 : memref<!tpu.dma_semaphore, #tpu.memory_space<semaphore_mem>>) {add = true}
    %dma_start3A_446 = arith.constant 44 : i32
    %dma_start3A_447 = arith.constant 44 : i32
    %dma_start3A_448 = arith.constant 0 : i32
    %dma_start3A_449 = tpu.memref_slice %arg6[%dma_start3A_446, %dma_start3A_448] : memref<80x128xf32, #tpu.memory_space<vmem>> -> memref<1x128xf32, #tpu.memory_space<vmem>>
    %dma_start3A_450 = tpu.memref_squeeze %dma_start3A_449 : memref<1x128xf32, #tpu.memory_space<vmem>> -> memref<128xf32, #tpu.memory_space<vmem>>
    %dma_start3A_451 = arith.constant 0 : i32
    %dma_start3A_452 = tpu.memref_slice %arg5[%dma_start3A_447, %dma_start3A_451] : memref<80x128xi32, #tpu.memory_space<vmem>> -> memref<1x128xi32, #tpu.memory_space<vmem>>
    %dma_start3A_453 = tpu.memref_squeeze %dma_start3A_452 : memref<1x128xi32, #tpu.memory_space<vmem>> -> memref<128xi32, #tpu.memory_space<vmem>>
    %dma_start3A_454 = arith.constant 0 : i32
    %dma_start3A_455 = tpu.memref_slice %arg7[%dma_start3A_454] : memref<10240xf32, #tpu.memory_space<vmem_shared>> -> memref<10240xf32, #tpu.memory_space<vmem_shared>>
    tpu.enqueue_indirect_dma source(%dma_start3A_450 : memref<128xf32, #tpu.memory_space<vmem>>) target(%dma_start3A_455 : memref<10240xf32, #tpu.memory_space<vmem_shared>>) offsets(%dma_start3A_453 : memref<128xi32, #tpu.memory_space<vmem>>) semaphore(%arg9 : memref<!tpu.dma_semaphore, #tpu.memory_space<semaphore_mem>>) {add = true}
    %dma_start3A_456 = arith.constant 45 : i32
    %dma_start3A_457 = arith.constant 45 : i32
    %dma_start3A_458 = arith.constant 0 : i32
    %dma_start3A_459 = tpu.memref_slice %arg6[%dma_start3A_456, %dma_start3A_458] : memref<80x128xf32, #tpu.memory_space<vmem>> -> memref<1x128xf32, #tpu.memory_space<vmem>>
    %dma_start3A_460 = tpu.memref_squeeze %dma_start3A_459 : memref<1x128xf32, #tpu.memory_space<vmem>> -> memref<128xf32, #tpu.memory_space<vmem>>
    %dma_start3A_461 = arith.constant 0 : i32
    %dma_start3A_462 = tpu.memref_slice %arg5[%dma_start3A_457, %dma_start3A_461] : memref<80x128xi32, #tpu.memory_space<vmem>> -> memref<1x128xi32, #tpu.memory_space<vmem>>
    %dma_start3A_463 = tpu.memref_squeeze %dma_start3A_462 : memref<1x128xi32, #tpu.memory_space<vmem>> -> memref<128xi32, #tpu.memory_space<vmem>>
    %dma_start3A_464 = arith.constant 0 : i32
    %dma_start3A_465 = tpu.memref_slice %arg7[%dma_start3A_464] : memref<10240xf32, #tpu.memory_space<vmem_shared>> -> memref<10240xf32, #tpu.memory_space<vmem_shared>>
    tpu.enqueue_indirect_dma source(%dma_start3A_460 : memref<128xf32, #tpu.memory_space<vmem>>) target(%dma_start3A_465 : memref<10240xf32, #tpu.memory_space<vmem_shared>>) offsets(%dma_start3A_463 : memref<128xi32, #tpu.memory_space<vmem>>) semaphore(%arg9 : memref<!tpu.dma_semaphore, #tpu.memory_space<semaphore_mem>>) {add = true}
    %dma_start3A_466 = arith.constant 46 : i32
    %dma_start3A_467 = arith.constant 46 : i32
    %dma_start3A_468 = arith.constant 0 : i32
    %dma_start3A_469 = tpu.memref_slice %arg6[%dma_start3A_466, %dma_start3A_468] : memref<80x128xf32, #tpu.memory_space<vmem>> -> memref<1x128xf32, #tpu.memory_space<vmem>>
    %dma_start3A_470 = tpu.memref_squeeze %dma_start3A_469 : memref<1x128xf32, #tpu.memory_space<vmem>> -> memref<128xf32, #tpu.memory_space<vmem>>
    %dma_start3A_471 = arith.constant 0 : i32
    %dma_start3A_472 = tpu.memref_slice %arg5[%dma_start3A_467, %dma_start3A_471] : memref<80x128xi32, #tpu.memory_space<vmem>> -> memref<1x128xi32, #tpu.memory_space<vmem>>
    %dma_start3A_473 = tpu.memref_squeeze %dma_start3A_472 : memref<1x128xi32, #tpu.memory_space<vmem>> -> memref<128xi32, #tpu.memory_space<vmem>>
    %dma_start3A_474 = arith.constant 0 : i32
    %dma_start3A_475 = tpu.memref_slice %arg7[%dma_start3A_474] : memref<10240xf32, #tpu.memory_space<vmem_shared>> -> memref<10240xf32, #tpu.memory_space<vmem_shared>>
    tpu.enqueue_indirect_dma source(%dma_start3A_470 : memref<128xf32, #tpu.memory_space<vmem>>) target(%dma_start3A_475 : memref<10240xf32, #tpu.memory_space<vmem_shared>>) offsets(%dma_start3A_473 : memref<128xi32, #tpu.memory_space<vmem>>) semaphore(%arg9 : memref<!tpu.dma_semaphore, #tpu.memory_space<semaphore_mem>>) {add = true}
    %dma_start3A_476 = arith.constant 47 : i32
    %dma_start3A_477 = arith.constant 47 : i32
    %dma_start3A_478 = arith.constant 0 : i32
    %dma_start3A_479 = tpu.memref_slice %arg6[%dma_start3A_476, %dma_start3A_478] : memref<80x128xf32, #tpu.memory_space<vmem>> -> memref<1x128xf32, #tpu.memory_space<vmem>>
    %dma_start3A_480 = tpu.memref_squeeze %dma_start3A_479 : memref<1x128xf32, #tpu.memory_space<vmem>> -> memref<128xf32, #tpu.memory_space<vmem>>
    %dma_start3A_481 = arith.constant 0 : i32
    %dma_start3A_482 = tpu.memref_slice %arg5[%dma_start3A_477, %dma_start3A_481] : memref<80x128xi32, #tpu.memory_space<vmem>> -> memref<1x128xi32, #tpu.memory_space<vmem>>
    %dma_start3A_483 = tpu.memref_squeeze %dma_start3A_482 : memref<1x128xi32, #tpu.memory_space<vmem>> -> memref<128xi32, #tpu.memory_space<vmem>>
    %dma_start3A_484 = arith.constant 0 : i32
    %dma_start3A_485 = tpu.memref_slice %arg7[%dma_start3A_484] : memref<10240xf32, #tpu.memory_space<vmem_shared>> -> memref<10240xf32, #tpu.memory_space<vmem_shared>>
    tpu.enqueue_indirect_dma source(%dma_start3A_480 : memref<128xf32, #tpu.memory_space<vmem>>) target(%dma_start3A_485 : memref<10240xf32, #tpu.memory_space<vmem_shared>>) offsets(%dma_start3A_483 : memref<128xi32, #tpu.memory_space<vmem>>) semaphore(%arg9 : memref<!tpu.dma_semaphore, #tpu.memory_space<semaphore_mem>>) {add = true}
    %dma_start3A_486 = arith.constant 48 : i32
    %dma_start3A_487 = arith.constant 48 : i32
    %dma_start3A_488 = arith.constant 0 : i32
    %dma_start3A_489 = tpu.memref_slice %arg6[%dma_start3A_486, %dma_start3A_488] : memref<80x128xf32, #tpu.memory_space<vmem>> -> memref<1x128xf32, #tpu.memory_space<vmem>>
    %dma_start3A_490 = tpu.memref_squeeze %dma_start3A_489 : memref<1x128xf32, #tpu.memory_space<vmem>> -> memref<128xf32, #tpu.memory_space<vmem>>
    %dma_start3A_491 = arith.constant 0 : i32
    %dma_start3A_492 = tpu.memref_slice %arg5[%dma_start3A_487, %dma_start3A_491] : memref<80x128xi32, #tpu.memory_space<vmem>> -> memref<1x128xi32, #tpu.memory_space<vmem>>
    %dma_start3A_493 = tpu.memref_squeeze %dma_start3A_492 : memref<1x128xi32, #tpu.memory_space<vmem>> -> memref<128xi32, #tpu.memory_space<vmem>>
    %dma_start3A_494 = arith.constant 0 : i32
    %dma_start3A_495 = tpu.memref_slice %arg7[%dma_start3A_494] : memref<10240xf32, #tpu.memory_space<vmem_shared>> -> memref<10240xf32, #tpu.memory_space<vmem_shared>>
    tpu.enqueue_indirect_dma source(%dma_start3A_490 : memref<128xf32, #tpu.memory_space<vmem>>) target(%dma_start3A_495 : memref<10240xf32, #tpu.memory_space<vmem_shared>>) offsets(%dma_start3A_493 : memref<128xi32, #tpu.memory_space<vmem>>) semaphore(%arg9 : memref<!tpu.dma_semaphore, #tpu.memory_space<semaphore_mem>>) {add = true}
    %dma_start3A_496 = arith.constant 49 : i32
    %dma_start3A_497 = arith.constant 49 : i32
    %dma_start3A_498 = arith.constant 0 : i32
    %dma_start3A_499 = tpu.memref_slice %arg6[%dma_start3A_496, %dma_start3A_498] : memref<80x128xf32, #tpu.memory_space<vmem>> -> memref<1x128xf32, #tpu.memory_space<vmem>>
    %dma_start3A_500 = tpu.memref_squeeze %dma_start3A_499 : memref<1x128xf32, #tpu.memory_space<vmem>> -> memref<128xf32, #tpu.memory_space<vmem>>
    %dma_start3A_501 = arith.constant 0 : i32
    %dma_start3A_502 = tpu.memref_slice %arg5[%dma_start3A_497, %dma_start3A_501] : memref<80x128xi32, #tpu.memory_space<vmem>> -> memref<1x128xi32, #tpu.memory_space<vmem>>
    %dma_start3A_503 = tpu.memref_squeeze %dma_start3A_502 : memref<1x128xi32, #tpu.memory_space<vmem>> -> memref<128xi32, #tpu.memory_space<vmem>>
    %dma_start3A_504 = arith.constant 0 : i32
    %dma_start3A_505 = tpu.memref_slice %arg7[%dma_start3A_504] : memref<10240xf32, #tpu.memory_space<vmem_shared>> -> memref<10240xf32, #tpu.memory_space<vmem_shared>>
    tpu.enqueue_indirect_dma source(%dma_start3A_500 : memref<128xf32, #tpu.memory_space<vmem>>) target(%dma_start3A_505 : memref<10240xf32, #tpu.memory_space<vmem_shared>>) offsets(%dma_start3A_503 : memref<128xi32, #tpu.memory_space<vmem>>) semaphore(%arg9 : memref<!tpu.dma_semaphore, #tpu.memory_space<semaphore_mem>>) {add = true}
    %dma_start3A_506 = arith.constant 50 : i32
    %dma_start3A_507 = arith.constant 50 : i32
    %dma_start3A_508 = arith.constant 0 : i32
    %dma_start3A_509 = tpu.memref_slice %arg6[%dma_start3A_506, %dma_start3A_508] : memref<80x128xf32, #tpu.memory_space<vmem>> -> memref<1x128xf32, #tpu.memory_space<vmem>>
    %dma_start3A_510 = tpu.memref_squeeze %dma_start3A_509 : memref<1x128xf32, #tpu.memory_space<vmem>> -> memref<128xf32, #tpu.memory_space<vmem>>
    %dma_start3A_511 = arith.constant 0 : i32
    %dma_start3A_512 = tpu.memref_slice %arg5[%dma_start3A_507, %dma_start3A_511] : memref<80x128xi32, #tpu.memory_space<vmem>> -> memref<1x128xi32, #tpu.memory_space<vmem>>
    %dma_start3A_513 = tpu.memref_squeeze %dma_start3A_512 : memref<1x128xi32, #tpu.memory_space<vmem>> -> memref<128xi32, #tpu.memory_space<vmem>>
    %dma_start3A_514 = arith.constant 0 : i32
    %dma_start3A_515 = tpu.memref_slice %arg7[%dma_start3A_514] : memref<10240xf32, #tpu.memory_space<vmem_shared>> -> memref<10240xf32, #tpu.memory_space<vmem_shared>>
    tpu.enqueue_indirect_dma source(%dma_start3A_510 : memref<128xf32, #tpu.memory_space<vmem>>) target(%dma_start3A_515 : memref<10240xf32, #tpu.memory_space<vmem_shared>>) offsets(%dma_start3A_513 : memref<128xi32, #tpu.memory_space<vmem>>) semaphore(%arg9 : memref<!tpu.dma_semaphore, #tpu.memory_space<semaphore_mem>>) {add = true}
    %dma_start3A_516 = arith.constant 51 : i32
    %dma_start3A_517 = arith.constant 51 : i32
    %dma_start3A_518 = arith.constant 0 : i32
    %dma_start3A_519 = tpu.memref_slice %arg6[%dma_start3A_516, %dma_start3A_518] : memref<80x128xf32, #tpu.memory_space<vmem>> -> memref<1x128xf32, #tpu.memory_space<vmem>>
    %dma_start3A_520 = tpu.memref_squeeze %dma_start3A_519 : memref<1x128xf32, #tpu.memory_space<vmem>> -> memref<128xf32, #tpu.memory_space<vmem>>
    %dma_start3A_521 = arith.constant 0 : i32
    %dma_start3A_522 = tpu.memref_slice %arg5[%dma_start3A_517, %dma_start3A_521] : memref<80x128xi32, #tpu.memory_space<vmem>> -> memref<1x128xi32, #tpu.memory_space<vmem>>
    %dma_start3A_523 = tpu.memref_squeeze %dma_start3A_522 : memref<1x128xi32, #tpu.memory_space<vmem>> -> memref<128xi32, #tpu.memory_space<vmem>>
    %dma_start3A_524 = arith.constant 0 : i32
    %dma_start3A_525 = tpu.memref_slice %arg7[%dma_start3A_524] : memref<10240xf32, #tpu.memory_space<vmem_shared>> -> memref<10240xf32, #tpu.memory_space<vmem_shared>>
    tpu.enqueue_indirect_dma source(%dma_start3A_520 : memref<128xf32, #tpu.memory_space<vmem>>) target(%dma_start3A_525 : memref<10240xf32, #tpu.memory_space<vmem_shared>>) offsets(%dma_start3A_523 : memref<128xi32, #tpu.memory_space<vmem>>) semaphore(%arg9 : memref<!tpu.dma_semaphore, #tpu.memory_space<semaphore_mem>>) {add = true}
    %dma_start3A_526 = arith.constant 52 : i32
    %dma_start3A_527 = arith.constant 52 : i32
    %dma_start3A_528 = arith.constant 0 : i32
    %dma_start3A_529 = tpu.memref_slice %arg6[%dma_start3A_526, %dma_start3A_528] : memref<80x128xf32, #tpu.memory_space<vmem>> -> memref<1x128xf32, #tpu.memory_space<vmem>>
    %dma_start3A_530 = tpu.memref_squeeze %dma_start3A_529 : memref<1x128xf32, #tpu.memory_space<vmem>> -> memref<128xf32, #tpu.memory_space<vmem>>
    %dma_start3A_531 = arith.constant 0 : i32
    %dma_start3A_532 = tpu.memref_slice %arg5[%dma_start3A_527, %dma_start3A_531] : memref<80x128xi32, #tpu.memory_space<vmem>> -> memref<1x128xi32, #tpu.memory_space<vmem>>
    %dma_start3A_533 = tpu.memref_squeeze %dma_start3A_532 : memref<1x128xi32, #tpu.memory_space<vmem>> -> memref<128xi32, #tpu.memory_space<vmem>>
    %dma_start3A_534 = arith.constant 0 : i32
    %dma_start3A_535 = tpu.memref_slice %arg7[%dma_start3A_534] : memref<10240xf32, #tpu.memory_space<vmem_shared>> -> memref<10240xf32, #tpu.memory_space<vmem_shared>>
    tpu.enqueue_indirect_dma source(%dma_start3A_530 : memref<128xf32, #tpu.memory_space<vmem>>) target(%dma_start3A_535 : memref<10240xf32, #tpu.memory_space<vmem_shared>>) offsets(%dma_start3A_533 : memref<128xi32, #tpu.memory_space<vmem>>) semaphore(%arg9 : memref<!tpu.dma_semaphore, #tpu.memory_space<semaphore_mem>>) {add = true}
    %dma_start3A_536 = arith.constant 53 : i32
    %dma_start3A_537 = arith.constant 53 : i32
    %dma_start3A_538 = arith.constant 0 : i32
    %dma_start3A_539 = tpu.memref_slice %arg6[%dma_start3A_536, %dma_start3A_538] : memref<80x128xf32, #tpu.memory_space<vmem>> -> memref<1x128xf32, #tpu.memory_space<vmem>>
    %dma_start3A_540 = tpu.memref_squeeze %dma_start3A_539 : memref<1x128xf32, #tpu.memory_space<vmem>> -> memref<128xf32, #tpu.memory_space<vmem>>
    %dma_start3A_541 = arith.constant 0 : i32
    %dma_start3A_542 = tpu.memref_slice %arg5[%dma_start3A_537, %dma_start3A_541] : memref<80x128xi32, #tpu.memory_space<vmem>> -> memref<1x128xi32, #tpu.memory_space<vmem>>
    %dma_start3A_543 = tpu.memref_squeeze %dma_start3A_542 : memref<1x128xi32, #tpu.memory_space<vmem>> -> memref<128xi32, #tpu.memory_space<vmem>>
    %dma_start3A_544 = arith.constant 0 : i32
    %dma_start3A_545 = tpu.memref_slice %arg7[%dma_start3A_544] : memref<10240xf32, #tpu.memory_space<vmem_shared>> -> memref<10240xf32, #tpu.memory_space<vmem_shared>>
    tpu.enqueue_indirect_dma source(%dma_start3A_540 : memref<128xf32, #tpu.memory_space<vmem>>) target(%dma_start3A_545 : memref<10240xf32, #tpu.memory_space<vmem_shared>>) offsets(%dma_start3A_543 : memref<128xi32, #tpu.memory_space<vmem>>) semaphore(%arg9 : memref<!tpu.dma_semaphore, #tpu.memory_space<semaphore_mem>>) {add = true}
    %dma_start3A_546 = arith.constant 54 : i32
    %dma_start3A_547 = arith.constant 54 : i32
    %dma_start3A_548 = arith.constant 0 : i32
    %dma_start3A_549 = tpu.memref_slice %arg6[%dma_start3A_546, %dma_start3A_548] : memref<80x128xf32, #tpu.memory_space<vmem>> -> memref<1x128xf32, #tpu.memory_space<vmem>>
    %dma_start3A_550 = tpu.memref_squeeze %dma_start3A_549 : memref<1x128xf32, #tpu.memory_space<vmem>> -> memref<128xf32, #tpu.memory_space<vmem>>
    %dma_start3A_551 = arith.constant 0 : i32
    %dma_start3A_552 = tpu.memref_slice %arg5[%dma_start3A_547, %dma_start3A_551] : memref<80x128xi32, #tpu.memory_space<vmem>> -> memref<1x128xi32, #tpu.memory_space<vmem>>
    %dma_start3A_553 = tpu.memref_squeeze %dma_start3A_552 : memref<1x128xi32, #tpu.memory_space<vmem>> -> memref<128xi32, #tpu.memory_space<vmem>>
    %dma_start3A_554 = arith.constant 0 : i32
    %dma_start3A_555 = tpu.memref_slice %arg7[%dma_start3A_554] : memref<10240xf32, #tpu.memory_space<vmem_shared>> -> memref<10240xf32, #tpu.memory_space<vmem_shared>>
    tpu.enqueue_indirect_dma source(%dma_start3A_550 : memref<128xf32, #tpu.memory_space<vmem>>) target(%dma_start3A_555 : memref<10240xf32, #tpu.memory_space<vmem_shared>>) offsets(%dma_start3A_553 : memref<128xi32, #tpu.memory_space<vmem>>) semaphore(%arg9 : memref<!tpu.dma_semaphore, #tpu.memory_space<semaphore_mem>>) {add = true}
    %dma_start3A_556 = arith.constant 55 : i32
    %dma_start3A_557 = arith.constant 55 : i32
    %dma_start3A_558 = arith.constant 0 : i32
    %dma_start3A_559 = tpu.memref_slice %arg6[%dma_start3A_556, %dma_start3A_558] : memref<80x128xf32, #tpu.memory_space<vmem>> -> memref<1x128xf32, #tpu.memory_space<vmem>>
    %dma_start3A_560 = tpu.memref_squeeze %dma_start3A_559 : memref<1x128xf32, #tpu.memory_space<vmem>> -> memref<128xf32, #tpu.memory_space<vmem>>
    %dma_start3A_561 = arith.constant 0 : i32
    %dma_start3A_562 = tpu.memref_slice %arg5[%dma_start3A_557, %dma_start3A_561] : memref<80x128xi32, #tpu.memory_space<vmem>> -> memref<1x128xi32, #tpu.memory_space<vmem>>
    %dma_start3A_563 = tpu.memref_squeeze %dma_start3A_562 : memref<1x128xi32, #tpu.memory_space<vmem>> -> memref<128xi32, #tpu.memory_space<vmem>>
    %dma_start3A_564 = arith.constant 0 : i32
    %dma_start3A_565 = tpu.memref_slice %arg7[%dma_start3A_564] : memref<10240xf32, #tpu.memory_space<vmem_shared>> -> memref<10240xf32, #tpu.memory_space<vmem_shared>>
    tpu.enqueue_indirect_dma source(%dma_start3A_560 : memref<128xf32, #tpu.memory_space<vmem>>) target(%dma_start3A_565 : memref<10240xf32, #tpu.memory_space<vmem_shared>>) offsets(%dma_start3A_563 : memref<128xi32, #tpu.memory_space<vmem>>) semaphore(%arg9 : memref<!tpu.dma_semaphore, #tpu.memory_space<semaphore_mem>>) {add = true}
    %dma_start3A_566 = arith.constant 56 : i32
    %dma_start3A_567 = arith.constant 56 : i32
    %dma_start3A_568 = arith.constant 0 : i32
    %dma_start3A_569 = tpu.memref_slice %arg6[%dma_start3A_566, %dma_start3A_568] : memref<80x128xf32, #tpu.memory_space<vmem>> -> memref<1x128xf32, #tpu.memory_space<vmem>>
    %dma_start3A_570 = tpu.memref_squeeze %dma_start3A_569 : memref<1x128xf32, #tpu.memory_space<vmem>> -> memref<128xf32, #tpu.memory_space<vmem>>
    %dma_start3A_571 = arith.constant 0 : i32
    %dma_start3A_572 = tpu.memref_slice %arg5[%dma_start3A_567, %dma_start3A_571] : memref<80x128xi32, #tpu.memory_space<vmem>> -> memref<1x128xi32, #tpu.memory_space<vmem>>
    %dma_start3A_573 = tpu.memref_squeeze %dma_start3A_572 : memref<1x128xi32, #tpu.memory_space<vmem>> -> memref<128xi32, #tpu.memory_space<vmem>>
    %dma_start3A_574 = arith.constant 0 : i32
    %dma_start3A_575 = tpu.memref_slice %arg7[%dma_start3A_574] : memref<10240xf32, #tpu.memory_space<vmem_shared>> -> memref<10240xf32, #tpu.memory_space<vmem_shared>>
    tpu.enqueue_indirect_dma source(%dma_start3A_570 : memref<128xf32, #tpu.memory_space<vmem>>) target(%dma_start3A_575 : memref<10240xf32, #tpu.memory_space<vmem_shared>>) offsets(%dma_start3A_573 : memref<128xi32, #tpu.memory_space<vmem>>) semaphore(%arg9 : memref<!tpu.dma_semaphore, #tpu.memory_space<semaphore_mem>>) {add = true}
    %dma_start3A_576 = arith.constant 57 : i32
    %dma_start3A_577 = arith.constant 57 : i32
    %dma_start3A_578 = arith.constant 0 : i32
    %dma_start3A_579 = tpu.memref_slice %arg6[%dma_start3A_576, %dma_start3A_578] : memref<80x128xf32, #tpu.memory_space<vmem>> -> memref<1x128xf32, #tpu.memory_space<vmem>>
    %dma_start3A_580 = tpu.memref_squeeze %dma_start3A_579 : memref<1x128xf32, #tpu.memory_space<vmem>> -> memref<128xf32, #tpu.memory_space<vmem>>
    %dma_start3A_581 = arith.constant 0 : i32
    %dma_start3A_582 = tpu.memref_slice %arg5[%dma_start3A_577, %dma_start3A_581] : memref<80x128xi32, #tpu.memory_space<vmem>> -> memref<1x128xi32, #tpu.memory_space<vmem>>
    %dma_start3A_583 = tpu.memref_squeeze %dma_start3A_582 : memref<1x128xi32, #tpu.memory_space<vmem>> -> memref<128xi32, #tpu.memory_space<vmem>>
    %dma_start3A_584 = arith.constant 0 : i32
    %dma_start3A_585 = tpu.memref_slice %arg7[%dma_start3A_584] : memref<10240xf32, #tpu.memory_space<vmem_shared>> -> memref<10240xf32, #tpu.memory_space<vmem_shared>>
    tpu.enqueue_indirect_dma source(%dma_start3A_580 : memref<128xf32, #tpu.memory_space<vmem>>) target(%dma_start3A_585 : memref<10240xf32, #tpu.memory_space<vmem_shared>>) offsets(%dma_start3A_583 : memref<128xi32, #tpu.memory_space<vmem>>) semaphore(%arg9 : memref<!tpu.dma_semaphore, #tpu.memory_space<semaphore_mem>>) {add = true}
    %dma_start3A_586 = arith.constant 58 : i32
    %dma_start3A_587 = arith.constant 58 : i32
    %dma_start3A_588 = arith.constant 0 : i32
    %dma_start3A_589 = tpu.memref_slice %arg6[%dma_start3A_586, %dma_start3A_588] : memref<80x128xf32, #tpu.memory_space<vmem>> -> memref<1x128xf32, #tpu.memory_space<vmem>>
    %dma_start3A_590 = tpu.memref_squeeze %dma_start3A_589 : memref<1x128xf32, #tpu.memory_space<vmem>> -> memref<128xf32, #tpu.memory_space<vmem>>
    %dma_start3A_591 = arith.constant 0 : i32
    %dma_start3A_592 = tpu.memref_slice %arg5[%dma_start3A_587, %dma_start3A_591] : memref<80x128xi32, #tpu.memory_space<vmem>> -> memref<1x128xi32, #tpu.memory_space<vmem>>
    %dma_start3A_593 = tpu.memref_squeeze %dma_start3A_592 : memref<1x128xi32, #tpu.memory_space<vmem>> -> memref<128xi32, #tpu.memory_space<vmem>>
    %dma_start3A_594 = arith.constant 0 : i32
    %dma_start3A_595 = tpu.memref_slice %arg7[%dma_start3A_594] : memref<10240xf32, #tpu.memory_space<vmem_shared>> -> memref<10240xf32, #tpu.memory_space<vmem_shared>>
    tpu.enqueue_indirect_dma source(%dma_start3A_590 : memref<128xf32, #tpu.memory_space<vmem>>) target(%dma_start3A_595 : memref<10240xf32, #tpu.memory_space<vmem_shared>>) offsets(%dma_start3A_593 : memref<128xi32, #tpu.memory_space<vmem>>) semaphore(%arg9 : memref<!tpu.dma_semaphore, #tpu.memory_space<semaphore_mem>>) {add = true}
    %dma_start3A_596 = arith.constant 59 : i32
    %dma_start3A_597 = arith.constant 59 : i32
    %dma_start3A_598 = arith.constant 0 : i32
    %dma_start3A_599 = tpu.memref_slice %arg6[%dma_start3A_596, %dma_start3A_598] : memref<80x128xf32, #tpu.memory_space<vmem>> -> memref<1x128xf32, #tpu.memory_space<vmem>>
    %dma_start3A_600 = tpu.memref_squeeze %dma_start3A_599 : memref<1x128xf32, #tpu.memory_space<vmem>> -> memref<128xf32, #tpu.memory_space<vmem>>
    %dma_start3A_601 = arith.constant 0 : i32
    %dma_start3A_602 = tpu.memref_slice %arg5[%dma_start3A_597, %dma_start3A_601] : memref<80x128xi32, #tpu.memory_space<vmem>> -> memref<1x128xi32, #tpu.memory_space<vmem>>
    %dma_start3A_603 = tpu.memref_squeeze %dma_start3A_602 : memref<1x128xi32, #tpu.memory_space<vmem>> -> memref<128xi32, #tpu.memory_space<vmem>>
    %dma_start3A_604 = arith.constant 0 : i32
    %dma_start3A_605 = tpu.memref_slice %arg7[%dma_start3A_604] : memref<10240xf32, #tpu.memory_space<vmem_shared>> -> memref<10240xf32, #tpu.memory_space<vmem_shared>>
    tpu.enqueue_indirect_dma source(%dma_start3A_600 : memref<128xf32, #tpu.memory_space<vmem>>) target(%dma_start3A_605 : memref<10240xf32, #tpu.memory_space<vmem_shared>>) offsets(%dma_start3A_603 : memref<128xi32, #tpu.memory_space<vmem>>) semaphore(%arg9 : memref<!tpu.dma_semaphore, #tpu.memory_space<semaphore_mem>>) {add = true}
    %dma_start3A_606 = arith.constant 60 : i32
    %dma_start3A_607 = arith.constant 60 : i32
    %dma_start3A_608 = arith.constant 0 : i32
    %dma_start3A_609 = tpu.memref_slice %arg6[%dma_start3A_606, %dma_start3A_608] : memref<80x128xf32, #tpu.memory_space<vmem>> -> memref<1x128xf32, #tpu.memory_space<vmem>>
    %dma_start3A_610 = tpu.memref_squeeze %dma_start3A_609 : memref<1x128xf32, #tpu.memory_space<vmem>> -> memref<128xf32, #tpu.memory_space<vmem>>
    %dma_start3A_611 = arith.constant 0 : i32
    %dma_start3A_612 = tpu.memref_slice %arg5[%dma_start3A_607, %dma_start3A_611] : memref<80x128xi32, #tpu.memory_space<vmem>> -> memref<1x128xi32, #tpu.memory_space<vmem>>
    %dma_start3A_613 = tpu.memref_squeeze %dma_start3A_612 : memref<1x128xi32, #tpu.memory_space<vmem>> -> memref<128xi32, #tpu.memory_space<vmem>>
    %dma_start3A_614 = arith.constant 0 : i32
    %dma_start3A_615 = tpu.memref_slice %arg7[%dma_start3A_614] : memref<10240xf32, #tpu.memory_space<vmem_shared>> -> memref<10240xf32, #tpu.memory_space<vmem_shared>>
    tpu.enqueue_indirect_dma source(%dma_start3A_610 : memref<128xf32, #tpu.memory_space<vmem>>) target(%dma_start3A_615 : memref<10240xf32, #tpu.memory_space<vmem_shared>>) offsets(%dma_start3A_613 : memref<128xi32, #tpu.memory_space<vmem>>) semaphore(%arg9 : memref<!tpu.dma_semaphore, #tpu.memory_space<semaphore_mem>>) {add = true}
    %dma_start3A_616 = arith.constant 61 : i32
    %dma_start3A_617 = arith.constant 61 : i32
    %dma_start3A_618 = arith.constant 0 : i32
    %dma_start3A_619 = tpu.memref_slice %arg6[%dma_start3A_616, %dma_start3A_618] : memref<80x128xf32, #tpu.memory_space<vmem>> -> memref<1x128xf32, #tpu.memory_space<vmem>>
    %dma_start3A_620 = tpu.memref_squeeze %dma_start3A_619 : memref<1x128xf32, #tpu.memory_space<vmem>> -> memref<128xf32, #tpu.memory_space<vmem>>
    %dma_start3A_621 = arith.constant 0 : i32
    %dma_start3A_622 = tpu.memref_slice %arg5[%dma_start3A_617, %dma_start3A_621] : memref<80x128xi32, #tpu.memory_space<vmem>> -> memref<1x128xi32, #tpu.memory_space<vmem>>
    %dma_start3A_623 = tpu.memref_squeeze %dma_start3A_622 : memref<1x128xi32, #tpu.memory_space<vmem>> -> memref<128xi32, #tpu.memory_space<vmem>>
    %dma_start3A_624 = arith.constant 0 : i32
    %dma_start3A_625 = tpu.memref_slice %arg7[%dma_start3A_624] : memref<10240xf32, #tpu.memory_space<vmem_shared>> -> memref<10240xf32, #tpu.memory_space<vmem_shared>>
    tpu.enqueue_indirect_dma source(%dma_start3A_620 : memref<128xf32, #tpu.memory_space<vmem>>) target(%dma_start3A_625 : memref<10240xf32, #tpu.memory_space<vmem_shared>>) offsets(%dma_start3A_623 : memref<128xi32, #tpu.memory_space<vmem>>) semaphore(%arg9 : memref<!tpu.dma_semaphore, #tpu.memory_space<semaphore_mem>>) {add = true}
    %dma_start3A_626 = arith.constant 62 : i32
    %dma_start3A_627 = arith.constant 62 : i32
    %dma_start3A_628 = arith.constant 0 : i32
    %dma_start3A_629 = tpu.memref_slice %arg6[%dma_start3A_626, %dma_start3A_628] : memref<80x128xf32, #tpu.memory_space<vmem>> -> memref<1x128xf32, #tpu.memory_space<vmem>>
    %dma_start3A_630 = tpu.memref_squeeze %dma_start3A_629 : memref<1x128xf32, #tpu.memory_space<vmem>> -> memref<128xf32, #tpu.memory_space<vmem>>
    %dma_start3A_631 = arith.constant 0 : i32
    %dma_start3A_632 = tpu.memref_slice %arg5[%dma_start3A_627, %dma_start3A_631] : memref<80x128xi32, #tpu.memory_space<vmem>> -> memref<1x128xi32, #tpu.memory_space<vmem>>
    %dma_start3A_633 = tpu.memref_squeeze %dma_start3A_632 : memref<1x128xi32, #tpu.memory_space<vmem>> -> memref<128xi32, #tpu.memory_space<vmem>>
    %dma_start3A_634 = arith.constant 0 : i32
    %dma_start3A_635 = tpu.memref_slice %arg7[%dma_start3A_634] : memref<10240xf32, #tpu.memory_space<vmem_shared>> -> memref<10240xf32, #tpu.memory_space<vmem_shared>>
    tpu.enqueue_indirect_dma source(%dma_start3A_630 : memref<128xf32, #tpu.memory_space<vmem>>) target(%dma_start3A_635 : memref<10240xf32, #tpu.memory_space<vmem_shared>>) offsets(%dma_start3A_633 : memref<128xi32, #tpu.memory_space<vmem>>) semaphore(%arg9 : memref<!tpu.dma_semaphore, #tpu.memory_space<semaphore_mem>>) {add = true}
    %dma_start3A_636 = arith.constant 63 : i32
    %dma_start3A_637 = arith.constant 63 : i32
    %dma_start3A_638 = arith.constant 0 : i32
    %dma_start3A_639 = tpu.memref_slice %arg6[%dma_start3A_636, %dma_start3A_638] : memref<80x128xf32, #tpu.memory_space<vmem>> -> memref<1x128xf32, #tpu.memory_space<vmem>>
    %dma_start3A_640 = tpu.memref_squeeze %dma_start3A_639 : memref<1x128xf32, #tpu.memory_space<vmem>> -> memref<128xf32, #tpu.memory_space<vmem>>
    %dma_start3A_641 = arith.constant 0 : i32
    %dma_start3A_642 = tpu.memref_slice %arg5[%dma_start3A_637, %dma_start3A_641] : memref<80x128xi32, #tpu.memory_space<vmem>> -> memref<1x128xi32, #tpu.memory_space<vmem>>
    %dma_start3A_643 = tpu.memref_squeeze %dma_start3A_642 : memref<1x128xi32, #tpu.memory_space<vmem>> -> memref<128xi32, #tpu.memory_space<vmem>>
    %dma_start3A_644 = arith.constant 0 : i32
    %dma_start3A_645 = tpu.memref_slice %arg7[%dma_start3A_644] : memref<10240xf32, #tpu.memory_space<vmem_shared>> -> memref<10240xf32, #tpu.memory_space<vmem_shared>>
    tpu.enqueue_indirect_dma source(%dma_start3A_640 : memref<128xf32, #tpu.memory_space<vmem>>) target(%dma_start3A_645 : memref<10240xf32, #tpu.memory_space<vmem_shared>>) offsets(%dma_start3A_643 : memref<128xi32, #tpu.memory_space<vmem>>) semaphore(%arg9 : memref<!tpu.dma_semaphore, #tpu.memory_space<semaphore_mem>>) {add = true}
    %dma_start3A_646 = arith.constant 64 : i32
    %dma_start3A_647 = arith.constant 64 : i32
    %dma_start3A_648 = arith.constant 0 : i32
    %dma_start3A_649 = tpu.memref_slice %arg6[%dma_start3A_646, %dma_start3A_648] : memref<80x128xf32, #tpu.memory_space<vmem>> -> memref<1x128xf32, #tpu.memory_space<vmem>>
    %dma_start3A_650 = tpu.memref_squeeze %dma_start3A_649 : memref<1x128xf32, #tpu.memory_space<vmem>> -> memref<128xf32, #tpu.memory_space<vmem>>
    %dma_start3A_651 = arith.constant 0 : i32
    %dma_start3A_652 = tpu.memref_slice %arg5[%dma_start3A_647, %dma_start3A_651] : memref<80x128xi32, #tpu.memory_space<vmem>> -> memref<1x128xi32, #tpu.memory_space<vmem>>
    %dma_start3A_653 = tpu.memref_squeeze %dma_start3A_652 : memref<1x128xi32, #tpu.memory_space<vmem>> -> memref<128xi32, #tpu.memory_space<vmem>>
    %dma_start3A_654 = arith.constant 0 : i32
    %dma_start3A_655 = tpu.memref_slice %arg7[%dma_start3A_654] : memref<10240xf32, #tpu.memory_space<vmem_shared>> -> memref<10240xf32, #tpu.memory_space<vmem_shared>>
    tpu.enqueue_indirect_dma source(%dma_start3A_650 : memref<128xf32, #tpu.memory_space<vmem>>) target(%dma_start3A_655 : memref<10240xf32, #tpu.memory_space<vmem_shared>>) offsets(%dma_start3A_653 : memref<128xi32, #tpu.memory_space<vmem>>) semaphore(%arg9 : memref<!tpu.dma_semaphore, #tpu.memory_space<semaphore_mem>>) {add = true}
    %dma_start3A_656 = arith.constant 65 : i32
    %dma_start3A_657 = arith.constant 65 : i32
    %dma_start3A_658 = arith.constant 0 : i32
    %dma_start3A_659 = tpu.memref_slice %arg6[%dma_start3A_656, %dma_start3A_658] : memref<80x128xf32, #tpu.memory_space<vmem>> -> memref<1x128xf32, #tpu.memory_space<vmem>>
    %dma_start3A_660 = tpu.memref_squeeze %dma_start3A_659 : memref<1x128xf32, #tpu.memory_space<vmem>> -> memref<128xf32, #tpu.memory_space<vmem>>
    %dma_start3A_661 = arith.constant 0 : i32
    %dma_start3A_662 = tpu.memref_slice %arg5[%dma_start3A_657, %dma_start3A_661] : memref<80x128xi32, #tpu.memory_space<vmem>> -> memref<1x128xi32, #tpu.memory_space<vmem>>
    %dma_start3A_663 = tpu.memref_squeeze %dma_start3A_662 : memref<1x128xi32, #tpu.memory_space<vmem>> -> memref<128xi32, #tpu.memory_space<vmem>>
    %dma_start3A_664 = arith.constant 0 : i32
    %dma_start3A_665 = tpu.memref_slice %arg7[%dma_start3A_664] : memref<10240xf32, #tpu.memory_space<vmem_shared>> -> memref<10240xf32, #tpu.memory_space<vmem_shared>>
    tpu.enqueue_indirect_dma source(%dma_start3A_660 : memref<128xf32, #tpu.memory_space<vmem>>) target(%dma_start3A_665 : memref<10240xf32, #tpu.memory_space<vmem_shared>>) offsets(%dma_start3A_663 : memref<128xi32, #tpu.memory_space<vmem>>) semaphore(%arg9 : memref<!tpu.dma_semaphore, #tpu.memory_space<semaphore_mem>>) {add = true}
    %dma_start3A_666 = arith.constant 66 : i32
    %dma_start3A_667 = arith.constant 66 : i32
    %dma_start3A_668 = arith.constant 0 : i32
    %dma_start3A_669 = tpu.memref_slice %arg6[%dma_start3A_666, %dma_start3A_668] : memref<80x128xf32, #tpu.memory_space<vmem>> -> memref<1x128xf32, #tpu.memory_space<vmem>>
    %dma_start3A_670 = tpu.memref_squeeze %dma_start3A_669 : memref<1x128xf32, #tpu.memory_space<vmem>> -> memref<128xf32, #tpu.memory_space<vmem>>
    %dma_start3A_671 = arith.constant 0 : i32
    %dma_start3A_672 = tpu.memref_slice %arg5[%dma_start3A_667, %dma_start3A_671] : memref<80x128xi32, #tpu.memory_space<vmem>> -> memref<1x128xi32, #tpu.memory_space<vmem>>
    %dma_start3A_673 = tpu.memref_squeeze %dma_start3A_672 : memref<1x128xi32, #tpu.memory_space<vmem>> -> memref<128xi32, #tpu.memory_space<vmem>>
    %dma_start3A_674 = arith.constant 0 : i32
    %dma_start3A_675 = tpu.memref_slice %arg7[%dma_start3A_674] : memref<10240xf32, #tpu.memory_space<vmem_shared>> -> memref<10240xf32, #tpu.memory_space<vmem_shared>>
    tpu.enqueue_indirect_dma source(%dma_start3A_670 : memref<128xf32, #tpu.memory_space<vmem>>) target(%dma_start3A_675 : memref<10240xf32, #tpu.memory_space<vmem_shared>>) offsets(%dma_start3A_673 : memref<128xi32, #tpu.memory_space<vmem>>) semaphore(%arg9 : memref<!tpu.dma_semaphore, #tpu.memory_space<semaphore_mem>>) {add = true}
    %dma_start3A_676 = arith.constant 67 : i32
    %dma_start3A_677 = arith.constant 67 : i32
    %dma_start3A_678 = arith.constant 0 : i32
    %dma_start3A_679 = tpu.memref_slice %arg6[%dma_start3A_676, %dma_start3A_678] : memref<80x128xf32, #tpu.memory_space<vmem>> -> memref<1x128xf32, #tpu.memory_space<vmem>>
    %dma_start3A_680 = tpu.memref_squeeze %dma_start3A_679 : memref<1x128xf32, #tpu.memory_space<vmem>> -> memref<128xf32, #tpu.memory_space<vmem>>
    %dma_start3A_681 = arith.constant 0 : i32
    %dma_start3A_682 = tpu.memref_slice %arg5[%dma_start3A_677, %dma_start3A_681] : memref<80x128xi32, #tpu.memory_space<vmem>> -> memref<1x128xi32, #tpu.memory_space<vmem>>
    %dma_start3A_683 = tpu.memref_squeeze %dma_start3A_682 : memref<1x128xi32, #tpu.memory_space<vmem>> -> memref<128xi32, #tpu.memory_space<vmem>>
    %dma_start3A_684 = arith.constant 0 : i32
    %dma_start3A_685 = tpu.memref_slice %arg7[%dma_start3A_684] : memref<10240xf32, #tpu.memory_space<vmem_shared>> -> memref<10240xf32, #tpu.memory_space<vmem_shared>>
    tpu.enqueue_indirect_dma source(%dma_start3A_680 : memref<128xf32, #tpu.memory_space<vmem>>) target(%dma_start3A_685 : memref<10240xf32, #tpu.memory_space<vmem_shared>>) offsets(%dma_start3A_683 : memref<128xi32, #tpu.memory_space<vmem>>) semaphore(%arg9 : memref<!tpu.dma_semaphore, #tpu.memory_space<semaphore_mem>>) {add = true}
    %dma_start3A_686 = arith.constant 68 : i32
    %dma_start3A_687 = arith.constant 68 : i32
    %dma_start3A_688 = arith.constant 0 : i32
    %dma_start3A_689 = tpu.memref_slice %arg6[%dma_start3A_686, %dma_start3A_688] : memref<80x128xf32, #tpu.memory_space<vmem>> -> memref<1x128xf32, #tpu.memory_space<vmem>>
    %dma_start3A_690 = tpu.memref_squeeze %dma_start3A_689 : memref<1x128xf32, #tpu.memory_space<vmem>> -> memref<128xf32, #tpu.memory_space<vmem>>
    %dma_start3A_691 = arith.constant 0 : i32
    %dma_start3A_692 = tpu.memref_slice %arg5[%dma_start3A_687, %dma_start3A_691] : memref<80x128xi32, #tpu.memory_space<vmem>> -> memref<1x128xi32, #tpu.memory_space<vmem>>
    %dma_start3A_693 = tpu.memref_squeeze %dma_start3A_692 : memref<1x128xi32, #tpu.memory_space<vmem>> -> memref<128xi32, #tpu.memory_space<vmem>>
    %dma_start3A_694 = arith.constant 0 : i32
    %dma_start3A_695 = tpu.memref_slice %arg7[%dma_start3A_694] : memref<10240xf32, #tpu.memory_space<vmem_shared>> -> memref<10240xf32, #tpu.memory_space<vmem_shared>>
    tpu.enqueue_indirect_dma source(%dma_start3A_690 : memref<128xf32, #tpu.memory_space<vmem>>) target(%dma_start3A_695 : memref<10240xf32, #tpu.memory_space<vmem_shared>>) offsets(%dma_start3A_693 : memref<128xi32, #tpu.memory_space<vmem>>) semaphore(%arg9 : memref<!tpu.dma_semaphore, #tpu.memory_space<semaphore_mem>>) {add = true}
    %dma_start3A_696 = arith.constant 69 : i32
    %dma_start3A_697 = arith.constant 69 : i32
    %dma_start3A_698 = arith.constant 0 : i32
    %dma_start3A_699 = tpu.memref_slice %arg6[%dma_start3A_696, %dma_start3A_698] : memref<80x128xf32, #tpu.memory_space<vmem>> -> memref<1x128xf32, #tpu.memory_space<vmem>>
    %dma_start3A_700 = tpu.memref_squeeze %dma_start3A_699 : memref<1x128xf32, #tpu.memory_space<vmem>> -> memref<128xf32, #tpu.memory_space<vmem>>
    %dma_start3A_701 = arith.constant 0 : i32
    %dma_start3A_702 = tpu.memref_slice %arg5[%dma_start3A_697, %dma_start3A_701] : memref<80x128xi32, #tpu.memory_space<vmem>> -> memref<1x128xi32, #tpu.memory_space<vmem>>
    %dma_start3A_703 = tpu.memref_squeeze %dma_start3A_702 : memref<1x128xi32, #tpu.memory_space<vmem>> -> memref<128xi32, #tpu.memory_space<vmem>>
    %dma_start3A_704 = arith.constant 0 : i32
    %dma_start3A_705 = tpu.memref_slice %arg7[%dma_start3A_704] : memref<10240xf32, #tpu.memory_space<vmem_shared>> -> memref<10240xf32, #tpu.memory_space<vmem_shared>>
    tpu.enqueue_indirect_dma source(%dma_start3A_700 : memref<128xf32, #tpu.memory_space<vmem>>) target(%dma_start3A_705 : memref<10240xf32, #tpu.memory_space<vmem_shared>>) offsets(%dma_start3A_703 : memref<128xi32, #tpu.memory_space<vmem>>) semaphore(%arg9 : memref<!tpu.dma_semaphore, #tpu.memory_space<semaphore_mem>>) {add = true}
    %dma_start3A_706 = arith.constant 70 : i32
    %dma_start3A_707 = arith.constant 70 : i32
    %dma_start3A_708 = arith.constant 0 : i32
    %dma_start3A_709 = tpu.memref_slice %arg6[%dma_start3A_706, %dma_start3A_708] : memref<80x128xf32, #tpu.memory_space<vmem>> -> memref<1x128xf32, #tpu.memory_space<vmem>>
    %dma_start3A_710 = tpu.memref_squeeze %dma_start3A_709 : memref<1x128xf32, #tpu.memory_space<vmem>> -> memref<128xf32, #tpu.memory_space<vmem>>
    %dma_start3A_711 = arith.constant 0 : i32
    %dma_start3A_712 = tpu.memref_slice %arg5[%dma_start3A_707, %dma_start3A_711] : memref<80x128xi32, #tpu.memory_space<vmem>> -> memref<1x128xi32, #tpu.memory_space<vmem>>
    %dma_start3A_713 = tpu.memref_squeeze %dma_start3A_712 : memref<1x128xi32, #tpu.memory_space<vmem>> -> memref<128xi32, #tpu.memory_space<vmem>>
    %dma_start3A_714 = arith.constant 0 : i32
    %dma_start3A_715 = tpu.memref_slice %arg7[%dma_start3A_714] : memref<10240xf32, #tpu.memory_space<vmem_shared>> -> memref<10240xf32, #tpu.memory_space<vmem_shared>>
    tpu.enqueue_indirect_dma source(%dma_start3A_710 : memref<128xf32, #tpu.memory_space<vmem>>) target(%dma_start3A_715 : memref<10240xf32, #tpu.memory_space<vmem_shared>>) offsets(%dma_start3A_713 : memref<128xi32, #tpu.memory_space<vmem>>) semaphore(%arg9 : memref<!tpu.dma_semaphore, #tpu.memory_space<semaphore_mem>>) {add = true}
    %dma_start3A_716 = arith.constant 71 : i32
    %dma_start3A_717 = arith.constant 71 : i32
    %dma_start3A_718 = arith.constant 0 : i32
    %dma_start3A_719 = tpu.memref_slice %arg6[%dma_start3A_716, %dma_start3A_718] : memref<80x128xf32, #tpu.memory_space<vmem>> -> memref<1x128xf32, #tpu.memory_space<vmem>>
    %dma_start3A_720 = tpu.memref_squeeze %dma_start3A_719 : memref<1x128xf32, #tpu.memory_space<vmem>> -> memref<128xf32, #tpu.memory_space<vmem>>
    %dma_start3A_721 = arith.constant 0 : i32
    %dma_start3A_722 = tpu.memref_slice %arg5[%dma_start3A_717, %dma_start3A_721] : memref<80x128xi32, #tpu.memory_space<vmem>> -> memref<1x128xi32, #tpu.memory_space<vmem>>
    %dma_start3A_723 = tpu.memref_squeeze %dma_start3A_722 : memref<1x128xi32, #tpu.memory_space<vmem>> -> memref<128xi32, #tpu.memory_space<vmem>>
    %dma_start3A_724 = arith.constant 0 : i32
    %dma_start3A_725 = tpu.memref_slice %arg7[%dma_start3A_724] : memref<10240xf32, #tpu.memory_space<vmem_shared>> -> memref<10240xf32, #tpu.memory_space<vmem_shared>>
    tpu.enqueue_indirect_dma source(%dma_start3A_720 : memref<128xf32, #tpu.memory_space<vmem>>) target(%dma_start3A_725 : memref<10240xf32, #tpu.memory_space<vmem_shared>>) offsets(%dma_start3A_723 : memref<128xi32, #tpu.memory_space<vmem>>) semaphore(%arg9 : memref<!tpu.dma_semaphore, #tpu.memory_space<semaphore_mem>>) {add = true}
    %dma_start3A_726 = arith.constant 72 : i32
    %dma_start3A_727 = arith.constant 72 : i32
    %dma_start3A_728 = arith.constant 0 : i32
    %dma_start3A_729 = tpu.memref_slice %arg6[%dma_start3A_726, %dma_start3A_728] : memref<80x128xf32, #tpu.memory_space<vmem>> -> memref<1x128xf32, #tpu.memory_space<vmem>>
    %dma_start3A_730 = tpu.memref_squeeze %dma_start3A_729 : memref<1x128xf32, #tpu.memory_space<vmem>> -> memref<128xf32, #tpu.memory_space<vmem>>
    %dma_start3A_731 = arith.constant 0 : i32
    %dma_start3A_732 = tpu.memref_slice %arg5[%dma_start3A_727, %dma_start3A_731] : memref<80x128xi32, #tpu.memory_space<vmem>> -> memref<1x128xi32, #tpu.memory_space<vmem>>
    %dma_start3A_733 = tpu.memref_squeeze %dma_start3A_732 : memref<1x128xi32, #tpu.memory_space<vmem>> -> memref<128xi32, #tpu.memory_space<vmem>>
    %dma_start3A_734 = arith.constant 0 : i32
    %dma_start3A_735 = tpu.memref_slice %arg7[%dma_start3A_734] : memref<10240xf32, #tpu.memory_space<vmem_shared>> -> memref<10240xf32, #tpu.memory_space<vmem_shared>>
    tpu.enqueue_indirect_dma source(%dma_start3A_730 : memref<128xf32, #tpu.memory_space<vmem>>) target(%dma_start3A_735 : memref<10240xf32, #tpu.memory_space<vmem_shared>>) offsets(%dma_start3A_733 : memref<128xi32, #tpu.memory_space<vmem>>) semaphore(%arg9 : memref<!tpu.dma_semaphore, #tpu.memory_space<semaphore_mem>>) {add = true}
    %dma_start3A_736 = arith.constant 73 : i32
    %dma_start3A_737 = arith.constant 73 : i32
    %dma_start3A_738 = arith.constant 0 : i32
    %dma_start3A_739 = tpu.memref_slice %arg6[%dma_start3A_736, %dma_start3A_738] : memref<80x128xf32, #tpu.memory_space<vmem>> -> memref<1x128xf32, #tpu.memory_space<vmem>>
    %dma_start3A_740 = tpu.memref_squeeze %dma_start3A_739 : memref<1x128xf32, #tpu.memory_space<vmem>> -> memref<128xf32, #tpu.memory_space<vmem>>
    %dma_start3A_741 = arith.constant 0 : i32
    %dma_start3A_742 = tpu.memref_slice %arg5[%dma_start3A_737, %dma_start3A_741] : memref<80x128xi32, #tpu.memory_space<vmem>> -> memref<1x128xi32, #tpu.memory_space<vmem>>
    %dma_start3A_743 = tpu.memref_squeeze %dma_start3A_742 : memref<1x128xi32, #tpu.memory_space<vmem>> -> memref<128xi32, #tpu.memory_space<vmem>>
    %dma_start3A_744 = arith.constant 0 : i32
    %dma_start3A_745 = tpu.memref_slice %arg7[%dma_start3A_744] : memref<10240xf32, #tpu.memory_space<vmem_shared>> -> memref<10240xf32, #tpu.memory_space<vmem_shared>>
    tpu.enqueue_indirect_dma source(%dma_start3A_740 : memref<128xf32, #tpu.memory_space<vmem>>) target(%dma_start3A_745 : memref<10240xf32, #tpu.memory_space<vmem_shared>>) offsets(%dma_start3A_743 : memref<128xi32, #tpu.memory_space<vmem>>) semaphore(%arg9 : memref<!tpu.dma_semaphore, #tpu.memory_space<semaphore_mem>>) {add = true}
    %dma_start3A_746 = arith.constant 74 : i32
    %dma_start3A_747 = arith.constant 74 : i32
    %dma_start3A_748 = arith.constant 0 : i32
    %dma_start3A_749 = tpu.memref_slice %arg6[%dma_start3A_746, %dma_start3A_748] : memref<80x128xf32, #tpu.memory_space<vmem>> -> memref<1x128xf32, #tpu.memory_space<vmem>>
    %dma_start3A_750 = tpu.memref_squeeze %dma_start3A_749 : memref<1x128xf32, #tpu.memory_space<vmem>> -> memref<128xf32, #tpu.memory_space<vmem>>
    %dma_start3A_751 = arith.constant 0 : i32
    %dma_start3A_752 = tpu.memref_slice %arg5[%dma_start3A_747, %dma_start3A_751] : memref<80x128xi32, #tpu.memory_space<vmem>> -> memref<1x128xi32, #tpu.memory_space<vmem>>
    %dma_start3A_753 = tpu.memref_squeeze %dma_start3A_752 : memref<1x128xi32, #tpu.memory_space<vmem>> -> memref<128xi32, #tpu.memory_space<vmem>>
    %dma_start3A_754 = arith.constant 0 : i32
    %dma_start3A_755 = tpu.memref_slice %arg7[%dma_start3A_754] : memref<10240xf32, #tpu.memory_space<vmem_shared>> -> memref<10240xf32, #tpu.memory_space<vmem_shared>>
    tpu.enqueue_indirect_dma source(%dma_start3A_750 : memref<128xf32, #tpu.memory_space<vmem>>) target(%dma_start3A_755 : memref<10240xf32, #tpu.memory_space<vmem_shared>>) offsets(%dma_start3A_753 : memref<128xi32, #tpu.memory_space<vmem>>) semaphore(%arg9 : memref<!tpu.dma_semaphore, #tpu.memory_space<semaphore_mem>>) {add = true}
    %dma_start3A_756 = arith.constant 75 : i32
    %dma_start3A_757 = arith.constant 75 : i32
    %dma_start3A_758 = arith.constant 0 : i32
    %dma_start3A_759 = tpu.memref_slice %arg6[%dma_start3A_756, %dma_start3A_758] : memref<80x128xf32, #tpu.memory_space<vmem>> -> memref<1x128xf32, #tpu.memory_space<vmem>>
    %dma_start3A_760 = tpu.memref_squeeze %dma_start3A_759 : memref<1x128xf32, #tpu.memory_space<vmem>> -> memref<128xf32, #tpu.memory_space<vmem>>
    %dma_start3A_761 = arith.constant 0 : i32
    %dma_start3A_762 = tpu.memref_slice %arg5[%dma_start3A_757, %dma_start3A_761] : memref<80x128xi32, #tpu.memory_space<vmem>> -> memref<1x128xi32, #tpu.memory_space<vmem>>
    %dma_start3A_763 = tpu.memref_squeeze %dma_start3A_762 : memref<1x128xi32, #tpu.memory_space<vmem>> -> memref<128xi32, #tpu.memory_space<vmem>>
    %dma_start3A_764 = arith.constant 0 : i32
    %dma_start3A_765 = tpu.memref_slice %arg7[%dma_start3A_764] : memref<10240xf32, #tpu.memory_space<vmem_shared>> -> memref<10240xf32, #tpu.memory_space<vmem_shared>>
    tpu.enqueue_indirect_dma source(%dma_start3A_760 : memref<128xf32, #tpu.memory_space<vmem>>) target(%dma_start3A_765 : memref<10240xf32, #tpu.memory_space<vmem_shared>>) offsets(%dma_start3A_763 : memref<128xi32, #tpu.memory_space<vmem>>) semaphore(%arg9 : memref<!tpu.dma_semaphore, #tpu.memory_space<semaphore_mem>>) {add = true}
    %dma_start3A_766 = arith.constant 76 : i32
    %dma_start3A_767 = arith.constant 76 : i32
    %dma_start3A_768 = arith.constant 0 : i32
    %dma_start3A_769 = tpu.memref_slice %arg6[%dma_start3A_766, %dma_start3A_768] : memref<80x128xf32, #tpu.memory_space<vmem>> -> memref<1x128xf32, #tpu.memory_space<vmem>>
    %dma_start3A_770 = tpu.memref_squeeze %dma_start3A_769 : memref<1x128xf32, #tpu.memory_space<vmem>> -> memref<128xf32, #tpu.memory_space<vmem>>
    %dma_start3A_771 = arith.constant 0 : i32
    %dma_start3A_772 = tpu.memref_slice %arg5[%dma_start3A_767, %dma_start3A_771] : memref<80x128xi32, #tpu.memory_space<vmem>> -> memref<1x128xi32, #tpu.memory_space<vmem>>
    %dma_start3A_773 = tpu.memref_squeeze %dma_start3A_772 : memref<1x128xi32, #tpu.memory_space<vmem>> -> memref<128xi32, #tpu.memory_space<vmem>>
    %dma_start3A_774 = arith.constant 0 : i32
    %dma_start3A_775 = tpu.memref_slice %arg7[%dma_start3A_774] : memref<10240xf32, #tpu.memory_space<vmem_shared>> -> memref<10240xf32, #tpu.memory_space<vmem_shared>>
    tpu.enqueue_indirect_dma source(%dma_start3A_770 : memref<128xf32, #tpu.memory_space<vmem>>) target(%dma_start3A_775 : memref<10240xf32, #tpu.memory_space<vmem_shared>>) offsets(%dma_start3A_773 : memref<128xi32, #tpu.memory_space<vmem>>) semaphore(%arg9 : memref<!tpu.dma_semaphore, #tpu.memory_space<semaphore_mem>>) {add = true}
    %dma_start3A_776 = arith.constant 77 : i32
    %dma_start3A_777 = arith.constant 77 : i32
    %dma_start3A_778 = arith.constant 0 : i32
    %dma_start3A_779 = tpu.memref_slice %arg6[%dma_start3A_776, %dma_start3A_778] : memref<80x128xf32, #tpu.memory_space<vmem>> -> memref<1x128xf32, #tpu.memory_space<vmem>>
    %dma_start3A_780 = tpu.memref_squeeze %dma_start3A_779 : memref<1x128xf32, #tpu.memory_space<vmem>> -> memref<128xf32, #tpu.memory_space<vmem>>
    %dma_start3A_781 = arith.constant 0 : i32
    %dma_start3A_782 = tpu.memref_slice %arg5[%dma_start3A_777, %dma_start3A_781] : memref<80x128xi32, #tpu.memory_space<vmem>> -> memref<1x128xi32, #tpu.memory_space<vmem>>
    %dma_start3A_783 = tpu.memref_squeeze %dma_start3A_782 : memref<1x128xi32, #tpu.memory_space<vmem>> -> memref<128xi32, #tpu.memory_space<vmem>>
    %dma_start3A_784 = arith.constant 0 : i32
    %dma_start3A_785 = tpu.memref_slice %arg7[%dma_start3A_784] : memref<10240xf32, #tpu.memory_space<vmem_shared>> -> memref<10240xf32, #tpu.memory_space<vmem_shared>>
    tpu.enqueue_indirect_dma source(%dma_start3A_780 : memref<128xf32, #tpu.memory_space<vmem>>) target(%dma_start3A_785 : memref<10240xf32, #tpu.memory_space<vmem_shared>>) offsets(%dma_start3A_783 : memref<128xi32, #tpu.memory_space<vmem>>) semaphore(%arg9 : memref<!tpu.dma_semaphore, #tpu.memory_space<semaphore_mem>>) {add = true}
    %dma_start3A_786 = arith.constant 78 : i32
    %dma_start3A_787 = arith.constant 78 : i32
    %dma_start3A_788 = arith.constant 0 : i32
    %dma_start3A_789 = tpu.memref_slice %arg6[%dma_start3A_786, %dma_start3A_788] : memref<80x128xf32, #tpu.memory_space<vmem>> -> memref<1x128xf32, #tpu.memory_space<vmem>>
    %dma_start3A_790 = tpu.memref_squeeze %dma_start3A_789 : memref<1x128xf32, #tpu.memory_space<vmem>> -> memref<128xf32, #tpu.memory_space<vmem>>
    %dma_start3A_791 = arith.constant 0 : i32
    %dma_start3A_792 = tpu.memref_slice %arg5[%dma_start3A_787, %dma_start3A_791] : memref<80x128xi32, #tpu.memory_space<vmem>> -> memref<1x128xi32, #tpu.memory_space<vmem>>
    %dma_start3A_793 = tpu.memref_squeeze %dma_start3A_792 : memref<1x128xi32, #tpu.memory_space<vmem>> -> memref<128xi32, #tpu.memory_space<vmem>>
    %dma_start3A_794 = arith.constant 0 : i32
    %dma_start3A_795 = tpu.memref_slice %arg7[%dma_start3A_794] : memref<10240xf32, #tpu.memory_space<vmem_shared>> -> memref<10240xf32, #tpu.memory_space<vmem_shared>>
    tpu.enqueue_indirect_dma source(%dma_start3A_790 : memref<128xf32, #tpu.memory_space<vmem>>) target(%dma_start3A_795 : memref<10240xf32, #tpu.memory_space<vmem_shared>>) offsets(%dma_start3A_793 : memref<128xi32, #tpu.memory_space<vmem>>) semaphore(%arg9 : memref<!tpu.dma_semaphore, #tpu.memory_space<semaphore_mem>>) {add = true}
    %dma_start3A_796 = arith.constant 79 : i32
    %dma_start3A_797 = arith.constant 79 : i32
    %dma_start3A_798 = arith.constant 0 : i32
    %dma_start3A_799 = tpu.memref_slice %arg6[%dma_start3A_796, %dma_start3A_798] : memref<80x128xf32, #tpu.memory_space<vmem>> -> memref<1x128xf32, #tpu.memory_space<vmem>>
    %dma_start3A_800 = tpu.memref_squeeze %dma_start3A_799 : memref<1x128xf32, #tpu.memory_space<vmem>> -> memref<128xf32, #tpu.memory_space<vmem>>
    %dma_start3A_801 = arith.constant 0 : i32
    %dma_start3A_802 = tpu.memref_slice %arg5[%dma_start3A_797, %dma_start3A_801] : memref<80x128xi32, #tpu.memory_space<vmem>> -> memref<1x128xi32, #tpu.memory_space<vmem>>
    %dma_start3A_803 = tpu.memref_squeeze %dma_start3A_802 : memref<1x128xi32, #tpu.memory_space<vmem>> -> memref<128xi32, #tpu.memory_space<vmem>>
    %dma_start3A_804 = arith.constant 0 : i32
    %dma_start3A_805 = tpu.memref_slice %arg7[%dma_start3A_804] : memref<10240xf32, #tpu.memory_space<vmem_shared>> -> memref<10240xf32, #tpu.memory_space<vmem_shared>>
    tpu.enqueue_indirect_dma source(%dma_start3A_800 : memref<128xf32, #tpu.memory_space<vmem>>) target(%dma_start3A_805 : memref<10240xf32, #tpu.memory_space<vmem_shared>>) offsets(%dma_start3A_803 : memref<128xi32, #tpu.memory_space<vmem>>) semaphore(%arg9 : memref<!tpu.dma_semaphore, #tpu.memory_space<semaphore_mem>>) {add = true}
    %dma_wait3A = arith.constant 0 : i32
    %dma_wait3A_806 = arith.constant 0 : i32
    %dma_wait3A_807 = arith.constant 0 : i32
    %dma_wait3A_808 = tpu.memref_slice %arg6[%dma_wait3A, %dma_wait3A_807] : memref<80x128xf32, #tpu.memory_space<vmem>> -> memref<1x128xf32, #tpu.memory_space<vmem>>
    %dma_wait3A_809 = tpu.memref_squeeze %dma_wait3A_808 : memref<1x128xf32, #tpu.memory_space<vmem>> -> memref<128xf32, #tpu.memory_space<vmem>>
    %dma_wait3A_810 = arith.constant 0 : i32
    %dma_wait3A_811 = tpu.memref_slice %arg5[%dma_wait3A_806, %dma_wait3A_810] : memref<80x128xi32, #tpu.memory_space<vmem>> -> memref<1x128xi32, #tpu.memory_space<vmem>>
    %dma_wait3A_812 = tpu.memref_squeeze %dma_wait3A_811 : memref<1x128xi32, #tpu.memory_space<vmem>> -> memref<128xi32, #tpu.memory_space<vmem>>
    %dma_wait3A_813 = arith.constant 0 : i32
    %dma_wait3A_814 = tpu.memref_slice %arg7[%dma_wait3A_813] : memref<10240xf32, #tpu.memory_space<vmem_shared>> -> memref<10240xf32, #tpu.memory_space<vmem_shared>>
    tpu.wait_indirect_dma semaphore(%arg9 : memref<!tpu.dma_semaphore, #tpu.memory_space<semaphore_mem>>) src(%dma_wait3A_809 : memref<128xf32, #tpu.memory_space<vmem>>) dst(%dma_wait3A_814 : memref<10240xf32, #tpu.memory_space<vmem_shared>>)
    %dma_wait3A_815 = arith.constant 1 : i32
    %dma_wait3A_816 = arith.constant 1 : i32
    %dma_wait3A_817 = arith.constant 0 : i32
    %dma_wait3A_818 = tpu.memref_slice %arg6[%dma_wait3A_815, %dma_wait3A_817] : memref<80x128xf32, #tpu.memory_space<vmem>> -> memref<1x128xf32, #tpu.memory_space<vmem>>
    %dma_wait3A_819 = tpu.memref_squeeze %dma_wait3A_818 : memref<1x128xf32, #tpu.memory_space<vmem>> -> memref<128xf32, #tpu.memory_space<vmem>>
    %dma_wait3A_820 = arith.constant 0 : i32
    %dma_wait3A_821 = tpu.memref_slice %arg5[%dma_wait3A_816, %dma_wait3A_820] : memref<80x128xi32, #tpu.memory_space<vmem>> -> memref<1x128xi32, #tpu.memory_space<vmem>>
    %dma_wait3A_822 = tpu.memref_squeeze %dma_wait3A_821 : memref<1x128xi32, #tpu.memory_space<vmem>> -> memref<128xi32, #tpu.memory_space<vmem>>
    %dma_wait3A_823 = arith.constant 0 : i32
    %dma_wait3A_824 = tpu.memref_slice %arg7[%dma_wait3A_823] : memref<10240xf32, #tpu.memory_space<vmem_shared>> -> memref<10240xf32, #tpu.memory_space<vmem_shared>>
    tpu.wait_indirect_dma semaphore(%arg9 : memref<!tpu.dma_semaphore, #tpu.memory_space<semaphore_mem>>) src(%dma_wait3A_819 : memref<128xf32, #tpu.memory_space<vmem>>) dst(%dma_wait3A_824 : memref<10240xf32, #tpu.memory_space<vmem_shared>>)
    %dma_wait3A_825 = arith.constant 2 : i32
    %dma_wait3A_826 = arith.constant 2 : i32
    %dma_wait3A_827 = arith.constant 0 : i32
    %dma_wait3A_828 = tpu.memref_slice %arg6[%dma_wait3A_825, %dma_wait3A_827] : memref<80x128xf32, #tpu.memory_space<vmem>> -> memref<1x128xf32, #tpu.memory_space<vmem>>
    %dma_wait3A_829 = tpu.memref_squeeze %dma_wait3A_828 : memref<1x128xf32, #tpu.memory_space<vmem>> -> memref<128xf32, #tpu.memory_space<vmem>>
    %dma_wait3A_830 = arith.constant 0 : i32
    %dma_wait3A_831 = tpu.memref_slice %arg5[%dma_wait3A_826, %dma_wait3A_830] : memref<80x128xi32, #tpu.memory_space<vmem>> -> memref<1x128xi32, #tpu.memory_space<vmem>>
    %dma_wait3A_832 = tpu.memref_squeeze %dma_wait3A_831 : memref<1x128xi32, #tpu.memory_space<vmem>> -> memref<128xi32, #tpu.memory_space<vmem>>
    %dma_wait3A_833 = arith.constant 0 : i32
    %dma_wait3A_834 = tpu.memref_slice %arg7[%dma_wait3A_833] : memref<10240xf32, #tpu.memory_space<vmem_shared>> -> memref<10240xf32, #tpu.memory_space<vmem_shared>>
    tpu.wait_indirect_dma semaphore(%arg9 : memref<!tpu.dma_semaphore, #tpu.memory_space<semaphore_mem>>) src(%dma_wait3A_829 : memref<128xf32, #tpu.memory_space<vmem>>) dst(%dma_wait3A_834 : memref<10240xf32, #tpu.memory_space<vmem_shared>>)
    %dma_wait3A_835 = arith.constant 3 : i32
    %dma_wait3A_836 = arith.constant 3 : i32
    %dma_wait3A_837 = arith.constant 0 : i32
    %dma_wait3A_838 = tpu.memref_slice %arg6[%dma_wait3A_835, %dma_wait3A_837] : memref<80x128xf32, #tpu.memory_space<vmem>> -> memref<1x128xf32, #tpu.memory_space<vmem>>
    %dma_wait3A_839 = tpu.memref_squeeze %dma_wait3A_838 : memref<1x128xf32, #tpu.memory_space<vmem>> -> memref<128xf32, #tpu.memory_space<vmem>>
    %dma_wait3A_840 = arith.constant 0 : i32
    %dma_wait3A_841 = tpu.memref_slice %arg5[%dma_wait3A_836, %dma_wait3A_840] : memref<80x128xi32, #tpu.memory_space<vmem>> -> memref<1x128xi32, #tpu.memory_space<vmem>>
    %dma_wait3A_842 = tpu.memref_squeeze %dma_wait3A_841 : memref<1x128xi32, #tpu.memory_space<vmem>> -> memref<128xi32, #tpu.memory_space<vmem>>
    %dma_wait3A_843 = arith.constant 0 : i32
    %dma_wait3A_844 = tpu.memref_slice %arg7[%dma_wait3A_843] : memref<10240xf32, #tpu.memory_space<vmem_shared>> -> memref<10240xf32, #tpu.memory_space<vmem_shared>>
    tpu.wait_indirect_dma semaphore(%arg9 : memref<!tpu.dma_semaphore, #tpu.memory_space<semaphore_mem>>) src(%dma_wait3A_839 : memref<128xf32, #tpu.memory_space<vmem>>) dst(%dma_wait3A_844 : memref<10240xf32, #tpu.memory_space<vmem_shared>>)
    %dma_wait3A_845 = arith.constant 4 : i32
    %dma_wait3A_846 = arith.constant 4 : i32
    %dma_wait3A_847 = arith.constant 0 : i32
    %dma_wait3A_848 = tpu.memref_slice %arg6[%dma_wait3A_845, %dma_wait3A_847] : memref<80x128xf32, #tpu.memory_space<vmem>> -> memref<1x128xf32, #tpu.memory_space<vmem>>
    %dma_wait3A_849 = tpu.memref_squeeze %dma_wait3A_848 : memref<1x128xf32, #tpu.memory_space<vmem>> -> memref<128xf32, #tpu.memory_space<vmem>>
    %dma_wait3A_850 = arith.constant 0 : i32
    %dma_wait3A_851 = tpu.memref_slice %arg5[%dma_wait3A_846, %dma_wait3A_850] : memref<80x128xi32, #tpu.memory_space<vmem>> -> memref<1x128xi32, #tpu.memory_space<vmem>>
    %dma_wait3A_852 = tpu.memref_squeeze %dma_wait3A_851 : memref<1x128xi32, #tpu.memory_space<vmem>> -> memref<128xi32, #tpu.memory_space<vmem>>
    %dma_wait3A_853 = arith.constant 0 : i32
    %dma_wait3A_854 = tpu.memref_slice %arg7[%dma_wait3A_853] : memref<10240xf32, #tpu.memory_space<vmem_shared>> -> memref<10240xf32, #tpu.memory_space<vmem_shared>>
    tpu.wait_indirect_dma semaphore(%arg9 : memref<!tpu.dma_semaphore, #tpu.memory_space<semaphore_mem>>) src(%dma_wait3A_849 : memref<128xf32, #tpu.memory_space<vmem>>) dst(%dma_wait3A_854 : memref<10240xf32, #tpu.memory_space<vmem_shared>>)
    %dma_wait3A_855 = arith.constant 5 : i32
    %dma_wait3A_856 = arith.constant 5 : i32
    %dma_wait3A_857 = arith.constant 0 : i32
    %dma_wait3A_858 = tpu.memref_slice %arg6[%dma_wait3A_855, %dma_wait3A_857] : memref<80x128xf32, #tpu.memory_space<vmem>> -> memref<1x128xf32, #tpu.memory_space<vmem>>
    %dma_wait3A_859 = tpu.memref_squeeze %dma_wait3A_858 : memref<1x128xf32, #tpu.memory_space<vmem>> -> memref<128xf32, #tpu.memory_space<vmem>>
    %dma_wait3A_860 = arith.constant 0 : i32
    %dma_wait3A_861 = tpu.memref_slice %arg5[%dma_wait3A_856, %dma_wait3A_860] : memref<80x128xi32, #tpu.memory_space<vmem>> -> memref<1x128xi32, #tpu.memory_space<vmem>>
    %dma_wait3A_862 = tpu.memref_squeeze %dma_wait3A_861 : memref<1x128xi32, #tpu.memory_space<vmem>> -> memref<128xi32, #tpu.memory_space<vmem>>
    %dma_wait3A_863 = arith.constant 0 : i32
    %dma_wait3A_864 = tpu.memref_slice %arg7[%dma_wait3A_863] : memref<10240xf32, #tpu.memory_space<vmem_shared>> -> memref<10240xf32, #tpu.memory_space<vmem_shared>>
    tpu.wait_indirect_dma semaphore(%arg9 : memref<!tpu.dma_semaphore, #tpu.memory_space<semaphore_mem>>) src(%dma_wait3A_859 : memref<128xf32, #tpu.memory_space<vmem>>) dst(%dma_wait3A_864 : memref<10240xf32, #tpu.memory_space<vmem_shared>>)
    %dma_wait3A_865 = arith.constant 6 : i32
    %dma_wait3A_866 = arith.constant 6 : i32
    %dma_wait3A_867 = arith.constant 0 : i32
    %dma_wait3A_868 = tpu.memref_slice %arg6[%dma_wait3A_865, %dma_wait3A_867] : memref<80x128xf32, #tpu.memory_space<vmem>> -> memref<1x128xf32, #tpu.memory_space<vmem>>
    %dma_wait3A_869 = tpu.memref_squeeze %dma_wait3A_868 : memref<1x128xf32, #tpu.memory_space<vmem>> -> memref<128xf32, #tpu.memory_space<vmem>>
    %dma_wait3A_870 = arith.constant 0 : i32
    %dma_wait3A_871 = tpu.memref_slice %arg5[%dma_wait3A_866, %dma_wait3A_870] : memref<80x128xi32, #tpu.memory_space<vmem>> -> memref<1x128xi32, #tpu.memory_space<vmem>>
    %dma_wait3A_872 = tpu.memref_squeeze %dma_wait3A_871 : memref<1x128xi32, #tpu.memory_space<vmem>> -> memref<128xi32, #tpu.memory_space<vmem>>
    %dma_wait3A_873 = arith.constant 0 : i32
    %dma_wait3A_874 = tpu.memref_slice %arg7[%dma_wait3A_873] : memref<10240xf32, #tpu.memory_space<vmem_shared>> -> memref<10240xf32, #tpu.memory_space<vmem_shared>>
    tpu.wait_indirect_dma semaphore(%arg9 : memref<!tpu.dma_semaphore, #tpu.memory_space<semaphore_mem>>) src(%dma_wait3A_869 : memref<128xf32, #tpu.memory_space<vmem>>) dst(%dma_wait3A_874 : memref<10240xf32, #tpu.memory_space<vmem_shared>>)
    %dma_wait3A_875 = arith.constant 7 : i32
    %dma_wait3A_876 = arith.constant 7 : i32
    %dma_wait3A_877 = arith.constant 0 : i32
    %dma_wait3A_878 = tpu.memref_slice %arg6[%dma_wait3A_875, %dma_wait3A_877] : memref<80x128xf32, #tpu.memory_space<vmem>> -> memref<1x128xf32, #tpu.memory_space<vmem>>
    %dma_wait3A_879 = tpu.memref_squeeze %dma_wait3A_878 : memref<1x128xf32, #tpu.memory_space<vmem>> -> memref<128xf32, #tpu.memory_space<vmem>>
    %dma_wait3A_880 = arith.constant 0 : i32
    %dma_wait3A_881 = tpu.memref_slice %arg5[%dma_wait3A_876, %dma_wait3A_880] : memref<80x128xi32, #tpu.memory_space<vmem>> -> memref<1x128xi32, #tpu.memory_space<vmem>>
    %dma_wait3A_882 = tpu.memref_squeeze %dma_wait3A_881 : memref<1x128xi32, #tpu.memory_space<vmem>> -> memref<128xi32, #tpu.memory_space<vmem>>
    %dma_wait3A_883 = arith.constant 0 : i32
    %dma_wait3A_884 = tpu.memref_slice %arg7[%dma_wait3A_883] : memref<10240xf32, #tpu.memory_space<vmem_shared>> -> memref<10240xf32, #tpu.memory_space<vmem_shared>>
    tpu.wait_indirect_dma semaphore(%arg9 : memref<!tpu.dma_semaphore, #tpu.memory_space<semaphore_mem>>) src(%dma_wait3A_879 : memref<128xf32, #tpu.memory_space<vmem>>) dst(%dma_wait3A_884 : memref<10240xf32, #tpu.memory_space<vmem_shared>>)
    %dma_wait3A_885 = arith.constant 8 : i32
    %dma_wait3A_886 = arith.constant 8 : i32
    %dma_wait3A_887 = arith.constant 0 : i32
    %dma_wait3A_888 = tpu.memref_slice %arg6[%dma_wait3A_885, %dma_wait3A_887] : memref<80x128xf32, #tpu.memory_space<vmem>> -> memref<1x128xf32, #tpu.memory_space<vmem>>
    %dma_wait3A_889 = tpu.memref_squeeze %dma_wait3A_888 : memref<1x128xf32, #tpu.memory_space<vmem>> -> memref<128xf32, #tpu.memory_space<vmem>>
    %dma_wait3A_890 = arith.constant 0 : i32
    %dma_wait3A_891 = tpu.memref_slice %arg5[%dma_wait3A_886, %dma_wait3A_890] : memref<80x128xi32, #tpu.memory_space<vmem>> -> memref<1x128xi32, #tpu.memory_space<vmem>>
    %dma_wait3A_892 = tpu.memref_squeeze %dma_wait3A_891 : memref<1x128xi32, #tpu.memory_space<vmem>> -> memref<128xi32, #tpu.memory_space<vmem>>
    %dma_wait3A_893 = arith.constant 0 : i32
    %dma_wait3A_894 = tpu.memref_slice %arg7[%dma_wait3A_893] : memref<10240xf32, #tpu.memory_space<vmem_shared>> -> memref<10240xf32, #tpu.memory_space<vmem_shared>>
    tpu.wait_indirect_dma semaphore(%arg9 : memref<!tpu.dma_semaphore, #tpu.memory_space<semaphore_mem>>) src(%dma_wait3A_889 : memref<128xf32, #tpu.memory_space<vmem>>) dst(%dma_wait3A_894 : memref<10240xf32, #tpu.memory_space<vmem_shared>>)
    %dma_wait3A_895 = arith.constant 9 : i32
    %dma_wait3A_896 = arith.constant 9 : i32
    %dma_wait3A_897 = arith.constant 0 : i32
    %dma_wait3A_898 = tpu.memref_slice %arg6[%dma_wait3A_895, %dma_wait3A_897] : memref<80x128xf32, #tpu.memory_space<vmem>> -> memref<1x128xf32, #tpu.memory_space<vmem>>
    %dma_wait3A_899 = tpu.memref_squeeze %dma_wait3A_898 : memref<1x128xf32, #tpu.memory_space<vmem>> -> memref<128xf32, #tpu.memory_space<vmem>>
    %dma_wait3A_900 = arith.constant 0 : i32
    %dma_wait3A_901 = tpu.memref_slice %arg5[%dma_wait3A_896, %dma_wait3A_900] : memref<80x128xi32, #tpu.memory_space<vmem>> -> memref<1x128xi32, #tpu.memory_space<vmem>>
    %dma_wait3A_902 = tpu.memref_squeeze %dma_wait3A_901 : memref<1x128xi32, #tpu.memory_space<vmem>> -> memref<128xi32, #tpu.memory_space<vmem>>
    %dma_wait3A_903 = arith.constant 0 : i32
    %dma_wait3A_904 = tpu.memref_slice %arg7[%dma_wait3A_903] : memref<10240xf32, #tpu.memory_space<vmem_shared>> -> memref<10240xf32, #tpu.memory_space<vmem_shared>>
    tpu.wait_indirect_dma semaphore(%arg9 : memref<!tpu.dma_semaphore, #tpu.memory_space<semaphore_mem>>) src(%dma_wait3A_899 : memref<128xf32, #tpu.memory_space<vmem>>) dst(%dma_wait3A_904 : memref<10240xf32, #tpu.memory_space<vmem_shared>>)
    %dma_wait3A_905 = arith.constant 10 : i32
    %dma_wait3A_906 = arith.constant 10 : i32
    %dma_wait3A_907 = arith.constant 0 : i32
    %dma_wait3A_908 = tpu.memref_slice %arg6[%dma_wait3A_905, %dma_wait3A_907] : memref<80x128xf32, #tpu.memory_space<vmem>> -> memref<1x128xf32, #tpu.memory_space<vmem>>
    %dma_wait3A_909 = tpu.memref_squeeze %dma_wait3A_908 : memref<1x128xf32, #tpu.memory_space<vmem>> -> memref<128xf32, #tpu.memory_space<vmem>>
    %dma_wait3A_910 = arith.constant 0 : i32
    %dma_wait3A_911 = tpu.memref_slice %arg5[%dma_wait3A_906, %dma_wait3A_910] : memref<80x128xi32, #tpu.memory_space<vmem>> -> memref<1x128xi32, #tpu.memory_space<vmem>>
    %dma_wait3A_912 = tpu.memref_squeeze %dma_wait3A_911 : memref<1x128xi32, #tpu.memory_space<vmem>> -> memref<128xi32, #tpu.memory_space<vmem>>
    %dma_wait3A_913 = arith.constant 0 : i32
    %dma_wait3A_914 = tpu.memref_slice %arg7[%dma_wait3A_913] : memref<10240xf32, #tpu.memory_space<vmem_shared>> -> memref<10240xf32, #tpu.memory_space<vmem_shared>>
    tpu.wait_indirect_dma semaphore(%arg9 : memref<!tpu.dma_semaphore, #tpu.memory_space<semaphore_mem>>) src(%dma_wait3A_909 : memref<128xf32, #tpu.memory_space<vmem>>) dst(%dma_wait3A_914 : memref<10240xf32, #tpu.memory_space<vmem_shared>>)
    %dma_wait3A_915 = arith.constant 11 : i32
    %dma_wait3A_916 = arith.constant 11 : i32
    %dma_wait3A_917 = arith.constant 0 : i32
    %dma_wait3A_918 = tpu.memref_slice %arg6[%dma_wait3A_915, %dma_wait3A_917] : memref<80x128xf32, #tpu.memory_space<vmem>> -> memref<1x128xf32, #tpu.memory_space<vmem>>
    %dma_wait3A_919 = tpu.memref_squeeze %dma_wait3A_918 : memref<1x128xf32, #tpu.memory_space<vmem>> -> memref<128xf32, #tpu.memory_space<vmem>>
    %dma_wait3A_920 = arith.constant 0 : i32
    %dma_wait3A_921 = tpu.memref_slice %arg5[%dma_wait3A_916, %dma_wait3A_920] : memref<80x128xi32, #tpu.memory_space<vmem>> -> memref<1x128xi32, #tpu.memory_space<vmem>>
    %dma_wait3A_922 = tpu.memref_squeeze %dma_wait3A_921 : memref<1x128xi32, #tpu.memory_space<vmem>> -> memref<128xi32, #tpu.memory_space<vmem>>
    %dma_wait3A_923 = arith.constant 0 : i32
    %dma_wait3A_924 = tpu.memref_slice %arg7[%dma_wait3A_923] : memref<10240xf32, #tpu.memory_space<vmem_shared>> -> memref<10240xf32, #tpu.memory_space<vmem_shared>>
    tpu.wait_indirect_dma semaphore(%arg9 : memref<!tpu.dma_semaphore, #tpu.memory_space<semaphore_mem>>) src(%dma_wait3A_919 : memref<128xf32, #tpu.memory_space<vmem>>) dst(%dma_wait3A_924 : memref<10240xf32, #tpu.memory_space<vmem_shared>>)
    %dma_wait3A_925 = arith.constant 12 : i32
    %dma_wait3A_926 = arith.constant 12 : i32
    %dma_wait3A_927 = arith.constant 0 : i32
    %dma_wait3A_928 = tpu.memref_slice %arg6[%dma_wait3A_925, %dma_wait3A_927] : memref<80x128xf32, #tpu.memory_space<vmem>> -> memref<1x128xf32, #tpu.memory_space<vmem>>
    %dma_wait3A_929 = tpu.memref_squeeze %dma_wait3A_928 : memref<1x128xf32, #tpu.memory_space<vmem>> -> memref<128xf32, #tpu.memory_space<vmem>>
    %dma_wait3A_930 = arith.constant 0 : i32
    %dma_wait3A_931 = tpu.memref_slice %arg5[%dma_wait3A_926, %dma_wait3A_930] : memref<80x128xi32, #tpu.memory_space<vmem>> -> memref<1x128xi32, #tpu.memory_space<vmem>>
    %dma_wait3A_932 = tpu.memref_squeeze %dma_wait3A_931 : memref<1x128xi32, #tpu.memory_space<vmem>> -> memref<128xi32, #tpu.memory_space<vmem>>
    %dma_wait3A_933 = arith.constant 0 : i32
    %dma_wait3A_934 = tpu.memref_slice %arg7[%dma_wait3A_933] : memref<10240xf32, #tpu.memory_space<vmem_shared>> -> memref<10240xf32, #tpu.memory_space<vmem_shared>>
    tpu.wait_indirect_dma semaphore(%arg9 : memref<!tpu.dma_semaphore, #tpu.memory_space<semaphore_mem>>) src(%dma_wait3A_929 : memref<128xf32, #tpu.memory_space<vmem>>) dst(%dma_wait3A_934 : memref<10240xf32, #tpu.memory_space<vmem_shared>>)
    %dma_wait3A_935 = arith.constant 13 : i32
    %dma_wait3A_936 = arith.constant 13 : i32
    %dma_wait3A_937 = arith.constant 0 : i32
    %dma_wait3A_938 = tpu.memref_slice %arg6[%dma_wait3A_935, %dma_wait3A_937] : memref<80x128xf32, #tpu.memory_space<vmem>> -> memref<1x128xf32, #tpu.memory_space<vmem>>
    %dma_wait3A_939 = tpu.memref_squeeze %dma_wait3A_938 : memref<1x128xf32, #tpu.memory_space<vmem>> -> memref<128xf32, #tpu.memory_space<vmem>>
    %dma_wait3A_940 = arith.constant 0 : i32
    %dma_wait3A_941 = tpu.memref_slice %arg5[%dma_wait3A_936, %dma_wait3A_940] : memref<80x128xi32, #tpu.memory_space<vmem>> -> memref<1x128xi32, #tpu.memory_space<vmem>>
    %dma_wait3A_942 = tpu.memref_squeeze %dma_wait3A_941 : memref<1x128xi32, #tpu.memory_space<vmem>> -> memref<128xi32, #tpu.memory_space<vmem>>
    %dma_wait3A_943 = arith.constant 0 : i32
    %dma_wait3A_944 = tpu.memref_slice %arg7[%dma_wait3A_943] : memref<10240xf32, #tpu.memory_space<vmem_shared>> -> memref<10240xf32, #tpu.memory_space<vmem_shared>>
    tpu.wait_indirect_dma semaphore(%arg9 : memref<!tpu.dma_semaphore, #tpu.memory_space<semaphore_mem>>) src(%dma_wait3A_939 : memref<128xf32, #tpu.memory_space<vmem>>) dst(%dma_wait3A_944 : memref<10240xf32, #tpu.memory_space<vmem_shared>>)
    %dma_wait3A_945 = arith.constant 14 : i32
    %dma_wait3A_946 = arith.constant 14 : i32
    %dma_wait3A_947 = arith.constant 0 : i32
    %dma_wait3A_948 = tpu.memref_slice %arg6[%dma_wait3A_945, %dma_wait3A_947] : memref<80x128xf32, #tpu.memory_space<vmem>> -> memref<1x128xf32, #tpu.memory_space<vmem>>
    %dma_wait3A_949 = tpu.memref_squeeze %dma_wait3A_948 : memref<1x128xf32, #tpu.memory_space<vmem>> -> memref<128xf32, #tpu.memory_space<vmem>>
    %dma_wait3A_950 = arith.constant 0 : i32
    %dma_wait3A_951 = tpu.memref_slice %arg5[%dma_wait3A_946, %dma_wait3A_950] : memref<80x128xi32, #tpu.memory_space<vmem>> -> memref<1x128xi32, #tpu.memory_space<vmem>>
    %dma_wait3A_952 = tpu.memref_squeeze %dma_wait3A_951 : memref<1x128xi32, #tpu.memory_space<vmem>> -> memref<128xi32, #tpu.memory_space<vmem>>
    %dma_wait3A_953 = arith.constant 0 : i32
    %dma_wait3A_954 = tpu.memref_slice %arg7[%dma_wait3A_953] : memref<10240xf32, #tpu.memory_space<vmem_shared>> -> memref<10240xf32, #tpu.memory_space<vmem_shared>>
    tpu.wait_indirect_dma semaphore(%arg9 : memref<!tpu.dma_semaphore, #tpu.memory_space<semaphore_mem>>) src(%dma_wait3A_949 : memref<128xf32, #tpu.memory_space<vmem>>) dst(%dma_wait3A_954 : memref<10240xf32, #tpu.memory_space<vmem_shared>>)
    %dma_wait3A_955 = arith.constant 15 : i32
    %dma_wait3A_956 = arith.constant 15 : i32
    %dma_wait3A_957 = arith.constant 0 : i32
    %dma_wait3A_958 = tpu.memref_slice %arg6[%dma_wait3A_955, %dma_wait3A_957] : memref<80x128xf32, #tpu.memory_space<vmem>> -> memref<1x128xf32, #tpu.memory_space<vmem>>
    %dma_wait3A_959 = tpu.memref_squeeze %dma_wait3A_958 : memref<1x128xf32, #tpu.memory_space<vmem>> -> memref<128xf32, #tpu.memory_space<vmem>>
    %dma_wait3A_960 = arith.constant 0 : i32
    %dma_wait3A_961 = tpu.memref_slice %arg5[%dma_wait3A_956, %dma_wait3A_960] : memref<80x128xi32, #tpu.memory_space<vmem>> -> memref<1x128xi32, #tpu.memory_space<vmem>>
    %dma_wait3A_962 = tpu.memref_squeeze %dma_wait3A_961 : memref<1x128xi32, #tpu.memory_space<vmem>> -> memref<128xi32, #tpu.memory_space<vmem>>
    %dma_wait3A_963 = arith.constant 0 : i32
    %dma_wait3A_964 = tpu.memref_slice %arg7[%dma_wait3A_963] : memref<10240xf32, #tpu.memory_space<vmem_shared>> -> memref<10240xf32, #tpu.memory_space<vmem_shared>>
    tpu.wait_indirect_dma semaphore(%arg9 : memref<!tpu.dma_semaphore, #tpu.memory_space<semaphore_mem>>) src(%dma_wait3A_959 : memref<128xf32, #tpu.memory_space<vmem>>) dst(%dma_wait3A_964 : memref<10240xf32, #tpu.memory_space<vmem_shared>>)
    %dma_wait3A_965 = arith.constant 16 : i32
    %dma_wait3A_966 = arith.constant 16 : i32
    %dma_wait3A_967 = arith.constant 0 : i32
    %dma_wait3A_968 = tpu.memref_slice %arg6[%dma_wait3A_965, %dma_wait3A_967] : memref<80x128xf32, #tpu.memory_space<vmem>> -> memref<1x128xf32, #tpu.memory_space<vmem>>
    %dma_wait3A_969 = tpu.memref_squeeze %dma_wait3A_968 : memref<1x128xf32, #tpu.memory_space<vmem>> -> memref<128xf32, #tpu.memory_space<vmem>>
    %dma_wait3A_970 = arith.constant 0 : i32
    %dma_wait3A_971 = tpu.memref_slice %arg5[%dma_wait3A_966, %dma_wait3A_970] : memref<80x128xi32, #tpu.memory_space<vmem>> -> memref<1x128xi32, #tpu.memory_space<vmem>>
    %dma_wait3A_972 = tpu.memref_squeeze %dma_wait3A_971 : memref<1x128xi32, #tpu.memory_space<vmem>> -> memref<128xi32, #tpu.memory_space<vmem>>
    %dma_wait3A_973 = arith.constant 0 : i32
    %dma_wait3A_974 = tpu.memref_slice %arg7[%dma_wait3A_973] : memref<10240xf32, #tpu.memory_space<vmem_shared>> -> memref<10240xf32, #tpu.memory_space<vmem_shared>>
    tpu.wait_indirect_dma semaphore(%arg9 : memref<!tpu.dma_semaphore, #tpu.memory_space<semaphore_mem>>) src(%dma_wait3A_969 : memref<128xf32, #tpu.memory_space<vmem>>) dst(%dma_wait3A_974 : memref<10240xf32, #tpu.memory_space<vmem_shared>>)
    %dma_wait3A_975 = arith.constant 17 : i32
    %dma_wait3A_976 = arith.constant 17 : i32
    %dma_wait3A_977 = arith.constant 0 : i32
    %dma_wait3A_978 = tpu.memref_slice %arg6[%dma_wait3A_975, %dma_wait3A_977] : memref<80x128xf32, #tpu.memory_space<vmem>> -> memref<1x128xf32, #tpu.memory_space<vmem>>
    %dma_wait3A_979 = tpu.memref_squeeze %dma_wait3A_978 : memref<1x128xf32, #tpu.memory_space<vmem>> -> memref<128xf32, #tpu.memory_space<vmem>>
    %dma_wait3A_980 = arith.constant 0 : i32
    %dma_wait3A_981 = tpu.memref_slice %arg5[%dma_wait3A_976, %dma_wait3A_980] : memref<80x128xi32, #tpu.memory_space<vmem>> -> memref<1x128xi32, #tpu.memory_space<vmem>>
    %dma_wait3A_982 = tpu.memref_squeeze %dma_wait3A_981 : memref<1x128xi32, #tpu.memory_space<vmem>> -> memref<128xi32, #tpu.memory_space<vmem>>
    %dma_wait3A_983 = arith.constant 0 : i32
    %dma_wait3A_984 = tpu.memref_slice %arg7[%dma_wait3A_983] : memref<10240xf32, #tpu.memory_space<vmem_shared>> -> memref<10240xf32, #tpu.memory_space<vmem_shared>>
    tpu.wait_indirect_dma semaphore(%arg9 : memref<!tpu.dma_semaphore, #tpu.memory_space<semaphore_mem>>) src(%dma_wait3A_979 : memref<128xf32, #tpu.memory_space<vmem>>) dst(%dma_wait3A_984 : memref<10240xf32, #tpu.memory_space<vmem_shared>>)
    %dma_wait3A_985 = arith.constant 18 : i32
    %dma_wait3A_986 = arith.constant 18 : i32
    %dma_wait3A_987 = arith.constant 0 : i32
    %dma_wait3A_988 = tpu.memref_slice %arg6[%dma_wait3A_985, %dma_wait3A_987] : memref<80x128xf32, #tpu.memory_space<vmem>> -> memref<1x128xf32, #tpu.memory_space<vmem>>
    %dma_wait3A_989 = tpu.memref_squeeze %dma_wait3A_988 : memref<1x128xf32, #tpu.memory_space<vmem>> -> memref<128xf32, #tpu.memory_space<vmem>>
    %dma_wait3A_990 = arith.constant 0 : i32
    %dma_wait3A_991 = tpu.memref_slice %arg5[%dma_wait3A_986, %dma_wait3A_990] : memref<80x128xi32, #tpu.memory_space<vmem>> -> memref<1x128xi32, #tpu.memory_space<vmem>>
    %dma_wait3A_992 = tpu.memref_squeeze %dma_wait3A_991 : memref<1x128xi32, #tpu.memory_space<vmem>> -> memref<128xi32, #tpu.memory_space<vmem>>
    %dma_wait3A_993 = arith.constant 0 : i32
    %dma_wait3A_994 = tpu.memref_slice %arg7[%dma_wait3A_993] : memref<10240xf32, #tpu.memory_space<vmem_shared>> -> memref<10240xf32, #tpu.memory_space<vmem_shared>>
    tpu.wait_indirect_dma semaphore(%arg9 : memref<!tpu.dma_semaphore, #tpu.memory_space<semaphore_mem>>) src(%dma_wait3A_989 : memref<128xf32, #tpu.memory_space<vmem>>) dst(%dma_wait3A_994 : memref<10240xf32, #tpu.memory_space<vmem_shared>>)
    %dma_wait3A_995 = arith.constant 19 : i32
    %dma_wait3A_996 = arith.constant 19 : i32
    %dma_wait3A_997 = arith.constant 0 : i32
    %dma_wait3A_998 = tpu.memref_slice %arg6[%dma_wait3A_995, %dma_wait3A_997] : memref<80x128xf32, #tpu.memory_space<vmem>> -> memref<1x128xf32, #tpu.memory_space<vmem>>
    %dma_wait3A_999 = tpu.memref_squeeze %dma_wait3A_998 : memref<1x128xf32, #tpu.memory_space<vmem>> -> memref<128xf32, #tpu.memory_space<vmem>>
    %dma_wait3A_1000 = arith.constant 0 : i32
    %dma_wait3A_1001 = tpu.memref_slice %arg5[%dma_wait3A_996, %dma_wait3A_1000] : memref<80x128xi32, #tpu.memory_space<vmem>> -> memref<1x128xi32, #tpu.memory_space<vmem>>
    %dma_wait3A_1002 = tpu.memref_squeeze %dma_wait3A_1001 : memref<1x128xi32, #tpu.memory_space<vmem>> -> memref<128xi32, #tpu.memory_space<vmem>>
    %dma_wait3A_1003 = arith.constant 0 : i32
    %dma_wait3A_1004 = tpu.memref_slice %arg7[%dma_wait3A_1003] : memref<10240xf32, #tpu.memory_space<vmem_shared>> -> memref<10240xf32, #tpu.memory_space<vmem_shared>>
    tpu.wait_indirect_dma semaphore(%arg9 : memref<!tpu.dma_semaphore, #tpu.memory_space<semaphore_mem>>) src(%dma_wait3A_999 : memref<128xf32, #tpu.memory_space<vmem>>) dst(%dma_wait3A_1004 : memref<10240xf32, #tpu.memory_space<vmem_shared>>)
    %dma_wait3A_1005 = arith.constant 20 : i32
    %dma_wait3A_1006 = arith.constant 20 : i32
    %dma_wait3A_1007 = arith.constant 0 : i32
    %dma_wait3A_1008 = tpu.memref_slice %arg6[%dma_wait3A_1005, %dma_wait3A_1007] : memref<80x128xf32, #tpu.memory_space<vmem>> -> memref<1x128xf32, #tpu.memory_space<vmem>>
    %dma_wait3A_1009 = tpu.memref_squeeze %dma_wait3A_1008 : memref<1x128xf32, #tpu.memory_space<vmem>> -> memref<128xf32, #tpu.memory_space<vmem>>
    %dma_wait3A_1010 = arith.constant 0 : i32
    %dma_wait3A_1011 = tpu.memref_slice %arg5[%dma_wait3A_1006, %dma_wait3A_1010] : memref<80x128xi32, #tpu.memory_space<vmem>> -> memref<1x128xi32, #tpu.memory_space<vmem>>
    %dma_wait3A_1012 = tpu.memref_squeeze %dma_wait3A_1011 : memref<1x128xi32, #tpu.memory_space<vmem>> -> memref<128xi32, #tpu.memory_space<vmem>>
    %dma_wait3A_1013 = arith.constant 0 : i32
    %dma_wait3A_1014 = tpu.memref_slice %arg7[%dma_wait3A_1013] : memref<10240xf32, #tpu.memory_space<vmem_shared>> -> memref<10240xf32, #tpu.memory_space<vmem_shared>>
    tpu.wait_indirect_dma semaphore(%arg9 : memref<!tpu.dma_semaphore, #tpu.memory_space<semaphore_mem>>) src(%dma_wait3A_1009 : memref<128xf32, #tpu.memory_space<vmem>>) dst(%dma_wait3A_1014 : memref<10240xf32, #tpu.memory_space<vmem_shared>>)
    %dma_wait3A_1015 = arith.constant 21 : i32
    %dma_wait3A_1016 = arith.constant 21 : i32
    %dma_wait3A_1017 = arith.constant 0 : i32
    %dma_wait3A_1018 = tpu.memref_slice %arg6[%dma_wait3A_1015, %dma_wait3A_1017] : memref<80x128xf32, #tpu.memory_space<vmem>> -> memref<1x128xf32, #tpu.memory_space<vmem>>
    %dma_wait3A_1019 = tpu.memref_squeeze %dma_wait3A_1018 : memref<1x128xf32, #tpu.memory_space<vmem>> -> memref<128xf32, #tpu.memory_space<vmem>>
    %dma_wait3A_1020 = arith.constant 0 : i32
    %dma_wait3A_1021 = tpu.memref_slice %arg5[%dma_wait3A_1016, %dma_wait3A_1020] : memref<80x128xi32, #tpu.memory_space<vmem>> -> memref<1x128xi32, #tpu.memory_space<vmem>>
    %dma_wait3A_1022 = tpu.memref_squeeze %dma_wait3A_1021 : memref<1x128xi32, #tpu.memory_space<vmem>> -> memref<128xi32, #tpu.memory_space<vmem>>
    %dma_wait3A_1023 = arith.constant 0 : i32
    %dma_wait3A_1024 = tpu.memref_slice %arg7[%dma_wait3A_1023] : memref<10240xf32, #tpu.memory_space<vmem_shared>> -> memref<10240xf32, #tpu.memory_space<vmem_shared>>
    tpu.wait_indirect_dma semaphore(%arg9 : memref<!tpu.dma_semaphore, #tpu.memory_space<semaphore_mem>>) src(%dma_wait3A_1019 : memref<128xf32, #tpu.memory_space<vmem>>) dst(%dma_wait3A_1024 : memref<10240xf32, #tpu.memory_space<vmem_shared>>)
    %dma_wait3A_1025 = arith.constant 22 : i32
    %dma_wait3A_1026 = arith.constant 22 : i32
    %dma_wait3A_1027 = arith.constant 0 : i32
    %dma_wait3A_1028 = tpu.memref_slice %arg6[%dma_wait3A_1025, %dma_wait3A_1027] : memref<80x128xf32, #tpu.memory_space<vmem>> -> memref<1x128xf32, #tpu.memory_space<vmem>>
    %dma_wait3A_1029 = tpu.memref_squeeze %dma_wait3A_1028 : memref<1x128xf32, #tpu.memory_space<vmem>> -> memref<128xf32, #tpu.memory_space<vmem>>
    %dma_wait3A_1030 = arith.constant 0 : i32
    %dma_wait3A_1031 = tpu.memref_slice %arg5[%dma_wait3A_1026, %dma_wait3A_1030] : memref<80x128xi32, #tpu.memory_space<vmem>> -> memref<1x128xi32, #tpu.memory_space<vmem>>
    %dma_wait3A_1032 = tpu.memref_squeeze %dma_wait3A_1031 : memref<1x128xi32, #tpu.memory_space<vmem>> -> memref<128xi32, #tpu.memory_space<vmem>>
    %dma_wait3A_1033 = arith.constant 0 : i32
    %dma_wait3A_1034 = tpu.memref_slice %arg7[%dma_wait3A_1033] : memref<10240xf32, #tpu.memory_space<vmem_shared>> -> memref<10240xf32, #tpu.memory_space<vmem_shared>>
    tpu.wait_indirect_dma semaphore(%arg9 : memref<!tpu.dma_semaphore, #tpu.memory_space<semaphore_mem>>) src(%dma_wait3A_1029 : memref<128xf32, #tpu.memory_space<vmem>>) dst(%dma_wait3A_1034 : memref<10240xf32, #tpu.memory_space<vmem_shared>>)
    %dma_wait3A_1035 = arith.constant 23 : i32
    %dma_wait3A_1036 = arith.constant 23 : i32
    %dma_wait3A_1037 = arith.constant 0 : i32
    %dma_wait3A_1038 = tpu.memref_slice %arg6[%dma_wait3A_1035, %dma_wait3A_1037] : memref<80x128xf32, #tpu.memory_space<vmem>> -> memref<1x128xf32, #tpu.memory_space<vmem>>
    %dma_wait3A_1039 = tpu.memref_squeeze %dma_wait3A_1038 : memref<1x128xf32, #tpu.memory_space<vmem>> -> memref<128xf32, #tpu.memory_space<vmem>>
    %dma_wait3A_1040 = arith.constant 0 : i32
    %dma_wait3A_1041 = tpu.memref_slice %arg5[%dma_wait3A_1036, %dma_wait3A_1040] : memref<80x128xi32, #tpu.memory_space<vmem>> -> memref<1x128xi32, #tpu.memory_space<vmem>>
    %dma_wait3A_1042 = tpu.memref_squeeze %dma_wait3A_1041 : memref<1x128xi32, #tpu.memory_space<vmem>> -> memref<128xi32, #tpu.memory_space<vmem>>
    %dma_wait3A_1043 = arith.constant 0 : i32
    %dma_wait3A_1044 = tpu.memref_slice %arg7[%dma_wait3A_1043] : memref<10240xf32, #tpu.memory_space<vmem_shared>> -> memref<10240xf32, #tpu.memory_space<vmem_shared>>
    tpu.wait_indirect_dma semaphore(%arg9 : memref<!tpu.dma_semaphore, #tpu.memory_space<semaphore_mem>>) src(%dma_wait3A_1039 : memref<128xf32, #tpu.memory_space<vmem>>) dst(%dma_wait3A_1044 : memref<10240xf32, #tpu.memory_space<vmem_shared>>)
    %dma_wait3A_1045 = arith.constant 24 : i32
    %dma_wait3A_1046 = arith.constant 24 : i32
    %dma_wait3A_1047 = arith.constant 0 : i32
    %dma_wait3A_1048 = tpu.memref_slice %arg6[%dma_wait3A_1045, %dma_wait3A_1047] : memref<80x128xf32, #tpu.memory_space<vmem>> -> memref<1x128xf32, #tpu.memory_space<vmem>>
    %dma_wait3A_1049 = tpu.memref_squeeze %dma_wait3A_1048 : memref<1x128xf32, #tpu.memory_space<vmem>> -> memref<128xf32, #tpu.memory_space<vmem>>
    %dma_wait3A_1050 = arith.constant 0 : i32
    %dma_wait3A_1051 = tpu.memref_slice %arg5[%dma_wait3A_1046, %dma_wait3A_1050] : memref<80x128xi32, #tpu.memory_space<vmem>> -> memref<1x128xi32, #tpu.memory_space<vmem>>
    %dma_wait3A_1052 = tpu.memref_squeeze %dma_wait3A_1051 : memref<1x128xi32, #tpu.memory_space<vmem>> -> memref<128xi32, #tpu.memory_space<vmem>>
    %dma_wait3A_1053 = arith.constant 0 : i32
    %dma_wait3A_1054 = tpu.memref_slice %arg7[%dma_wait3A_1053] : memref<10240xf32, #tpu.memory_space<vmem_shared>> -> memref<10240xf32, #tpu.memory_space<vmem_shared>>
    tpu.wait_indirect_dma semaphore(%arg9 : memref<!tpu.dma_semaphore, #tpu.memory_space<semaphore_mem>>) src(%dma_wait3A_1049 : memref<128xf32, #tpu.memory_space<vmem>>) dst(%dma_wait3A_1054 : memref<10240xf32, #tpu.memory_space<vmem_shared>>)
    %dma_wait3A_1055 = arith.constant 25 : i32
    %dma_wait3A_1056 = arith.constant 25 : i32
    %dma_wait3A_1057 = arith.constant 0 : i32
    %dma_wait3A_1058 = tpu.memref_slice %arg6[%dma_wait3A_1055, %dma_wait3A_1057] : memref<80x128xf32, #tpu.memory_space<vmem>> -> memref<1x128xf32, #tpu.memory_space<vmem>>
    %dma_wait3A_1059 = tpu.memref_squeeze %dma_wait3A_1058 : memref<1x128xf32, #tpu.memory_space<vmem>> -> memref<128xf32, #tpu.memory_space<vmem>>
    %dma_wait3A_1060 = arith.constant 0 : i32
    %dma_wait3A_1061 = tpu.memref_slice %arg5[%dma_wait3A_1056, %dma_wait3A_1060] : memref<80x128xi32, #tpu.memory_space<vmem>> -> memref<1x128xi32, #tpu.memory_space<vmem>>
    %dma_wait3A_1062 = tpu.memref_squeeze %dma_wait3A_1061 : memref<1x128xi32, #tpu.memory_space<vmem>> -> memref<128xi32, #tpu.memory_space<vmem>>
    %dma_wait3A_1063 = arith.constant 0 : i32
    %dma_wait3A_1064 = tpu.memref_slice %arg7[%dma_wait3A_1063] : memref<10240xf32, #tpu.memory_space<vmem_shared>> -> memref<10240xf32, #tpu.memory_space<vmem_shared>>
    tpu.wait_indirect_dma semaphore(%arg9 : memref<!tpu.dma_semaphore, #tpu.memory_space<semaphore_mem>>) src(%dma_wait3A_1059 : memref<128xf32, #tpu.memory_space<vmem>>) dst(%dma_wait3A_1064 : memref<10240xf32, #tpu.memory_space<vmem_shared>>)
    %dma_wait3A_1065 = arith.constant 26 : i32
    %dma_wait3A_1066 = arith.constant 26 : i32
    %dma_wait3A_1067 = arith.constant 0 : i32
    %dma_wait3A_1068 = tpu.memref_slice %arg6[%dma_wait3A_1065, %dma_wait3A_1067] : memref<80x128xf32, #tpu.memory_space<vmem>> -> memref<1x128xf32, #tpu.memory_space<vmem>>
    %dma_wait3A_1069 = tpu.memref_squeeze %dma_wait3A_1068 : memref<1x128xf32, #tpu.memory_space<vmem>> -> memref<128xf32, #tpu.memory_space<vmem>>
    %dma_wait3A_1070 = arith.constant 0 : i32
    %dma_wait3A_1071 = tpu.memref_slice %arg5[%dma_wait3A_1066, %dma_wait3A_1070] : memref<80x128xi32, #tpu.memory_space<vmem>> -> memref<1x128xi32, #tpu.memory_space<vmem>>
    %dma_wait3A_1072 = tpu.memref_squeeze %dma_wait3A_1071 : memref<1x128xi32, #tpu.memory_space<vmem>> -> memref<128xi32, #tpu.memory_space<vmem>>
    %dma_wait3A_1073 = arith.constant 0 : i32
    %dma_wait3A_1074 = tpu.memref_slice %arg7[%dma_wait3A_1073] : memref<10240xf32, #tpu.memory_space<vmem_shared>> -> memref<10240xf32, #tpu.memory_space<vmem_shared>>
    tpu.wait_indirect_dma semaphore(%arg9 : memref<!tpu.dma_semaphore, #tpu.memory_space<semaphore_mem>>) src(%dma_wait3A_1069 : memref<128xf32, #tpu.memory_space<vmem>>) dst(%dma_wait3A_1074 : memref<10240xf32, #tpu.memory_space<vmem_shared>>)
    %dma_wait3A_1075 = arith.constant 27 : i32
    %dma_wait3A_1076 = arith.constant 27 : i32
    %dma_wait3A_1077 = arith.constant 0 : i32
    %dma_wait3A_1078 = tpu.memref_slice %arg6[%dma_wait3A_1075, %dma_wait3A_1077] : memref<80x128xf32, #tpu.memory_space<vmem>> -> memref<1x128xf32, #tpu.memory_space<vmem>>
    %dma_wait3A_1079 = tpu.memref_squeeze %dma_wait3A_1078 : memref<1x128xf32, #tpu.memory_space<vmem>> -> memref<128xf32, #tpu.memory_space<vmem>>
    %dma_wait3A_1080 = arith.constant 0 : i32
    %dma_wait3A_1081 = tpu.memref_slice %arg5[%dma_wait3A_1076, %dma_wait3A_1080] : memref<80x128xi32, #tpu.memory_space<vmem>> -> memref<1x128xi32, #tpu.memory_space<vmem>>
    %dma_wait3A_1082 = tpu.memref_squeeze %dma_wait3A_1081 : memref<1x128xi32, #tpu.memory_space<vmem>> -> memref<128xi32, #tpu.memory_space<vmem>>
    %dma_wait3A_1083 = arith.constant 0 : i32
    %dma_wait3A_1084 = tpu.memref_slice %arg7[%dma_wait3A_1083] : memref<10240xf32, #tpu.memory_space<vmem_shared>> -> memref<10240xf32, #tpu.memory_space<vmem_shared>>
    tpu.wait_indirect_dma semaphore(%arg9 : memref<!tpu.dma_semaphore, #tpu.memory_space<semaphore_mem>>) src(%dma_wait3A_1079 : memref<128xf32, #tpu.memory_space<vmem>>) dst(%dma_wait3A_1084 : memref<10240xf32, #tpu.memory_space<vmem_shared>>)
    %dma_wait3A_1085 = arith.constant 28 : i32
    %dma_wait3A_1086 = arith.constant 28 : i32
    %dma_wait3A_1087 = arith.constant 0 : i32
    %dma_wait3A_1088 = tpu.memref_slice %arg6[%dma_wait3A_1085, %dma_wait3A_1087] : memref<80x128xf32, #tpu.memory_space<vmem>> -> memref<1x128xf32, #tpu.memory_space<vmem>>
    %dma_wait3A_1089 = tpu.memref_squeeze %dma_wait3A_1088 : memref<1x128xf32, #tpu.memory_space<vmem>> -> memref<128xf32, #tpu.memory_space<vmem>>
    %dma_wait3A_1090 = arith.constant 0 : i32
    %dma_wait3A_1091 = tpu.memref_slice %arg5[%dma_wait3A_1086, %dma_wait3A_1090] : memref<80x128xi32, #tpu.memory_space<vmem>> -> memref<1x128xi32, #tpu.memory_space<vmem>>
    %dma_wait3A_1092 = tpu.memref_squeeze %dma_wait3A_1091 : memref<1x128xi32, #tpu.memory_space<vmem>> -> memref<128xi32, #tpu.memory_space<vmem>>
    %dma_wait3A_1093 = arith.constant 0 : i32
    %dma_wait3A_1094 = tpu.memref_slice %arg7[%dma_wait3A_1093] : memref<10240xf32, #tpu.memory_space<vmem_shared>> -> memref<10240xf32, #tpu.memory_space<vmem_shared>>
    tpu.wait_indirect_dma semaphore(%arg9 : memref<!tpu.dma_semaphore, #tpu.memory_space<semaphore_mem>>) src(%dma_wait3A_1089 : memref<128xf32, #tpu.memory_space<vmem>>) dst(%dma_wait3A_1094 : memref<10240xf32, #tpu.memory_space<vmem_shared>>)
    %dma_wait3A_1095 = arith.constant 29 : i32
    %dma_wait3A_1096 = arith.constant 29 : i32
    %dma_wait3A_1097 = arith.constant 0 : i32
    %dma_wait3A_1098 = tpu.memref_slice %arg6[%dma_wait3A_1095, %dma_wait3A_1097] : memref<80x128xf32, #tpu.memory_space<vmem>> -> memref<1x128xf32, #tpu.memory_space<vmem>>
    %dma_wait3A_1099 = tpu.memref_squeeze %dma_wait3A_1098 : memref<1x128xf32, #tpu.memory_space<vmem>> -> memref<128xf32, #tpu.memory_space<vmem>>
    %dma_wait3A_1100 = arith.constant 0 : i32
    %dma_wait3A_1101 = tpu.memref_slice %arg5[%dma_wait3A_1096, %dma_wait3A_1100] : memref<80x128xi32, #tpu.memory_space<vmem>> -> memref<1x128xi32, #tpu.memory_space<vmem>>
    %dma_wait3A_1102 = tpu.memref_squeeze %dma_wait3A_1101 : memref<1x128xi32, #tpu.memory_space<vmem>> -> memref<128xi32, #tpu.memory_space<vmem>>
    %dma_wait3A_1103 = arith.constant 0 : i32
    %dma_wait3A_1104 = tpu.memref_slice %arg7[%dma_wait3A_1103] : memref<10240xf32, #tpu.memory_space<vmem_shared>> -> memref<10240xf32, #tpu.memory_space<vmem_shared>>
    tpu.wait_indirect_dma semaphore(%arg9 : memref<!tpu.dma_semaphore, #tpu.memory_space<semaphore_mem>>) src(%dma_wait3A_1099 : memref<128xf32, #tpu.memory_space<vmem>>) dst(%dma_wait3A_1104 : memref<10240xf32, #tpu.memory_space<vmem_shared>>)
    %dma_wait3A_1105 = arith.constant 30 : i32
    %dma_wait3A_1106 = arith.constant 30 : i32
    %dma_wait3A_1107 = arith.constant 0 : i32
    %dma_wait3A_1108 = tpu.memref_slice %arg6[%dma_wait3A_1105, %dma_wait3A_1107] : memref<80x128xf32, #tpu.memory_space<vmem>> -> memref<1x128xf32, #tpu.memory_space<vmem>>
    %dma_wait3A_1109 = tpu.memref_squeeze %dma_wait3A_1108 : memref<1x128xf32, #tpu.memory_space<vmem>> -> memref<128xf32, #tpu.memory_space<vmem>>
    %dma_wait3A_1110 = arith.constant 0 : i32
    %dma_wait3A_1111 = tpu.memref_slice %arg5[%dma_wait3A_1106, %dma_wait3A_1110] : memref<80x128xi32, #tpu.memory_space<vmem>> -> memref<1x128xi32, #tpu.memory_space<vmem>>
    %dma_wait3A_1112 = tpu.memref_squeeze %dma_wait3A_1111 : memref<1x128xi32, #tpu.memory_space<vmem>> -> memref<128xi32, #tpu.memory_space<vmem>>
    %dma_wait3A_1113 = arith.constant 0 : i32
    %dma_wait3A_1114 = tpu.memref_slice %arg7[%dma_wait3A_1113] : memref<10240xf32, #tpu.memory_space<vmem_shared>> -> memref<10240xf32, #tpu.memory_space<vmem_shared>>
    tpu.wait_indirect_dma semaphore(%arg9 : memref<!tpu.dma_semaphore, #tpu.memory_space<semaphore_mem>>) src(%dma_wait3A_1109 : memref<128xf32, #tpu.memory_space<vmem>>) dst(%dma_wait3A_1114 : memref<10240xf32, #tpu.memory_space<vmem_shared>>)
    %dma_wait3A_1115 = arith.constant 31 : i32
    %dma_wait3A_1116 = arith.constant 31 : i32
    %dma_wait3A_1117 = arith.constant 0 : i32
    %dma_wait3A_1118 = tpu.memref_slice %arg6[%dma_wait3A_1115, %dma_wait3A_1117] : memref<80x128xf32, #tpu.memory_space<vmem>> -> memref<1x128xf32, #tpu.memory_space<vmem>>
    %dma_wait3A_1119 = tpu.memref_squeeze %dma_wait3A_1118 : memref<1x128xf32, #tpu.memory_space<vmem>> -> memref<128xf32, #tpu.memory_space<vmem>>
    %dma_wait3A_1120 = arith.constant 0 : i32
    %dma_wait3A_1121 = tpu.memref_slice %arg5[%dma_wait3A_1116, %dma_wait3A_1120] : memref<80x128xi32, #tpu.memory_space<vmem>> -> memref<1x128xi32, #tpu.memory_space<vmem>>
    %dma_wait3A_1122 = tpu.memref_squeeze %dma_wait3A_1121 : memref<1x128xi32, #tpu.memory_space<vmem>> -> memref<128xi32, #tpu.memory_space<vmem>>
    %dma_wait3A_1123 = arith.constant 0 : i32
    %dma_wait3A_1124 = tpu.memref_slice %arg7[%dma_wait3A_1123] : memref<10240xf32, #tpu.memory_space<vmem_shared>> -> memref<10240xf32, #tpu.memory_space<vmem_shared>>
    tpu.wait_indirect_dma semaphore(%arg9 : memref<!tpu.dma_semaphore, #tpu.memory_space<semaphore_mem>>) src(%dma_wait3A_1119 : memref<128xf32, #tpu.memory_space<vmem>>) dst(%dma_wait3A_1124 : memref<10240xf32, #tpu.memory_space<vmem_shared>>)
    %dma_wait3A_1125 = arith.constant 32 : i32
    %dma_wait3A_1126 = arith.constant 32 : i32
    %dma_wait3A_1127 = arith.constant 0 : i32
    %dma_wait3A_1128 = tpu.memref_slice %arg6[%dma_wait3A_1125, %dma_wait3A_1127] : memref<80x128xf32, #tpu.memory_space<vmem>> -> memref<1x128xf32, #tpu.memory_space<vmem>>
    %dma_wait3A_1129 = tpu.memref_squeeze %dma_wait3A_1128 : memref<1x128xf32, #tpu.memory_space<vmem>> -> memref<128xf32, #tpu.memory_space<vmem>>
    %dma_wait3A_1130 = arith.constant 0 : i32
    %dma_wait3A_1131 = tpu.memref_slice %arg5[%dma_wait3A_1126, %dma_wait3A_1130] : memref<80x128xi32, #tpu.memory_space<vmem>> -> memref<1x128xi32, #tpu.memory_space<vmem>>
    %dma_wait3A_1132 = tpu.memref_squeeze %dma_wait3A_1131 : memref<1x128xi32, #tpu.memory_space<vmem>> -> memref<128xi32, #tpu.memory_space<vmem>>
    %dma_wait3A_1133 = arith.constant 0 : i32
    %dma_wait3A_1134 = tpu.memref_slice %arg7[%dma_wait3A_1133] : memref<10240xf32, #tpu.memory_space<vmem_shared>> -> memref<10240xf32, #tpu.memory_space<vmem_shared>>
    tpu.wait_indirect_dma semaphore(%arg9 : memref<!tpu.dma_semaphore, #tpu.memory_space<semaphore_mem>>) src(%dma_wait3A_1129 : memref<128xf32, #tpu.memory_space<vmem>>) dst(%dma_wait3A_1134 : memref<10240xf32, #tpu.memory_space<vmem_shared>>)
    %dma_wait3A_1135 = arith.constant 33 : i32
    %dma_wait3A_1136 = arith.constant 33 : i32
    %dma_wait3A_1137 = arith.constant 0 : i32
    %dma_wait3A_1138 = tpu.memref_slice %arg6[%dma_wait3A_1135, %dma_wait3A_1137] : memref<80x128xf32, #tpu.memory_space<vmem>> -> memref<1x128xf32, #tpu.memory_space<vmem>>
    %dma_wait3A_1139 = tpu.memref_squeeze %dma_wait3A_1138 : memref<1x128xf32, #tpu.memory_space<vmem>> -> memref<128xf32, #tpu.memory_space<vmem>>
    %dma_wait3A_1140 = arith.constant 0 : i32
    %dma_wait3A_1141 = tpu.memref_slice %arg5[%dma_wait3A_1136, %dma_wait3A_1140] : memref<80x128xi32, #tpu.memory_space<vmem>> -> memref<1x128xi32, #tpu.memory_space<vmem>>
    %dma_wait3A_1142 = tpu.memref_squeeze %dma_wait3A_1141 : memref<1x128xi32, #tpu.memory_space<vmem>> -> memref<128xi32, #tpu.memory_space<vmem>>
    %dma_wait3A_1143 = arith.constant 0 : i32
    %dma_wait3A_1144 = tpu.memref_slice %arg7[%dma_wait3A_1143] : memref<10240xf32, #tpu.memory_space<vmem_shared>> -> memref<10240xf32, #tpu.memory_space<vmem_shared>>
    tpu.wait_indirect_dma semaphore(%arg9 : memref<!tpu.dma_semaphore, #tpu.memory_space<semaphore_mem>>) src(%dma_wait3A_1139 : memref<128xf32, #tpu.memory_space<vmem>>) dst(%dma_wait3A_1144 : memref<10240xf32, #tpu.memory_space<vmem_shared>>)
    %dma_wait3A_1145 = arith.constant 34 : i32
    %dma_wait3A_1146 = arith.constant 34 : i32
    %dma_wait3A_1147 = arith.constant 0 : i32
    %dma_wait3A_1148 = tpu.memref_slice %arg6[%dma_wait3A_1145, %dma_wait3A_1147] : memref<80x128xf32, #tpu.memory_space<vmem>> -> memref<1x128xf32, #tpu.memory_space<vmem>>
    %dma_wait3A_1149 = tpu.memref_squeeze %dma_wait3A_1148 : memref<1x128xf32, #tpu.memory_space<vmem>> -> memref<128xf32, #tpu.memory_space<vmem>>
    %dma_wait3A_1150 = arith.constant 0 : i32
    %dma_wait3A_1151 = tpu.memref_slice %arg5[%dma_wait3A_1146, %dma_wait3A_1150] : memref<80x128xi32, #tpu.memory_space<vmem>> -> memref<1x128xi32, #tpu.memory_space<vmem>>
    %dma_wait3A_1152 = tpu.memref_squeeze %dma_wait3A_1151 : memref<1x128xi32, #tpu.memory_space<vmem>> -> memref<128xi32, #tpu.memory_space<vmem>>
    %dma_wait3A_1153 = arith.constant 0 : i32
    %dma_wait3A_1154 = tpu.memref_slice %arg7[%dma_wait3A_1153] : memref<10240xf32, #tpu.memory_space<vmem_shared>> -> memref<10240xf32, #tpu.memory_space<vmem_shared>>
    tpu.wait_indirect_dma semaphore(%arg9 : memref<!tpu.dma_semaphore, #tpu.memory_space<semaphore_mem>>) src(%dma_wait3A_1149 : memref<128xf32, #tpu.memory_space<vmem>>) dst(%dma_wait3A_1154 : memref<10240xf32, #tpu.memory_space<vmem_shared>>)
    %dma_wait3A_1155 = arith.constant 35 : i32
    %dma_wait3A_1156 = arith.constant 35 : i32
    %dma_wait3A_1157 = arith.constant 0 : i32
    %dma_wait3A_1158 = tpu.memref_slice %arg6[%dma_wait3A_1155, %dma_wait3A_1157] : memref<80x128xf32, #tpu.memory_space<vmem>> -> memref<1x128xf32, #tpu.memory_space<vmem>>
    %dma_wait3A_1159 = tpu.memref_squeeze %dma_wait3A_1158 : memref<1x128xf32, #tpu.memory_space<vmem>> -> memref<128xf32, #tpu.memory_space<vmem>>
    %dma_wait3A_1160 = arith.constant 0 : i32
    %dma_wait3A_1161 = tpu.memref_slice %arg5[%dma_wait3A_1156, %dma_wait3A_1160] : memref<80x128xi32, #tpu.memory_space<vmem>> -> memref<1x128xi32, #tpu.memory_space<vmem>>
    %dma_wait3A_1162 = tpu.memref_squeeze %dma_wait3A_1161 : memref<1x128xi32, #tpu.memory_space<vmem>> -> memref<128xi32, #tpu.memory_space<vmem>>
    %dma_wait3A_1163 = arith.constant 0 : i32
    %dma_wait3A_1164 = tpu.memref_slice %arg7[%dma_wait3A_1163] : memref<10240xf32, #tpu.memory_space<vmem_shared>> -> memref<10240xf32, #tpu.memory_space<vmem_shared>>
    tpu.wait_indirect_dma semaphore(%arg9 : memref<!tpu.dma_semaphore, #tpu.memory_space<semaphore_mem>>) src(%dma_wait3A_1159 : memref<128xf32, #tpu.memory_space<vmem>>) dst(%dma_wait3A_1164 : memref<10240xf32, #tpu.memory_space<vmem_shared>>)
    %dma_wait3A_1165 = arith.constant 36 : i32
    %dma_wait3A_1166 = arith.constant 36 : i32
    %dma_wait3A_1167 = arith.constant 0 : i32
    %dma_wait3A_1168 = tpu.memref_slice %arg6[%dma_wait3A_1165, %dma_wait3A_1167] : memref<80x128xf32, #tpu.memory_space<vmem>> -> memref<1x128xf32, #tpu.memory_space<vmem>>
    %dma_wait3A_1169 = tpu.memref_squeeze %dma_wait3A_1168 : memref<1x128xf32, #tpu.memory_space<vmem>> -> memref<128xf32, #tpu.memory_space<vmem>>
    %dma_wait3A_1170 = arith.constant 0 : i32
    %dma_wait3A_1171 = tpu.memref_slice %arg5[%dma_wait3A_1166, %dma_wait3A_1170] : memref<80x128xi32, #tpu.memory_space<vmem>> -> memref<1x128xi32, #tpu.memory_space<vmem>>
    %dma_wait3A_1172 = tpu.memref_squeeze %dma_wait3A_1171 : memref<1x128xi32, #tpu.memory_space<vmem>> -> memref<128xi32, #tpu.memory_space<vmem>>
    %dma_wait3A_1173 = arith.constant 0 : i32
    %dma_wait3A_1174 = tpu.memref_slice %arg7[%dma_wait3A_1173] : memref<10240xf32, #tpu.memory_space<vmem_shared>> -> memref<10240xf32, #tpu.memory_space<vmem_shared>>
    tpu.wait_indirect_dma semaphore(%arg9 : memref<!tpu.dma_semaphore, #tpu.memory_space<semaphore_mem>>) src(%dma_wait3A_1169 : memref<128xf32, #tpu.memory_space<vmem>>) dst(%dma_wait3A_1174 : memref<10240xf32, #tpu.memory_space<vmem_shared>>)
    %dma_wait3A_1175 = arith.constant 37 : i32
    %dma_wait3A_1176 = arith.constant 37 : i32
    %dma_wait3A_1177 = arith.constant 0 : i32
    %dma_wait3A_1178 = tpu.memref_slice %arg6[%dma_wait3A_1175, %dma_wait3A_1177] : memref<80x128xf32, #tpu.memory_space<vmem>> -> memref<1x128xf32, #tpu.memory_space<vmem>>
    %dma_wait3A_1179 = tpu.memref_squeeze %dma_wait3A_1178 : memref<1x128xf32, #tpu.memory_space<vmem>> -> memref<128xf32, #tpu.memory_space<vmem>>
    %dma_wait3A_1180 = arith.constant 0 : i32
    %dma_wait3A_1181 = tpu.memref_slice %arg5[%dma_wait3A_1176, %dma_wait3A_1180] : memref<80x128xi32, #tpu.memory_space<vmem>> -> memref<1x128xi32, #tpu.memory_space<vmem>>
    %dma_wait3A_1182 = tpu.memref_squeeze %dma_wait3A_1181 : memref<1x128xi32, #tpu.memory_space<vmem>> -> memref<128xi32, #tpu.memory_space<vmem>>
    %dma_wait3A_1183 = arith.constant 0 : i32
    %dma_wait3A_1184 = tpu.memref_slice %arg7[%dma_wait3A_1183] : memref<10240xf32, #tpu.memory_space<vmem_shared>> -> memref<10240xf32, #tpu.memory_space<vmem_shared>>
    tpu.wait_indirect_dma semaphore(%arg9 : memref<!tpu.dma_semaphore, #tpu.memory_space<semaphore_mem>>) src(%dma_wait3A_1179 : memref<128xf32, #tpu.memory_space<vmem>>) dst(%dma_wait3A_1184 : memref<10240xf32, #tpu.memory_space<vmem_shared>>)
    %dma_wait3A_1185 = arith.constant 38 : i32
    %dma_wait3A_1186 = arith.constant 38 : i32
    %dma_wait3A_1187 = arith.constant 0 : i32
    %dma_wait3A_1188 = tpu.memref_slice %arg6[%dma_wait3A_1185, %dma_wait3A_1187] : memref<80x128xf32, #tpu.memory_space<vmem>> -> memref<1x128xf32, #tpu.memory_space<vmem>>
    %dma_wait3A_1189 = tpu.memref_squeeze %dma_wait3A_1188 : memref<1x128xf32, #tpu.memory_space<vmem>> -> memref<128xf32, #tpu.memory_space<vmem>>
    %dma_wait3A_1190 = arith.constant 0 : i32
    %dma_wait3A_1191 = tpu.memref_slice %arg5[%dma_wait3A_1186, %dma_wait3A_1190] : memref<80x128xi32, #tpu.memory_space<vmem>> -> memref<1x128xi32, #tpu.memory_space<vmem>>
    %dma_wait3A_1192 = tpu.memref_squeeze %dma_wait3A_1191 : memref<1x128xi32, #tpu.memory_space<vmem>> -> memref<128xi32, #tpu.memory_space<vmem>>
    %dma_wait3A_1193 = arith.constant 0 : i32
    %dma_wait3A_1194 = tpu.memref_slice %arg7[%dma_wait3A_1193] : memref<10240xf32, #tpu.memory_space<vmem_shared>> -> memref<10240xf32, #tpu.memory_space<vmem_shared>>
    tpu.wait_indirect_dma semaphore(%arg9 : memref<!tpu.dma_semaphore, #tpu.memory_space<semaphore_mem>>) src(%dma_wait3A_1189 : memref<128xf32, #tpu.memory_space<vmem>>) dst(%dma_wait3A_1194 : memref<10240xf32, #tpu.memory_space<vmem_shared>>)
    %dma_wait3A_1195 = arith.constant 39 : i32
    %dma_wait3A_1196 = arith.constant 39 : i32
    %dma_wait3A_1197 = arith.constant 0 : i32
    %dma_wait3A_1198 = tpu.memref_slice %arg6[%dma_wait3A_1195, %dma_wait3A_1197] : memref<80x128xf32, #tpu.memory_space<vmem>> -> memref<1x128xf32, #tpu.memory_space<vmem>>
    %dma_wait3A_1199 = tpu.memref_squeeze %dma_wait3A_1198 : memref<1x128xf32, #tpu.memory_space<vmem>> -> memref<128xf32, #tpu.memory_space<vmem>>
    %dma_wait3A_1200 = arith.constant 0 : i32
    %dma_wait3A_1201 = tpu.memref_slice %arg5[%dma_wait3A_1196, %dma_wait3A_1200] : memref<80x128xi32, #tpu.memory_space<vmem>> -> memref<1x128xi32, #tpu.memory_space<vmem>>
    %dma_wait3A_1202 = tpu.memref_squeeze %dma_wait3A_1201 : memref<1x128xi32, #tpu.memory_space<vmem>> -> memref<128xi32, #tpu.memory_space<vmem>>
    %dma_wait3A_1203 = arith.constant 0 : i32
    %dma_wait3A_1204 = tpu.memref_slice %arg7[%dma_wait3A_1203] : memref<10240xf32, #tpu.memory_space<vmem_shared>> -> memref<10240xf32, #tpu.memory_space<vmem_shared>>
    tpu.wait_indirect_dma semaphore(%arg9 : memref<!tpu.dma_semaphore, #tpu.memory_space<semaphore_mem>>) src(%dma_wait3A_1199 : memref<128xf32, #tpu.memory_space<vmem>>) dst(%dma_wait3A_1204 : memref<10240xf32, #tpu.memory_space<vmem_shared>>)
    %dma_wait3A_1205 = arith.constant 40 : i32
    %dma_wait3A_1206 = arith.constant 40 : i32
    %dma_wait3A_1207 = arith.constant 0 : i32
    %dma_wait3A_1208 = tpu.memref_slice %arg6[%dma_wait3A_1205, %dma_wait3A_1207] : memref<80x128xf32, #tpu.memory_space<vmem>> -> memref<1x128xf32, #tpu.memory_space<vmem>>
    %dma_wait3A_1209 = tpu.memref_squeeze %dma_wait3A_1208 : memref<1x128xf32, #tpu.memory_space<vmem>> -> memref<128xf32, #tpu.memory_space<vmem>>
    %dma_wait3A_1210 = arith.constant 0 : i32
    %dma_wait3A_1211 = tpu.memref_slice %arg5[%dma_wait3A_1206, %dma_wait3A_1210] : memref<80x128xi32, #tpu.memory_space<vmem>> -> memref<1x128xi32, #tpu.memory_space<vmem>>
    %dma_wait3A_1212 = tpu.memref_squeeze %dma_wait3A_1211 : memref<1x128xi32, #tpu.memory_space<vmem>> -> memref<128xi32, #tpu.memory_space<vmem>>
    %dma_wait3A_1213 = arith.constant 0 : i32
    %dma_wait3A_1214 = tpu.memref_slice %arg7[%dma_wait3A_1213] : memref<10240xf32, #tpu.memory_space<vmem_shared>> -> memref<10240xf32, #tpu.memory_space<vmem_shared>>
    tpu.wait_indirect_dma semaphore(%arg9 : memref<!tpu.dma_semaphore, #tpu.memory_space<semaphore_mem>>) src(%dma_wait3A_1209 : memref<128xf32, #tpu.memory_space<vmem>>) dst(%dma_wait3A_1214 : memref<10240xf32, #tpu.memory_space<vmem_shared>>)
    %dma_wait3A_1215 = arith.constant 41 : i32
    %dma_wait3A_1216 = arith.constant 41 : i32
    %dma_wait3A_1217 = arith.constant 0 : i32
    %dma_wait3A_1218 = tpu.memref_slice %arg6[%dma_wait3A_1215, %dma_wait3A_1217] : memref<80x128xf32, #tpu.memory_space<vmem>> -> memref<1x128xf32, #tpu.memory_space<vmem>>
    %dma_wait3A_1219 = tpu.memref_squeeze %dma_wait3A_1218 : memref<1x128xf32, #tpu.memory_space<vmem>> -> memref<128xf32, #tpu.memory_space<vmem>>
    %dma_wait3A_1220 = arith.constant 0 : i32
    %dma_wait3A_1221 = tpu.memref_slice %arg5[%dma_wait3A_1216, %dma_wait3A_1220] : memref<80x128xi32, #tpu.memory_space<vmem>> -> memref<1x128xi32, #tpu.memory_space<vmem>>
    %dma_wait3A_1222 = tpu.memref_squeeze %dma_wait3A_1221 : memref<1x128xi32, #tpu.memory_space<vmem>> -> memref<128xi32, #tpu.memory_space<vmem>>
    %dma_wait3A_1223 = arith.constant 0 : i32
    %dma_wait3A_1224 = tpu.memref_slice %arg7[%dma_wait3A_1223] : memref<10240xf32, #tpu.memory_space<vmem_shared>> -> memref<10240xf32, #tpu.memory_space<vmem_shared>>
    tpu.wait_indirect_dma semaphore(%arg9 : memref<!tpu.dma_semaphore, #tpu.memory_space<semaphore_mem>>) src(%dma_wait3A_1219 : memref<128xf32, #tpu.memory_space<vmem>>) dst(%dma_wait3A_1224 : memref<10240xf32, #tpu.memory_space<vmem_shared>>)
    %dma_wait3A_1225 = arith.constant 42 : i32
    %dma_wait3A_1226 = arith.constant 42 : i32
    %dma_wait3A_1227 = arith.constant 0 : i32
    %dma_wait3A_1228 = tpu.memref_slice %arg6[%dma_wait3A_1225, %dma_wait3A_1227] : memref<80x128xf32, #tpu.memory_space<vmem>> -> memref<1x128xf32, #tpu.memory_space<vmem>>
    %dma_wait3A_1229 = tpu.memref_squeeze %dma_wait3A_1228 : memref<1x128xf32, #tpu.memory_space<vmem>> -> memref<128xf32, #tpu.memory_space<vmem>>
    %dma_wait3A_1230 = arith.constant 0 : i32
    %dma_wait3A_1231 = tpu.memref_slice %arg5[%dma_wait3A_1226, %dma_wait3A_1230] : memref<80x128xi32, #tpu.memory_space<vmem>> -> memref<1x128xi32, #tpu.memory_space<vmem>>
    %dma_wait3A_1232 = tpu.memref_squeeze %dma_wait3A_1231 : memref<1x128xi32, #tpu.memory_space<vmem>> -> memref<128xi32, #tpu.memory_space<vmem>>
    %dma_wait3A_1233 = arith.constant 0 : i32
    %dma_wait3A_1234 = tpu.memref_slice %arg7[%dma_wait3A_1233] : memref<10240xf32, #tpu.memory_space<vmem_shared>> -> memref<10240xf32, #tpu.memory_space<vmem_shared>>
    tpu.wait_indirect_dma semaphore(%arg9 : memref<!tpu.dma_semaphore, #tpu.memory_space<semaphore_mem>>) src(%dma_wait3A_1229 : memref<128xf32, #tpu.memory_space<vmem>>) dst(%dma_wait3A_1234 : memref<10240xf32, #tpu.memory_space<vmem_shared>>)
    %dma_wait3A_1235 = arith.constant 43 : i32
    %dma_wait3A_1236 = arith.constant 43 : i32
    %dma_wait3A_1237 = arith.constant 0 : i32
    %dma_wait3A_1238 = tpu.memref_slice %arg6[%dma_wait3A_1235, %dma_wait3A_1237] : memref<80x128xf32, #tpu.memory_space<vmem>> -> memref<1x128xf32, #tpu.memory_space<vmem>>
    %dma_wait3A_1239 = tpu.memref_squeeze %dma_wait3A_1238 : memref<1x128xf32, #tpu.memory_space<vmem>> -> memref<128xf32, #tpu.memory_space<vmem>>
    %dma_wait3A_1240 = arith.constant 0 : i32
    %dma_wait3A_1241 = tpu.memref_slice %arg5[%dma_wait3A_1236, %dma_wait3A_1240] : memref<80x128xi32, #tpu.memory_space<vmem>> -> memref<1x128xi32, #tpu.memory_space<vmem>>
    %dma_wait3A_1242 = tpu.memref_squeeze %dma_wait3A_1241 : memref<1x128xi32, #tpu.memory_space<vmem>> -> memref<128xi32, #tpu.memory_space<vmem>>
    %dma_wait3A_1243 = arith.constant 0 : i32
    %dma_wait3A_1244 = tpu.memref_slice %arg7[%dma_wait3A_1243] : memref<10240xf32, #tpu.memory_space<vmem_shared>> -> memref<10240xf32, #tpu.memory_space<vmem_shared>>
    tpu.wait_indirect_dma semaphore(%arg9 : memref<!tpu.dma_semaphore, #tpu.memory_space<semaphore_mem>>) src(%dma_wait3A_1239 : memref<128xf32, #tpu.memory_space<vmem>>) dst(%dma_wait3A_1244 : memref<10240xf32, #tpu.memory_space<vmem_shared>>)
    %dma_wait3A_1245 = arith.constant 44 : i32
    %dma_wait3A_1246 = arith.constant 44 : i32
    %dma_wait3A_1247 = arith.constant 0 : i32
    %dma_wait3A_1248 = tpu.memref_slice %arg6[%dma_wait3A_1245, %dma_wait3A_1247] : memref<80x128xf32, #tpu.memory_space<vmem>> -> memref<1x128xf32, #tpu.memory_space<vmem>>
    %dma_wait3A_1249 = tpu.memref_squeeze %dma_wait3A_1248 : memref<1x128xf32, #tpu.memory_space<vmem>> -> memref<128xf32, #tpu.memory_space<vmem>>
    %dma_wait3A_1250 = arith.constant 0 : i32
    %dma_wait3A_1251 = tpu.memref_slice %arg5[%dma_wait3A_1246, %dma_wait3A_1250] : memref<80x128xi32, #tpu.memory_space<vmem>> -> memref<1x128xi32, #tpu.memory_space<vmem>>
    %dma_wait3A_1252 = tpu.memref_squeeze %dma_wait3A_1251 : memref<1x128xi32, #tpu.memory_space<vmem>> -> memref<128xi32, #tpu.memory_space<vmem>>
    %dma_wait3A_1253 = arith.constant 0 : i32
    %dma_wait3A_1254 = tpu.memref_slice %arg7[%dma_wait3A_1253] : memref<10240xf32, #tpu.memory_space<vmem_shared>> -> memref<10240xf32, #tpu.memory_space<vmem_shared>>
    tpu.wait_indirect_dma semaphore(%arg9 : memref<!tpu.dma_semaphore, #tpu.memory_space<semaphore_mem>>) src(%dma_wait3A_1249 : memref<128xf32, #tpu.memory_space<vmem>>) dst(%dma_wait3A_1254 : memref<10240xf32, #tpu.memory_space<vmem_shared>>)
    %dma_wait3A_1255 = arith.constant 45 : i32
    %dma_wait3A_1256 = arith.constant 45 : i32
    %dma_wait3A_1257 = arith.constant 0 : i32
    %dma_wait3A_1258 = tpu.memref_slice %arg6[%dma_wait3A_1255, %dma_wait3A_1257] : memref<80x128xf32, #tpu.memory_space<vmem>> -> memref<1x128xf32, #tpu.memory_space<vmem>>
    %dma_wait3A_1259 = tpu.memref_squeeze %dma_wait3A_1258 : memref<1x128xf32, #tpu.memory_space<vmem>> -> memref<128xf32, #tpu.memory_space<vmem>>
    %dma_wait3A_1260 = arith.constant 0 : i32
    %dma_wait3A_1261 = tpu.memref_slice %arg5[%dma_wait3A_1256, %dma_wait3A_1260] : memref<80x128xi32, #tpu.memory_space<vmem>> -> memref<1x128xi32, #tpu.memory_space<vmem>>
    %dma_wait3A_1262 = tpu.memref_squeeze %dma_wait3A_1261 : memref<1x128xi32, #tpu.memory_space<vmem>> -> memref<128xi32, #tpu.memory_space<vmem>>
    %dma_wait3A_1263 = arith.constant 0 : i32
    %dma_wait3A_1264 = tpu.memref_slice %arg7[%dma_wait3A_1263] : memref<10240xf32, #tpu.memory_space<vmem_shared>> -> memref<10240xf32, #tpu.memory_space<vmem_shared>>
    tpu.wait_indirect_dma semaphore(%arg9 : memref<!tpu.dma_semaphore, #tpu.memory_space<semaphore_mem>>) src(%dma_wait3A_1259 : memref<128xf32, #tpu.memory_space<vmem>>) dst(%dma_wait3A_1264 : memref<10240xf32, #tpu.memory_space<vmem_shared>>)
    %dma_wait3A_1265 = arith.constant 46 : i32
    %dma_wait3A_1266 = arith.constant 46 : i32
    %dma_wait3A_1267 = arith.constant 0 : i32
    %dma_wait3A_1268 = tpu.memref_slice %arg6[%dma_wait3A_1265, %dma_wait3A_1267] : memref<80x128xf32, #tpu.memory_space<vmem>> -> memref<1x128xf32, #tpu.memory_space<vmem>>
    %dma_wait3A_1269 = tpu.memref_squeeze %dma_wait3A_1268 : memref<1x128xf32, #tpu.memory_space<vmem>> -> memref<128xf32, #tpu.memory_space<vmem>>
    %dma_wait3A_1270 = arith.constant 0 : i32
    %dma_wait3A_1271 = tpu.memref_slice %arg5[%dma_wait3A_1266, %dma_wait3A_1270] : memref<80x128xi32, #tpu.memory_space<vmem>> -> memref<1x128xi32, #tpu.memory_space<vmem>>
    %dma_wait3A_1272 = tpu.memref_squeeze %dma_wait3A_1271 : memref<1x128xi32, #tpu.memory_space<vmem>> -> memref<128xi32, #tpu.memory_space<vmem>>
    %dma_wait3A_1273 = arith.constant 0 : i32
    %dma_wait3A_1274 = tpu.memref_slice %arg7[%dma_wait3A_1273] : memref<10240xf32, #tpu.memory_space<vmem_shared>> -> memref<10240xf32, #tpu.memory_space<vmem_shared>>
    tpu.wait_indirect_dma semaphore(%arg9 : memref<!tpu.dma_semaphore, #tpu.memory_space<semaphore_mem>>) src(%dma_wait3A_1269 : memref<128xf32, #tpu.memory_space<vmem>>) dst(%dma_wait3A_1274 : memref<10240xf32, #tpu.memory_space<vmem_shared>>)
    %dma_wait3A_1275 = arith.constant 47 : i32
    %dma_wait3A_1276 = arith.constant 47 : i32
    %dma_wait3A_1277 = arith.constant 0 : i32
    %dma_wait3A_1278 = tpu.memref_slice %arg6[%dma_wait3A_1275, %dma_wait3A_1277] : memref<80x128xf32, #tpu.memory_space<vmem>> -> memref<1x128xf32, #tpu.memory_space<vmem>>
    %dma_wait3A_1279 = tpu.memref_squeeze %dma_wait3A_1278 : memref<1x128xf32, #tpu.memory_space<vmem>> -> memref<128xf32, #tpu.memory_space<vmem>>
    %dma_wait3A_1280 = arith.constant 0 : i32
    %dma_wait3A_1281 = tpu.memref_slice %arg5[%dma_wait3A_1276, %dma_wait3A_1280] : memref<80x128xi32, #tpu.memory_space<vmem>> -> memref<1x128xi32, #tpu.memory_space<vmem>>
    %dma_wait3A_1282 = tpu.memref_squeeze %dma_wait3A_1281 : memref<1x128xi32, #tpu.memory_space<vmem>> -> memref<128xi32, #tpu.memory_space<vmem>>
    %dma_wait3A_1283 = arith.constant 0 : i32
    %dma_wait3A_1284 = tpu.memref_slice %arg7[%dma_wait3A_1283] : memref<10240xf32, #tpu.memory_space<vmem_shared>> -> memref<10240xf32, #tpu.memory_space<vmem_shared>>
    tpu.wait_indirect_dma semaphore(%arg9 : memref<!tpu.dma_semaphore, #tpu.memory_space<semaphore_mem>>) src(%dma_wait3A_1279 : memref<128xf32, #tpu.memory_space<vmem>>) dst(%dma_wait3A_1284 : memref<10240xf32, #tpu.memory_space<vmem_shared>>)
    %dma_wait3A_1285 = arith.constant 48 : i32
    %dma_wait3A_1286 = arith.constant 48 : i32
    %dma_wait3A_1287 = arith.constant 0 : i32
    %dma_wait3A_1288 = tpu.memref_slice %arg6[%dma_wait3A_1285, %dma_wait3A_1287] : memref<80x128xf32, #tpu.memory_space<vmem>> -> memref<1x128xf32, #tpu.memory_space<vmem>>
    %dma_wait3A_1289 = tpu.memref_squeeze %dma_wait3A_1288 : memref<1x128xf32, #tpu.memory_space<vmem>> -> memref<128xf32, #tpu.memory_space<vmem>>
    %dma_wait3A_1290 = arith.constant 0 : i32
    %dma_wait3A_1291 = tpu.memref_slice %arg5[%dma_wait3A_1286, %dma_wait3A_1290] : memref<80x128xi32, #tpu.memory_space<vmem>> -> memref<1x128xi32, #tpu.memory_space<vmem>>
    %dma_wait3A_1292 = tpu.memref_squeeze %dma_wait3A_1291 : memref<1x128xi32, #tpu.memory_space<vmem>> -> memref<128xi32, #tpu.memory_space<vmem>>
    %dma_wait3A_1293 = arith.constant 0 : i32
    %dma_wait3A_1294 = tpu.memref_slice %arg7[%dma_wait3A_1293] : memref<10240xf32, #tpu.memory_space<vmem_shared>> -> memref<10240xf32, #tpu.memory_space<vmem_shared>>
    tpu.wait_indirect_dma semaphore(%arg9 : memref<!tpu.dma_semaphore, #tpu.memory_space<semaphore_mem>>) src(%dma_wait3A_1289 : memref<128xf32, #tpu.memory_space<vmem>>) dst(%dma_wait3A_1294 : memref<10240xf32, #tpu.memory_space<vmem_shared>>)
    %dma_wait3A_1295 = arith.constant 49 : i32
    %dma_wait3A_1296 = arith.constant 49 : i32
    %dma_wait3A_1297 = arith.constant 0 : i32
    %dma_wait3A_1298 = tpu.memref_slice %arg6[%dma_wait3A_1295, %dma_wait3A_1297] : memref<80x128xf32, #tpu.memory_space<vmem>> -> memref<1x128xf32, #tpu.memory_space<vmem>>
    %dma_wait3A_1299 = tpu.memref_squeeze %dma_wait3A_1298 : memref<1x128xf32, #tpu.memory_space<vmem>> -> memref<128xf32, #tpu.memory_space<vmem>>
    %dma_wait3A_1300 = arith.constant 0 : i32
    %dma_wait3A_1301 = tpu.memref_slice %arg5[%dma_wait3A_1296, %dma_wait3A_1300] : memref<80x128xi32, #tpu.memory_space<vmem>> -> memref<1x128xi32, #tpu.memory_space<vmem>>
    %dma_wait3A_1302 = tpu.memref_squeeze %dma_wait3A_1301 : memref<1x128xi32, #tpu.memory_space<vmem>> -> memref<128xi32, #tpu.memory_space<vmem>>
    %dma_wait3A_1303 = arith.constant 0 : i32
    %dma_wait3A_1304 = tpu.memref_slice %arg7[%dma_wait3A_1303] : memref<10240xf32, #tpu.memory_space<vmem_shared>> -> memref<10240xf32, #tpu.memory_space<vmem_shared>>
    tpu.wait_indirect_dma semaphore(%arg9 : memref<!tpu.dma_semaphore, #tpu.memory_space<semaphore_mem>>) src(%dma_wait3A_1299 : memref<128xf32, #tpu.memory_space<vmem>>) dst(%dma_wait3A_1304 : memref<10240xf32, #tpu.memory_space<vmem_shared>>)
    %dma_wait3A_1305 = arith.constant 50 : i32
    %dma_wait3A_1306 = arith.constant 50 : i32
    %dma_wait3A_1307 = arith.constant 0 : i32
    %dma_wait3A_1308 = tpu.memref_slice %arg6[%dma_wait3A_1305, %dma_wait3A_1307] : memref<80x128xf32, #tpu.memory_space<vmem>> -> memref<1x128xf32, #tpu.memory_space<vmem>>
    %dma_wait3A_1309 = tpu.memref_squeeze %dma_wait3A_1308 : memref<1x128xf32, #tpu.memory_space<vmem>> -> memref<128xf32, #tpu.memory_space<vmem>>
    %dma_wait3A_1310 = arith.constant 0 : i32
    %dma_wait3A_1311 = tpu.memref_slice %arg5[%dma_wait3A_1306, %dma_wait3A_1310] : memref<80x128xi32, #tpu.memory_space<vmem>> -> memref<1x128xi32, #tpu.memory_space<vmem>>
    %dma_wait3A_1312 = tpu.memref_squeeze %dma_wait3A_1311 : memref<1x128xi32, #tpu.memory_space<vmem>> -> memref<128xi32, #tpu.memory_space<vmem>>
    %dma_wait3A_1313 = arith.constant 0 : i32
    %dma_wait3A_1314 = tpu.memref_slice %arg7[%dma_wait3A_1313] : memref<10240xf32, #tpu.memory_space<vmem_shared>> -> memref<10240xf32, #tpu.memory_space<vmem_shared>>
    tpu.wait_indirect_dma semaphore(%arg9 : memref<!tpu.dma_semaphore, #tpu.memory_space<semaphore_mem>>) src(%dma_wait3A_1309 : memref<128xf32, #tpu.memory_space<vmem>>) dst(%dma_wait3A_1314 : memref<10240xf32, #tpu.memory_space<vmem_shared>>)
    %dma_wait3A_1315 = arith.constant 51 : i32
    %dma_wait3A_1316 = arith.constant 51 : i32
    %dma_wait3A_1317 = arith.constant 0 : i32
    %dma_wait3A_1318 = tpu.memref_slice %arg6[%dma_wait3A_1315, %dma_wait3A_1317] : memref<80x128xf32, #tpu.memory_space<vmem>> -> memref<1x128xf32, #tpu.memory_space<vmem>>
    %dma_wait3A_1319 = tpu.memref_squeeze %dma_wait3A_1318 : memref<1x128xf32, #tpu.memory_space<vmem>> -> memref<128xf32, #tpu.memory_space<vmem>>
    %dma_wait3A_1320 = arith.constant 0 : i32
    %dma_wait3A_1321 = tpu.memref_slice %arg5[%dma_wait3A_1316, %dma_wait3A_1320] : memref<80x128xi32, #tpu.memory_space<vmem>> -> memref<1x128xi32, #tpu.memory_space<vmem>>
    %dma_wait3A_1322 = tpu.memref_squeeze %dma_wait3A_1321 : memref<1x128xi32, #tpu.memory_space<vmem>> -> memref<128xi32, #tpu.memory_space<vmem>>
    %dma_wait3A_1323 = arith.constant 0 : i32
    %dma_wait3A_1324 = tpu.memref_slice %arg7[%dma_wait3A_1323] : memref<10240xf32, #tpu.memory_space<vmem_shared>> -> memref<10240xf32, #tpu.memory_space<vmem_shared>>
    tpu.wait_indirect_dma semaphore(%arg9 : memref<!tpu.dma_semaphore, #tpu.memory_space<semaphore_mem>>) src(%dma_wait3A_1319 : memref<128xf32, #tpu.memory_space<vmem>>) dst(%dma_wait3A_1324 : memref<10240xf32, #tpu.memory_space<vmem_shared>>)
    %dma_wait3A_1325 = arith.constant 52 : i32
    %dma_wait3A_1326 = arith.constant 52 : i32
    %dma_wait3A_1327 = arith.constant 0 : i32
    %dma_wait3A_1328 = tpu.memref_slice %arg6[%dma_wait3A_1325, %dma_wait3A_1327] : memref<80x128xf32, #tpu.memory_space<vmem>> -> memref<1x128xf32, #tpu.memory_space<vmem>>
    %dma_wait3A_1329 = tpu.memref_squeeze %dma_wait3A_1328 : memref<1x128xf32, #tpu.memory_space<vmem>> -> memref<128xf32, #tpu.memory_space<vmem>>
    %dma_wait3A_1330 = arith.constant 0 : i32
    %dma_wait3A_1331 = tpu.memref_slice %arg5[%dma_wait3A_1326, %dma_wait3A_1330] : memref<80x128xi32, #tpu.memory_space<vmem>> -> memref<1x128xi32, #tpu.memory_space<vmem>>
    %dma_wait3A_1332 = tpu.memref_squeeze %dma_wait3A_1331 : memref<1x128xi32, #tpu.memory_space<vmem>> -> memref<128xi32, #tpu.memory_space<vmem>>
    %dma_wait3A_1333 = arith.constant 0 : i32
    %dma_wait3A_1334 = tpu.memref_slice %arg7[%dma_wait3A_1333] : memref<10240xf32, #tpu.memory_space<vmem_shared>> -> memref<10240xf32, #tpu.memory_space<vmem_shared>>
    tpu.wait_indirect_dma semaphore(%arg9 : memref<!tpu.dma_semaphore, #tpu.memory_space<semaphore_mem>>) src(%dma_wait3A_1329 : memref<128xf32, #tpu.memory_space<vmem>>) dst(%dma_wait3A_1334 : memref<10240xf32, #tpu.memory_space<vmem_shared>>)
    %dma_wait3A_1335 = arith.constant 53 : i32
    %dma_wait3A_1336 = arith.constant 53 : i32
    %dma_wait3A_1337 = arith.constant 0 : i32
    %dma_wait3A_1338 = tpu.memref_slice %arg6[%dma_wait3A_1335, %dma_wait3A_1337] : memref<80x128xf32, #tpu.memory_space<vmem>> -> memref<1x128xf32, #tpu.memory_space<vmem>>
    %dma_wait3A_1339 = tpu.memref_squeeze %dma_wait3A_1338 : memref<1x128xf32, #tpu.memory_space<vmem>> -> memref<128xf32, #tpu.memory_space<vmem>>
    %dma_wait3A_1340 = arith.constant 0 : i32
    %dma_wait3A_1341 = tpu.memref_slice %arg5[%dma_wait3A_1336, %dma_wait3A_1340] : memref<80x128xi32, #tpu.memory_space<vmem>> -> memref<1x128xi32, #tpu.memory_space<vmem>>
    %dma_wait3A_1342 = tpu.memref_squeeze %dma_wait3A_1341 : memref<1x128xi32, #tpu.memory_space<vmem>> -> memref<128xi32, #tpu.memory_space<vmem>>
    %dma_wait3A_1343 = arith.constant 0 : i32
    %dma_wait3A_1344 = tpu.memref_slice %arg7[%dma_wait3A_1343] : memref<10240xf32, #tpu.memory_space<vmem_shared>> -> memref<10240xf32, #tpu.memory_space<vmem_shared>>
    tpu.wait_indirect_dma semaphore(%arg9 : memref<!tpu.dma_semaphore, #tpu.memory_space<semaphore_mem>>) src(%dma_wait3A_1339 : memref<128xf32, #tpu.memory_space<vmem>>) dst(%dma_wait3A_1344 : memref<10240xf32, #tpu.memory_space<vmem_shared>>)
    %dma_wait3A_1345 = arith.constant 54 : i32
    %dma_wait3A_1346 = arith.constant 54 : i32
    %dma_wait3A_1347 = arith.constant 0 : i32
    %dma_wait3A_1348 = tpu.memref_slice %arg6[%dma_wait3A_1345, %dma_wait3A_1347] : memref<80x128xf32, #tpu.memory_space<vmem>> -> memref<1x128xf32, #tpu.memory_space<vmem>>
    %dma_wait3A_1349 = tpu.memref_squeeze %dma_wait3A_1348 : memref<1x128xf32, #tpu.memory_space<vmem>> -> memref<128xf32, #tpu.memory_space<vmem>>
    %dma_wait3A_1350 = arith.constant 0 : i32
    %dma_wait3A_1351 = tpu.memref_slice %arg5[%dma_wait3A_1346, %dma_wait3A_1350] : memref<80x128xi32, #tpu.memory_space<vmem>> -> memref<1x128xi32, #tpu.memory_space<vmem>>
    %dma_wait3A_1352 = tpu.memref_squeeze %dma_wait3A_1351 : memref<1x128xi32, #tpu.memory_space<vmem>> -> memref<128xi32, #tpu.memory_space<vmem>>
    %dma_wait3A_1353 = arith.constant 0 : i32
    %dma_wait3A_1354 = tpu.memref_slice %arg7[%dma_wait3A_1353] : memref<10240xf32, #tpu.memory_space<vmem_shared>> -> memref<10240xf32, #tpu.memory_space<vmem_shared>>
    tpu.wait_indirect_dma semaphore(%arg9 : memref<!tpu.dma_semaphore, #tpu.memory_space<semaphore_mem>>) src(%dma_wait3A_1349 : memref<128xf32, #tpu.memory_space<vmem>>) dst(%dma_wait3A_1354 : memref<10240xf32, #tpu.memory_space<vmem_shared>>)
    %dma_wait3A_1355 = arith.constant 55 : i32
    %dma_wait3A_1356 = arith.constant 55 : i32
    %dma_wait3A_1357 = arith.constant 0 : i32
    %dma_wait3A_1358 = tpu.memref_slice %arg6[%dma_wait3A_1355, %dma_wait3A_1357] : memref<80x128xf32, #tpu.memory_space<vmem>> -> memref<1x128xf32, #tpu.memory_space<vmem>>
    %dma_wait3A_1359 = tpu.memref_squeeze %dma_wait3A_1358 : memref<1x128xf32, #tpu.memory_space<vmem>> -> memref<128xf32, #tpu.memory_space<vmem>>
    %dma_wait3A_1360 = arith.constant 0 : i32
    %dma_wait3A_1361 = tpu.memref_slice %arg5[%dma_wait3A_1356, %dma_wait3A_1360] : memref<80x128xi32, #tpu.memory_space<vmem>> -> memref<1x128xi32, #tpu.memory_space<vmem>>
    %dma_wait3A_1362 = tpu.memref_squeeze %dma_wait3A_1361 : memref<1x128xi32, #tpu.memory_space<vmem>> -> memref<128xi32, #tpu.memory_space<vmem>>
    %dma_wait3A_1363 = arith.constant 0 : i32
    %dma_wait3A_1364 = tpu.memref_slice %arg7[%dma_wait3A_1363] : memref<10240xf32, #tpu.memory_space<vmem_shared>> -> memref<10240xf32, #tpu.memory_space<vmem_shared>>
    tpu.wait_indirect_dma semaphore(%arg9 : memref<!tpu.dma_semaphore, #tpu.memory_space<semaphore_mem>>) src(%dma_wait3A_1359 : memref<128xf32, #tpu.memory_space<vmem>>) dst(%dma_wait3A_1364 : memref<10240xf32, #tpu.memory_space<vmem_shared>>)
    %dma_wait3A_1365 = arith.constant 56 : i32
    %dma_wait3A_1366 = arith.constant 56 : i32
    %dma_wait3A_1367 = arith.constant 0 : i32
    %dma_wait3A_1368 = tpu.memref_slice %arg6[%dma_wait3A_1365, %dma_wait3A_1367] : memref<80x128xf32, #tpu.memory_space<vmem>> -> memref<1x128xf32, #tpu.memory_space<vmem>>
    %dma_wait3A_1369 = tpu.memref_squeeze %dma_wait3A_1368 : memref<1x128xf32, #tpu.memory_space<vmem>> -> memref<128xf32, #tpu.memory_space<vmem>>
    %dma_wait3A_1370 = arith.constant 0 : i32
    %dma_wait3A_1371 = tpu.memref_slice %arg5[%dma_wait3A_1366, %dma_wait3A_1370] : memref<80x128xi32, #tpu.memory_space<vmem>> -> memref<1x128xi32, #tpu.memory_space<vmem>>
    %dma_wait3A_1372 = tpu.memref_squeeze %dma_wait3A_1371 : memref<1x128xi32, #tpu.memory_space<vmem>> -> memref<128xi32, #tpu.memory_space<vmem>>
    %dma_wait3A_1373 = arith.constant 0 : i32
    %dma_wait3A_1374 = tpu.memref_slice %arg7[%dma_wait3A_1373] : memref<10240xf32, #tpu.memory_space<vmem_shared>> -> memref<10240xf32, #tpu.memory_space<vmem_shared>>
    tpu.wait_indirect_dma semaphore(%arg9 : memref<!tpu.dma_semaphore, #tpu.memory_space<semaphore_mem>>) src(%dma_wait3A_1369 : memref<128xf32, #tpu.memory_space<vmem>>) dst(%dma_wait3A_1374 : memref<10240xf32, #tpu.memory_space<vmem_shared>>)
    %dma_wait3A_1375 = arith.constant 57 : i32
    %dma_wait3A_1376 = arith.constant 57 : i32
    %dma_wait3A_1377 = arith.constant 0 : i32
    %dma_wait3A_1378 = tpu.memref_slice %arg6[%dma_wait3A_1375, %dma_wait3A_1377] : memref<80x128xf32, #tpu.memory_space<vmem>> -> memref<1x128xf32, #tpu.memory_space<vmem>>
    %dma_wait3A_1379 = tpu.memref_squeeze %dma_wait3A_1378 : memref<1x128xf32, #tpu.memory_space<vmem>> -> memref<128xf32, #tpu.memory_space<vmem>>
    %dma_wait3A_1380 = arith.constant 0 : i32
    %dma_wait3A_1381 = tpu.memref_slice %arg5[%dma_wait3A_1376, %dma_wait3A_1380] : memref<80x128xi32, #tpu.memory_space<vmem>> -> memref<1x128xi32, #tpu.memory_space<vmem>>
    %dma_wait3A_1382 = tpu.memref_squeeze %dma_wait3A_1381 : memref<1x128xi32, #tpu.memory_space<vmem>> -> memref<128xi32, #tpu.memory_space<vmem>>
    %dma_wait3A_1383 = arith.constant 0 : i32
    %dma_wait3A_1384 = tpu.memref_slice %arg7[%dma_wait3A_1383] : memref<10240xf32, #tpu.memory_space<vmem_shared>> -> memref<10240xf32, #tpu.memory_space<vmem_shared>>
    tpu.wait_indirect_dma semaphore(%arg9 : memref<!tpu.dma_semaphore, #tpu.memory_space<semaphore_mem>>) src(%dma_wait3A_1379 : memref<128xf32, #tpu.memory_space<vmem>>) dst(%dma_wait3A_1384 : memref<10240xf32, #tpu.memory_space<vmem_shared>>)
    %dma_wait3A_1385 = arith.constant 58 : i32
    %dma_wait3A_1386 = arith.constant 58 : i32
    %dma_wait3A_1387 = arith.constant 0 : i32
    %dma_wait3A_1388 = tpu.memref_slice %arg6[%dma_wait3A_1385, %dma_wait3A_1387] : memref<80x128xf32, #tpu.memory_space<vmem>> -> memref<1x128xf32, #tpu.memory_space<vmem>>
    %dma_wait3A_1389 = tpu.memref_squeeze %dma_wait3A_1388 : memref<1x128xf32, #tpu.memory_space<vmem>> -> memref<128xf32, #tpu.memory_space<vmem>>
    %dma_wait3A_1390 = arith.constant 0 : i32
    %dma_wait3A_1391 = tpu.memref_slice %arg5[%dma_wait3A_1386, %dma_wait3A_1390] : memref<80x128xi32, #tpu.memory_space<vmem>> -> memref<1x128xi32, #tpu.memory_space<vmem>>
    %dma_wait3A_1392 = tpu.memref_squeeze %dma_wait3A_1391 : memref<1x128xi32, #tpu.memory_space<vmem>> -> memref<128xi32, #tpu.memory_space<vmem>>
    %dma_wait3A_1393 = arith.constant 0 : i32
    %dma_wait3A_1394 = tpu.memref_slice %arg7[%dma_wait3A_1393] : memref<10240xf32, #tpu.memory_space<vmem_shared>> -> memref<10240xf32, #tpu.memory_space<vmem_shared>>
    tpu.wait_indirect_dma semaphore(%arg9 : memref<!tpu.dma_semaphore, #tpu.memory_space<semaphore_mem>>) src(%dma_wait3A_1389 : memref<128xf32, #tpu.memory_space<vmem>>) dst(%dma_wait3A_1394 : memref<10240xf32, #tpu.memory_space<vmem_shared>>)
    %dma_wait3A_1395 = arith.constant 59 : i32
    %dma_wait3A_1396 = arith.constant 59 : i32
    %dma_wait3A_1397 = arith.constant 0 : i32
    %dma_wait3A_1398 = tpu.memref_slice %arg6[%dma_wait3A_1395, %dma_wait3A_1397] : memref<80x128xf32, #tpu.memory_space<vmem>> -> memref<1x128xf32, #tpu.memory_space<vmem>>
    %dma_wait3A_1399 = tpu.memref_squeeze %dma_wait3A_1398 : memref<1x128xf32, #tpu.memory_space<vmem>> -> memref<128xf32, #tpu.memory_space<vmem>>
    %dma_wait3A_1400 = arith.constant 0 : i32
    %dma_wait3A_1401 = tpu.memref_slice %arg5[%dma_wait3A_1396, %dma_wait3A_1400] : memref<80x128xi32, #tpu.memory_space<vmem>> -> memref<1x128xi32, #tpu.memory_space<vmem>>
    %dma_wait3A_1402 = tpu.memref_squeeze %dma_wait3A_1401 : memref<1x128xi32, #tpu.memory_space<vmem>> -> memref<128xi32, #tpu.memory_space<vmem>>
    %dma_wait3A_1403 = arith.constant 0 : i32
    %dma_wait3A_1404 = tpu.memref_slice %arg7[%dma_wait3A_1403] : memref<10240xf32, #tpu.memory_space<vmem_shared>> -> memref<10240xf32, #tpu.memory_space<vmem_shared>>
    tpu.wait_indirect_dma semaphore(%arg9 : memref<!tpu.dma_semaphore, #tpu.memory_space<semaphore_mem>>) src(%dma_wait3A_1399 : memref<128xf32, #tpu.memory_space<vmem>>) dst(%dma_wait3A_1404 : memref<10240xf32, #tpu.memory_space<vmem_shared>>)
    %dma_wait3A_1405 = arith.constant 60 : i32
    %dma_wait3A_1406 = arith.constant 60 : i32
    %dma_wait3A_1407 = arith.constant 0 : i32
    %dma_wait3A_1408 = tpu.memref_slice %arg6[%dma_wait3A_1405, %dma_wait3A_1407] : memref<80x128xf32, #tpu.memory_space<vmem>> -> memref<1x128xf32, #tpu.memory_space<vmem>>
    %dma_wait3A_1409 = tpu.memref_squeeze %dma_wait3A_1408 : memref<1x128xf32, #tpu.memory_space<vmem>> -> memref<128xf32, #tpu.memory_space<vmem>>
    %dma_wait3A_1410 = arith.constant 0 : i32
    %dma_wait3A_1411 = tpu.memref_slice %arg5[%dma_wait3A_1406, %dma_wait3A_1410] : memref<80x128xi32, #tpu.memory_space<vmem>> -> memref<1x128xi32, #tpu.memory_space<vmem>>
    %dma_wait3A_1412 = tpu.memref_squeeze %dma_wait3A_1411 : memref<1x128xi32, #tpu.memory_space<vmem>> -> memref<128xi32, #tpu.memory_space<vmem>>
    %dma_wait3A_1413 = arith.constant 0 : i32
    %dma_wait3A_1414 = tpu.memref_slice %arg7[%dma_wait3A_1413] : memref<10240xf32, #tpu.memory_space<vmem_shared>> -> memref<10240xf32, #tpu.memory_space<vmem_shared>>
    tpu.wait_indirect_dma semaphore(%arg9 : memref<!tpu.dma_semaphore, #tpu.memory_space<semaphore_mem>>) src(%dma_wait3A_1409 : memref<128xf32, #tpu.memory_space<vmem>>) dst(%dma_wait3A_1414 : memref<10240xf32, #tpu.memory_space<vmem_shared>>)
    %dma_wait3A_1415 = arith.constant 61 : i32
    %dma_wait3A_1416 = arith.constant 61 : i32
    %dma_wait3A_1417 = arith.constant 0 : i32
    %dma_wait3A_1418 = tpu.memref_slice %arg6[%dma_wait3A_1415, %dma_wait3A_1417] : memref<80x128xf32, #tpu.memory_space<vmem>> -> memref<1x128xf32, #tpu.memory_space<vmem>>
    %dma_wait3A_1419 = tpu.memref_squeeze %dma_wait3A_1418 : memref<1x128xf32, #tpu.memory_space<vmem>> -> memref<128xf32, #tpu.memory_space<vmem>>
    %dma_wait3A_1420 = arith.constant 0 : i32
    %dma_wait3A_1421 = tpu.memref_slice %arg5[%dma_wait3A_1416, %dma_wait3A_1420] : memref<80x128xi32, #tpu.memory_space<vmem>> -> memref<1x128xi32, #tpu.memory_space<vmem>>
    %dma_wait3A_1422 = tpu.memref_squeeze %dma_wait3A_1421 : memref<1x128xi32, #tpu.memory_space<vmem>> -> memref<128xi32, #tpu.memory_space<vmem>>
    %dma_wait3A_1423 = arith.constant 0 : i32
    %dma_wait3A_1424 = tpu.memref_slice %arg7[%dma_wait3A_1423] : memref<10240xf32, #tpu.memory_space<vmem_shared>> -> memref<10240xf32, #tpu.memory_space<vmem_shared>>
    tpu.wait_indirect_dma semaphore(%arg9 : memref<!tpu.dma_semaphore, #tpu.memory_space<semaphore_mem>>) src(%dma_wait3A_1419 : memref<128xf32, #tpu.memory_space<vmem>>) dst(%dma_wait3A_1424 : memref<10240xf32, #tpu.memory_space<vmem_shared>>)
    %dma_wait3A_1425 = arith.constant 62 : i32
    %dma_wait3A_1426 = arith.constant 62 : i32
    %dma_wait3A_1427 = arith.constant 0 : i32
    %dma_wait3A_1428 = tpu.memref_slice %arg6[%dma_wait3A_1425, %dma_wait3A_1427] : memref<80x128xf32, #tpu.memory_space<vmem>> -> memref<1x128xf32, #tpu.memory_space<vmem>>
    %dma_wait3A_1429 = tpu.memref_squeeze %dma_wait3A_1428 : memref<1x128xf32, #tpu.memory_space<vmem>> -> memref<128xf32, #tpu.memory_space<vmem>>
    %dma_wait3A_1430 = arith.constant 0 : i32
    %dma_wait3A_1431 = tpu.memref_slice %arg5[%dma_wait3A_1426, %dma_wait3A_1430] : memref<80x128xi32, #tpu.memory_space<vmem>> -> memref<1x128xi32, #tpu.memory_space<vmem>>
    %dma_wait3A_1432 = tpu.memref_squeeze %dma_wait3A_1431 : memref<1x128xi32, #tpu.memory_space<vmem>> -> memref<128xi32, #tpu.memory_space<vmem>>
    %dma_wait3A_1433 = arith.constant 0 : i32
    %dma_wait3A_1434 = tpu.memref_slice %arg7[%dma_wait3A_1433] : memref<10240xf32, #tpu.memory_space<vmem_shared>> -> memref<10240xf32, #tpu.memory_space<vmem_shared>>
    tpu.wait_indirect_dma semaphore(%arg9 : memref<!tpu.dma_semaphore, #tpu.memory_space<semaphore_mem>>) src(%dma_wait3A_1429 : memref<128xf32, #tpu.memory_space<vmem>>) dst(%dma_wait3A_1434 : memref<10240xf32, #tpu.memory_space<vmem_shared>>)
    %dma_wait3A_1435 = arith.constant 63 : i32
    %dma_wait3A_1436 = arith.constant 63 : i32
    %dma_wait3A_1437 = arith.constant 0 : i32
    %dma_wait3A_1438 = tpu.memref_slice %arg6[%dma_wait3A_1435, %dma_wait3A_1437] : memref<80x128xf32, #tpu.memory_space<vmem>> -> memref<1x128xf32, #tpu.memory_space<vmem>>
    %dma_wait3A_1439 = tpu.memref_squeeze %dma_wait3A_1438 : memref<1x128xf32, #tpu.memory_space<vmem>> -> memref<128xf32, #tpu.memory_space<vmem>>
    %dma_wait3A_1440 = arith.constant 0 : i32
    %dma_wait3A_1441 = tpu.memref_slice %arg5[%dma_wait3A_1436, %dma_wait3A_1440] : memref<80x128xi32, #tpu.memory_space<vmem>> -> memref<1x128xi32, #tpu.memory_space<vmem>>
    %dma_wait3A_1442 = tpu.memref_squeeze %dma_wait3A_1441 : memref<1x128xi32, #tpu.memory_space<vmem>> -> memref<128xi32, #tpu.memory_space<vmem>>
    %dma_wait3A_1443 = arith.constant 0 : i32
    %dma_wait3A_1444 = tpu.memref_slice %arg7[%dma_wait3A_1443] : memref<10240xf32, #tpu.memory_space<vmem_shared>> -> memref<10240xf32, #tpu.memory_space<vmem_shared>>
    tpu.wait_indirect_dma semaphore(%arg9 : memref<!tpu.dma_semaphore, #tpu.memory_space<semaphore_mem>>) src(%dma_wait3A_1439 : memref<128xf32, #tpu.memory_space<vmem>>) dst(%dma_wait3A_1444 : memref<10240xf32, #tpu.memory_space<vmem_shared>>)
    %dma_wait3A_1445 = arith.constant 64 : i32
    %dma_wait3A_1446 = arith.constant 64 : i32
    %dma_wait3A_1447 = arith.constant 0 : i32
    %dma_wait3A_1448 = tpu.memref_slice %arg6[%dma_wait3A_1445, %dma_wait3A_1447] : memref<80x128xf32, #tpu.memory_space<vmem>> -> memref<1x128xf32, #tpu.memory_space<vmem>>
    %dma_wait3A_1449 = tpu.memref_squeeze %dma_wait3A_1448 : memref<1x128xf32, #tpu.memory_space<vmem>> -> memref<128xf32, #tpu.memory_space<vmem>>
    %dma_wait3A_1450 = arith.constant 0 : i32
    %dma_wait3A_1451 = tpu.memref_slice %arg5[%dma_wait3A_1446, %dma_wait3A_1450] : memref<80x128xi32, #tpu.memory_space<vmem>> -> memref<1x128xi32, #tpu.memory_space<vmem>>
    %dma_wait3A_1452 = tpu.memref_squeeze %dma_wait3A_1451 : memref<1x128xi32, #tpu.memory_space<vmem>> -> memref<128xi32, #tpu.memory_space<vmem>>
    %dma_wait3A_1453 = arith.constant 0 : i32
    %dma_wait3A_1454 = tpu.memref_slice %arg7[%dma_wait3A_1453] : memref<10240xf32, #tpu.memory_space<vmem_shared>> -> memref<10240xf32, #tpu.memory_space<vmem_shared>>
    tpu.wait_indirect_dma semaphore(%arg9 : memref<!tpu.dma_semaphore, #tpu.memory_space<semaphore_mem>>) src(%dma_wait3A_1449 : memref<128xf32, #tpu.memory_space<vmem>>) dst(%dma_wait3A_1454 : memref<10240xf32, #tpu.memory_space<vmem_shared>>)
    %dma_wait3A_1455 = arith.constant 65 : i32
    %dma_wait3A_1456 = arith.constant 65 : i32
    %dma_wait3A_1457 = arith.constant 0 : i32
    %dma_wait3A_1458 = tpu.memref_slice %arg6[%dma_wait3A_1455, %dma_wait3A_1457] : memref<80x128xf32, #tpu.memory_space<vmem>> -> memref<1x128xf32, #tpu.memory_space<vmem>>
    %dma_wait3A_1459 = tpu.memref_squeeze %dma_wait3A_1458 : memref<1x128xf32, #tpu.memory_space<vmem>> -> memref<128xf32, #tpu.memory_space<vmem>>
    %dma_wait3A_1460 = arith.constant 0 : i32
    %dma_wait3A_1461 = tpu.memref_slice %arg5[%dma_wait3A_1456, %dma_wait3A_1460] : memref<80x128xi32, #tpu.memory_space<vmem>> -> memref<1x128xi32, #tpu.memory_space<vmem>>
    %dma_wait3A_1462 = tpu.memref_squeeze %dma_wait3A_1461 : memref<1x128xi32, #tpu.memory_space<vmem>> -> memref<128xi32, #tpu.memory_space<vmem>>
    %dma_wait3A_1463 = arith.constant 0 : i32
    %dma_wait3A_1464 = tpu.memref_slice %arg7[%dma_wait3A_1463] : memref<10240xf32, #tpu.memory_space<vmem_shared>> -> memref<10240xf32, #tpu.memory_space<vmem_shared>>
    tpu.wait_indirect_dma semaphore(%arg9 : memref<!tpu.dma_semaphore, #tpu.memory_space<semaphore_mem>>) src(%dma_wait3A_1459 : memref<128xf32, #tpu.memory_space<vmem>>) dst(%dma_wait3A_1464 : memref<10240xf32, #tpu.memory_space<vmem_shared>>)
    %dma_wait3A_1465 = arith.constant 66 : i32
    %dma_wait3A_1466 = arith.constant 66 : i32
    %dma_wait3A_1467 = arith.constant 0 : i32
    %dma_wait3A_1468 = tpu.memref_slice %arg6[%dma_wait3A_1465, %dma_wait3A_1467] : memref<80x128xf32, #tpu.memory_space<vmem>> -> memref<1x128xf32, #tpu.memory_space<vmem>>
    %dma_wait3A_1469 = tpu.memref_squeeze %dma_wait3A_1468 : memref<1x128xf32, #tpu.memory_space<vmem>> -> memref<128xf32, #tpu.memory_space<vmem>>
    %dma_wait3A_1470 = arith.constant 0 : i32
    %dma_wait3A_1471 = tpu.memref_slice %arg5[%dma_wait3A_1466, %dma_wait3A_1470] : memref<80x128xi32, #tpu.memory_space<vmem>> -> memref<1x128xi32, #tpu.memory_space<vmem>>
    %dma_wait3A_1472 = tpu.memref_squeeze %dma_wait3A_1471 : memref<1x128xi32, #tpu.memory_space<vmem>> -> memref<128xi32, #tpu.memory_space<vmem>>
    %dma_wait3A_1473 = arith.constant 0 : i32
    %dma_wait3A_1474 = tpu.memref_slice %arg7[%dma_wait3A_1473] : memref<10240xf32, #tpu.memory_space<vmem_shared>> -> memref<10240xf32, #tpu.memory_space<vmem_shared>>
    tpu.wait_indirect_dma semaphore(%arg9 : memref<!tpu.dma_semaphore, #tpu.memory_space<semaphore_mem>>) src(%dma_wait3A_1469 : memref<128xf32, #tpu.memory_space<vmem>>) dst(%dma_wait3A_1474 : memref<10240xf32, #tpu.memory_space<vmem_shared>>)
    %dma_wait3A_1475 = arith.constant 67 : i32
    %dma_wait3A_1476 = arith.constant 67 : i32
    %dma_wait3A_1477 = arith.constant 0 : i32
    %dma_wait3A_1478 = tpu.memref_slice %arg6[%dma_wait3A_1475, %dma_wait3A_1477] : memref<80x128xf32, #tpu.memory_space<vmem>> -> memref<1x128xf32, #tpu.memory_space<vmem>>
    %dma_wait3A_1479 = tpu.memref_squeeze %dma_wait3A_1478 : memref<1x128xf32, #tpu.memory_space<vmem>> -> memref<128xf32, #tpu.memory_space<vmem>>
    %dma_wait3A_1480 = arith.constant 0 : i32
    %dma_wait3A_1481 = tpu.memref_slice %arg5[%dma_wait3A_1476, %dma_wait3A_1480] : memref<80x128xi32, #tpu.memory_space<vmem>> -> memref<1x128xi32, #tpu.memory_space<vmem>>
    %dma_wait3A_1482 = tpu.memref_squeeze %dma_wait3A_1481 : memref<1x128xi32, #tpu.memory_space<vmem>> -> memref<128xi32, #tpu.memory_space<vmem>>
    %dma_wait3A_1483 = arith.constant 0 : i32
    %dma_wait3A_1484 = tpu.memref_slice %arg7[%dma_wait3A_1483] : memref<10240xf32, #tpu.memory_space<vmem_shared>> -> memref<10240xf32, #tpu.memory_space<vmem_shared>>
    tpu.wait_indirect_dma semaphore(%arg9 : memref<!tpu.dma_semaphore, #tpu.memory_space<semaphore_mem>>) src(%dma_wait3A_1479 : memref<128xf32, #tpu.memory_space<vmem>>) dst(%dma_wait3A_1484 : memref<10240xf32, #tpu.memory_space<vmem_shared>>)
    %dma_wait3A_1485 = arith.constant 68 : i32
    %dma_wait3A_1486 = arith.constant 68 : i32
    %dma_wait3A_1487 = arith.constant 0 : i32
    %dma_wait3A_1488 = tpu.memref_slice %arg6[%dma_wait3A_1485, %dma_wait3A_1487] : memref<80x128xf32, #tpu.memory_space<vmem>> -> memref<1x128xf32, #tpu.memory_space<vmem>>
    %dma_wait3A_1489 = tpu.memref_squeeze %dma_wait3A_1488 : memref<1x128xf32, #tpu.memory_space<vmem>> -> memref<128xf32, #tpu.memory_space<vmem>>
    %dma_wait3A_1490 = arith.constant 0 : i32
    %dma_wait3A_1491 = tpu.memref_slice %arg5[%dma_wait3A_1486, %dma_wait3A_1490] : memref<80x128xi32, #tpu.memory_space<vmem>> -> memref<1x128xi32, #tpu.memory_space<vmem>>
    %dma_wait3A_1492 = tpu.memref_squeeze %dma_wait3A_1491 : memref<1x128xi32, #tpu.memory_space<vmem>> -> memref<128xi32, #tpu.memory_space<vmem>>
    %dma_wait3A_1493 = arith.constant 0 : i32
    %dma_wait3A_1494 = tpu.memref_slice %arg7[%dma_wait3A_1493] : memref<10240xf32, #tpu.memory_space<vmem_shared>> -> memref<10240xf32, #tpu.memory_space<vmem_shared>>
    tpu.wait_indirect_dma semaphore(%arg9 : memref<!tpu.dma_semaphore, #tpu.memory_space<semaphore_mem>>) src(%dma_wait3A_1489 : memref<128xf32, #tpu.memory_space<vmem>>) dst(%dma_wait3A_1494 : memref<10240xf32, #tpu.memory_space<vmem_shared>>)
    %dma_wait3A_1495 = arith.constant 69 : i32
    %dma_wait3A_1496 = arith.constant 69 : i32
    %dma_wait3A_1497 = arith.constant 0 : i32
    %dma_wait3A_1498 = tpu.memref_slice %arg6[%dma_wait3A_1495, %dma_wait3A_1497] : memref<80x128xf32, #tpu.memory_space<vmem>> -> memref<1x128xf32, #tpu.memory_space<vmem>>
    %dma_wait3A_1499 = tpu.memref_squeeze %dma_wait3A_1498 : memref<1x128xf32, #tpu.memory_space<vmem>> -> memref<128xf32, #tpu.memory_space<vmem>>
    %dma_wait3A_1500 = arith.constant 0 : i32
    %dma_wait3A_1501 = tpu.memref_slice %arg5[%dma_wait3A_1496, %dma_wait3A_1500] : memref<80x128xi32, #tpu.memory_space<vmem>> -> memref<1x128xi32, #tpu.memory_space<vmem>>
    %dma_wait3A_1502 = tpu.memref_squeeze %dma_wait3A_1501 : memref<1x128xi32, #tpu.memory_space<vmem>> -> memref<128xi32, #tpu.memory_space<vmem>>
    %dma_wait3A_1503 = arith.constant 0 : i32
    %dma_wait3A_1504 = tpu.memref_slice %arg7[%dma_wait3A_1503] : memref<10240xf32, #tpu.memory_space<vmem_shared>> -> memref<10240xf32, #tpu.memory_space<vmem_shared>>
    tpu.wait_indirect_dma semaphore(%arg9 : memref<!tpu.dma_semaphore, #tpu.memory_space<semaphore_mem>>) src(%dma_wait3A_1499 : memref<128xf32, #tpu.memory_space<vmem>>) dst(%dma_wait3A_1504 : memref<10240xf32, #tpu.memory_space<vmem_shared>>)
    %dma_wait3A_1505 = arith.constant 70 : i32
    %dma_wait3A_1506 = arith.constant 70 : i32
    %dma_wait3A_1507 = arith.constant 0 : i32
    %dma_wait3A_1508 = tpu.memref_slice %arg6[%dma_wait3A_1505, %dma_wait3A_1507] : memref<80x128xf32, #tpu.memory_space<vmem>> -> memref<1x128xf32, #tpu.memory_space<vmem>>
    %dma_wait3A_1509 = tpu.memref_squeeze %dma_wait3A_1508 : memref<1x128xf32, #tpu.memory_space<vmem>> -> memref<128xf32, #tpu.memory_space<vmem>>
    %dma_wait3A_1510 = arith.constant 0 : i32
    %dma_wait3A_1511 = tpu.memref_slice %arg5[%dma_wait3A_1506, %dma_wait3A_1510] : memref<80x128xi32, #tpu.memory_space<vmem>> -> memref<1x128xi32, #tpu.memory_space<vmem>>
    %dma_wait3A_1512 = tpu.memref_squeeze %dma_wait3A_1511 : memref<1x128xi32, #tpu.memory_space<vmem>> -> memref<128xi32, #tpu.memory_space<vmem>>
    %dma_wait3A_1513 = arith.constant 0 : i32
    %dma_wait3A_1514 = tpu.memref_slice %arg7[%dma_wait3A_1513] : memref<10240xf32, #tpu.memory_space<vmem_shared>> -> memref<10240xf32, #tpu.memory_space<vmem_shared>>
    tpu.wait_indirect_dma semaphore(%arg9 : memref<!tpu.dma_semaphore, #tpu.memory_space<semaphore_mem>>) src(%dma_wait3A_1509 : memref<128xf32, #tpu.memory_space<vmem>>) dst(%dma_wait3A_1514 : memref<10240xf32, #tpu.memory_space<vmem_shared>>)
    %dma_wait3A_1515 = arith.constant 71 : i32
    %dma_wait3A_1516 = arith.constant 71 : i32
    %dma_wait3A_1517 = arith.constant 0 : i32
    %dma_wait3A_1518 = tpu.memref_slice %arg6[%dma_wait3A_1515, %dma_wait3A_1517] : memref<80x128xf32, #tpu.memory_space<vmem>> -> memref<1x128xf32, #tpu.memory_space<vmem>>
    %dma_wait3A_1519 = tpu.memref_squeeze %dma_wait3A_1518 : memref<1x128xf32, #tpu.memory_space<vmem>> -> memref<128xf32, #tpu.memory_space<vmem>>
    %dma_wait3A_1520 = arith.constant 0 : i32
    %dma_wait3A_1521 = tpu.memref_slice %arg5[%dma_wait3A_1516, %dma_wait3A_1520] : memref<80x128xi32, #tpu.memory_space<vmem>> -> memref<1x128xi32, #tpu.memory_space<vmem>>
    %dma_wait3A_1522 = tpu.memref_squeeze %dma_wait3A_1521 : memref<1x128xi32, #tpu.memory_space<vmem>> -> memref<128xi32, #tpu.memory_space<vmem>>
    %dma_wait3A_1523 = arith.constant 0 : i32
    %dma_wait3A_1524 = tpu.memref_slice %arg7[%dma_wait3A_1523] : memref<10240xf32, #tpu.memory_space<vmem_shared>> -> memref<10240xf32, #tpu.memory_space<vmem_shared>>
    tpu.wait_indirect_dma semaphore(%arg9 : memref<!tpu.dma_semaphore, #tpu.memory_space<semaphore_mem>>) src(%dma_wait3A_1519 : memref<128xf32, #tpu.memory_space<vmem>>) dst(%dma_wait3A_1524 : memref<10240xf32, #tpu.memory_space<vmem_shared>>)
    %dma_wait3A_1525 = arith.constant 72 : i32
    %dma_wait3A_1526 = arith.constant 72 : i32
    %dma_wait3A_1527 = arith.constant 0 : i32
    %dma_wait3A_1528 = tpu.memref_slice %arg6[%dma_wait3A_1525, %dma_wait3A_1527] : memref<80x128xf32, #tpu.memory_space<vmem>> -> memref<1x128xf32, #tpu.memory_space<vmem>>
    %dma_wait3A_1529 = tpu.memref_squeeze %dma_wait3A_1528 : memref<1x128xf32, #tpu.memory_space<vmem>> -> memref<128xf32, #tpu.memory_space<vmem>>
    %dma_wait3A_1530 = arith.constant 0 : i32
    %dma_wait3A_1531 = tpu.memref_slice %arg5[%dma_wait3A_1526, %dma_wait3A_1530] : memref<80x128xi32, #tpu.memory_space<vmem>> -> memref<1x128xi32, #tpu.memory_space<vmem>>
    %dma_wait3A_1532 = tpu.memref_squeeze %dma_wait3A_1531 : memref<1x128xi32, #tpu.memory_space<vmem>> -> memref<128xi32, #tpu.memory_space<vmem>>
    %dma_wait3A_1533 = arith.constant 0 : i32
    %dma_wait3A_1534 = tpu.memref_slice %arg7[%dma_wait3A_1533] : memref<10240xf32, #tpu.memory_space<vmem_shared>> -> memref<10240xf32, #tpu.memory_space<vmem_shared>>
    tpu.wait_indirect_dma semaphore(%arg9 : memref<!tpu.dma_semaphore, #tpu.memory_space<semaphore_mem>>) src(%dma_wait3A_1529 : memref<128xf32, #tpu.memory_space<vmem>>) dst(%dma_wait3A_1534 : memref<10240xf32, #tpu.memory_space<vmem_shared>>)
    %dma_wait3A_1535 = arith.constant 73 : i32
    %dma_wait3A_1536 = arith.constant 73 : i32
    %dma_wait3A_1537 = arith.constant 0 : i32
    %dma_wait3A_1538 = tpu.memref_slice %arg6[%dma_wait3A_1535, %dma_wait3A_1537] : memref<80x128xf32, #tpu.memory_space<vmem>> -> memref<1x128xf32, #tpu.memory_space<vmem>>
    %dma_wait3A_1539 = tpu.memref_squeeze %dma_wait3A_1538 : memref<1x128xf32, #tpu.memory_space<vmem>> -> memref<128xf32, #tpu.memory_space<vmem>>
    %dma_wait3A_1540 = arith.constant 0 : i32
    %dma_wait3A_1541 = tpu.memref_slice %arg5[%dma_wait3A_1536, %dma_wait3A_1540] : memref<80x128xi32, #tpu.memory_space<vmem>> -> memref<1x128xi32, #tpu.memory_space<vmem>>
    %dma_wait3A_1542 = tpu.memref_squeeze %dma_wait3A_1541 : memref<1x128xi32, #tpu.memory_space<vmem>> -> memref<128xi32, #tpu.memory_space<vmem>>
    %dma_wait3A_1543 = arith.constant 0 : i32
    %dma_wait3A_1544 = tpu.memref_slice %arg7[%dma_wait3A_1543] : memref<10240xf32, #tpu.memory_space<vmem_shared>> -> memref<10240xf32, #tpu.memory_space<vmem_shared>>
    tpu.wait_indirect_dma semaphore(%arg9 : memref<!tpu.dma_semaphore, #tpu.memory_space<semaphore_mem>>) src(%dma_wait3A_1539 : memref<128xf32, #tpu.memory_space<vmem>>) dst(%dma_wait3A_1544 : memref<10240xf32, #tpu.memory_space<vmem_shared>>)
    %dma_wait3A_1545 = arith.constant 74 : i32
    %dma_wait3A_1546 = arith.constant 74 : i32
    %dma_wait3A_1547 = arith.constant 0 : i32
    %dma_wait3A_1548 = tpu.memref_slice %arg6[%dma_wait3A_1545, %dma_wait3A_1547] : memref<80x128xf32, #tpu.memory_space<vmem>> -> memref<1x128xf32, #tpu.memory_space<vmem>>
    %dma_wait3A_1549 = tpu.memref_squeeze %dma_wait3A_1548 : memref<1x128xf32, #tpu.memory_space<vmem>> -> memref<128xf32, #tpu.memory_space<vmem>>
    %dma_wait3A_1550 = arith.constant 0 : i32
    %dma_wait3A_1551 = tpu.memref_slice %arg5[%dma_wait3A_1546, %dma_wait3A_1550] : memref<80x128xi32, #tpu.memory_space<vmem>> -> memref<1x128xi32, #tpu.memory_space<vmem>>
    %dma_wait3A_1552 = tpu.memref_squeeze %dma_wait3A_1551 : memref<1x128xi32, #tpu.memory_space<vmem>> -> memref<128xi32, #tpu.memory_space<vmem>>
    %dma_wait3A_1553 = arith.constant 0 : i32
    %dma_wait3A_1554 = tpu.memref_slice %arg7[%dma_wait3A_1553] : memref<10240xf32, #tpu.memory_space<vmem_shared>> -> memref<10240xf32, #tpu.memory_space<vmem_shared>>
    tpu.wait_indirect_dma semaphore(%arg9 : memref<!tpu.dma_semaphore, #tpu.memory_space<semaphore_mem>>) src(%dma_wait3A_1549 : memref<128xf32, #tpu.memory_space<vmem>>) dst(%dma_wait3A_1554 : memref<10240xf32, #tpu.memory_space<vmem_shared>>)
    %dma_wait3A_1555 = arith.constant 75 : i32
    %dma_wait3A_1556 = arith.constant 75 : i32
    %dma_wait3A_1557 = arith.constant 0 : i32
    %dma_wait3A_1558 = tpu.memref_slice %arg6[%dma_wait3A_1555, %dma_wait3A_1557] : memref<80x128xf32, #tpu.memory_space<vmem>> -> memref<1x128xf32, #tpu.memory_space<vmem>>
    %dma_wait3A_1559 = tpu.memref_squeeze %dma_wait3A_1558 : memref<1x128xf32, #tpu.memory_space<vmem>> -> memref<128xf32, #tpu.memory_space<vmem>>
    %dma_wait3A_1560 = arith.constant 0 : i32
    %dma_wait3A_1561 = tpu.memref_slice %arg5[%dma_wait3A_1556, %dma_wait3A_1560] : memref<80x128xi32, #tpu.memory_space<vmem>> -> memref<1x128xi32, #tpu.memory_space<vmem>>
    %dma_wait3A_1562 = tpu.memref_squeeze %dma_wait3A_1561 : memref<1x128xi32, #tpu.memory_space<vmem>> -> memref<128xi32, #tpu.memory_space<vmem>>
    %dma_wait3A_1563 = arith.constant 0 : i32
    %dma_wait3A_1564 = tpu.memref_slice %arg7[%dma_wait3A_1563] : memref<10240xf32, #tpu.memory_space<vmem_shared>> -> memref<10240xf32, #tpu.memory_space<vmem_shared>>
    tpu.wait_indirect_dma semaphore(%arg9 : memref<!tpu.dma_semaphore, #tpu.memory_space<semaphore_mem>>) src(%dma_wait3A_1559 : memref<128xf32, #tpu.memory_space<vmem>>) dst(%dma_wait3A_1564 : memref<10240xf32, #tpu.memory_space<vmem_shared>>)
    %dma_wait3A_1565 = arith.constant 76 : i32
    %dma_wait3A_1566 = arith.constant 76 : i32
    %dma_wait3A_1567 = arith.constant 0 : i32
    %dma_wait3A_1568 = tpu.memref_slice %arg6[%dma_wait3A_1565, %dma_wait3A_1567] : memref<80x128xf32, #tpu.memory_space<vmem>> -> memref<1x128xf32, #tpu.memory_space<vmem>>
    %dma_wait3A_1569 = tpu.memref_squeeze %dma_wait3A_1568 : memref<1x128xf32, #tpu.memory_space<vmem>> -> memref<128xf32, #tpu.memory_space<vmem>>
    %dma_wait3A_1570 = arith.constant 0 : i32
    %dma_wait3A_1571 = tpu.memref_slice %arg5[%dma_wait3A_1566, %dma_wait3A_1570] : memref<80x128xi32, #tpu.memory_space<vmem>> -> memref<1x128xi32, #tpu.memory_space<vmem>>
    %dma_wait3A_1572 = tpu.memref_squeeze %dma_wait3A_1571 : memref<1x128xi32, #tpu.memory_space<vmem>> -> memref<128xi32, #tpu.memory_space<vmem>>
    %dma_wait3A_1573 = arith.constant 0 : i32
    %dma_wait3A_1574 = tpu.memref_slice %arg7[%dma_wait3A_1573] : memref<10240xf32, #tpu.memory_space<vmem_shared>> -> memref<10240xf32, #tpu.memory_space<vmem_shared>>
    tpu.wait_indirect_dma semaphore(%arg9 : memref<!tpu.dma_semaphore, #tpu.memory_space<semaphore_mem>>) src(%dma_wait3A_1569 : memref<128xf32, #tpu.memory_space<vmem>>) dst(%dma_wait3A_1574 : memref<10240xf32, #tpu.memory_space<vmem_shared>>)
    %dma_wait3A_1575 = arith.constant 77 : i32
    %dma_wait3A_1576 = arith.constant 77 : i32
    %dma_wait3A_1577 = arith.constant 0 : i32
    %dma_wait3A_1578 = tpu.memref_slice %arg6[%dma_wait3A_1575, %dma_wait3A_1577] : memref<80x128xf32, #tpu.memory_space<vmem>> -> memref<1x128xf32, #tpu.memory_space<vmem>>
    %dma_wait3A_1579 = tpu.memref_squeeze %dma_wait3A_1578 : memref<1x128xf32, #tpu.memory_space<vmem>> -> memref<128xf32, #tpu.memory_space<vmem>>
    %dma_wait3A_1580 = arith.constant 0 : i32
    %dma_wait3A_1581 = tpu.memref_slice %arg5[%dma_wait3A_1576, %dma_wait3A_1580] : memref<80x128xi32, #tpu.memory_space<vmem>> -> memref<1x128xi32, #tpu.memory_space<vmem>>
    %dma_wait3A_1582 = tpu.memref_squeeze %dma_wait3A_1581 : memref<1x128xi32, #tpu.memory_space<vmem>> -> memref<128xi32, #tpu.memory_space<vmem>>
    %dma_wait3A_1583 = arith.constant 0 : i32
    %dma_wait3A_1584 = tpu.memref_slice %arg7[%dma_wait3A_1583] : memref<10240xf32, #tpu.memory_space<vmem_shared>> -> memref<10240xf32, #tpu.memory_space<vmem_shared>>
    tpu.wait_indirect_dma semaphore(%arg9 : memref<!tpu.dma_semaphore, #tpu.memory_space<semaphore_mem>>) src(%dma_wait3A_1579 : memref<128xf32, #tpu.memory_space<vmem>>) dst(%dma_wait3A_1584 : memref<10240xf32, #tpu.memory_space<vmem_shared>>)
    %dma_wait3A_1585 = arith.constant 78 : i32
    %dma_wait3A_1586 = arith.constant 78 : i32
    %dma_wait3A_1587 = arith.constant 0 : i32
    %dma_wait3A_1588 = tpu.memref_slice %arg6[%dma_wait3A_1585, %dma_wait3A_1587] : memref<80x128xf32, #tpu.memory_space<vmem>> -> memref<1x128xf32, #tpu.memory_space<vmem>>
    %dma_wait3A_1589 = tpu.memref_squeeze %dma_wait3A_1588 : memref<1x128xf32, #tpu.memory_space<vmem>> -> memref<128xf32, #tpu.memory_space<vmem>>
    %dma_wait3A_1590 = arith.constant 0 : i32
    %dma_wait3A_1591 = tpu.memref_slice %arg5[%dma_wait3A_1586, %dma_wait3A_1590] : memref<80x128xi32, #tpu.memory_space<vmem>> -> memref<1x128xi32, #tpu.memory_space<vmem>>
    %dma_wait3A_1592 = tpu.memref_squeeze %dma_wait3A_1591 : memref<1x128xi32, #tpu.memory_space<vmem>> -> memref<128xi32, #tpu.memory_space<vmem>>
    %dma_wait3A_1593 = arith.constant 0 : i32
    %dma_wait3A_1594 = tpu.memref_slice %arg7[%dma_wait3A_1593] : memref<10240xf32, #tpu.memory_space<vmem_shared>> -> memref<10240xf32, #tpu.memory_space<vmem_shared>>
    tpu.wait_indirect_dma semaphore(%arg9 : memref<!tpu.dma_semaphore, #tpu.memory_space<semaphore_mem>>) src(%dma_wait3A_1589 : memref<128xf32, #tpu.memory_space<vmem>>) dst(%dma_wait3A_1594 : memref<10240xf32, #tpu.memory_space<vmem_shared>>)
    %dma_wait3A_1595 = arith.constant 79 : i32
    %dma_wait3A_1596 = arith.constant 79 : i32
    %dma_wait3A_1597 = arith.constant 0 : i32
    %dma_wait3A_1598 = tpu.memref_slice %arg6[%dma_wait3A_1595, %dma_wait3A_1597] : memref<80x128xf32, #tpu.memory_space<vmem>> -> memref<1x128xf32, #tpu.memory_space<vmem>>
    %dma_wait3A_1599 = tpu.memref_squeeze %dma_wait3A_1598 : memref<1x128xf32, #tpu.memory_space<vmem>> -> memref<128xf32, #tpu.memory_space<vmem>>
    %dma_wait3A_1600 = arith.constant 0 : i32
    %dma_wait3A_1601 = tpu.memref_slice %arg5[%dma_wait3A_1596, %dma_wait3A_1600] : memref<80x128xi32, #tpu.memory_space<vmem>> -> memref<1x128xi32, #tpu.memory_space<vmem>>
    %dma_wait3A_1602 = tpu.memref_squeeze %dma_wait3A_1601 : memref<1x128xi32, #tpu.memory_space<vmem>> -> memref<128xi32, #tpu.memory_space<vmem>>
    %dma_wait3A_1603 = arith.constant 0 : i32
    %dma_wait3A_1604 = tpu.memref_slice %arg7[%dma_wait3A_1603] : memref<10240xf32, #tpu.memory_space<vmem_shared>> -> memref<10240xf32, #tpu.memory_space<vmem_shared>>
    tpu.wait_indirect_dma semaphore(%arg9 : memref<!tpu.dma_semaphore, #tpu.memory_space<semaphore_mem>>) src(%dma_wait3A_1599 : memref<128xf32, #tpu.memory_space<vmem>>) dst(%dma_wait3A_1604 : memref<10240xf32, #tpu.memory_space<vmem_shared>>)
    %barrier3A_1605 = arith.constant 0 : index
    tpu.barrier barrier_id(%barrier3A_1605)
    "tpu.region"() ({
      %run_scoped3A = tpu.sem_alloc : memref<!tpu.dma_semaphore, #tpu.memory_space<semaphore_mem>>
      %dma_start3A_1606 = tpu.memref_slice %arg4[%arg0, %mul3A_2] : memref<2x10240xf32, #tpu.memory_space<hbm>> -> memref<1x640xf32, #tpu.memory_space<hbm>>
      %dma_start3A_1607 = tpu.memref_squeeze %dma_start3A_1606 : memref<1x640xf32, #tpu.memory_space<hbm>> -> memref<640xf32, #tpu.memory_space<hbm>>
      %dma_start3A_1608 = tpu.memref_slice %arg7[%mul3A_2] : memref<10240xf32, #tpu.memory_space<vmem_shared>> -> memref<640xf32, #tpu.memory_space<vmem_shared>>
      tpu.enqueue_dma source(%dma_start3A_1608 : memref<640xf32, #tpu.memory_space<vmem_shared>>) target(%dma_start3A_1607 : memref<640xf32, #tpu.memory_space<hbm>>) target_semaphore(%run_scoped3A : memref<!tpu.dma_semaphore, #tpu.memory_space<semaphore_mem>>)
      %dma_wait3A_1609 = tpu.memref_slice %arg4[%arg0, %mul3A_2] : memref<2x10240xf32, #tpu.memory_space<hbm>> -> memref<1x640xf32, #tpu.memory_space<hbm>>
      %dma_wait3A_1610 = tpu.memref_squeeze %dma_wait3A_1609 : memref<1x640xf32, #tpu.memory_space<hbm>> -> memref<640xf32, #tpu.memory_space<hbm>>
      %dma_wait3A_1611 = tpu.memref_slice %arg7[%mul3A_2] : memref<10240xf32, #tpu.memory_space<vmem_shared>> -> memref<640xf32, #tpu.memory_space<vmem_shared>>
      tpu.wait_dma2 semaphore(%run_scoped3A : memref<!tpu.dma_semaphore, #tpu.memory_space<semaphore_mem>>) src(%dma_wait3A_1611 : memref<640xf32, #tpu.memory_space<vmem_shared>>) dst(%dma_wait3A_1610 : memref<640xf32, #tpu.memory_space<hbm>>)
      tpu.yield
    }) : () -> ()
    return
  }
}

#map = affine_map<(d0, d1) -> (0)>
module attributes {stable_mosaic.version = 14 : i64} {
  func.func @gcn_agg_es1(%arg0: i32, %arg1: i32, %arg2: memref<327680xf32, #tpu.memory_space<hbm>>, %arg3: memref<655360xi32, #tpu.memory_space<hbm>>, %arg4: memref<327680xf32, #tpu.memory_space<hbm>>, %arg5: memref<10240xf32, #tpu.memory_space<vmem>>, %arg6: memref<10240xf32, #tpu.memory_space<vmem>>, %arg7: memref<16384xi32, #tpu.memory_space<vmem>>, %arg8: memref<16384xi32, #tpu.memory_space<vmem>>, %arg9: memref<655360xi32, #tpu.memory_space<vmem_shared>>, %arg10: memref<!tpu.dma_semaphore, #tpu.memory_space<semaphore_mem>>, %arg11: memref<!tpu.dma_semaphore, #tpu.memory_space<semaphore_mem>>) attributes {dimension_semantics = [#tpu.dimension_semantics<core_parallel>, #tpu.dimension_semantics<subcore_parallel>], iteration_bounds = array<i64: 2, 16>, scalar_prefetch = 0 : i64, scratch_operands = 7 : i64, tpu.core_type = #tpu.core_type<sc_vector_subcore>, window_params = [{transform_indices = #map}, {transform_indices = #map}, {transform_indices = #map}]} {
    %mul3A = arith.constant 16 : i32
    %mul3A_0 = arith.muli %arg0, %mul3A : i32
    %add3A = arith.addi %mul3A_0, %arg1 : i32
    %mul3A_1 = arith.constant 10240 : i32
    %mul3A_2 = arith.muli %add3A, %mul3A_1 : i32
    "tpu.region"() ({
      %run_scoped3A = tpu.sem_alloc : memref<!tpu.dma_semaphore, #tpu.memory_space<semaphore_mem>>
      %dma_start3A_21 = tpu.memref_slice %arg2[%mul3A_2] : memref<327680xf32, #tpu.memory_space<hbm>> -> memref<10240xf32, #tpu.memory_space<hbm>>
      %dma_start3A_22 = tpu.memref_slice %arg2[%mul3A_2] : memref<327680xf32, #tpu.memory_space<hbm>> -> memref<10240xf32, #tpu.memory_space<hbm>>
      tpu.enqueue_dma source(%dma_start3A_22 : memref<10240xf32, #tpu.memory_space<hbm>>) target(%arg5 : memref<10240xf32, #tpu.memory_space<vmem>>) target_semaphore(%run_scoped3A : memref<!tpu.dma_semaphore, #tpu.memory_space<semaphore_mem>>)
      %dma_wait3A = tpu.memref_slice %arg2[%mul3A_2] : memref<327680xf32, #tpu.memory_space<hbm>> -> memref<10240xf32, #tpu.memory_space<hbm>>
      %dma_wait3A_23 = tpu.memref_slice %arg2[%mul3A_2] : memref<327680xf32, #tpu.memory_space<hbm>> -> memref<10240xf32, #tpu.memory_space<hbm>>
      tpu.wait_dma2 semaphore(%run_scoped3A : memref<!tpu.dma_semaphore, #tpu.memory_space<semaphore_mem>>) src(%dma_wait3A_23 : memref<10240xf32, #tpu.memory_space<hbm>>) dst(%arg5 : memref<10240xf32, #tpu.memory_space<vmem>>)
      tpu.yield
    }) : () -> ()
    %mul3A_3 = arith.constant 40960 : i32
    %mul3A_4 = arith.muli %arg1, %mul3A_3 : i32
    %add3A_5 = arith.constant 0 : i32
    %add3A_6 = arith.addi %add3A_5, %mul3A_4 : i32
    "tpu.region"() ({
      %run_scoped3A = tpu.sem_alloc : memref<!tpu.dma_semaphore, #tpu.memory_space<semaphore_mem>>
      %dma_start3A_21 = tpu.memref_slice %arg9[%mul3A_4] : memref<655360xi32, #tpu.memory_space<vmem_shared>> -> memref<40960xi32, #tpu.memory_space<vmem_shared>>
      %dma_start3A_22 = tpu.memref_slice %arg3[%add3A_6] : memref<655360xi32, #tpu.memory_space<hbm>> -> memref<40960xi32, #tpu.memory_space<hbm>>
      tpu.enqueue_dma source(%dma_start3A_22 : memref<40960xi32, #tpu.memory_space<hbm>>) target(%dma_start3A_21 : memref<40960xi32, #tpu.memory_space<vmem_shared>>) target_semaphore(%run_scoped3A : memref<!tpu.dma_semaphore, #tpu.memory_space<semaphore_mem>>)
      %dma_wait3A = tpu.memref_slice %arg9[%mul3A_4] : memref<655360xi32, #tpu.memory_space<vmem_shared>> -> memref<40960xi32, #tpu.memory_space<vmem_shared>>
      %dma_wait3A_23 = tpu.memref_slice %arg3[%add3A_6] : memref<655360xi32, #tpu.memory_space<hbm>> -> memref<40960xi32, #tpu.memory_space<hbm>>
      tpu.wait_dma2 semaphore(%run_scoped3A : memref<!tpu.dma_semaphore, #tpu.memory_space<semaphore_mem>>) src(%dma_wait3A_23 : memref<40960xi32, #tpu.memory_space<hbm>>) dst(%dma_wait3A : memref<40960xi32, #tpu.memory_space<vmem_shared>>)
      tpu.yield
    }) : () -> ()
    %scan3A = arith.constant 0 : i32
    %scan3A_7 = arith.constant 640 : i32
    %scan3A_8 = arith.addi %scan3A, %scan3A_7 : i32
    %scan3A_9 = arith.constant 8 : i32
    scf.for %scan3A_21 = %scan3A to %scan3A_8 step %scan3A_9  : i32 {
      %mul3A_22 = arith.constant 16 : i32
      %mul3A_23 = arith.muli %scan3A_21, %mul3A_22 : i32
      %add3A_24 = arith.constant 0 : i32
      %add3A_25 = arith.addi %add3A_24, %mul3A_23 : i32
      %broadcast_in_dim3A = arith.constant 0.000000e+00 : f32
      %broadcast_in_dim3A_26 = vector.broadcast %broadcast_in_dim3A : f32 to vector<16xf32>
      %swap3A = arith.index_cast %add3A_25 : i32 to index
      %swap3A_27 = tpu.vector_load %arg6[%swap3A] {strides = array<i32>} : memref<10240xf32, #tpu.memory_space<vmem>>, vector<16xf32>,
      tpu.vector_store %arg6[%swap3A], %broadcast_in_dim3A_26 {strides = array<i32>} : memref<10240xf32, #tpu.memory_space<vmem>>, vector<16xf32>,
      %scan3A_28 = arith.constant 1 : i32
      %scan3A_29 = arith.addi %scan3A_21, %scan3A_28 : i32
      %mul3A_30 = arith.constant 16 : i32
      %mul3A_31 = arith.muli %scan3A_29, %mul3A_30 : i32
      %add3A_32 = arith.constant 0 : i32
      %add3A_33 = arith.addi %add3A_32, %mul3A_31 : i32
      %broadcast_in_dim3A_34 = arith.constant 0.000000e+00 : f32
      %broadcast_in_dim3A_35 = vector.broadcast %broadcast_in_dim3A_34 : f32 to vector<16xf32>
      %swap3A_36 = arith.index_cast %add3A_33 : i32 to index
      %swap3A_37 = tpu.vector_load %arg6[%swap3A_36] {strides = array<i32>} : memref<10240xf32, #tpu.memory_space<vmem>>, vector<16xf32>,
      tpu.vector_store %arg6[%swap3A_36], %broadcast_in_dim3A_35 {strides = array<i32>} : memref<10240xf32, #tpu.memory_space<vmem>>, vector<16xf32>,
      %scan3A_38 = arith.constant 2 : i32
      %scan3A_39 = arith.addi %scan3A_21, %scan3A_38 : i32
      %mul3A_40 = arith.constant 16 : i32
      %mul3A_41 = arith.muli %scan3A_39, %mul3A_40 : i32
      %add3A_42 = arith.constant 0 : i32
      %add3A_43 = arith.addi %add3A_42, %mul3A_41 : i32
      %broadcast_in_dim3A_44 = arith.constant 0.000000e+00 : f32
      %broadcast_in_dim3A_45 = vector.broadcast %broadcast_in_dim3A_44 : f32 to vector<16xf32>
      %swap3A_46 = arith.index_cast %add3A_43 : i32 to index
      %swap3A_47 = tpu.vector_load %arg6[%swap3A_46] {strides = array<i32>} : memref<10240xf32, #tpu.memory_space<vmem>>, vector<16xf32>,
      tpu.vector_store %arg6[%swap3A_46], %broadcast_in_dim3A_45 {strides = array<i32>} : memref<10240xf32, #tpu.memory_space<vmem>>, vector<16xf32>,
      %scan3A_48 = arith.constant 3 : i32
      %scan3A_49 = arith.addi %scan3A_21, %scan3A_48 : i32
      %mul3A_50 = arith.constant 16 : i32
      %mul3A_51 = arith.muli %scan3A_49, %mul3A_50 : i32
      %add3A_52 = arith.constant 0 : i32
      %add3A_53 = arith.addi %add3A_52, %mul3A_51 : i32
      %broadcast_in_dim3A_54 = arith.constant 0.000000e+00 : f32
      %broadcast_in_dim3A_55 = vector.broadcast %broadcast_in_dim3A_54 : f32 to vector<16xf32>
      %swap3A_56 = arith.index_cast %add3A_53 : i32 to index
      %swap3A_57 = tpu.vector_load %arg6[%swap3A_56] {strides = array<i32>} : memref<10240xf32, #tpu.memory_space<vmem>>, vector<16xf32>,
      tpu.vector_store %arg6[%swap3A_56], %broadcast_in_dim3A_55 {strides = array<i32>} : memref<10240xf32, #tpu.memory_space<vmem>>, vector<16xf32>,
      %scan3A_58 = arith.constant 4 : i32
      %scan3A_59 = arith.addi %scan3A_21, %scan3A_58 : i32
      %mul3A_60 = arith.constant 16 : i32
      %mul3A_61 = arith.muli %scan3A_59, %mul3A_60 : i32
      %add3A_62 = arith.constant 0 : i32
      %add3A_63 = arith.addi %add3A_62, %mul3A_61 : i32
      %broadcast_in_dim3A_64 = arith.constant 0.000000e+00 : f32
      %broadcast_in_dim3A_65 = vector.broadcast %broadcast_in_dim3A_64 : f32 to vector<16xf32>
      %swap3A_66 = arith.index_cast %add3A_63 : i32 to index
      %swap3A_67 = tpu.vector_load %arg6[%swap3A_66] {strides = array<i32>} : memref<10240xf32, #tpu.memory_space<vmem>>, vector<16xf32>,
      tpu.vector_store %arg6[%swap3A_66], %broadcast_in_dim3A_65 {strides = array<i32>} : memref<10240xf32, #tpu.memory_space<vmem>>, vector<16xf32>,
      %scan3A_68 = arith.constant 5 : i32
      %scan3A_69 = arith.addi %scan3A_21, %scan3A_68 : i32
      %mul3A_70 = arith.constant 16 : i32
      %mul3A_71 = arith.muli %scan3A_69, %mul3A_70 : i32
      %add3A_72 = arith.constant 0 : i32
      %add3A_73 = arith.addi %add3A_72, %mul3A_71 : i32
      %broadcast_in_dim3A_74 = arith.constant 0.000000e+00 : f32
      %broadcast_in_dim3A_75 = vector.broadcast %broadcast_in_dim3A_74 : f32 to vector<16xf32>
      %swap3A_76 = arith.index_cast %add3A_73 : i32 to index
      %swap3A_77 = tpu.vector_load %arg6[%swap3A_76] {strides = array<i32>} : memref<10240xf32, #tpu.memory_space<vmem>>, vector<16xf32>,
      tpu.vector_store %arg6[%swap3A_76], %broadcast_in_dim3A_75 {strides = array<i32>} : memref<10240xf32, #tpu.memory_space<vmem>>, vector<16xf32>,
      %scan3A_78 = arith.constant 6 : i32
      %scan3A_79 = arith.addi %scan3A_21, %scan3A_78 : i32
      %mul3A_80 = arith.constant 16 : i32
      %mul3A_81 = arith.muli %scan3A_79, %mul3A_80 : i32
      %add3A_82 = arith.constant 0 : i32
      %add3A_83 = arith.addi %add3A_82, %mul3A_81 : i32
      %broadcast_in_dim3A_84 = arith.constant 0.000000e+00 : f32
      %broadcast_in_dim3A_85 = vector.broadcast %broadcast_in_dim3A_84 : f32 to vector<16xf32>
      %swap3A_86 = arith.index_cast %add3A_83 : i32 to index
      %swap3A_87 = tpu.vector_load %arg6[%swap3A_86] {strides = array<i32>} : memref<10240xf32, #tpu.memory_space<vmem>>, vector<16xf32>,
      tpu.vector_store %arg6[%swap3A_86], %broadcast_in_dim3A_85 {strides = array<i32>} : memref<10240xf32, #tpu.memory_space<vmem>>, vector<16xf32>,
      %scan3A_88 = arith.constant 7 : i32
      %scan3A_89 = arith.addi %scan3A_21, %scan3A_88 : i32
      %mul3A_90 = arith.constant 16 : i32
      %mul3A_91 = arith.muli %scan3A_89, %mul3A_90 : i32
      %add3A_92 = arith.constant 0 : i32
      %add3A_93 = arith.addi %add3A_92, %mul3A_91 : i32
      %broadcast_in_dim3A_94 = arith.constant 0.000000e+00 : f32
      %broadcast_in_dim3A_95 = vector.broadcast %broadcast_in_dim3A_94 : f32 to vector<16xf32>
      %swap3A_96 = arith.index_cast %add3A_93 : i32 to index
      %swap3A_97 = tpu.vector_load %arg6[%swap3A_96] {strides = array<i32>} : memref<10240xf32, #tpu.memory_space<vmem>>, vector<16xf32>,
      tpu.vector_store %arg6[%swap3A_96], %broadcast_in_dim3A_95 {strides = array<i32>} : memref<10240xf32, #tpu.memory_space<vmem>>, vector<16xf32>,
    }
    %scan3A_10 = arith.constant 640 : i32
    %barrier3A = arith.constant 0 : index
    tpu.barrier barrier_id(%barrier3A)
    %dma_start3A = arith.constant 0 : i32
    %dma_start3A_11 = tpu.memref_slice %arg9[%dma_start3A] : memref<655360xi32, #tpu.memory_space<vmem_shared>> -> memref<16384xi32, #tpu.memory_space<vmem_shared>>
    %dma_start3A_12 = arith.constant 0 : i32
    %dma_start3A_13 = tpu.memref_slice %arg9[%dma_start3A_12] : memref<655360xi32, #tpu.memory_space<vmem_shared>> -> memref<16384xi32, #tpu.memory_space<vmem_shared>>
    tpu.enqueue_dma source(%dma_start3A_13 : memref<16384xi32, #tpu.memory_space<vmem_shared>>) target(%arg7 : memref<16384xi32, #tpu.memory_space<vmem>>) target_semaphore(%arg10 : memref<!tpu.dma_semaphore, #tpu.memory_space<semaphore_mem>>)
    %scan3A_14 = arith.constant 0 : i32
    %scan3A_15 = arith.constant 20 : i32
    %scan3A_16 = arith.addi %scan3A_14, %scan3A_15 : i32
    %scan3A_17 = arith.constant 1 : i32
    scf.for %scan3A_21 = %scan3A_14 to %scan3A_16 step %scan3A_17  : i32 {
      %mul3A_22 = arith.constant 1 : i32
      %mul3A_23 = arith.muli %scan3A_21, %mul3A_22 : i32
      %add3A_24 = arith.constant 0 : i32
      %add3A_25 = arith.addi %add3A_24, %mul3A_23 : i32
      %mul3A_26 = arith.constant 2 : i32
      %mul3A_27 = arith.muli %mul3A_26, %add3A_25 : i32
      %mul3A_28 = arith.constant 16384 : i32
      %mul3A_29 = arith.muli %mul3A_27, %mul3A_28 : i32
      %dma_wait3A = tpu.memref_slice %arg9[%mul3A_29] : memref<655360xi32, #tpu.memory_space<vmem_shared>> -> memref<16384xi32, #tpu.memory_space<vmem_shared>>
      %dma_wait3A_30 = tpu.memref_slice %arg9[%mul3A_29] : memref<655360xi32, #tpu.memory_space<vmem_shared>> -> memref<16384xi32, #tpu.memory_space<vmem_shared>>
      tpu.wait_dma2 semaphore(%arg10 : memref<!tpu.dma_semaphore, #tpu.memory_space<semaphore_mem>>) src(%dma_wait3A_30 : memref<16384xi32, #tpu.memory_space<vmem_shared>>) dst(%arg7 : memref<16384xi32, #tpu.memory_space<vmem>>)
      %add3A_31 = arith.constant 1 : i32
      %add3A_32 = arith.addi %mul3A_27, %add3A_31 : i32
      %mul3A_33 = arith.constant 16384 : i32
      %mul3A_34 = arith.muli %add3A_32, %mul3A_33 : i32
      %dma_start3A_35 = tpu.memref_slice %arg9[%mul3A_34] : memref<655360xi32, #tpu.memory_space<vmem_shared>> -> memref<16384xi32, #tpu.memory_space<vmem_shared>>
      %dma_start3A_36 = tpu.memref_slice %arg9[%mul3A_34] : memref<655360xi32, #tpu.memory_space<vmem_shared>> -> memref<16384xi32, #tpu.memory_space<vmem_shared>>
      tpu.enqueue_dma source(%dma_start3A_36 : memref<16384xi32, #tpu.memory_space<vmem_shared>>) target(%arg8 : memref<16384xi32, #tpu.memory_space<vmem>>) target_semaphore(%arg11 : memref<!tpu.dma_semaphore, #tpu.memory_space<semaphore_mem>>)
      %parallel_loop3A = arith.constant 0 : i32
      %parallel_loop3A_37 = arith.constant 8192 : i32
      %parallel_loop3A_38 = arith.constant 16 : i32
      scf.for %parallel_loop3A_50 = %parallel_loop3A to %parallel_loop3A_37 step %parallel_loop3A_38  : i32 {
        %parallel_loop3A_51 = arith.index_cast %parallel_loop3A_50 : i32 to index
        %parallel_loop3A_52 = tpu.vector_load %arg7[%parallel_loop3A_51] {strides = array<i32>} : memref<16384xi32, #tpu.memory_space<vmem>>, vector<16xi32>,
        %parallel_loop3A_53 = arith.constant 16383 : i32
        %parallel_loop3A_54 = vector.broadcast %parallel_loop3A_53 : i32 to vector<16xi32>
        %parallel_loop3A_55 = arith.andi %parallel_loop3A_52, %parallel_loop3A_54 : vector<16xi32>
        %parallel_loop3A_56 = arith.constant 14 : i32
        %parallel_loop3A_57 = vector.broadcast %parallel_loop3A_56 : i32 to vector<16xi32>
        %parallel_loop3A_58 = arith.shrui %parallel_loop3A_52, %parallel_loop3A_57 : vector<16xi32>
        %parallel_loop3A_59 = arith.constant 8192 : i32
        %parallel_loop3A_60 = arith.addi %parallel_loop3A_59, %parallel_loop3A_50 : i32
        %parallel_loop3A_61 = arith.index_cast %parallel_loop3A_60 : i32 to index
        %parallel_loop3A_62 = tpu.vector_load %arg7[%parallel_loop3A_61] {strides = array<i32>} : memref<16384xi32, #tpu.memory_space<vmem>>, vector<16xi32>,
        %parallel_loop3A_63 = vector.bitcast %parallel_loop3A_62 : vector<16xi32> to vector<16xf32>
        %parallel_loop3A_64 = tpu.vector_load_idx %arg5[%parallel_loop3A_55] : memref<10240xf32, #tpu.memory_space<vmem>>[vector<16xi32>], vector<16xf32>,
        %parallel_loop3A_65 = arith.mulf %parallel_loop3A_64, %parallel_loop3A_63 : vector<16xf32>
        tpu.vector_store_idx %arg6[%parallel_loop3A_58], %parallel_loop3A_65 {add = true} : memref<10240xf32, #tpu.memory_space<vmem>>[vector<16xi32>], vector<16xf32>,
      } {sc.loop_unroll_factor = 8 : i64, sc.parallel_access}
      %add3A_39 = arith.constant 1 : i32
      %add3A_40 = arith.addi %mul3A_27, %add3A_39 : i32
      %mul3A_41 = arith.constant 16384 : i32
      %mul3A_42 = arith.muli %add3A_40, %mul3A_41 : i32
      %dma_wait3A_43 = tpu.memref_slice %arg9[%mul3A_42] : memref<655360xi32, #tpu.memory_space<vmem_shared>> -> memref<16384xi32, #tpu.memory_space<vmem_shared>>
      %dma_wait3A_44 = tpu.memref_slice %arg9[%mul3A_42] : memref<655360xi32, #tpu.memory_space<vmem_shared>> -> memref<16384xi32, #tpu.memory_space<vmem_shared>>
      tpu.wait_dma2 semaphore(%arg11 : memref<!tpu.dma_semaphore, #tpu.memory_space<semaphore_mem>>) src(%dma_wait3A_44 : memref<16384xi32, #tpu.memory_space<vmem_shared>>) dst(%arg8 : memref<16384xi32, #tpu.memory_space<vmem>>)
      %lt3A = arith.constant 19 : i32
      %lt3A_45 = arith.cmpi slt, %add3A_25, %lt3A : i32
      %convert_element_type3A = arith.extui %lt3A_45 : i1 to i32
      %cond3A = arith.constant 0 : i32
      %cond3A_46 = arith.cmpi ne, %convert_element_type3A, %cond3A : i32
      scf.if %cond3A_46 {
        %add3A_50 = arith.constant 2 : i32
        %add3A_51 = arith.addi %mul3A_27, %add3A_50 : i32
        %mul3A_52 = arith.constant 16384 : i32
        %mul3A_53 = arith.muli %add3A_51, %mul3A_52 : i32
        %dma_start3A_54 = tpu.memref_slice %arg9[%mul3A_53] : memref<655360xi32, #tpu.memory_space<vmem_shared>> -> memref<16384xi32, #tpu.memory_space<vmem_shared>>
        %dma_start3A_55 = tpu.memref_slice %arg9[%mul3A_53] : memref<655360xi32, #tpu.memory_space<vmem_shared>> -> memref<16384xi32, #tpu.memory_space<vmem_shared>>
        tpu.enqueue_dma source(%dma_start3A_55 : memref<16384xi32, #tpu.memory_space<vmem_shared>>) target(%arg7 : memref<16384xi32, #tpu.memory_space<vmem>>) target_semaphore(%arg10 : memref<!tpu.dma_semaphore, #tpu.memory_space<semaphore_mem>>)
      } else {
      }
      %parallel_loop3A_47 = arith.constant 0 : i32
      %parallel_loop3A_48 = arith.constant 8192 : i32
      %parallel_loop3A_49 = arith.constant 16 : i32
      scf.for %parallel_loop3A_50 = %parallel_loop3A_47 to %parallel_loop3A_48 step %parallel_loop3A_49  : i32 {
        %parallel_loop3A_51 = arith.index_cast %parallel_loop3A_50 : i32 to index
        %parallel_loop3A_52 = tpu.vector_load %arg8[%parallel_loop3A_51] {strides = array<i32>} : memref<16384xi32, #tpu.memory_space<vmem>>, vector<16xi32>,
        %parallel_loop3A_53 = arith.constant 16383 : i32
        %parallel_loop3A_54 = vector.broadcast %parallel_loop3A_53 : i32 to vector<16xi32>
        %parallel_loop3A_55 = arith.andi %parallel_loop3A_52, %parallel_loop3A_54 : vector<16xi32>
        %parallel_loop3A_56 = arith.constant 14 : i32
        %parallel_loop3A_57 = vector.broadcast %parallel_loop3A_56 : i32 to vector<16xi32>
        %parallel_loop3A_58 = arith.shrui %parallel_loop3A_52, %parallel_loop3A_57 : vector<16xi32>
        %parallel_loop3A_59 = arith.constant 8192 : i32
        %parallel_loop3A_60 = arith.addi %parallel_loop3A_59, %parallel_loop3A_50 : i32
        %parallel_loop3A_61 = arith.index_cast %parallel_loop3A_60 : i32 to index
        %parallel_loop3A_62 = tpu.vector_load %arg8[%parallel_loop3A_61] {strides = array<i32>} : memref<16384xi32, #tpu.memory_space<vmem>>, vector<16xi32>,
        %parallel_loop3A_63 = vector.bitcast %parallel_loop3A_62 : vector<16xi32> to vector<16xf32>
        %parallel_loop3A_64 = tpu.vector_load_idx %arg5[%parallel_loop3A_55] : memref<10240xf32, #tpu.memory_space<vmem>>[vector<16xi32>], vector<16xf32>,
        %parallel_loop3A_65 = arith.mulf %parallel_loop3A_64, %parallel_loop3A_63 : vector<16xf32>
        tpu.vector_store_idx %arg6[%parallel_loop3A_58], %parallel_loop3A_65 {add = true} : memref<10240xf32, #tpu.memory_space<vmem>>[vector<16xi32>], vector<16xf32>,
      } {sc.loop_unroll_factor = 8 : i64, sc.parallel_access}
    }
    %scan3A_18 = arith.constant 20 : i32
    %mul3A_19 = arith.constant 10240 : i32
    %mul3A_20 = arith.muli %add3A, %mul3A_19 : i32
    "tpu.region"() ({
      %run_scoped3A = tpu.sem_alloc : memref<!tpu.dma_semaphore, #tpu.memory_space<semaphore_mem>>
      %dma_start3A_21 = tpu.memref_slice %arg4[%mul3A_20] : memref<327680xf32, #tpu.memory_space<hbm>> -> memref<10240xf32, #tpu.memory_space<hbm>>
      %dma_start3A_22 = tpu.memref_slice %arg4[%mul3A_20] : memref<327680xf32, #tpu.memory_space<hbm>> -> memref<10240xf32, #tpu.memory_space<hbm>>
      tpu.enqueue_dma source(%arg6 : memref<10240xf32, #tpu.memory_space<vmem>>) target(%dma_start3A_22 : memref<10240xf32, #tpu.memory_space<hbm>>) target_semaphore(%run_scoped3A : memref<!tpu.dma_semaphore, #tpu.memory_space<semaphore_mem>>)
      %dma_wait3A = tpu.memref_slice %arg4[%mul3A_20] : memref<327680xf32, #tpu.memory_space<hbm>> -> memref<10240xf32, #tpu.memory_space<hbm>>
      %dma_wait3A_23 = tpu.memref_slice %arg4[%mul3A_20] : memref<327680xf32, #tpu.memory_space<hbm>> -> memref<10240xf32, #tpu.memory_space<hbm>>
      tpu.wait_dma2 semaphore(%run_scoped3A : memref<!tpu.dma_semaphore, #tpu.memory_space<semaphore_mem>>) src(%arg6 : memref<10240xf32, #tpu.memory_space<vmem>>) dst(%dma_wait3A_23 : memref<10240xf32, #tpu.memory_space<hbm>>)
      tpu.yield
    }) : () -> ()
    return
  }
}

#map = affine_map<(d0, d1) -> (0)>
module attributes {stable_mosaic.version = 14 : i64} {
  func.func @gcn_agg_es2(%arg0: i32, %arg1: i32, %arg2: memref<163840xf32, #tpu.memory_space<hbm>>, %arg3: memref<655360xi32, #tpu.memory_space<hbm>>, %arg4: memref<327680xf32, #tpu.memory_space<hbm>>, %arg5: memref<10240xf32, #tpu.memory_space<vmem>>, %arg6: memref<10240xf32, #tpu.memory_space<vmem>>, %arg7: memref<16384xi32, #tpu.memory_space<vmem>>, %arg8: memref<16384xi32, #tpu.memory_space<vmem>>, %arg9: memref<327680xi32, #tpu.memory_space<vmem_shared>>, %arg10: memref<!tpu.dma_semaphore, #tpu.memory_space<semaphore_mem>>, %arg11: memref<!tpu.dma_semaphore, #tpu.memory_space<semaphore_mem>>) attributes {dimension_semantics = [#tpu.dimension_semantics<core_parallel>, #tpu.dimension_semantics<subcore_parallel>], iteration_bounds = array<i64: 2, 16>, scalar_prefetch = 0 : i64, scratch_operands = 7 : i64, tpu.core_type = #tpu.core_type<sc_vector_subcore>, window_params = [{transform_indices = #map}, {transform_indices = #map}, {transform_indices = #map}]} {
    %mul3A = arith.constant 16 : i32
    %mul3A_0 = arith.muli %arg0, %mul3A : i32
    %add3A = arith.addi %mul3A_0, %arg1 : i32
    %mul3A_1 = arith.constant 163840 : i32
    %mul3A_2 = arith.muli %arg0, %mul3A_1 : i32
    %mul3A_3 = arith.constant 2 : i32
    %mul3A_4 = arith.muli %mul3A_2, %mul3A_3 : i32
    %mul3A_5 = arith.constant 10240 : i32
    %mul3A_6 = arith.muli %arg1, %mul3A_5 : i32
    "tpu.region"() ({
      %run_scoped3A = tpu.sem_alloc : memref<!tpu.dma_semaphore, #tpu.memory_space<semaphore_mem>>
      %dma_start3A_24 = tpu.memref_slice %arg2[%mul3A_6] : memref<163840xf32, #tpu.memory_space<hbm>> -> memref<10240xf32, #tpu.memory_space<hbm>>
      %dma_start3A_25 = tpu.memref_slice %arg2[%mul3A_6] : memref<163840xf32, #tpu.memory_space<hbm>> -> memref<10240xf32, #tpu.memory_space<hbm>>
      tpu.enqueue_dma source(%dma_start3A_25 : memref<10240xf32, #tpu.memory_space<hbm>>) target(%arg5 : memref<10240xf32, #tpu.memory_space<vmem>>) target_semaphore(%run_scoped3A : memref<!tpu.dma_semaphore, #tpu.memory_space<semaphore_mem>>)
      %dma_wait3A = tpu.memref_slice %arg2[%mul3A_6] : memref<163840xf32, #tpu.memory_space<hbm>> -> memref<10240xf32, #tpu.memory_space<hbm>>
      %dma_wait3A_26 = tpu.memref_slice %arg2[%mul3A_6] : memref<163840xf32, #tpu.memory_space<hbm>> -> memref<10240xf32, #tpu.memory_space<hbm>>
      tpu.wait_dma2 semaphore(%run_scoped3A : memref<!tpu.dma_semaphore, #tpu.memory_space<semaphore_mem>>) src(%dma_wait3A_26 : memref<10240xf32, #tpu.memory_space<hbm>>) dst(%arg5 : memref<10240xf32, #tpu.memory_space<vmem>>)
      tpu.yield
    }) : () -> ()
    %mul3A_7 = arith.constant 20480 : i32
    %mul3A_8 = arith.muli %arg1, %mul3A_7 : i32
    %add3A_9 = arith.addi %mul3A_4, %mul3A_8 : i32
    "tpu.region"() ({
      %run_scoped3A = tpu.sem_alloc : memref<!tpu.dma_semaphore, #tpu.memory_space<semaphore_mem>>
      %dma_start3A_24 = tpu.memref_slice %arg9[%mul3A_8] : memref<327680xi32, #tpu.memory_space<vmem_shared>> -> memref<20480xi32, #tpu.memory_space<vmem_shared>>
      %dma_start3A_25 = tpu.memref_slice %arg3[%add3A_9] : memref<655360xi32, #tpu.memory_space<hbm>> -> memref<20480xi32, #tpu.memory_space<hbm>>
      tpu.enqueue_dma source(%dma_start3A_25 : memref<20480xi32, #tpu.memory_space<hbm>>) target(%dma_start3A_24 : memref<20480xi32, #tpu.memory_space<vmem_shared>>) target_semaphore(%run_scoped3A : memref<!tpu.dma_semaphore, #tpu.memory_space<semaphore_mem>>)
      %dma_wait3A = tpu.memref_slice %arg9[%mul3A_8] : memref<327680xi32, #tpu.memory_space<vmem_shared>> -> memref<20480xi32, #tpu.memory_space<vmem_shared>>
      %dma_wait3A_26 = tpu.memref_slice %arg3[%add3A_9] : memref<655360xi32, #tpu.memory_space<hbm>> -> memref<20480xi32, #tpu.memory_space<hbm>>
      tpu.wait_dma2 semaphore(%run_scoped3A : memref<!tpu.dma_semaphore, #tpu.memory_space<semaphore_mem>>) src(%dma_wait3A_26 : memref<20480xi32, #tpu.memory_space<hbm>>) dst(%dma_wait3A : memref<20480xi32, #tpu.memory_space<vmem_shared>>)
      tpu.yield
    }) : () -> ()
    %scan3A = arith.constant 0 : i32
    %scan3A_10 = arith.constant 640 : i32
    %scan3A_11 = arith.addi %scan3A, %scan3A_10 : i32
    %scan3A_12 = arith.constant 8 : i32
    scf.for %scan3A_24 = %scan3A to %scan3A_11 step %scan3A_12  : i32 {
      %mul3A_25 = arith.constant 16 : i32
      %mul3A_26 = arith.muli %scan3A_24, %mul3A_25 : i32
      %add3A_27 = arith.constant 0 : i32
      %add3A_28 = arith.addi %add3A_27, %mul3A_26 : i32
      %broadcast_in_dim3A = arith.constant 0.000000e+00 : f32
      %broadcast_in_dim3A_29 = vector.broadcast %broadcast_in_dim3A : f32 to vector<16xf32>
      %swap3A = arith.index_cast %add3A_28 : i32 to index
      %swap3A_30 = tpu.vector_load %arg6[%swap3A] {strides = array<i32>} : memref<10240xf32, #tpu.memory_space<vmem>>, vector<16xf32>,
      tpu.vector_store %arg6[%swap3A], %broadcast_in_dim3A_29 {strides = array<i32>} : memref<10240xf32, #tpu.memory_space<vmem>>, vector<16xf32>,
      %scan3A_31 = arith.constant 1 : i32
      %scan3A_32 = arith.addi %scan3A_24, %scan3A_31 : i32
      %mul3A_33 = arith.constant 16 : i32
      %mul3A_34 = arith.muli %scan3A_32, %mul3A_33 : i32
      %add3A_35 = arith.constant 0 : i32
      %add3A_36 = arith.addi %add3A_35, %mul3A_34 : i32
      %broadcast_in_dim3A_37 = arith.constant 0.000000e+00 : f32
      %broadcast_in_dim3A_38 = vector.broadcast %broadcast_in_dim3A_37 : f32 to vector<16xf32>
      %swap3A_39 = arith.index_cast %add3A_36 : i32 to index
      %swap3A_40 = tpu.vector_load %arg6[%swap3A_39] {strides = array<i32>} : memref<10240xf32, #tpu.memory_space<vmem>>, vector<16xf32>,
      tpu.vector_store %arg6[%swap3A_39], %broadcast_in_dim3A_38 {strides = array<i32>} : memref<10240xf32, #tpu.memory_space<vmem>>, vector<16xf32>,
      %scan3A_41 = arith.constant 2 : i32
      %scan3A_42 = arith.addi %scan3A_24, %scan3A_41 : i32
      %mul3A_43 = arith.constant 16 : i32
      %mul3A_44 = arith.muli %scan3A_42, %mul3A_43 : i32
      %add3A_45 = arith.constant 0 : i32
      %add3A_46 = arith.addi %add3A_45, %mul3A_44 : i32
      %broadcast_in_dim3A_47 = arith.constant 0.000000e+00 : f32
      %broadcast_in_dim3A_48 = vector.broadcast %broadcast_in_dim3A_47 : f32 to vector<16xf32>
      %swap3A_49 = arith.index_cast %add3A_46 : i32 to index
      %swap3A_50 = tpu.vector_load %arg6[%swap3A_49] {strides = array<i32>} : memref<10240xf32, #tpu.memory_space<vmem>>, vector<16xf32>,
      tpu.vector_store %arg6[%swap3A_49], %broadcast_in_dim3A_48 {strides = array<i32>} : memref<10240xf32, #tpu.memory_space<vmem>>, vector<16xf32>,
      %scan3A_51 = arith.constant 3 : i32
      %scan3A_52 = arith.addi %scan3A_24, %scan3A_51 : i32
      %mul3A_53 = arith.constant 16 : i32
      %mul3A_54 = arith.muli %scan3A_52, %mul3A_53 : i32
      %add3A_55 = arith.constant 0 : i32
      %add3A_56 = arith.addi %add3A_55, %mul3A_54 : i32
      %broadcast_in_dim3A_57 = arith.constant 0.000000e+00 : f32
      %broadcast_in_dim3A_58 = vector.broadcast %broadcast_in_dim3A_57 : f32 to vector<16xf32>
      %swap3A_59 = arith.index_cast %add3A_56 : i32 to index
      %swap3A_60 = tpu.vector_load %arg6[%swap3A_59] {strides = array<i32>} : memref<10240xf32, #tpu.memory_space<vmem>>, vector<16xf32>,
      tpu.vector_store %arg6[%swap3A_59], %broadcast_in_dim3A_58 {strides = array<i32>} : memref<10240xf32, #tpu.memory_space<vmem>>, vector<16xf32>,
      %scan3A_61 = arith.constant 4 : i32
      %scan3A_62 = arith.addi %scan3A_24, %scan3A_61 : i32
      %mul3A_63 = arith.constant 16 : i32
      %mul3A_64 = arith.muli %scan3A_62, %mul3A_63 : i32
      %add3A_65 = arith.constant 0 : i32
      %add3A_66 = arith.addi %add3A_65, %mul3A_64 : i32
      %broadcast_in_dim3A_67 = arith.constant 0.000000e+00 : f32
      %broadcast_in_dim3A_68 = vector.broadcast %broadcast_in_dim3A_67 : f32 to vector<16xf32>
      %swap3A_69 = arith.index_cast %add3A_66 : i32 to index
      %swap3A_70 = tpu.vector_load %arg6[%swap3A_69] {strides = array<i32>} : memref<10240xf32, #tpu.memory_space<vmem>>, vector<16xf32>,
      tpu.vector_store %arg6[%swap3A_69], %broadcast_in_dim3A_68 {strides = array<i32>} : memref<10240xf32, #tpu.memory_space<vmem>>, vector<16xf32>,
      %scan3A_71 = arith.constant 5 : i32
      %scan3A_72 = arith.addi %scan3A_24, %scan3A_71 : i32
      %mul3A_73 = arith.constant 16 : i32
      %mul3A_74 = arith.muli %scan3A_72, %mul3A_73 : i32
      %add3A_75 = arith.constant 0 : i32
      %add3A_76 = arith.addi %add3A_75, %mul3A_74 : i32
      %broadcast_in_dim3A_77 = arith.constant 0.000000e+00 : f32
      %broadcast_in_dim3A_78 = vector.broadcast %broadcast_in_dim3A_77 : f32 to vector<16xf32>
      %swap3A_79 = arith.index_cast %add3A_76 : i32 to index
      %swap3A_80 = tpu.vector_load %arg6[%swap3A_79] {strides = array<i32>} : memref<10240xf32, #tpu.memory_space<vmem>>, vector<16xf32>,
      tpu.vector_store %arg6[%swap3A_79], %broadcast_in_dim3A_78 {strides = array<i32>} : memref<10240xf32, #tpu.memory_space<vmem>>, vector<16xf32>,
      %scan3A_81 = arith.constant 6 : i32
      %scan3A_82 = arith.addi %scan3A_24, %scan3A_81 : i32
      %mul3A_83 = arith.constant 16 : i32
      %mul3A_84 = arith.muli %scan3A_82, %mul3A_83 : i32
      %add3A_85 = arith.constant 0 : i32
      %add3A_86 = arith.addi %add3A_85, %mul3A_84 : i32
      %broadcast_in_dim3A_87 = arith.constant 0.000000e+00 : f32
      %broadcast_in_dim3A_88 = vector.broadcast %broadcast_in_dim3A_87 : f32 to vector<16xf32>
      %swap3A_89 = arith.index_cast %add3A_86 : i32 to index
      %swap3A_90 = tpu.vector_load %arg6[%swap3A_89] {strides = array<i32>} : memref<10240xf32, #tpu.memory_space<vmem>>, vector<16xf32>,
      tpu.vector_store %arg6[%swap3A_89], %broadcast_in_dim3A_88 {strides = array<i32>} : memref<10240xf32, #tpu.memory_space<vmem>>, vector<16xf32>,
      %scan3A_91 = arith.constant 7 : i32
      %scan3A_92 = arith.addi %scan3A_24, %scan3A_91 : i32
      %mul3A_93 = arith.constant 16 : i32
      %mul3A_94 = arith.muli %scan3A_92, %mul3A_93 : i32
      %add3A_95 = arith.constant 0 : i32
      %add3A_96 = arith.addi %add3A_95, %mul3A_94 : i32
      %broadcast_in_dim3A_97 = arith.constant 0.000000e+00 : f32
      %broadcast_in_dim3A_98 = vector.broadcast %broadcast_in_dim3A_97 : f32 to vector<16xf32>
      %swap3A_99 = arith.index_cast %add3A_96 : i32 to index
      %swap3A_100 = tpu.vector_load %arg6[%swap3A_99] {strides = array<i32>} : memref<10240xf32, #tpu.memory_space<vmem>>, vector<16xf32>,
      tpu.vector_store %arg6[%swap3A_99], %broadcast_in_dim3A_98 {strides = array<i32>} : memref<10240xf32, #tpu.memory_space<vmem>>, vector<16xf32>,
    }
    %scan3A_13 = arith.constant 640 : i32
    %barrier3A = arith.constant 0 : index
    tpu.barrier barrier_id(%barrier3A)
    %dma_start3A = arith.constant 0 : i32
    %dma_start3A_14 = tpu.memref_slice %arg9[%dma_start3A] : memref<327680xi32, #tpu.memory_space<vmem_shared>> -> memref<16384xi32, #tpu.memory_space<vmem_shared>>
    %dma_start3A_15 = arith.constant 0 : i32
    %dma_start3A_16 = tpu.memref_slice %arg9[%dma_start3A_15] : memref<327680xi32, #tpu.memory_space<vmem_shared>> -> memref<16384xi32, #tpu.memory_space<vmem_shared>>
    tpu.enqueue_dma source(%dma_start3A_16 : memref<16384xi32, #tpu.memory_space<vmem_shared>>) target(%arg7 : memref<16384xi32, #tpu.memory_space<vmem>>) target_semaphore(%arg10 : memref<!tpu.dma_semaphore, #tpu.memory_space<semaphore_mem>>)
    %scan3A_17 = arith.constant 0 : i32
    %scan3A_18 = arith.constant 10 : i32
    %scan3A_19 = arith.addi %scan3A_17, %scan3A_18 : i32
    %scan3A_20 = arith.constant 1 : i32
    scf.for %scan3A_24 = %scan3A_17 to %scan3A_19 step %scan3A_20  : i32 {
      %mul3A_25 = arith.constant 1 : i32
      %mul3A_26 = arith.muli %scan3A_24, %mul3A_25 : i32
      %add3A_27 = arith.constant 0 : i32
      %add3A_28 = arith.addi %add3A_27, %mul3A_26 : i32
      %mul3A_29 = arith.constant 2 : i32
      %mul3A_30 = arith.muli %mul3A_29, %add3A_28 : i32
      %mul3A_31 = arith.constant 16384 : i32
      %mul3A_32 = arith.muli %mul3A_30, %mul3A_31 : i32
      %dma_wait3A = tpu.memref_slice %arg9[%mul3A_32] : memref<327680xi32, #tpu.memory_space<vmem_shared>> -> memref<16384xi32, #tpu.memory_space<vmem_shared>>
      %dma_wait3A_33 = tpu.memref_slice %arg9[%mul3A_32] : memref<327680xi32, #tpu.memory_space<vmem_shared>> -> memref<16384xi32, #tpu.memory_space<vmem_shared>>
      tpu.wait_dma2 semaphore(%arg10 : memref<!tpu.dma_semaphore, #tpu.memory_space<semaphore_mem>>) src(%dma_wait3A_33 : memref<16384xi32, #tpu.memory_space<vmem_shared>>) dst(%arg7 : memref<16384xi32, #tpu.memory_space<vmem>>)
      %add3A_34 = arith.constant 1 : i32
      %add3A_35 = arith.addi %mul3A_30, %add3A_34 : i32
      %mul3A_36 = arith.constant 16384 : i32
      %mul3A_37 = arith.muli %add3A_35, %mul3A_36 : i32
      %dma_start3A_38 = tpu.memref_slice %arg9[%mul3A_37] : memref<327680xi32, #tpu.memory_space<vmem_shared>> -> memref<16384xi32, #tpu.memory_space<vmem_shared>>
      %dma_start3A_39 = tpu.memref_slice %arg9[%mul3A_37] : memref<327680xi32, #tpu.memory_space<vmem_shared>> -> memref<16384xi32, #tpu.memory_space<vmem_shared>>
      tpu.enqueue_dma source(%dma_start3A_39 : memref<16384xi32, #tpu.memory_space<vmem_shared>>) target(%arg8 : memref<16384xi32, #tpu.memory_space<vmem>>) target_semaphore(%arg11 : memref<!tpu.dma_semaphore, #tpu.memory_space<semaphore_mem>>)
      %parallel_loop3A = arith.constant 0 : i32
      %parallel_loop3A_40 = arith.constant 8192 : i32
      %parallel_loop3A_41 = arith.constant 16 : i32
      scf.for %parallel_loop3A_53 = %parallel_loop3A to %parallel_loop3A_40 step %parallel_loop3A_41  : i32 {
        %parallel_loop3A_54 = arith.index_cast %parallel_loop3A_53 : i32 to index
        %parallel_loop3A_55 = tpu.vector_load %arg7[%parallel_loop3A_54] {strides = array<i32>} : memref<16384xi32, #tpu.memory_space<vmem>>, vector<16xi32>,
        %parallel_loop3A_56 = arith.constant 16383 : i32
        %parallel_loop3A_57 = vector.broadcast %parallel_loop3A_56 : i32 to vector<16xi32>
        %parallel_loop3A_58 = arith.andi %parallel_loop3A_55, %parallel_loop3A_57 : vector<16xi32>
        %parallel_loop3A_59 = arith.constant 14 : i32
        %parallel_loop3A_60 = vector.broadcast %parallel_loop3A_59 : i32 to vector<16xi32>
        %parallel_loop3A_61 = arith.shrui %parallel_loop3A_55, %parallel_loop3A_60 : vector<16xi32>
        %parallel_loop3A_62 = arith.constant 8192 : i32
        %parallel_loop3A_63 = arith.addi %parallel_loop3A_62, %parallel_loop3A_53 : i32
        %parallel_loop3A_64 = arith.index_cast %parallel_loop3A_63 : i32 to index
        %parallel_loop3A_65 = tpu.vector_load %arg7[%parallel_loop3A_64] {strides = array<i32>} : memref<16384xi32, #tpu.memory_space<vmem>>, vector<16xi32>,
        %parallel_loop3A_66 = vector.bitcast %parallel_loop3A_65 : vector<16xi32> to vector<16xf32>
        %parallel_loop3A_67 = tpu.vector_load_idx %arg5[%parallel_loop3A_58] : memref<10240xf32, #tpu.memory_space<vmem>>[vector<16xi32>], vector<16xf32>,
        %parallel_loop3A_68 = arith.mulf %parallel_loop3A_67, %parallel_loop3A_66 : vector<16xf32>
        tpu.vector_store_idx %arg6[%parallel_loop3A_61], %parallel_loop3A_68 {add = true} : memref<10240xf32, #tpu.memory_space<vmem>>[vector<16xi32>], vector<16xf32>,
      } {sc.loop_unroll_factor = 8 : i64, sc.parallel_access}
      %add3A_42 = arith.constant 1 : i32
      %add3A_43 = arith.addi %mul3A_30, %add3A_42 : i32
      %mul3A_44 = arith.constant 16384 : i32
      %mul3A_45 = arith.muli %add3A_43, %mul3A_44 : i32
      %dma_wait3A_46 = tpu.memref_slice %arg9[%mul3A_45] : memref<327680xi32, #tpu.memory_space<vmem_shared>> -> memref<16384xi32, #tpu.memory_space<vmem_shared>>
      %dma_wait3A_47 = tpu.memref_slice %arg9[%mul3A_45] : memref<327680xi32, #tpu.memory_space<vmem_shared>> -> memref<16384xi32, #tpu.memory_space<vmem_shared>>
      tpu.wait_dma2 semaphore(%arg11 : memref<!tpu.dma_semaphore, #tpu.memory_space<semaphore_mem>>) src(%dma_wait3A_47 : memref<16384xi32, #tpu.memory_space<vmem_shared>>) dst(%arg8 : memref<16384xi32, #tpu.memory_space<vmem>>)
      %lt3A = arith.constant 9 : i32
      %lt3A_48 = arith.cmpi slt, %add3A_28, %lt3A : i32
      %convert_element_type3A = arith.extui %lt3A_48 : i1 to i32
      %cond3A = arith.constant 0 : i32
      %cond3A_49 = arith.cmpi ne, %convert_element_type3A, %cond3A : i32
      scf.if %cond3A_49 {
        %add3A_53 = arith.constant 2 : i32
        %add3A_54 = arith.addi %mul3A_30, %add3A_53 : i32
        %mul3A_55 = arith.constant 16384 : i32
        %mul3A_56 = arith.muli %add3A_54, %mul3A_55 : i32
        %dma_start3A_57 = tpu.memref_slice %arg9[%mul3A_56] : memref<327680xi32, #tpu.memory_space<vmem_shared>> -> memref<16384xi32, #tpu.memory_space<vmem_shared>>
        %dma_start3A_58 = tpu.memref_slice %arg9[%mul3A_56] : memref<327680xi32, #tpu.memory_space<vmem_shared>> -> memref<16384xi32, #tpu.memory_space<vmem_shared>>
        tpu.enqueue_dma source(%dma_start3A_58 : memref<16384xi32, #tpu.memory_space<vmem_shared>>) target(%arg7 : memref<16384xi32, #tpu.memory_space<vmem>>) target_semaphore(%arg10 : memref<!tpu.dma_semaphore, #tpu.memory_space<semaphore_mem>>)
      } else {
      }
      %parallel_loop3A_50 = arith.constant 0 : i32
      %parallel_loop3A_51 = arith.constant 8192 : i32
      %parallel_loop3A_52 = arith.constant 16 : i32
      scf.for %parallel_loop3A_53 = %parallel_loop3A_50 to %parallel_loop3A_51 step %parallel_loop3A_52  : i32 {
        %parallel_loop3A_54 = arith.index_cast %parallel_loop3A_53 : i32 to index
        %parallel_loop3A_55 = tpu.vector_load %arg8[%parallel_loop3A_54] {strides = array<i32>} : memref<16384xi32, #tpu.memory_space<vmem>>, vector<16xi32>,
        %parallel_loop3A_56 = arith.constant 16383 : i32
        %parallel_loop3A_57 = vector.broadcast %parallel_loop3A_56 : i32 to vector<16xi32>
        %parallel_loop3A_58 = arith.andi %parallel_loop3A_55, %parallel_loop3A_57 : vector<16xi32>
        %parallel_loop3A_59 = arith.constant 14 : i32
        %parallel_loop3A_60 = vector.broadcast %parallel_loop3A_59 : i32 to vector<16xi32>
        %parallel_loop3A_61 = arith.shrui %parallel_loop3A_55, %parallel_loop3A_60 : vector<16xi32>
        %parallel_loop3A_62 = arith.constant 8192 : i32
        %parallel_loop3A_63 = arith.addi %parallel_loop3A_62, %parallel_loop3A_53 : i32
        %parallel_loop3A_64 = arith.index_cast %parallel_loop3A_63 : i32 to index
        %parallel_loop3A_65 = tpu.vector_load %arg8[%parallel_loop3A_64] {strides = array<i32>} : memref<16384xi32, #tpu.memory_space<vmem>>, vector<16xi32>,
        %parallel_loop3A_66 = vector.bitcast %parallel_loop3A_65 : vector<16xi32> to vector<16xf32>
        %parallel_loop3A_67 = tpu.vector_load_idx %arg5[%parallel_loop3A_58] : memref<10240xf32, #tpu.memory_space<vmem>>[vector<16xi32>], vector<16xf32>,
        %parallel_loop3A_68 = arith.mulf %parallel_loop3A_67, %parallel_loop3A_66 : vector<16xf32>
        tpu.vector_store_idx %arg6[%parallel_loop3A_61], %parallel_loop3A_68 {add = true} : memref<10240xf32, #tpu.memory_space<vmem>>[vector<16xi32>], vector<16xf32>,
      } {sc.loop_unroll_factor = 8 : i64, sc.parallel_access}
    }
    %scan3A_21 = arith.constant 10 : i32
    %mul3A_22 = arith.constant 10240 : i32
    %mul3A_23 = arith.muli %add3A, %mul3A_22 : i32
    "tpu.region"() ({
      %run_scoped3A = tpu.sem_alloc : memref<!tpu.dma_semaphore, #tpu.memory_space<semaphore_mem>>
      %dma_start3A_24 = tpu.memref_slice %arg4[%mul3A_23] : memref<327680xf32, #tpu.memory_space<hbm>> -> memref<10240xf32, #tpu.memory_space<hbm>>
      %dma_start3A_25 = tpu.memref_slice %arg4[%mul3A_23] : memref<327680xf32, #tpu.memory_space<hbm>> -> memref<10240xf32, #tpu.memory_space<hbm>>
      tpu.enqueue_dma source(%arg6 : memref<10240xf32, #tpu.memory_space<vmem>>) target(%dma_start3A_25 : memref<10240xf32, #tpu.memory_space<hbm>>) target_semaphore(%run_scoped3A : memref<!tpu.dma_semaphore, #tpu.memory_space<semaphore_mem>>)
      %dma_wait3A = tpu.memref_slice %arg4[%mul3A_23] : memref<327680xf32, #tpu.memory_space<hbm>> -> memref<10240xf32, #tpu.memory_space<hbm>>
      %dma_wait3A_26 = tpu.memref_slice %arg4[%mul3A_23] : memref<327680xf32, #tpu.memory_space<hbm>> -> memref<10240xf32, #tpu.memory_space<hbm>>
      tpu.wait_dma2 semaphore(%run_scoped3A : memref<!tpu.dma_semaphore, #tpu.memory_space<semaphore_mem>>) src(%arg6 : memref<10240xf32, #tpu.memory_space<vmem>>) dst(%dma_wait3A_26 : memref<10240xf32, #tpu.memory_space<hbm>>)
      tpu.yield
    }) : () -> ()
    return
  }
}

module attributes {stable_mosaic.version = 14 : i64} {
  func.func @_mm1_body(%arg0: memref<10240x128xf32, #tpu.memory_space<vmem>>, %arg1: memref<128x32xf32, #tpu.memory_space<vmem>>, %arg2: memref<32x10240xf32, #tpu.memory_space<vmem>>) attributes {dimension_semantics = [], scalar_prefetch = 0 : i64, scratch_operands = 0 : i64, tpu.core_type = #tpu.core_type<tc>} {
    %get3A = arith.constant 0 : index
    %get3A_0 = arith.constant 0 : index
    %get3A_1 = vector.load %arg1[%get3A, %get3A_0] : memref<128x32xf32, #tpu.memory_space<vmem>>, vector<128x32xf32>
    %get3A_2 = arith.constant 0 : index
    %get3A_3 = arith.constant 0 : index
    %get3A_4 = vector.load %arg0[%get3A_2, %get3A_3] : memref<10240x128xf32, #tpu.memory_space<vmem>>, vector<10240x128xf32>
    %dot_general3A = arith.constant dense<0.000000e+00> : vector<32x10240xf32>
    %dot_general3A_5 = tpu.matmul %get3A_1, %get3A_4, %dot_general3A {dimension_numbers = #tpu.dot_dimension_numbers<[0], [1], [1], [0], [0, 1, 1, 0], [], []>, precision = #tpu.contract_precision<fp32>, transpose_lhs_hint = false} : vector<128x32xf32>, vector<10240x128xf32>, vector<32x10240xf32> -> vector<32x10240xf32>
    %swap3A = arith.constant 0 : index
    %swap3A_6 = arith.constant 0 : index
    %swap3A_7 = vector.load %arg2[%swap3A, %swap3A_6] : memref<32x10240xf32, #tpu.memory_space<vmem>>, vector<32x10240xf32>
    tpu.vector_store %arg2[%swap3A, %swap3A_6], %dot_general3A_5 {strides = array<i32>} : memref<32x10240xf32, #tpu.memory_space<vmem>>, vector<32x10240xf32>,
    return
  }
}

module attributes {stable_mosaic.version = 14 : i64} {
  func.func @_scale1_body(%arg0: memref<32x10240xf32, #tpu.memory_space<vmem>>, %arg1: memref<1x10240xf32, #tpu.memory_space<vmem>>, %arg2: memref<1x10240xf32, #tpu.memory_space<vmem>>, %arg3: memref<32x10240xf32, #tpu.memory_space<vmem>>, %arg4: memref<1x10240xf32, #tpu.memory_space<vmem>>) attributes {dimension_semantics = [], scalar_prefetch = 0 : i64, scratch_operands = 0 : i64, tpu.core_type = #tpu.core_type<tc>} {
    %get3A = arith.constant 0 : index
    %get3A_0 = arith.constant 0 : index
    %get3A_1 = vector.load %arg1[%get3A, %get3A_0] : memref<1x10240xf32, #tpu.memory_space<vmem>>, vector<1x10240xf32>
    %add3A = arith.constant 1.000000e+00 : f32
    %add3A_2 = vector.broadcast %add3A : f32 to vector<1x10240xf32>
    %add3A_3 = arith.addf %add3A_2, %get3A_1 : vector<1x10240xf32>
    %get3A_4 = arith.constant 0 : index
    %get3A_5 = arith.constant 0 : index
    %get3A_6 = vector.load %arg2[%get3A_4, %get3A_5] : memref<1x10240xf32, #tpu.memory_space<vmem>>, vector<1x10240xf32>
    %add3A_7 = arith.addf %add3A_3, %get3A_6 : vector<1x10240xf32>
    %rsqrt3A = math.rsqrt %add3A_7 : vector<1x10240xf32>
    %swap3A = arith.constant 0 : index
    %swap3A_8 = arith.constant 0 : index
    %swap3A_9 = vector.load %arg4[%swap3A, %swap3A_8] : memref<1x10240xf32, #tpu.memory_space<vmem>>, vector<1x10240xf32>
    tpu.vector_store %arg4[%swap3A, %swap3A_8], %rsqrt3A {strides = array<i32>} : memref<1x10240xf32, #tpu.memory_space<vmem>>, vector<1x10240xf32>,
    %get3A_10 = arith.constant 0 : index
    %get3A_11 = arith.constant 0 : index
    %get3A_12 = vector.load %arg0[%get3A_10, %get3A_11] : memref<32x10240xf32, #tpu.memory_space<vmem>>, vector<32x10240xf32>
    %mul3A = vector.broadcast %rsqrt3A : vector<1x10240xf32> to vector<32x10240xf32>
    %mul3A_13 = arith.mulf %get3A_12, %mul3A : vector<32x10240xf32>
    %swap3A_14 = arith.constant 0 : index
    %swap3A_15 = arith.constant 0 : index
    %swap3A_16 = vector.load %arg3[%swap3A_14, %swap3A_15] : memref<32x10240xf32, #tpu.memory_space<vmem>>, vector<32x10240xf32>
    tpu.vector_store %arg3[%swap3A_14, %swap3A_15], %mul3A_13 {strides = array<i32>} : memref<32x10240xf32, #tpu.memory_space<vmem>>, vector<32x10240xf32>,
    return
  }
}

module attributes {stable_mosaic.version = 14 : i64} {
  func.func @_tcb_body(%arg0: memref<32x10240xf32, #tpu.memory_space<vmem>>, %arg1: memref<32x10240xf32, #tpu.memory_space<vmem>>, %arg2: memref<1x10240xf32, #tpu.memory_space<vmem>>, %arg3: memref<32x1xf32, #tpu.memory_space<vmem>>, %arg4: memref<32x16xf32, #tpu.memory_space<vmem>>, %arg5: memref<16x10240xf32, #tpu.memory_space<vmem>>) attributes {dimension_semantics = [], scalar_prefetch = 0 : i64, scratch_operands = 0 : i64, tpu.core_type = #tpu.core_type<tc>} {
    %get3A = arith.constant 0 : index
    %get3A_0 = arith.constant 0 : index
    %get3A_1 = vector.load %arg0[%get3A, %get3A_0] : memref<32x10240xf32, #tpu.memory_space<vmem>>, vector<32x10240xf32>
    %get3A_2 = arith.constant 0 : index
    %get3A_3 = arith.constant 0 : index
    %get3A_4 = vector.load %arg1[%get3A_2, %get3A_3] : memref<32x10240xf32, #tpu.memory_space<vmem>>, vector<32x10240xf32>
    %add3A = arith.addf %get3A_1, %get3A_4 : vector<32x10240xf32>
    %get3A_5 = arith.constant 0 : index
    %get3A_6 = arith.constant 0 : index
    %get3A_7 = vector.load %arg2[%get3A_5, %get3A_6] : memref<1x10240xf32, #tpu.memory_space<vmem>>, vector<1x10240xf32>
    %mul3A = vector.broadcast %get3A_7 : vector<1x10240xf32> to vector<32x10240xf32>
    %mul3A_8 = arith.mulf %add3A, %mul3A : vector<32x10240xf32>
    %get3A_9 = arith.constant 0 : index
    %get3A_10 = arith.constant 0 : index
    %get3A_11 = vector.load %arg3[%get3A_9, %get3A_10] : memref<32x1xf32, #tpu.memory_space<vmem>>, vector<32x1xf32>
    %add3A_12 = vector.broadcast %get3A_11 : vector<32x1xf32> to vector<32x10240xf32>
    %add3A_13 = arith.addf %mul3A_8, %add3A_12 : vector<32x10240xf32>
    %max3A = arith.constant 0.000000e+00 : f32
    %max3A_14 = vector.broadcast %max3A : f32 to vector<32x10240xf32>
    %max3A_15 = arith.maximumf %add3A_13, %max3A_14 : vector<32x10240xf32>
    %get3A_16 = arith.constant 0 : index
    %get3A_17 = arith.constant 0 : index
    %get3A_18 = vector.load %arg4[%get3A_16, %get3A_17] : memref<32x16xf32, #tpu.memory_space<vmem>>, vector<32x16xf32>
    %dot_general3A = arith.constant dense<0.000000e+00> : vector<16x10240xf32>
    %dot_general3A_19 = tpu.matmul %get3A_18, %max3A_15, %dot_general3A {dimension_numbers = #tpu.dot_dimension_numbers<[0], [0], [1], [1], [0, 1, 1, 1], [], []>, precision = #tpu.contract_precision<fp32>, transpose_lhs_hint = false} : vector<32x16xf32>, vector<32x10240xf32>, vector<16x10240xf32> -> vector<16x10240xf32>
    %get3A_20 = arith.constant 0 : index
    %get3A_21 = arith.constant 0 : index
    %get3A_22 = vector.load %arg2[%get3A_20, %get3A_21] : memref<1x10240xf32, #tpu.memory_space<vmem>>, vector<1x10240xf32>
    %mul3A_23 = vector.broadcast %get3A_22 : vector<1x10240xf32> to vector<16x10240xf32>
    %mul3A_24 = arith.mulf %dot_general3A_19, %mul3A_23 : vector<16x10240xf32>
    %swap3A = arith.constant 0 : index
    %swap3A_25 = arith.constant 0 : index
    %swap3A_26 = vector.load %arg5[%swap3A, %swap3A_25] : memref<16x10240xf32, #tpu.memory_space<vmem>>, vector<16x10240xf32>
    tpu.vector_store %arg5[%swap3A, %swap3A_25], %mul3A_24 {strides = array<i32>} : memref<16x10240xf32, #tpu.memory_space<vmem>>, vector<16x10240xf32>,
    return
  }
}

module attributes {stable_mosaic.version = 14 : i64} {
  func.func @_tcc_body(%arg0: memref<32x10240xf32, #tpu.memory_space<vmem>>, %arg1: memref<16x10240xf32, #tpu.memory_space<vmem>>, %arg2: memref<1x10240xf32, #tpu.memory_space<vmem>>, %arg3: memref<16x1xf32, #tpu.memory_space<vmem>>, %arg4: memref<10x10240xf32, #tpu.memory_space<vmem>>) attributes {dimension_semantics = [], scalar_prefetch = 0 : i64, scratch_operands = 0 : i64, tpu.core_type = #tpu.core_type<tc>} {
    %get3A = arith.constant 0 : index
    %get3A_0 = arith.constant 0 : index
    %get3A_1 = vector.load %arg0[%get3A, %get3A_0] : memref<32x10240xf32, #tpu.memory_space<vmem>>, vector<16x10240xf32>
    %get3A_2 = arith.constant 16 : index
    %get3A_3 = arith.constant 0 : index
    %get3A_4 = vector.load %arg0[%get3A_2, %get3A_3] : memref<32x10240xf32, #tpu.memory_space<vmem>>, vector<16x10240xf32>
    %add3A = arith.addf %get3A_1, %get3A_4 : vector<16x10240xf32>
    %get3A_5 = arith.constant 0 : index
    %get3A_6 = arith.constant 0 : index
    %get3A_7 = vector.load %arg1[%get3A_5, %get3A_6] : memref<16x10240xf32, #tpu.memory_space<vmem>>, vector<16x10240xf32>
    %add3A_8 = arith.addf %add3A, %get3A_7 : vector<16x10240xf32>
    %get3A_9 = arith.constant 0 : index
    %get3A_10 = arith.constant 0 : index
    %get3A_11 = vector.load %arg2[%get3A_9, %get3A_10] : memref<1x10240xf32, #tpu.memory_space<vmem>>, vector<1x10240xf32>
    %mul3A = vector.broadcast %get3A_11 : vector<1x10240xf32> to vector<16x10240xf32>
    %mul3A_12 = arith.mulf %add3A_8, %mul3A : vector<16x10240xf32>
    %get3A_13 = arith.constant 0 : index
    %get3A_14 = arith.constant 0 : index
    %get3A_15 = vector.load %arg3[%get3A_13, %get3A_14] : memref<16x1xf32, #tpu.memory_space<vmem>>, vector<16x1xf32>
    %add3A_16 = vector.broadcast %get3A_15 : vector<16x1xf32> to vector<16x10240xf32>
    %add3A_17 = arith.addf %mul3A_12, %add3A_16 : vector<16x10240xf32>
    %slice3A = vector.extract_strided_slice %add3A_17 {offsets = [0, 0], sizes = [10, 10240], strides = [1, 1]} : vector<16x10240xf32> to vector<10x10240xf32>
    %reduce_max3A = arith.constant dense<0xFF800000> : vector<10240xf32>
    %reduce_max3A_18 = vector.multi_reduction <maximumf>, %slice3A, %reduce_max3A [0] : vector<10x10240xf32> to vector<10240xf32>
    %broadcast_in_dim3A = vector.shape_cast %reduce_max3A_18 : vector<10240xf32> to vector<1x10240xf32>
    %sub3A = vector.broadcast %broadcast_in_dim3A : vector<1x10240xf32> to vector<10x10240xf32>
    %sub3A_19 = arith.subf %slice3A, %sub3A : vector<10x10240xf32>
    %exp3A = math.exp %sub3A_19 : vector<10x10240xf32>
    %reduce_sum3A = arith.constant dense<0.000000e+00> : vector<10240xf32>
    %reduce_sum3A_20 = vector.multi_reduction <add>, %exp3A, %reduce_sum3A [0] : vector<10x10240xf32> to vector<10240xf32>
    %broadcast_in_dim3A_21 = vector.shape_cast %reduce_sum3A_20 : vector<10240xf32> to vector<1x10240xf32>
    %div3A = vector.broadcast %broadcast_in_dim3A_21 : vector<1x10240xf32> to vector<10x10240xf32>
    %div3A_22 = arith.divf %exp3A, %div3A : vector<10x10240xf32>
    %swap3A = arith.constant 0 : index
    %swap3A_23 = arith.constant 0 : index
    %swap3A_24 = vector.load %arg4[%swap3A, %swap3A_23] : memref<10x10240xf32, #tpu.memory_space<vmem>>, vector<10x10240xf32>
    tpu.vector_store %arg4[%swap3A, %swap3A_23], %div3A_22 {strides = array<i32>} : memref<10x10240xf32, #tpu.memory_space<vmem>>, vector<10x10240xf32>,
    return
  }
}

</mosaic_0001>

<sc_bundles>
// kernel: gcn_agg_es1.3.cloned.1.call-start
scs
__scs_entry_jumppad:
0x0: {  	(pc) =	sbr.rel $0x88, $3  }
0x1: {  	(tag) =	ssettag $0x0;
	lr =	simm.s32 $0x1  }
0x2: {  	[smem:$0x3F9A] =	sst lr;
	_ =	strace $0xD0000000  }
0x3: {  	_ = 	snop  }
0x4: {  	_ = 	snop  }
0x5: {  	_ = 	snop  }
0x6: {  	_ = 	snop  }
0x7: {  	_ = 	snop  }
__scs_overlays_trampoline_lowered:
0x8: {  	[smem:$0x3FA9] =	sst s0  }
0x9: {  	[smem:$0x3FAA] =	sst s1  }
0xa: {  	[smem:$0x3FAB] =	sst s2  }
0xb: {  	[smem:$0x3FAC] =	sst s3  }
0xc: {  	[smem:$0x3FAD] =	sst s4  }
0xd: {  	[smem:$0x3FAE] =	sst s5  }
0xe: {  	[smem:$0x3FAF] =	sst s6  }
0xf: {  	[smem:$0x3FB0] =	sst s7  }
0x10: {  	[smem:$0x3FB1] =	sst s8  }
0x11: {  	[smem:$0x3FB2] =	sst s9;
	s0 =	simm.s32 @!p0 $0x0  }
0x12: {  	s1 =	sld [smem:$0x3F98];
	s0 =	simm.s32 @p0 $0x1  }
0x13: {  	[smem:$0x3FB3] =	sst s0;
	s0 =	simm.s32 @!p1 $0x0  }
0x14: {  	s2 =	sld [smem:$0x3F97];
	s0 =	simm.s32 @p1 $0x1  }
0x15: {  	[smem:$0x3FB4] =	sst s0;
	s0 =	simm.s32 @!p2 $0x0  }
0x16: {  	s3 =	sld [smem:$0x3FDB];
	s0 =	simm.s32 @p2 $0x1  }
0x17: {  	s4 =	simm.s32 $0x1BF5;
	[smem:$0x3FB6] =	sst s0  }
0x18: {  	s0 =	sld [smem:$0x3F99];
	_ =	swait.ge [sflag:s4], $0x0  }
0x19: {  	s7 =	sld [smem:$0x3F9A]  }
0x1a: {  	s8 =	sadd.s32 $0xFFFFE003, lr  }
0x1b: {  	s9 =	sadd.s32 $0xFFFFFEF7, lr;
	s5 =	simm.s32 $0xFFFFFFFF;
	p2 =	slt.u32 s8, $0xFFFFF086  }
0x1c: {  	p1 =	slt.u32 s9, $0xF7A;
	s5 =	simm.s32 @!p2 $0x0  }
0x1d: {  	s5 =	simm.s32 @p1 $0x1;
	p0 =	seq.s32 s7, s2  }
0x1e: {  	s7 =	smul.u32 @!p0 $0xF7A, s2;
	p2 =	seq.s32 @!p0 s5, $0x0  }
0x1f: {  	s9 =	smul.u32 $0xF7A, s1;
	s8 =	simm.s32 @!p0 $0x1BF5;
	p2 =	por !p2, p0  }
0x20: {  	[sflag:s8] =	ssyncset.s32 @!p0 $0xFFFFF086;
	s6 =	sadd.s32 @!p0 s3, s7;
	s7 =	simm.s32 @!p0 $0x108  }
0x21: {  	s3 =	sadd.s32 s3, s9;
	s6 =	sadd.s32 @!p0 $0x88, s6;
	s7 =	simm.s32 @p2 $0x1082  }
0x22: {  	[simem:s7], [sflag:s8] =	dma.local @!p0 [hbm:s6], $0xF7A  }
0x23: {  	s9 =	sor.u32 $0xD0000000, s2;
	s6 =	simm.s32 $0x108;
	_ =	swait.ge @!p0 [sflag:s8], $0x0  }
0x24: {  	s3 =	sadd.s32 $0x88, s3;
	s6 =	simm.s32 @!p1 $0x1082;
	[sflag:s4] =	ssyncset.s32 $0xFFFFF086  }
0x25: {  	[simem:s6], [sflag:s4] =	dma.local [hbm:s3], $0xF7A  }
0x26: {  	[smem:$0x3F9A] =	sst s1;
	(tag) =	ssettag s2;
	_ =	strace s9  }
0x27: {  	s1 =	sld [smem:$0x3FAA]  }
0x28: {  	s2 =	sld [smem:$0x3FAB]  }
0x29: {  	s4 =	sld [smem:$0x3FAD]  }
0x2a: {  	p0 =	seq.s32 s5, $0x0;
	s5 =	sld [smem:$0x3FAE]  }
0x2b: {  	s6 =	sld [smem:$0x3FAF]  }
0x2c: {  	s7 =	sld [smem:$0x3FB0]  }
0x2d: {  	s3 =	simm.s32 $0x108;
	s8 =	sld [smem:$0x3FB1]  }
0x2e: {  	s3 =	simm.s32 @!p0 $0x1082;
	s9 =	sld [smem:$0x3FB2]  }
0x2f: {  	lr =	sadd.s32 s0, s3;
	s0 =	sld [smem:$0x3FA9]  }
0x30: {  	s3 =	sld [smem:$0x3FAC]  }
0x31: {  	[smem:$0x3FB5] =	sst s10  }
0x32: {  	s10 =	sld [smem:$0x3FB3];
	_ =	sdelay $0x3  }
0x33: {  	p0 =	seq.s32 s10, $0x1;
	s10 =	sld [smem:$0x3FB5];
	_ =	sdelay $0x3  }
0x34: {  	[smem:$0x3FB5] =	sst s10  }
0x35: {  	s10 =	sld [smem:$0x3FB4];
	_ =	sdelay $0x3  }
0x36: {  	p1 =	seq.s32 s10, $0x1;
	s10 =	sld [smem:$0x3FB5];
	_ =	sdelay $0x3  }
0x37: {  	[smem:$0x3FB5] =	sst s10  }
0x38: {  	s10 =	sld [smem:$0x3FB6]  }
0x39: {  	_ = 	snop;
	(pc) =	sbr.ind lr, $3  }
0x3a: {  	_ = 	snop  }
0x3b: {  	_ = 	snop  }
0x3c: {  	p2 =	seq.s32 s10, $0x1;
	s10 =	sld [smem:$0x3FB5]  }
0x3d: {  	_ =	shalt  }
0x3e: {  	_ =	shalt  }
0x3f: {  	_ =	shalt  }
0x40: {  	_ =	shalt  }
0x41: {  	_ =	shalt  }
0x42: {  	_ =	shalt  }
0x43: {  	_ =	shalt  }
0x44: {  	_ =	shalt  }
0x45: {  	_ =	shalt  }
0x46: {  	_ =	shalt  }
0x47: {  	_ =	shalt  }
0x48: {  	_ =	shalt  }
0x49: {  	_ =	shalt  }
0x4a: {  	_ =	shalt  }
0x4b: {  	_ =	shalt  }
0x4c: {  	_ =	shalt  }
0x4d: {  	_ =	shalt  }
0x4e: {  	_ =	shalt  }
0x4f: {  	_ =	shalt  }
0x50: {  	_ =	shalt  }
0x51: {  	_ =	shalt  }
0x52: {  	_ =	shalt  }
0x53: {  	_ =	shalt  }
0x54: {  	_ =	shalt  }
0x55: {  	_ =	shalt  }
0x56: {  	_ =	shalt  }
0x57: {  	_ =	shalt  }
0x58: {  	_ =	shalt  }
0x59: {  	_ =	shalt  }
0x5a: {  	_ =	shalt  }
0x5b: {  	_ =	shalt  }
0x5c: {  	_ =	shalt  }
0x5d: {  	_ =	shalt  }
0x5e: {  	_ =	shalt  }
0x5f: {  	_ =	shalt  }
0x60: {  	_ =	shalt  }
0x61: {  	_ =	shalt  }
0x62: {  	_ =	shalt  }
0x63: {  	_ =	shalt  }
0x64: {  	_ =	shalt  }
0x65: {  	_ =	shalt  }
0x66: {  	_ =	shalt  }
0x67: {  	_ =	shalt  }
0x68: {  	_ =	shalt  }
0x69: {  	_ =	shalt  }
0x6a: {  	_ =	shalt  }
0x6b: {  	_ =	shalt  }
0x6c: {  	_ =	shalt  }
0x6d: {  	_ =	shalt  }
0x6e: {  	_ =	shalt  }
0x6f: {  	_ =	shalt  }
0x70: {  	_ =	shalt  }
0x71: {  	_ =	shalt  }
0x72: {  	_ =	shalt  }
0x73: {  	_ =	shalt  }
0x74: {  	_ =	shalt  }
0x75: {  	_ =	shalt  }
0x76: {  	_ =	shalt  }
0x77: {  	_ =	shalt  }
0x78: {  	_ =	shalt  }
0x79: {  	_ =	shalt  }
0x7a: {  	_ =	shalt  }
0x7b: {  	_ =	shalt  }
0x7c: {  	_ =	shalt  }
0x7d: {  	_ =	shalt  }
0x7e: {  	_ =	shalt  }
0x7f: {  	_ =	shalt  }
0x80: {  	_ =	shalt  }
0x81: {  	_ =	shalt  }
0x82: {  	_ =	shalt  }
0x83: {  	_ =	shalt  }
0x84: {  	_ =	shalt  }
0x85: {  	_ =	shalt  }
0x86: {  	_ =	shalt  }
0x87: {  	_ =	shalt  }
.Lfunc_end0:
.L_simem_size_0:
called_computation.1_lowered:
.L_overlay_start_0:
0x88: {  	s2 =	sld [smem:$0x3FD9]  }
0x89: {  	s3 =	sld [smem:$0x3FFE];
	_ =	sdelay $0x1  }
0x8a: {  	s1 =	srdreg.scid  }
0x8b: {  	s0 =	sand.u32 $0x1, s1  }
0x8c: {  	s16 =	sshll.u32 s0, $0xA;
	s2 =	sadd.s32 s3, s2  }
0x8d: {  	s2 =	sadd.s32 s2, s16  }
0x8e: {  	[smem:$0x3FC1] =	sst s2  }
0x8f: {  	_ = 	snop  }
0x90: {  	(tm) =	ssettm $0x1  }
0x91: {  	s17 =	sld [smem:$0x3FFB];
	_ =	sdelay $0x3  }
0x92: {  	_ =	strace s17  }
0x93: {  	s2 =	sld [smem:$0x3FFC];
	_ =	sdelay $0x3  }
0x94: {  	_ =	strace s2  }
0x95: {  	s2 =	sld [smem:$0x3FFD];
	_ =	sdelay $0x3  }
0x96: {  	_ =	strace s2  }
0x97: {  	_ =	strace $0x8FFFFFFF  }
0x98: {  	s18 =	sld [smem:$0x3FDB];
	_ =	sdelay $0x1  }
0x99: {  	s19 =	simm.s32 $_scs_section_size  }
0x9a: {  	s4 =	simm.s32 $_size__tile_overlayer_lowered;
	s5 =	simm.s32 $_tile_overlayer_lowered  }
0x9b: {  	s22 =	simm.s32 $0x1BFF;
	s21 =	sshll.u32 s5, $0x1;
	s2 =	sadd.s32 s19, s18  }
0x9c: {  	s6 =	simm.s32 $0x0;
	s20 =	sshll.u32 s4, $0x1;
	s4 =	sadd.s32 s21, s2  }
0x9d: {  	[timem:s6], [sflag:s22] =	dma.local [hbm:s4], s20  }
0x9e: {  	_ =	swait.ge [sflag:s22], s20  }
0x9f: {  	s3 =	ssub.s32 $0x0, s20;
	[sflag:s22] =	ssyncset.done $0x0  }
0xa0: {  	[sflag:s22] =	ssyncadd.s32 s3;
	_ =	sdelay $0x1  }
0xa1: {  	s23 =	simm.s32 $0x1B8B  }
0xa2: {  	_ =	swait.ge [sflag:s23], $0x1  }
0xa3: {  	[sflag:s23] =	ssyncset.done $0x0  }
0xa4: {  	s25 =	simm.s32 $0x1B8E;
	s24 =	sld [smem:$0x3FFE];
	[sflag:s23] =	ssyncadd.s32 $0xFFFFFFFF  }
0xa5: {  	s26 =	simm.s32 $execute0_lowered;
	[smem:$0x3FD2] =	sst s25  }
0xa6: {  	s4 =	sshll.u32 s26, $0x1;
	_ =	strace $0x80000049;
	[dreg:$0x1] =	wrdreg $0xFFFFFFFF  }
0xa7: {  	s28 =	simm.s32 $_size_execute0_lowered;
	s2 =	sadd.s32 s2, s4;
	[dreg:$0x0] =	wrdreg $0x0  }
0xa8: {  	s4 =	sshll.u32 s28, $0x1;
	[dreg:$0x2] =	wrdreg s2  }
0xa9: {  	[dreg:$0x3] =	wrdreg s4  }
0xaa: {  	[dreg:$0x4] =	wrdreg $0xC0  }
0xab: {  	_ =	task [dreg:s6], $0x5FFFF  }
0xac: {  	[dreg:$0x1] =	wrdreg $0xFFFFFFFF  }
0xad: {  	[dreg:$0x0] =	wrdreg $0x60  }
0xae: {  	[dreg:$0x2] =	wrdreg s24  }
0xaf: {  	[dreg:$0x3] =	wrdreg $0xD0000  }
0xb0: {  	[dreg:$0x4] =	wrdreg $0x9  }
0xb1: {  	_ =	task.clear_ibuf [dreg:s6], $0x5FFFF;
	_ =	strace $0x90000049  }
0xb2: {  	s29 =	simm.s32 $0x9;
	_ =	strace $0x8000004B  }
0xb3: {  	_ =	swait.ge [sflag:s29], $0x1  }
0xb4: {  	[sflag:s29] =	ssyncadd.s32 $0xFFFFFFFF  }
0xb5: {  	_ =	strace $0x9000004B  }
0xb6: {  	_ =	sfence  }
0xb7: {  	s30 =	sld [smem:$0x0];
	_ =	sdelay $0x2  }
0xb8: {  	s31 =	sshll.u32 s1, $0xD;
	s1 =	sshrl.u32 s1, $0x2  }
0xb9: {  	s3 =	sand.u32 $0x4000, s31;
	s1 =	sadd.s32 s1, s30  }
0xba: {  	s0 =	sor.u32 s3, s0;
	s1 =	sshll.u32 s1, $0x11  }
0xbb: {  	s0 =	sor.u32 s1, s0  }
0xbc: {  	s0 =	sadd.s32 $0x8F2B, s0  }
0xbd: {  	[sflag:s0] =	ssyncadd.remote.s32 $0x1  }
0xbe: {  	_ =	sfence.sel $0xFFFF  }
0xbf: {  	[dreg:$0x0] =	wrdreg $0xFFFFFFFF;
	(pc) =	sbr.abs _section_cstart, $3  }
0xc0: {  	[dreg:$0x1] =	wrdreg $0xFFFFFFFF  }
0xc1: {  	_ =	task.clear_ibuf [dreg:s6], $0x2FFFF;
	_ =	strace $0x9FFFFFFF  }
0xc2: {  	(tm) =	ssettm $0x7FFFFFFF  }
0xc3: {  	_ =	shalt  }
tec
execute0_lowered:
.L_overlay_start_1:
0x0: {  	(tag) =	ssettag $0x1  }
0x1: {  	s4 =	rddreg [dreg:$0x0];
	s0 =	srdreg.scid  }
0x2: {  	s2 =	rddreg [dreg:$0x1];
	s1 =	stileid.u32  }
0x3: {  	s3 =	simm.s32 $0x0;
	s11 =	simm.s32 $0x5000;
	s12 =	simm.s32 $0x1  }
0x4: {  	s13 =	simm.s32 $0x9000;
	s14 =	simm.s32 $0x2800;
	s15 =	simm.s32 $0x2  }
0x5: {  	s16 =	simm.s32 $0x0;
	s5 =	sand.u32 $0x1, s0;
	s0 =	rddreg [dreg:$0x2]  }
0x6: {  	s7 =	smul.u32 $0xA000, s1;
	[smem:$0x7FF] =	sst s3;
	s31 =	sshll.u32 s1, $0x6  }
0x7: {  	s6 =	sshll.u32 s5, $0x4;
	s5 =	ssub.s32 $0x2, s5;
	_ =	strace $0x8000004A  }
0x8: {  	s6 =	sor.u32 s1, s6;
	s8 =	sshrl.u32 s7, $0x3;
	s9 =	sshrl.u32 s5, $0x1  }
0x9: {  	s10 =	sadd.s32 s7, s2;
	s6 =	smul.u32 $0x500, s6;
	s8 =	sadd.s32 s8, s4  }
0xa: {  	s9 =	ssub.s32 s5, s9;
	s10 =	sshrl.u32 s10, $0x3;
	s5 =	sadd.s32 $0x15C00, s8  }
0xb: {  	s7 =	smax.u32 s9, $0x1;
	s8 =	simm.s32 $0x3;
	s6 =	sadd.s32 s6, s4  }
0xc: {  	v0 =	vimm.f32 $0.0e+00;
	s9 =	sor.u32 $0x1C03, s31;
	s4 =	sadd.s32 $0x1C00, s6;
	s6 =	sadd.s32 $0xBC00, s6  }
.LBB2_1:
0xd: {  	[tilespmem:s3], [sflag:$0x3] =	stream.linear.gather [hbm4b:s4+s3], $0x2800, $0x38;
	[tilespmem:$0x17000] =	vst v63  }
0xe: {  	_ =	swait.ge [sflag:s8], $0x2800  }
0xf: {  	[sflag:s8] =	ssyncset.done $0x0  }
0x10: {  	[sflag:s8] =	ssyncadd.s32 $0xFFFFD800  }
0x11: {  	[spmem:s10], [sflag:s9] =	dma.local [hbm:s5], $0x1400  }
0x12: {  	_ =	swait.ge [sflag:s8], $0x1400  }
0x13: {  	[sflag:s8] =	ssyncset.done $0x0  }
0x14: {  	s17 =	simm.s32 $0x2840;
	[sflag:s8] =	ssyncadd.s32 $0xFFFFEC00  }
0x15: {  	[tilespmem:s17+$0xFFFFFFC0] =	vst v0  }
0x16: {  	[tilespmem:s17+$0x30] =	vst v0  }
0x17: {  	[tilespmem:s17+$0x20] =	vst v0  }
0x18: {  	[tilespmem:s17+$0x10] =	vst v0  }
0x19: {  	[tilespmem:s17+$0x0] =	vst v0  }
0x1a: {  	[tilespmem:s17+$0xFFFFFFF0] =	vst v0  }
0x1b: {  	s18 =	simm.s32 $0x0;
	[tilespmem:s17+$0xFFFFFFE0] =	vst v0  }
.LBB2_2:
0x1c: {  	s18 =	sadd.s32 $0x8, s18;
	[tilespmem:s17+$0xFFFFFFD0] =	vst v0;
	s17 =	sadd.s32 $0x80, s17  }
0x1d: {  	[tilespmem:s17+$0xFFFFFFC0] =	vst v0;
	p0 =	slt.u32 s18, $0x278  }
0x1e: {  	[tilespmem:s17+$0x30] =	vst v0  }
.Ltmp0:
0x1f: {  	[tilespmem:s17+$0x20] =	vst v0;
	(pc) =	sbr.rel @p0 .LBB2_2-.Ltmp0, $4  }
0x20: {  	[tilespmem:s17+$0x10] =	vst v0  }
0x21: {  	[tilespmem:s17+$0x0] =	vst v0  }
0x22: {  	[tilespmem:s17+$0xFFFFFFF0] =	vst v0  }
0x23: {  	[tilespmem:s17+$0xFFFFFFE0] =	vst v0  }
0x24: {  	[tilespmem:s17+$0xFFFFFFD0] =	vst v0  }
0x25: {  	s17 =	simm.s32 $0x0;
	[bflag:$0x0] =	sbarrier.arrive $0xFFFF  }
0x26: {  	[tilespmem:s11], [sflag:$0x1] =	stream.linear.gather [spmem:s2], $0x4000, $0x38;
	[tilespmem:$0x17000] =	vst v63  }
.LBB2_4:
0x27: {  	s18 =	sshll.u32 s17, $0xF  }
0x28: {  	_ =	swait.ge [sflag:s12], $0x4000;
	s18 =	sand.u32 $0x3FFF8000, s18  }
0x29: {  	[sflag:s12] =	ssyncset.done $0x0;
	s18 =	sadd.s32 s18, s2  }
0x2a: {  	[sflag:s12] =	ssyncadd.s32 $0xFFFFC000;
	s19 =	sadd.s32 $0x4000, s18  }
0x2b: {  	[tilespmem:s13], [sflag:$0x2] =	stream.linear.gather [spmem:s19], $0x4000, $0x38;
	[tilespmem:$0x17000] =	vst v63  }
0x2c: {  	s19 =	simm.s32 $0x7000  }
0x2d: {  	v2 =	vld [tilespmem:s19+$0x10]  }
0x2e: {  	v1 =	vld [tilespmem:s19+$0x20]  }
0x2f: {  	v3 =	vld [tilespmem:s19+$0x30]  }
0x30: {  	v4 =	vld [tilespmem:s19+$0x40]  }
0x31: {  	v5 =	vld [tilespmem:s19+$0x50]  }
0x32: {  	v6 =	vld [tilespmem:s19+$0x60]  }
0x33: {  	v7 =	vld [tilespmem:s19+$0xFFFFE000]  }
0x34: {  	v8 =	vld [tilespmem:s19+$0xFFFFE070]  }
0x35: {  	v9 =	vld [tilespmem:s19+$0xFFFFE060]  }
0x36: {  	v10 =	vld [tilespmem:s19+$0xFFFFE050]  }
0x37: {  	v11 =	vld [tilespmem:s19+$0xFFFFE040]  }
0x38: {  	v14 =	vld [tilespmem:s19+$0xFFFFE020];
	v12 =	vand.u32 $0x3FFF, v7  }
0x39: {  	v13 =	vld [tilespmem:s19+$0xFFFFE030];
	v15 =	vand.u32 $0x3FFF, v8  }
0x3a: {  	v16 =	vld [tilespmem:s19+$0xFFFFE010];
	v17 =	vand.u32 $0x3FFF, v9  }
0x3b: {  	v19 =	vld [tilespmem:s19+$0x70];
	v18 =	vand.u32 $0x3FFF, v10  }
0x3c: {  	v20 =	vld [tilespmem:s19+$0x0];
	v21 =	vand.u32 $0x3FFF, v11  }
0x3d: {  	v23 =	vand.u32 $0x3FFF, v14;
	v12 =	vld.idx.msk [tilespmem:v12+s3+$0x0], $0xffff  }
0x3e: {  	v22 =	vand.u32 $0x3FFF, v13;
	v15 =	vld.idx.msk [tilespmem:v15+s3+$0x0], $0xffff  }
0x3f: {  	v24 =	vand.u32 $0x3FFF, v16;
	v17 =	vld.idx.msk [tilespmem:v17+s3+$0x0], $0xffff  }
0x40: {  	v7 =	vshrl.u32 v7, $0xE;
	v18 =	vld.idx.msk [tilespmem:v18+s3+$0x0], $0xffff  }
0x41: {  	v8 =	vshrl.u32 v8, $0xE;
	v21 =	vld.idx.msk [tilespmem:v21+s3+$0x0], $0xffff  }
0x42: {  	v9 =	vshrl.u32 v9, $0xE;
	v59 =	vld.idx.msk [tilespmem:v23+s3+$0x0], $0xffff  }
0x43: {  	v10 =	vshrl.u32 v10, $0xE;
	v22 =	vld.idx.msk [tilespmem:v22+s3+$0x0], $0xffff;
	v12 =	vmul.f32 v12, v20  }
0x44: {  	v11 =	vshrl.u32 v11, $0xE;
	v60 =	vld.idx.msk [tilespmem:v24+s3+$0x0], $0xffff;
	v15 =	vmul.f32 v15, v19  }
0x45: {  	v61 =	vshrl.u32 v13, $0xE;
	v6 =	vmul.f32 v17, v6;
	[tilespmem:v7+s14+$0x0] =	vst.idx.add.f32.msk $0xffff, v12  }
0x46: {  	v62 =	vshrl.u32 v14, $0xE;
	v5 =	vmul.f32 v18, v5;
	[tilespmem:v8+s14+$0x0] =	vst.idx.add.f32.msk $0xffff, v15  }
0x47: {  	v4 =	vmul.f32 v21, v4;
	v63 =	vmul.f32 v59, v1;
	v1 =	vshrl.u32 v16, $0xE;
	[tilespmem:v9+s14+$0x0] =	vst.idx.add.f32.msk $0xffff, v6  }
0x48: {  	v3 =	vmul.f32 v22, v3;
	[tilespmem:v10+s14+$0x0] =	vst.idx.add.f32.msk $0xffff, v5  }
0x49: {  	[tilespmem:v11+s14+$0x0] =	vst.idx.add.f32.msk $0xffff, v4  }
0x4a: {  	v2 =	vmul.f32 v60, v2;
	[tilespmem:v61+s14+$0x0] =	vst.idx.add.f32.msk $0xffff, v3  }
0x4b: {  	s20 =	simm.s32 $0x0;
	[tilespmem:v62+s14+$0x0] =	vst.idx.add.f32.msk $0xffff, v63  }
.LBB2_5:
0x4c: {  	s20 =	sadd.s32 $0x80, s20;
	[tilespmem:v1+s14+$0x0] =	vst.idx.add.f32.msk $0xffff, v2;
	s19 =	sadd.s32 $0x80, s19  }
0x4d: {  	v2 =	vld [tilespmem:s19+$0x10];
	p0 =	slt.u32 s20, $0x1F80  }
0x4e: {  	v3 =	vld [tilespmem:s19+$0x20]  }
0x4f: {  	v4 =	vld [tilespmem:s19+$0x30]  }
0x50: {  	v5 =	vld [tilespmem:s19+$0x40]  }
0x51: {  	v1 =	vld [tilespmem:s19+$0x50]  }
0x52: {  	v6 =	vld [tilespmem:s19+$0x60]  }
0x53: {  	v7 =	vld [tilespmem:s19+$0xFFFFE000]  }
0x54: {  	v8 =	vld [tilespmem:s19+$0xFFFFE070]  }
0x55: {  	v9 =	vld [tilespmem:s19+$0xFFFFE060]  }
0x56: {  	v10 =	vld [tilespmem:s19+$0xFFFFE050]  }
0x57: {  	v11 =	vld [tilespmem:s19+$0xFFFFE040]  }
0x58: {  	v12 =	vand.u32 $0x3FFF, v7;
	v13 =	vld [tilespmem:s19+$0xFFFFE030]  }
0x59: {  	v14 =	vld [tilespmem:s19+$0xFFFFE020];
	v15 =	vand.u32 $0x3FFF, v8  }
0x5a: {  	v16 =	vld [tilespmem:s19+$0xFFFFE010];
	v17 =	vand.u32 $0x3FFF, v9  }
0x5b: {  	v18 =	vand.u32 $0x3FFF, v10;
	v19 =	vld [tilespmem:s19+$0x70]  }
0x5c: {  	v20 =	vld [tilespmem:s19+$0x0];
	v21 =	vand.u32 $0x3FFF, v11  }
0x5d: {  	v12 =	vld.idx.msk [tilespmem:v12+s3+$0x0], $0xffff;
	v22 =	vand.u32 $0x3FFF, v13  }
0x5e: {  	v23 =	vand.u32 $0x3FFF, v14;
	v15 =	vld.idx.msk [tilespmem:v15+s3+$0x0], $0xffff  }
0x5f: {  	v24 =	vand.u32 $0x3FFF, v16;
	v17 =	vld.idx.msk [tilespmem:v17+s3+$0x0], $0xffff  }
0x60: {  	v7 =	vshrl.u32 v7, $0xE;
	v18 =	vld.idx.msk [tilespmem:v18+s3+$0x0], $0xffff  }
0x61: {  	v8 =	vshrl.u32 v8, $0xE;
	v21 =	vld.idx.msk [tilespmem:v21+s3+$0x0], $0xffff  }
0x62: {  	v9 =	vshrl.u32 v9, $0xE;
	v22 =	vld.idx.msk [tilespmem:v22+s3+$0x0], $0xffff  }
0x63: {  	v10 =	vshrl.u32 v10, $0xE;
	v12 =	vmul.f32 v12, v20;
	v20 =	vld.idx.msk [tilespmem:v23+s3+$0x0], $0xffff  }
0x64: {  	v11 =	vshrl.u32 v11, $0xE;
	v15 =	vmul.f32 v15, v19;
	v23 =	vld.idx.msk [tilespmem:v24+s3+$0x0], $0xffff  }
0x65: {  	v6 =	vmul.f32 v17, v6;
	[tilespmem:v7+s14+$0x0] =	vst.idx.add.f32.msk $0xffff, v12;
	v7 =	vshrl.u32 v13, $0xE  }
0x66: {  	v12 =	vshrl.u32 v14, $0xE;
	v13 =	vmul.f32 v18, v1;
	[tilespmem:v8+s14+$0x0] =	vst.idx.add.f32.msk $0xffff, v15  }
.Ltmp1:
0x67: {  	v1 =	vshrl.u32 v16, $0xE;
	v5 =	vmul.f32 v21, v5;
	[tilespmem:v9+s14+$0x0] =	vst.idx.add.f32.msk $0xffff, v6;
	(pc) =	sbr.rel @p0 .LBB2_5-.Ltmp1, $4  }
0x68: {  	v4 =	vmul.f32 v22, v4;
	[tilespmem:v10+s14+$0x0] =	vst.idx.add.f32.msk $0xffff, v13  }
0x69: {  	v3 =	vmul.f32 v20, v3;
	[tilespmem:v11+s14+$0x0] =	vst.idx.add.f32.msk $0xffff, v5  }
0x6a: {  	v2 =	vmul.f32 v23, v2;
	[tilespmem:v7+s14+$0x0] =	vst.idx.add.f32.msk $0xffff, v4  }
0x6b: {  	[tilespmem:v12+s14+$0x0] =	vst.idx.add.f32.msk $0xffff, v3  }
0x6c: {  	_ =	sdelay $0x3  }
0x6d: {  	[tilespmem:v1+s14+$0x0] =	vst.idx.add.f32.msk $0xffff, v2  }
0x6e: {  	_ =	swait.ge [sflag:s15], $0x4000  }
0x6f: {  	p0 =	seq.s32 s17, $0x13;
	[sflag:s15] =	ssyncset.done $0x0  }
0x70: {  	s18 =	sadd.s32 @!p0 $0x8000, s18;
	s19 =	simm.s32 @!p0 $0x5000;
	[sflag:s15] =	ssyncadd.s32 $0xFFFFC000  }
0x71: {  	[tilespmem:s19], [sflag:$0x1] =	stream.linear.gather @!p0 [spmem:s18], $0x4000, $0x38;
	[tilespmem:$0x17000] =	vst v63  }
0x72: {  	s18 =	simm.s32 $0xB000  }
0x73: {  	v2 =	vld [tilespmem:s18+$0x10]  }
0x74: {  	v1 =	vld [tilespmem:s18+$0x20]  }
0x75: {  	v3 =	vld [tilespmem:s18+$0x30]  }
0x76: {  	v4 =	vld [tilespmem:s18+$0x40]  }
0x77: {  	v5 =	vld [tilespmem:s18+$0x50]  }
0x78: {  	v6 =	vld [tilespmem:s18+$0x60]  }
0x79: {  	v7 =	vld [tilespmem:s18+$0xFFFFE000]  }
0x7a: {  	v8 =	vld [tilespmem:s18+$0xFFFFE070]  }
0x7b: {  	v9 =	vld [tilespmem:s18+$0xFFFFE060]  }
0x7c: {  	v10 =	vld [tilespmem:s18+$0xFFFFE050]  }
0x7d: {  	v11 =	vld [tilespmem:s18+$0xFFFFE040]  }
0x7e: {  	v14 =	vld [tilespmem:s18+$0xFFFFE020];
	v12 =	vand.u32 $0x3FFF, v7  }
0x7f: {  	v13 =	vld [tilespmem:s18+$0xFFFFE030];
	v15 =	vand.u32 $0x3FFF, v8  }
0x80: {  	v16 =	vld [tilespmem:s18+$0xFFFFE010];
	v17 =	vand.u32 $0x3FFF, v9  }
0x81: {  	v19 =	vld [tilespmem:s18+$0x70];
	v18 =	vand.u32 $0x3FFF, v10  }
0x82: {  	v20 =	vld [tilespmem:s18+$0x0];
	v21 =	vand.u32 $0x3FFF, v11  }
0x83: {  	v23 =	vand.u32 $0x3FFF, v14;
	v12 =	vld.idx.msk [tilespmem:v12+s3+$0x0], $0xffff  }
0x84: {  	v22 =	vand.u32 $0x3FFF, v13;
	v15 =	vld.idx.msk [tilespmem:v15+s3+$0x0], $0xffff  }
0x85: {  	v24 =	vand.u32 $0x3FFF, v16;
	v17 =	vld.idx.msk [tilespmem:v17+s3+$0x0], $0xffff  }
0x86: {  	v7 =	vshrl.u32 v7, $0xE;
	v18 =	vld.idx.msk [tilespmem:v18+s3+$0x0], $0xffff  }
0x87: {  	v8 =	vshrl.u32 v8, $0xE;
	v21 =	vld.idx.msk [tilespmem:v21+s3+$0x0], $0xffff  }
0x88: {  	v9 =	vshrl.u32 v9, $0xE;
	v59 =	vld.idx.msk [tilespmem:v23+s3+$0x0], $0xffff  }
0x89: {  	v10 =	vshrl.u32 v10, $0xE;
	v22 =	vld.idx.msk [tilespmem:v22+s3+$0x0], $0xffff;
	v12 =	vmul.f32 v12, v20  }
0x8a: {  	v11 =	vshrl.u32 v11, $0xE;
	v60 =	vld.idx.msk [tilespmem:v24+s3+$0x0], $0xffff;
	v15 =	vmul.f32 v15, v19  }
0x8b: {  	v61 =	vshrl.u32 v13, $0xE;
	v6 =	vmul.f32 v17, v6;
	[tilespmem:v7+s14+$0x0] =	vst.idx.add.f32.msk $0xffff, v12  }
0x8c: {  	v62 =	vshrl.u32 v14, $0xE;
	v5 =	vmul.f32 v18, v5;
	[tilespmem:v8+s14+$0x0] =	vst.idx.add.f32.msk $0xffff, v15  }
0x8d: {  	v4 =	vmul.f32 v21, v4;
	v63 =	vmul.f32 v59, v1;
	v1 =	vshrl.u32 v16, $0xE;
	[tilespmem:v9+s14+$0x0] =	vst.idx.add.f32.msk $0xffff, v6  }
0x8e: {  	v3 =	vmul.f32 v22, v3;
	[tilespmem:v10+s14+$0x0] =	vst.idx.add.f32.msk $0xffff, v5  }
0x8f: {  	[tilespmem:v11+s14+$0x0] =	vst.idx.add.f32.msk $0xffff, v4  }
0x90: {  	v2 =	vmul.f32 v60, v2;
	[tilespmem:v61+s14+$0x0] =	vst.idx.add.f32.msk $0xffff, v3  }
0x91: {  	s19 =	simm.s32 $0x0;
	[tilespmem:v62+s14+$0x0] =	vst.idx.add.f32.msk $0xffff, v63  }
.LBB2_7:
0x92: {  	s19 =	sadd.s32 $0x80, s19;
	[tilespmem:v1+s14+$0x0] =	vst.idx.add.f32.msk $0xffff, v2;
	s18 =	sadd.s32 $0x80, s18  }
0x93: {  	v2 =	vld [tilespmem:s18+$0x10];
	p0 =	slt.u32 s19, $0x1F80  }
0x94: {  	v3 =	vld [tilespmem:s18+$0x20]  }
0x95: {  	v4 =	vld [tilespmem:s18+$0x30]  }
0x96: {  	v5 =	vld [tilespmem:s18+$0x40]  }
0x97: {  	v1 =	vld [tilespmem:s18+$0x50]  }
0x98: {  	v6 =	vld [tilespmem:s18+$0x60]  }
0x99: {  	v7 =	vld [tilespmem:s18+$0xFFFFE000]  }
0x9a: {  	v8 =	vld [tilespmem:s18+$0xFFFFE070]  }
0x9b: {  	v9 =	vld [tilespmem:s18+$0xFFFFE060]  }
0x9c: {  	v10 =	vld [tilespmem:s18+$0xFFFFE050]  }
0x9d: {  	v11 =	vld [tilespmem:s18+$0xFFFFE040]  }
0x9e: {  	v12 =	vand.u32 $0x3FFF, v7;
	v13 =	vld [tilespmem:s18+$0xFFFFE030]  }
0x9f: {  	v14 =	vld [tilespmem:s18+$0xFFFFE020];
	v15 =	vand.u32 $0x3FFF, v8  }
0xa0: {  	v16 =	vld [tilespmem:s18+$0xFFFFE010];
	v17 =	vand.u32 $0x3FFF, v9  }
0xa1: {  	v18 =	vand.u32 $0x3FFF, v10;
	v19 =	vld [tilespmem:s18+$0x70]  }
0xa2: {  	v20 =	vld [tilespmem:s18+$0x0];
	v21 =	vand.u32 $0x3FFF, v11  }
0xa3: {  	v12 =	vld.idx.msk [tilespmem:v12+s3+$0x0], $0xffff;
	v22 =	vand.u32 $0x3FFF, v13  }
0xa4: {  	v23 =	vand.u32 $0x3FFF, v14;
	v15 =	vld.idx.msk [tilespmem:v15+s3+$0x0], $0xffff  }
0xa5: {  	v24 =	vand.u32 $0x3FFF, v16;
	v17 =	vld.idx.msk [tilespmem:v17+s3+$0x0], $0xffff  }
0xa6: {  	v7 =	vshrl.u32 v7, $0xE;
	v18 =	vld.idx.msk [tilespmem:v18+s3+$0x0], $0xffff  }
0xa7: {  	v8 =	vshrl.u32 v8, $0xE;
	v21 =	vld.idx.msk [tilespmem:v21+s3+$0x0], $0xffff  }
0xa8: {  	v9 =	vshrl.u32 v9, $0xE;
	v22 =	vld.idx.msk [tilespmem:v22+s3+$0x0], $0xffff  }
0xa9: {  	v10 =	vshrl.u32 v10, $0xE;
	v12 =	vmul.f32 v12, v20;
	v20 =	vld.idx.msk [tilespmem:v23+s3+$0x0], $0xffff  }
0xaa: {  	v11 =	vshrl.u32 v11, $0xE;
	v15 =	vmul.f32 v15, v19;
	v23 =	vld.idx.msk [tilespmem:v24+s3+$0x0], $0xffff  }
0xab: {  	v6 =	vmul.f32 v17, v6;
	[tilespmem:v7+s14+$0x0] =	vst.idx.add.f32.msk $0xffff, v12;
	v7 =	vshrl.u32 v13, $0xE  }
0xac: {  	v12 =	vshrl.u32 v14, $0xE;
	v13 =	vmul.f32 v18, v1;
	[tilespmem:v8+s14+$0x0] =	vst.idx.add.f32.msk $0xffff, v15  }
.Ltmp2:
0xad: {  	v1 =	vshrl.u32 v16, $0xE;
	v5 =	vmul.f32 v21, v5;
	[tilespmem:v9+s14+$0x0] =	vst.idx.add.f32.msk $0xffff, v6;
	(pc) =	sbr.rel @p0 .LBB2_7-.Ltmp2, $4  }
0xae: {  	v4 =	vmul.f32 v22, v4;
	[tilespmem:v10+s14+$0x0] =	vst.idx.add.f32.msk $0xffff, v13  }
0xaf: {  	v3 =	vmul.f32 v20, v3;
	[tilespmem:v11+s14+$0x0] =	vst.idx.add.f32.msk $0xffff, v5  }
0xb0: {  	v2 =	vmul.f32 v23, v2;
	[tilespmem:v7+s14+$0x0] =	vst.idx.add.f32.msk $0xffff, v4  }
0xb1: {  	[tilespmem:v12+s14+$0x0] =	vst.idx.add.f32.msk $0xffff, v3  }
0xb2: {  	s17 =	sadd.s32 $0x1, s17  }
0xb3: {  	p0 =	sne.s32 s17, $0x14  }
.Ltmp3:
0xb4: {  	_ = 	snop;
	(pc) =	sbr.rel @p0 .LBB2_4-.Ltmp3, $2  }
0xb5: {  	_ =	sdelay $0x2  }
0xb6: {  	[tilespmem:v1+s14+$0x0] =	vst.idx.add.f32.msk $0xffff, v2  }
0xb7: {  	s16 =	sadd.s32 $0x1, s16  }
0xb8: {  	p0 =	sne.s32 s16, s7  }
.Ltmp4:
0xb9: {  	_ = 	snop;
	(pc) =	sbr.rel @p0 .LBB2_1-.Ltmp4, $4  }
0xba: {  	[hbm4b:s6+s3] =	stream.linear.scatter [tilespmem:s14], [sflag:$0x3], $0x2800, $0x38;
	[tilespmem:$0x17000] =	vst v63  }
0xbb: {  	_ =	swait.ge [sflag:s8], $0x2800  }
0xbc: {  	[sflag:s8] =	ssyncset.done $0x0  }
0xbd: {  	[sflag:s8] =	ssyncadd.s32 $0xFFFFD800  }
0xbe: {  	_ =	sfence.sel $0x180000  }
0xbf: {  	[bflag:$0x0] =	sbarrier.arrive $0xFFFF  }
0xc0: {  	p0 =	sne.s32 s1, $0x0;
	_ =	strace $0x9000004A  }
0xc1: {  	s0 =	sadd.s32 @!p0 $0x100000, s0;
	[bflag:$0x2] =	sbarrier.arrive $0xFFFF  }
0xc2: {  	[sflag:s0] =	ssyncadd.tile.s32 @!p0 $0x1;
	_ =	shalt  }
.Lfunc_end2:
_tile_overlayer_lowered:
.L_overlay_start_2:
0xc3: {  	(tag) =	ssettag $0x2  }
0xc4: {  	s0 =	rddreg [dreg:$0x0];
	s2 =	stileid.u32  }
0xc5: {  	s1 =	rddreg [dreg:$0x1];
	p0 =	sne.s32 s2, $0x0  }
0xc6: {  	s3 =	rddreg [dreg:$0x2];
	[bflag:$0x3] =	sbarrier.arrive $0xFFFF;
	s2 =	simm.s32 @!p0 $0x1C03  }
0xc7: {  	[timem:s3], [sflag:s2] =	dma.local @!p0 [hbm:s0], s1  }
0xc8: {  	s0 =	simm.s32 @!p0 $0x3  }
0xc9: {  	_ =	swait.ge @!p0 [sflag:s0], s1  }
0xca: {  	s1 =	ssub.s32 @!p0 $0x0, s1;
	[sflag:s0] =	ssyncset.done @!p0 $0x0  }
0xcb: {  	[sflag:s0] =	ssyncadd.s32 @!p0 s1  }
0xcc: {  	[bflag:$0x3] =	sbarrier.arrive $0xFFFF  }
0xcd: {  	_ =	shalt  }

// kernel: gcn_agg_es2.3.cloned.1.call-start
scs
__scs_entry_jumppad:
0x0: {  	(pc) =	sbr.rel $0x88, $3  }
0x1: {  	(tag) =	ssettag $0x0;
	lr =	simm.s32 $0x1  }
0x2: {  	[smem:$0x3F9A] =	sst lr;
	_ =	strace $0xD0000000  }
0x3: {  	_ = 	snop  }
0x4: {  	_ = 	snop  }
0x5: {  	_ = 	snop  }
0x6: {  	_ = 	snop  }
0x7: {  	_ = 	snop  }
__scs_overlays_trampoline_lowered:
0x8: {  	[smem:$0x3FA9] =	sst s0  }
0x9: {  	[smem:$0x3FAA] =	sst s1  }
0xa: {  	[smem:$0x3FAB] =	sst s2  }
0xb: {  	[smem:$0x3FAC] =	sst s3  }
0xc: {  	[smem:$0x3FAD] =	sst s4  }
0xd: {  	[smem:$0x3FAE] =	sst s5  }
0xe: {  	[smem:$0x3FAF] =	sst s6  }
0xf: {  	[smem:$0x3FB0] =	sst s7  }
0x10: {  	[smem:$0x3FB1] =	sst s8  }
0x11: {  	[smem:$0x3FB2] =	sst s9;
	s0 =	simm.s32 @!p0 $0x0  }
0x12: {  	s1 =	sld [smem:$0x3F98];
	s0 =	simm.s32 @p0 $0x1  }
0x13: {  	[smem:$0x3FB3] =	sst s0;
	s0 =	simm.s32 @!p1 $0x0  }
0x14: {  	s2 =	sld [smem:$0x3F97];
	s0 =	simm.s32 @p1 $0x1  }
0x15: {  	[smem:$0x3FB4] =	sst s0;
	s0 =	simm.s32 @!p2 $0x0  }
0x16: {  	s3 =	sld [smem:$0x3FDB];
	s0 =	simm.s32 @p2 $0x1  }
0x17: {  	s4 =	simm.s32 $0x1BF5;
	[smem:$0x3FB6] =	sst s0  }
0x18: {  	s0 =	sld [smem:$0x3F99];
	_ =	swait.ge [sflag:s4], $0x0  }
0x19: {  	s7 =	sld [smem:$0x3F9A]  }
0x1a: {  	s8 =	sadd.s32 $0xFFFFE003, lr  }
0x1b: {  	s9 =	sadd.s32 $0xFFFFFEF7, lr;
	s5 =	simm.s32 $0xFFFFFFFF;
	p2 =	slt.u32 s8, $0xFFFFF086  }
0x1c: {  	p1 =	slt.u32 s9, $0xF7A;
	s5 =	simm.s32 @!p2 $0x0  }
0x1d: {  	s5 =	simm.s32 @p1 $0x1;
	p0 =	seq.s32 s7, s2  }
0x1e: {  	s7 =	smul.u32 @!p0 $0xF7A, s2;
	p2 =	seq.s32 @!p0 s5, $0x0  }
0x1f: {  	s9 =	smul.u32 $0xF7A, s1;
	s8 =	simm.s32 @!p0 $0x1BF5;
	p2 =	por !p2, p0  }
0x20: {  	[sflag:s8] =	ssyncset.s32 @!p0 $0xFFFFF086;
	s6 =	sadd.s32 @!p0 s3, s7;
	s7 =	simm.s32 @!p0 $0x108  }
0x21: {  	s3 =	sadd.s32 s3, s9;
	s6 =	sadd.s32 @!p0 $0x88, s6;
	s7 =	simm.s32 @p2 $0x1082  }
0x22: {  	[simem:s7], [sflag:s8] =	dma.local @!p0 [hbm:s6], $0xF7A  }
0x23: {  	s9 =	sor.u32 $0xD0000000, s2;
	s6 =	simm.s32 $0x108;
	_ =	swait.ge @!p0 [sflag:s8], $0x0  }
0x24: {  	s3 =	sadd.s32 $0x88, s3;
	s6 =	simm.s32 @!p1 $0x1082;
	[sflag:s4] =	ssyncset.s32 $0xFFFFF086  }
0x25: {  	[simem:s6], [sflag:s4] =	dma.local [hbm:s3], $0xF7A  }
0x26: {  	[smem:$0x3F9A] =	sst s1;
	(tag) =	ssettag s2;
	_ =	strace s9  }
0x27: {  	s1 =	sld [smem:$0x3FAA]  }
0x28: {  	s2 =	sld [smem:$0x3FAB]  }
0x29: {  	s4 =	sld [smem:$0x3FAD]  }
0x2a: {  	p0 =	seq.s32 s5, $0x0;
	s5 =	sld [smem:$0x3FAE]  }
0x2b: {  	s6 =	sld [smem:$0x3FAF]  }
0x2c: {  	s7 =	sld [smem:$0x3FB0]  }
0x2d: {  	s3 =	simm.s32 $0x108;
	s8 =	sld [smem:$0x3FB1]  }
0x2e: {  	s3 =	simm.s32 @!p0 $0x1082;
	s9 =	sld [smem:$0x3FB2]  }
0x2f: {  	lr =	sadd.s32 s0, s3;
	s0 =	sld [smem:$0x3FA9]  }
0x30: {  	s3 =	sld [smem:$0x3FAC]  }
0x31: {  	[smem:$0x3FB5] =	sst s10  }
0x32: {  	s10 =	sld [smem:$0x3FB3];
	_ =	sdelay $0x3  }
0x33: {  	p0 =	seq.s32 s10, $0x1;
	s10 =	sld [smem:$0x3FB5];
	_ =	sdelay $0x3  }
0x34: {  	[smem:$0x3FB5] =	sst s10  }
0x35: {  	s10 =	sld [smem:$0x3FB4];
	_ =	sdelay $0x3  }
0x36: {  	p1 =	seq.s32 s10, $0x1;
	s10 =	sld [smem:$0x3FB5];
	_ =	sdelay $0x3  }
0x37: {  	[smem:$0x3FB5] =	sst s10  }
0x38: {  	s10 =	sld [smem:$0x3FB6]  }
0x39: {  	_ = 	snop;
	(pc) =	sbr.ind lr, $3  }
0x3a: {  	_ = 	snop  }
0x3b: {  	_ = 	snop  }
0x3c: {  	p2 =	seq.s32 s10, $0x1;
	s10 =	sld [smem:$0x3FB5]  }
0x3d: {  	_ =	shalt  }
0x3e: {  	_ =	shalt  }
0x3f: {  	_ =	shalt  }
0x40: {  	_ =	shalt  }
0x41: {  	_ =	shalt  }
0x42: {  	_ =	shalt  }
0x43: {  	_ =	shalt  }
0x44: {  	_ =	shalt  }
0x45: {  	_ =	shalt  }
0x46: {  	_ =	shalt  }
0x47: {  	_ =	shalt  }
0x48: {  	_ =	shalt  }
0x49: {  	_ =	shalt  }
0x4a: {  	_ =	shalt  }
0x4b: {  	_ =	shalt  }
0x4c: {  	_ =	shalt  }
0x4d: {  	_ =	shalt  }
0x4e: {  	_ =	shalt  }
0x4f: {  	_ =	shalt  }
0x50: {  	_ =	shalt  }
0x51: {  	_ =	shalt  }
0x52: {  	_ =	shalt  }
0x53: {  	_ =	shalt  }
0x54: {  	_ =	shalt  }
0x55: {  	_ =	shalt  }
0x56: {  	_ =	shalt  }
0x57: {  	_ =	shalt  }
0x58: {  	_ =	shalt  }
0x59: {  	_ =	shalt  }
0x5a: {  	_ =	shalt  }
0x5b: {  	_ =	shalt  }
0x5c: {  	_ =	shalt  }
0x5d: {  	_ =	shalt  }
0x5e: {  	_ =	shalt  }
0x5f: {  	_ =	shalt  }
0x60: {  	_ =	shalt  }
0x61: {  	_ =	shalt  }
0x62: {  	_ =	shalt  }
0x63: {  	_ =	shalt  }
0x64: {  	_ =	shalt  }
0x65: {  	_ =	shalt  }
0x66: {  	_ =	shalt  }
0x67: {  	_ =	shalt  }
0x68: {  	_ =	shalt  }
0x69: {  	_ =	shalt  }
0x6a: {  	_ =	shalt  }
0x6b: {  	_ =	shalt  }
0x6c: {  	_ =	shalt  }
0x6d: {  	_ =	shalt  }
0x6e: {  	_ =	shalt  }
0x6f: {  	_ =	shalt  }
0x70: {  	_ =	shalt  }
0x71: {  	_ =	shalt  }
0x72: {  	_ =	shalt  }
0x73: {  	_ =	shalt  }
0x74: {  	_ =	shalt  }
0x75: {  	_ =	shalt  }
0x76: {  	_ =	shalt  }
0x77: {  	_ =	shalt  }
0x78: {  	_ =	shalt  }
0x79: {  	_ =	shalt  }
0x7a: {  	_ =	shalt  }
0x7b: {  	_ =	shalt  }
0x7c: {  	_ =	shalt  }
0x7d: {  	_ =	shalt  }
0x7e: {  	_ =	shalt  }
0x7f: {  	_ =	shalt  }
0x80: {  	_ =	shalt  }
0x81: {  	_ =	shalt  }
0x82: {  	_ =	shalt  }
0x83: {  	_ =	shalt  }
0x84: {  	_ =	shalt  }
0x85: {  	_ =	shalt  }
0x86: {  	_ =	shalt  }
0x87: {  	_ =	shalt  }
.Lfunc_end0:
.L_simem_size_0:
called_computation.2_lowered:
.L_overlay_start_0:
0x88: {  	s2 =	sld [smem:$0x3FD9]  }
0x89: {  	s3 =	sld [smem:$0x3FFE];
	_ =	sdelay $0x1  }
0x8a: {  	s1 =	srdreg.scid  }
0x8b: {  	s0 =	sand.u32 $0x1, s1  }
0x8c: {  	s16 =	sshll.u32 s0, $0xA;
	s2 =	sadd.s32 s3, s2  }
0x8d: {  	s2 =	sadd.s32 s2, s16  }
0x8e: {  	[smem:$0x3FC1] =	sst s2  }
0x8f: {  	_ = 	snop  }
0x90: {  	(tm) =	ssettm $0x1  }
0x91: {  	s17 =	sld [smem:$0x3FFB];
	_ =	sdelay $0x3  }
0x92: {  	_ =	strace s17  }
0x93: {  	s2 =	sld [smem:$0x3FFC];
	_ =	sdelay $0x3  }
0x94: {  	_ =	strace s2  }
0x95: {  	s2 =	sld [smem:$0x3FFD];
	_ =	sdelay $0x3  }
0x96: {  	_ =	strace s2  }
0x97: {  	_ =	strace $0x8FFFFFFF  }
0x98: {  	s18 =	sld [smem:$0x3FDB];
	_ =	sdelay $0x1  }
0x99: {  	s19 =	simm.s32 $_scs_section_size  }
0x9a: {  	s4 =	simm.s32 $_size__tile_overlayer_lowered;
	s5 =	simm.s32 $_tile_overlayer_lowered  }
0x9b: {  	s22 =	simm.s32 $0x1BFF;
	s21 =	sshll.u32 s5, $0x1;
	s2 =	sadd.s32 s19, s18  }
0x9c: {  	s6 =	simm.s32 $0x0;
	s20 =	sshll.u32 s4, $0x1;
	s4 =	sadd.s32 s21, s2  }
0x9d: {  	[timem:s6], [sflag:s22] =	dma.local [hbm:s4], s20  }
0x9e: {  	_ =	swait.ge [sflag:s22], s20  }
0x9f: {  	s3 =	ssub.s32 $0x0, s20;
	[sflag:s22] =	ssyncset.done $0x0  }
0xa0: {  	[sflag:s22] =	ssyncadd.s32 s3;
	_ =	sdelay $0x1  }
0xa1: {  	s23 =	simm.s32 $0x1B8B  }
0xa2: {  	_ =	swait.ge [sflag:s23], $0x1  }
0xa3: {  	[sflag:s23] =	ssyncset.done $0x0  }
0xa4: {  	s25 =	simm.s32 $0x1B8E;
	s24 =	sld [smem:$0x3FFE];
	[sflag:s23] =	ssyncadd.s32 $0xFFFFFFFF  }
0xa5: {  	s26 =	simm.s32 $execute0_lowered;
	[smem:$0x3FD2] =	sst s25  }
0xa6: {  	s4 =	sshll.u32 s26, $0x1;
	_ =	strace $0x8000004C;
	[dreg:$0x1] =	wrdreg $0xFFFFFFFF  }
0xa7: {  	s28 =	simm.s32 $_size_execute0_lowered;
	s2 =	sadd.s32 s2, s4;
	[dreg:$0x0] =	wrdreg $0x0  }
0xa8: {  	s4 =	sshll.u32 s28, $0x1;
	[dreg:$0x2] =	wrdreg s2  }
0xa9: {  	[dreg:$0x3] =	wrdreg s4  }
0xaa: {  	[dreg:$0x4] =	wrdreg $0xC0  }
0xab: {  	_ =	task [dreg:s6], $0x5FFFF  }
0xac: {  	[dreg:$0x1] =	wrdreg $0xFFFFFFFF  }
0xad: {  	[dreg:$0x0] =	wrdreg $0x60  }
0xae: {  	[dreg:$0x2] =	wrdreg s24  }
0xaf: {  	[dreg:$0x3] =	wrdreg $0xD0000  }
0xb0: {  	[dreg:$0x4] =	wrdreg $0x9  }
0xb1: {  	_ =	task.clear_ibuf [dreg:s6], $0x5FFFF;
	_ =	strace $0x9000004C  }
0xb2: {  	s29 =	simm.s32 $0x9;
	_ =	strace $0x8000004E  }
0xb3: {  	_ =	swait.ge [sflag:s29], $0x1  }
0xb4: {  	[sflag:s29] =	ssyncadd.s32 $0xFFFFFFFF  }
0xb5: {  	_ =	strace $0x9000004E  }
0xb6: {  	_ =	sfence  }
0xb7: {  	s30 =	sld [smem:$0x0];
	_ =	sdelay $0x2  }
0xb8: {  	s31 =	sshll.u32 s1, $0xD;
	s1 =	sshrl.u32 s1, $0x2  }
0xb9: {  	s3 =	sand.u32 $0x4000, s31;
	s1 =	sadd.s32 s1, s30  }
0xba: {  	s0 =	sor.u32 s3, s0;
	s1 =	sshll.u32 s1, $0x11  }
0xbb: {  	s0 =	sor.u32 s1, s0  }
0xbc: {  	s0 =	sadd.s32 $0x8F2B, s0  }
0xbd: {  	[sflag:s0] =	ssyncadd.remote.s32 $0x1  }
0xbe: {  	_ =	sfence.sel $0xFFFF  }
0xbf: {  	[dreg:$0x0] =	wrdreg $0xFFFFFFFF;
	(pc) =	sbr.abs _section_cstart, $3  }
0xc0: {  	[dreg:$0x1] =	wrdreg $0xFFFFFFFF  }
0xc1: {  	_ =	task.clear_ibuf [dreg:s6], $0x2FFFF;
	_ =	strace $0x9FFFFFFF  }
0xc2: {  	(tm) =	ssettm $0x7FFFFFFF  }
0xc3: {  	_ =	shalt  }
tec
execute0_lowered:
.L_overlay_start_1:
0x0: {  	(tag) =	ssettag $0x1  }
0x1: {  	s4 =	rddreg [dreg:$0x0]  }
0x2: {  	s2 =	rddreg [dreg:$0x1]  }
0x3: {  	s0 =	rddreg [dreg:$0x2]  }
0x4: {  	s1 =	stileid.u32;
	s5 =	srdreg.scid  }
0x5: {  	s3 =	simm.s32 $0x0;
	s12 =	simm.s32 $0x1;
	s13 =	simm.s32 $0x9000  }
0x6: {  	s14 =	simm.s32 $0x2800;
	s15 =	simm.s32 $0x2;
	s6 =	smul.u32 $0x5000, s1  }
0x7: {  	s16 =	simm.s32 $0x0;
	s5 =	sand.u32 $0x1, s5;
	s9 =	smul.u32 $0x500, s1  }
0x8: {  	[smem:$0x7FF] =	sst s3;
	s31 =	sshll.u32 s1, $0x6;
	s7 =	smul.u32 $0x50000, s5  }
0x9: {  	s8 =	sshll.u32 s5, $0x4;
	_ =	strace $0x8000004D;
	s5 =	ssub.s32 $0x2, s5  }
0xa: {  	s8 =	sor.u32 s1, s8;
	s9 =	sadd.s32 s9, s4;
	s7 =	sadd.s32 s6, s7  }
0xb: {  	s10 =	sshrl.u32 s5, $0x1;
	s8 =	smul.u32 $0x500, s8;
	s7 =	sshrl.u32 s7, $0x3  }
0xc: {  	s11 =	sadd.s32 s6, s2;
	s10 =	ssub.s32 s5, s10;
	s7 =	sadd.s32 s7, s4  }
0xd: {  	s8 =	sadd.s32 s8, s4;
	s4 =	sadd.s32 $0x1C00, s9;
	s9 =	sor.u32 $0x1C03, s31  }
0xe: {  	s5 =	sadd.s32 $0x15C00, s7;
	s6 =	sadd.s32 $0x6C00, s8;
	s7 =	smax.u32 s10, $0x1  }
0xf: {  	v0 =	vimm.f32 $0.0e+00;
	s8 =	simm.s32 $0x3;
	s10 =	sshrl.u32 s11, $0x3;
	s11 =	simm.s32 $0x5000  }
.LBB2_1:
0x10: {  	[tilespmem:s3], [sflag:$0x3] =	stream.linear.gather [hbm4b:s4+s3], $0x2800, $0x38;
	[tilespmem:$0x12000] =	vst v63  }
0x11: {  	_ =	swait.ge [sflag:s8], $0x2800  }
0x12: {  	[sflag:s8] =	ssyncset.done $0x0  }
0x13: {  	[sflag:s8] =	ssyncadd.s32 $0xFFFFD800  }
0x14: {  	[spmem:s10], [sflag:s9] =	dma.local [hbm:s5], $0xA00  }
0x15: {  	_ =	swait.ge [sflag:s8], $0xA00  }
0x16: {  	[sflag:s8] =	ssyncset.done $0x0  }
0x17: {  	s17 =	simm.s32 $0x2840;
	[sflag:s8] =	ssyncadd.s32 $0xFFFFF600  }
0x18: {  	[tilespmem:s17+$0xFFFFFFC0] =	vst v0  }
0x19: {  	[tilespmem:s17+$0x30] =	vst v0  }
0x1a: {  	[tilespmem:s17+$0x20] =	vst v0  }
0x1b: {  	[tilespmem:s17+$0x10] =	vst v0  }
0x1c: {  	[tilespmem:s17+$0x0] =	vst v0  }
0x1d: {  	[tilespmem:s17+$0xFFFFFFF0] =	vst v0  }
0x1e: {  	s18 =	simm.s32 $0x0;
	[tilespmem:s17+$0xFFFFFFE0] =	vst v0  }
.LBB2_2:
0x1f: {  	s18 =	sadd.s32 $0x8, s18;
	[tilespmem:s17+$0xFFFFFFD0] =	vst v0;
	s17 =	sadd.s32 $0x80, s17  }
0x20: {  	[tilespmem:s17+$0xFFFFFFC0] =	vst v0;
	p0 =	slt.u32 s18, $0x278  }
0x21: {  	[tilespmem:s17+$0x30] =	vst v0  }
.Ltmp0:
0x22: {  	[tilespmem:s17+$0x20] =	vst v0;
	(pc) =	sbr.rel @p0 .LBB2_2-.Ltmp0, $4  }
0x23: {  	[tilespmem:s17+$0x10] =	vst v0  }
0x24: {  	[tilespmem:s17+$0x0] =	vst v0  }
0x25: {  	[tilespmem:s17+$0xFFFFFFF0] =	vst v0  }
0x26: {  	[tilespmem:s17+$0xFFFFFFE0] =	vst v0  }
0x27: {  	[tilespmem:s17+$0xFFFFFFD0] =	vst v0  }
0x28: {  	s17 =	simm.s32 $0x0;
	[bflag:$0x0] =	sbarrier.arrive $0xFFFF  }
0x29: {  	[tilespmem:s11], [sflag:$0x1] =	stream.linear.gather [spmem:s2], $0x4000, $0x38;
	[tilespmem:$0x12000] =	vst v63  }
.LBB2_4:
0x2a: {  	s18 =	sshll.u32 s17, $0xF  }
0x2b: {  	_ =	swait.ge [sflag:s12], $0x4000;
	s18 =	sand.u32 $0x3FFF8000, s18  }
0x2c: {  	[sflag:s12] =	ssyncset.done $0x0;
	s18 =	sadd.s32 s18, s2  }
0x2d: {  	[sflag:s12] =	ssyncadd.s32 $0xFFFFC000;
	s19 =	sadd.s32 $0x4000, s18  }
0x2e: {  	[tilespmem:s13], [sflag:$0x2] =	stream.linear.gather [spmem:s19], $0x4000, $0x38;
	[tilespmem:$0x12000] =	vst v63  }
0x2f: {  	s19 =	simm.s32 $0x7000  }
0x30: {  	v2 =	vld [tilespmem:s19+$0x10]  }
0x31: {  	v1 =	vld [tilespmem:s19+$0x20]  }
0x32: {  	v3 =	vld [tilespmem:s19+$0x30]  }
0x33: {  	v4 =	vld [tilespmem:s19+$0x40]  }
0x34: {  	v5 =	vld [tilespmem:s19+$0x50]  }
0x35: {  	v6 =	vld [tilespmem:s19+$0x60]  }
0x36: {  	v7 =	vld [tilespmem:s19+$0xFFFFE000]  }
0x37: {  	v8 =	vld [tilespmem:s19+$0xFFFFE070]  }
0x38: {  	v9 =	vld [tilespmem:s19+$0xFFFFE060]  }
0x39: {  	v10 =	vld [tilespmem:s19+$0xFFFFE050]  }
0x3a: {  	v11 =	vld [tilespmem:s19+$0xFFFFE040]  }
0x3b: {  	v14 =	vld [tilespmem:s19+$0xFFFFE020];
	v12 =	vand.u32 $0x3FFF, v7  }
0x3c: {  	v13 =	vld [tilespmem:s19+$0xFFFFE030];
	v15 =	vand.u32 $0x3FFF, v8  }
0x3d: {  	v16 =	vld [tilespmem:s19+$0xFFFFE010];
	v17 =	vand.u32 $0x3FFF, v9  }
0x3e: {  	v19 =	vld [tilespmem:s19+$0x70];
	v18 =	vand.u32 $0x3FFF, v10  }
0x3f: {  	v20 =	vld [tilespmem:s19+$0x0];
	v21 =	vand.u32 $0x3FFF, v11  }
0x40: {  	v23 =	vand.u32 $0x3FFF, v14;
	v12 =	vld.idx.msk [tilespmem:v12+s3+$0x0], $0xffff  }
0x41: {  	v22 =	vand.u32 $0x3FFF, v13;
	v15 =	vld.idx.msk [tilespmem:v15+s3+$0x0], $0xffff  }
0x42: {  	v24 =	vand.u32 $0x3FFF, v16;
	v17 =	vld.idx.msk [tilespmem:v17+s3+$0x0], $0xffff  }
0x43: {  	v7 =	vshrl.u32 v7, $0xE;
	v18 =	vld.idx.msk [tilespmem:v18+s3+$0x0], $0xffff  }
0x44: {  	v8 =	vshrl.u32 v8, $0xE;
	v21 =	vld.idx.msk [tilespmem:v21+s3+$0x0], $0xffff  }
0x45: {  	v9 =	vshrl.u32 v9, $0xE;
	v59 =	vld.idx.msk [tilespmem:v23+s3+$0x0], $0xffff  }
0x46: {  	v10 =	vshrl.u32 v10, $0xE;
	v22 =	vld.idx.msk [tilespmem:v22+s3+$0x0], $0xffff;
	v12 =	vmul.f32 v12, v20  }
0x47: {  	v11 =	vshrl.u32 v11, $0xE;
	v60 =	vld.idx.msk [tilespmem:v24+s3+$0x0], $0xffff;
	v15 =	vmul.f32 v15, v19  }
0x48: {  	v61 =	vshrl.u32 v13, $0xE;
	v6 =	vmul.f32 v17, v6;
	[tilespmem:v7+s14+$0x0] =	vst.idx.add.f32.msk $0xffff, v12  }
0x49: {  	v62 =	vshrl.u32 v14, $0xE;
	v5 =	vmul.f32 v18, v5;
	[tilespmem:v8+s14+$0x0] =	vst.idx.add.f32.msk $0xffff, v15  }
0x4a: {  	v4 =	vmul.f32 v21, v4;
	v63 =	vmul.f32 v59, v1;
	v1 =	vshrl.u32 v16, $0xE;
	[tilespmem:v9+s14+$0x0] =	vst.idx.add.f32.msk $0xffff, v6  }
0x4b: {  	v3 =	vmul.f32 v22, v3;
	[tilespmem:v10+s14+$0x0] =	vst.idx.add.f32.msk $0xffff, v5  }
0x4c: {  	[tilespmem:v11+s14+$0x0] =	vst.idx.add.f32.msk $0xffff, v4  }
0x4d: {  	v2 =	vmul.f32 v60, v2;
	[tilespmem:v61+s14+$0x0] =	vst.idx.add.f32.msk $0xffff, v3  }
0x4e: {  	s20 =	simm.s32 $0x0;
	[tilespmem:v62+s14+$0x0] =	vst.idx.add.f32.msk $0xffff, v63  }
.LBB2_5:
0x4f: {  	s20 =	sadd.s32 $0x80, s20;
	[tilespmem:v1+s14+$0x0] =	vst.idx.add.f32.msk $0xffff, v2;
	s19 =	sadd.s32 $0x80, s19  }
0x50: {  	v2 =	vld [tilespmem:s19+$0x10];
	p0 =	slt.u32 s20, $0x1F80  }
0x51: {  	v3 =	vld [tilespmem:s19+$0x20]  }
0x52: {  	v4 =	vld [tilespmem:s19+$0x30]  }
0x53: {  	v5 =	vld [tilespmem:s19+$0x40]  }
0x54: {  	v1 =	vld [tilespmem:s19+$0x50]  }
0x55: {  	v6 =	vld [tilespmem:s19+$0x60]  }
0x56: {  	v7 =	vld [tilespmem:s19+$0xFFFFE000]  }
0x57: {  	v8 =	vld [tilespmem:s19+$0xFFFFE070]  }
0x58: {  	v9 =	vld [tilespmem:s19+$0xFFFFE060]  }
0x59: {  	v10 =	vld [tilespmem:s19+$0xFFFFE050]  }
0x5a: {  	v11 =	vld [tilespmem:s19+$0xFFFFE040]  }
0x5b: {  	v12 =	vand.u32 $0x3FFF, v7;
	v13 =	vld [tilespmem:s19+$0xFFFFE030]  }
0x5c: {  	v14 =	vld [tilespmem:s19+$0xFFFFE020];
	v15 =	vand.u32 $0x3FFF, v8  }
0x5d: {  	v16 =	vld [tilespmem:s19+$0xFFFFE010];
	v17 =	vand.u32 $0x3FFF, v9  }
0x5e: {  	v18 =	vand.u32 $0x3FFF, v10;
	v19 =	vld [tilespmem:s19+$0x70]  }
0x5f: {  	v20 =	vld [tilespmem:s19+$0x0];
	v21 =	vand.u32 $0x3FFF, v11  }
0x60: {  	v12 =	vld.idx.msk [tilespmem:v12+s3+$0x0], $0xffff;
	v22 =	vand.u32 $0x3FFF, v13  }
0x61: {  	v23 =	vand.u32 $0x3FFF, v14;
	v15 =	vld.idx.msk [tilespmem:v15+s3+$0x0], $0xffff  }
0x62: {  	v24 =	vand.u32 $0x3FFF, v16;
	v17 =	vld.idx.msk [tilespmem:v17+s3+$0x0], $0xffff  }
0x63: {  	v7 =	vshrl.u32 v7, $0xE;
	v18 =	vld.idx.msk [tilespmem:v18+s3+$0x0], $0xffff  }
0x64: {  	v8 =	vshrl.u32 v8, $0xE;
	v21 =	vld.idx.msk [tilespmem:v21+s3+$0x0], $0xffff  }
0x65: {  	v9 =	vshrl.u32 v9, $0xE;
	v22 =	vld.idx.msk [tilespmem:v22+s3+$0x0], $0xffff  }
0x66: {  	v10 =	vshrl.u32 v10, $0xE;
	v12 =	vmul.f32 v12, v20;
	v20 =	vld.idx.msk [tilespmem:v23+s3+$0x0], $0xffff  }
0x67: {  	v11 =	vshrl.u32 v11, $0xE;
	v15 =	vmul.f32 v15, v19;
	v23 =	vld.idx.msk [tilespmem:v24+s3+$0x0], $0xffff  }
0x68: {  	v6 =	vmul.f32 v17, v6;
	[tilespmem:v7+s14+$0x0] =	vst.idx.add.f32.msk $0xffff, v12;
	v7 =	vshrl.u32 v13, $0xE  }
0x69: {  	v12 =	vshrl.u32 v14, $0xE;
	v13 =	vmul.f32 v18, v1;
	[tilespmem:v8+s14+$0x0] =	vst.idx.add.f32.msk $0xffff, v15  }
.Ltmp1:
0x6a: {  	v1 =	vshrl.u32 v16, $0xE;
	v5 =	vmul.f32 v21, v5;
	[tilespmem:v9+s14+$0x0] =	vst.idx.add.f32.msk $0xffff, v6;
	(pc) =	sbr.rel @p0 .LBB2_5-.Ltmp1, $4  }
0x6b: {  	v4 =	vmul.f32 v22, v4;
	[tilespmem:v10+s14+$0x0] =	vst.idx.add.f32.msk $0xffff, v13  }
0x6c: {  	v3 =	vmul.f32 v20, v3;
	[tilespmem:v11+s14+$0x0] =	vst.idx.add.f32.msk $0xffff, v5  }
0x6d: {  	v2 =	vmul.f32 v23, v2;
	[tilespmem:v7+s14+$0x0] =	vst.idx.add.f32.msk $0xffff, v4  }
0x6e: {  	[tilespmem:v12+s14+$0x0] =	vst.idx.add.f32.msk $0xffff, v3  }
0x6f: {  	_ =	sdelay $0x3  }
0x70: {  	[tilespmem:v1+s14+$0x0] =	vst.idx.add.f32.msk $0xffff, v2  }
0x71: {  	_ =	swait.ge [sflag:s15], $0x4000  }
0x72: {  	p0 =	seq.s32 s17, $0x9;
	[sflag:s15] =	ssyncset.done $0x0  }
0x73: {  	s18 =	sadd.s32 @!p0 $0x8000, s18;
	s19 =	simm.s32 @!p0 $0x5000;
	[sflag:s15] =	ssyncadd.s32 $0xFFFFC000  }
0x74: {  	[tilespmem:s19], [sflag:$0x1] =	stream.linear.gather @!p0 [spmem:s18], $0x4000, $0x38;
	[tilespmem:$0x12000] =	vst v63  }
0x75: {  	s18 =	simm.s32 $0xB000  }
0x76: {  	v2 =	vld [tilespmem:s18+$0x10]  }
0x77: {  	v1 =	vld [tilespmem:s18+$0x20]  }
0x78: {  	v3 =	vld [tilespmem:s18+$0x30]  }
0x79: {  	v4 =	vld [tilespmem:s18+$0x40]  }
0x7a: {  	v5 =	vld [tilespmem:s18+$0x50]  }
0x7b: {  	v6 =	vld [tilespmem:s18+$0x60]  }
0x7c: {  	v7 =	vld [tilespmem:s18+$0xFFFFE000]  }
0x7d: {  	v8 =	vld [tilespmem:s18+$0xFFFFE070]  }
0x7e: {  	v9 =	vld [tilespmem:s18+$0xFFFFE060]  }
0x7f: {  	v10 =	vld [tilespmem:s18+$0xFFFFE050]  }
0x80: {  	v11 =	vld [tilespmem:s18+$0xFFFFE040]  }
0x81: {  	v14 =	vld [tilespmem:s18+$0xFFFFE020];
	v12 =	vand.u32 $0x3FFF, v7  }
0x82: {  	v13 =	vld [tilespmem:s18+$0xFFFFE030];
	v15 =	vand.u32 $0x3FFF, v8  }
0x83: {  	v16 =	vld [tilespmem:s18+$0xFFFFE010];
	v17 =	vand.u32 $0x3FFF, v9  }
0x84: {  	v19 =	vld [tilespmem:s18+$0x70];
	v18 =	vand.u32 $0x3FFF, v10  }
0x85: {  	v20 =	vld [tilespmem:s18+$0x0];
	v21 =	vand.u32 $0x3FFF, v11  }
0x86: {  	v23 =	vand.u32 $0x3FFF, v14;
	v12 =	vld.idx.msk [tilespmem:v12+s3+$0x0], $0xffff  }
0x87: {  	v22 =	vand.u32 $0x3FFF, v13;
	v15 =	vld.idx.msk [tilespmem:v15+s3+$0x0], $0xffff  }
0x88: {  	v24 =	vand.u32 $0x3FFF, v16;
	v17 =	vld.idx.msk [tilespmem:v17+s3+$0x0], $0xffff  }
0x89: {  	v7 =	vshrl.u32 v7, $0xE;
	v18 =	vld.idx.msk [tilespmem:v18+s3+$0x0], $0xffff  }
0x8a: {  	v8 =	vshrl.u32 v8, $0xE;
	v21 =	vld.idx.msk [tilespmem:v21+s3+$0x0], $0xffff  }
0x8b: {  	v9 =	vshrl.u32 v9, $0xE;
	v59 =	vld.idx.msk [tilespmem:v23+s3+$0x0], $0xffff  }
0x8c: {  	v10 =	vshrl.u32 v10, $0xE;
	v22 =	vld.idx.msk [tilespmem:v22+s3+$0x0], $0xffff;
	v12 =	vmul.f32 v12, v20  }
0x8d: {  	v11 =	vshrl.u32 v11, $0xE;
	v60 =	vld.idx.msk [tilespmem:v24+s3+$0x0], $0xffff;
	v15 =	vmul.f32 v15, v19  }
0x8e: {  	v61 =	vshrl.u32 v13, $0xE;
	v6 =	vmul.f32 v17, v6;
	[tilespmem:v7+s14+$0x0] =	vst.idx.add.f32.msk $0xffff, v12  }
0x8f: {  	v62 =	vshrl.u32 v14, $0xE;
	v5 =	vmul.f32 v18, v5;
	[tilespmem:v8+s14+$0x0] =	vst.idx.add.f32.msk $0xffff, v15  }
0x90: {  	v4 =	vmul.f32 v21, v4;
	v63 =	vmul.f32 v59, v1;
	v1 =	vshrl.u32 v16, $0xE;
	[tilespmem:v9+s14+$0x0] =	vst.idx.add.f32.msk $0xffff, v6  }
0x91: {  	v3 =	vmul.f32 v22, v3;
	[tilespmem:v10+s14+$0x0] =	vst.idx.add.f32.msk $0xffff, v5  }
0x92: {  	[tilespmem:v11+s14+$0x0] =	vst.idx.add.f32.msk $0xffff, v4  }
0x93: {  	v2 =	vmul.f32 v60, v2;
	[tilespmem:v61+s14+$0x0] =	vst.idx.add.f32.msk $0xffff, v3  }
0x94: {  	s19 =	simm.s32 $0x0;
	[tilespmem:v62+s14+$0x0] =	vst.idx.add.f32.msk $0xffff, v63  }
.LBB2_7:
0x95: {  	s19 =	sadd.s32 $0x80, s19;
	[tilespmem:v1+s14+$0x0] =	vst.idx.add.f32.msk $0xffff, v2;
	s18 =	sadd.s32 $0x80, s18  }
0x96: {  	v2 =	vld [tilespmem:s18+$0x10];
	p0 =	slt.u32 s19, $0x1F80  }
0x97: {  	v3 =	vld [tilespmem:s18+$0x20]  }
0x98: {  	v4 =	vld [tilespmem:s18+$0x30]  }
0x99: {  	v5 =	vld [tilespmem:s18+$0x40]  }
0x9a: {  	v1 =	vld [tilespmem:s18+$0x50]  }
0x9b: {  	v6 =	vld [tilespmem:s18+$0x60]  }
0x9c: {  	v7 =	vld [tilespmem:s18+$0xFFFFE000]  }
0x9d: {  	v8 =	vld [tilespmem:s18+$0xFFFFE070]  }
0x9e: {  	v9 =	vld [tilespmem:s18+$0xFFFFE060]  }
0x9f: {  	v10 =	vld [tilespmem:s18+$0xFFFFE050]  }
0xa0: {  	v11 =	vld [tilespmem:s18+$0xFFFFE040]  }
0xa1: {  	v12 =	vand.u32 $0x3FFF, v7;
	v13 =	vld [tilespmem:s18+$0xFFFFE030]  }
0xa2: {  	v14 =	vld [tilespmem:s18+$0xFFFFE020];
	v15 =	vand.u32 $0x3FFF, v8  }
0xa3: {  	v16 =	vld [tilespmem:s18+$0xFFFFE010];
	v17 =	vand.u32 $0x3FFF, v9  }
0xa4: {  	v18 =	vand.u32 $0x3FFF, v10;
	v19 =	vld [tilespmem:s18+$0x70]  }
0xa5: {  	v20 =	vld [tilespmem:s18+$0x0];
	v21 =	vand.u32 $0x3FFF, v11  }
0xa6: {  	v12 =	vld.idx.msk [tilespmem:v12+s3+$0x0], $0xffff;
	v22 =	vand.u32 $0x3FFF, v13  }
0xa7: {  	v23 =	vand.u32 $0x3FFF, v14;
	v15 =	vld.idx.msk [tilespmem:v15+s3+$0x0], $0xffff  }
0xa8: {  	v24 =	vand.u32 $0x3FFF, v16;
	v17 =	vld.idx.msk [tilespmem:v17+s3+$0x0], $0xffff  }
0xa9: {  	v7 =	vshrl.u32 v7, $0xE;
	v18 =	vld.idx.msk [tilespmem:v18+s3+$0x0], $0xffff  }
0xaa: {  	v8 =	vshrl.u32 v8, $0xE;
	v21 =	vld.idx.msk [tilespmem:v21+s3+$0x0], $0xffff  }
0xab: {  	v9 =	vshrl.u32 v9, $0xE;
	v22 =	vld.idx.msk [tilespmem:v22+s3+$0x0], $0xffff  }
0xac: {  	v10 =	vshrl.u32 v10, $0xE;
	v12 =	vmul.f32 v12, v20;
	v20 =	vld.idx.msk [tilespmem:v23+s3+$0x0], $0xffff  }
0xad: {  	v11 =	vshrl.u32 v11, $0xE;
	v15 =	vmul.f32 v15, v19;
	v23 =	vld.idx.msk [tilespmem:v24+s3+$0x0], $0xffff  }
0xae: {  	v6 =	vmul.f32 v17, v6;
	[tilespmem:v7+s14+$0x0] =	vst.idx.add.f32.msk $0xffff, v12;
	v7 =	vshrl.u32 v13, $0xE  }
0xaf: {  	v12 =	vshrl.u32 v14, $0xE;
	v13 =	vmul.f32 v18, v1;
	[tilespmem:v8+s14+$0x0] =	vst.idx.add.f32.msk $0xffff, v15  }
.Ltmp2:
0xb0: {  	v1 =	vshrl.u32 v16, $0xE;
	v5 =	vmul.f32 v21, v5;
	[tilespmem:v9+s14+$0x0] =	vst.idx.add.f32.msk $0xffff, v6;
	(pc) =	sbr.rel @p0 .LBB2_7-.Ltmp2, $4  }
0xb1: {  	v4 =	vmul.f32 v22, v4;
	[tilespmem:v10+s14+$0x0] =	vst.idx.add.f32.msk $0xffff, v13  }
0xb2: {  	v3 =	vmul.f32 v20, v3;
	[tilespmem:v11+s14+$0x0] =	vst.idx.add.f32.msk $0xffff, v5  }
0xb3: {  	v2 =	vmul.f32 v23, v2;
	[tilespmem:v7+s14+$0x0] =	vst.idx.add.f32.msk $0xffff, v4  }
0xb4: {  	[tilespmem:v12+s14+$0x0] =	vst.idx.add.f32.msk $0xffff, v3  }
0xb5: {  	s17 =	sadd.s32 $0x1, s17  }
0xb6: {  	p0 =	sne.s32 s17, $0xA  }
.Ltmp3:
0xb7: {  	_ = 	snop;
	(pc) =	sbr.rel @p0 .LBB2_4-.Ltmp3, $2  }
0xb8: {  	_ =	sdelay $0x2  }
0xb9: {  	[tilespmem:v1+s14+$0x0] =	vst.idx.add.f32.msk $0xffff, v2  }
0xba: {  	s16 =	sadd.s32 $0x1, s16  }
0xbb: {  	p0 =	sne.s32 s16, s7  }
.Ltmp4:
0xbc: {  	_ = 	snop;
	(pc) =	sbr.rel @p0 .LBB2_1-.Ltmp4, $4  }
0xbd: {  	[hbm4b:s6+s3] =	stream.linear.scatter [tilespmem:s14], [sflag:$0x3], $0x2800, $0x38;
	[tilespmem:$0x12000] =	vst v63  }
0xbe: {  	_ =	swait.ge [sflag:s8], $0x2800  }
0xbf: {  	[sflag:s8] =	ssyncset.done $0x0  }
0xc0: {  	[sflag:s8] =	ssyncadd.s32 $0xFFFFD800  }
0xc1: {  	_ =	sfence.sel $0x180000  }
0xc2: {  	[bflag:$0x0] =	sbarrier.arrive $0xFFFF  }
0xc3: {  	p0 =	sne.s32 s1, $0x0;
	_ =	strace $0x9000004D  }
0xc4: {  	s0 =	sadd.s32 @!p0 $0x100000, s0;
	[bflag:$0x2] =	sbarrier.arrive $0xFFFF  }
0xc5: {  	[sflag:s0] =	ssyncadd.tile.s32 @!p0 $0x1;
	_ =	shalt  }
.Lfunc_end2:
_tile_overlayer_lowered:
.L_overlay_start_2:
0xc6: {  	(tag) =	ssettag $0x2  }
0xc7: {  	s0 =	rddreg [dreg:$0x0];
	s2 =	stileid.u32  }
0xc8: {  	s1 =	rddreg [dreg:$0x1];
	p0 =	sne.s32 s2, $0x0  }
0xc9: {  	s3 =	rddreg [dreg:$0x2];
	[bflag:$0x3] =	sbarrier.arrive $0xFFFF;
	s2 =	simm.s32 @!p0 $0x1C03  }
0xca: {  	[timem:s3], [sflag:s2] =	dma.local @!p0 [hbm:s0], s1  }
0xcb: {  	s0 =	simm.s32 @!p0 $0x3  }
0xcc: {  	_ =	swait.ge @!p0 [sflag:s0], s1  }
0xcd: {  	s1 =	ssub.s32 @!p0 $0x0, s1;
	[sflag:s0] =	ssyncset.done @!p0 $0x0  }
0xce: {  	[sflag:s0] =	ssyncadd.s32 @!p0 s1  }
0xcf: {  	[bflag:$0x3] =	sbarrier.arrive $0xFFFF  }
0xd0: {  	_ =	shalt  }

// kernel: gcn_deg.3.cloned.1.call-start
scs
__scs_entry_jumppad:
0x0: {  	(pc) =	sbr.rel $0x88, $3  }
0x1: {  	(tag) =	ssettag $0x0;
	lr =	simm.s32 $0x1  }
0x2: {  	[smem:$0x3F9A] =	sst lr;
	_ =	strace $0xD0000000  }
0x3: {  	_ = 	snop  }
0x4: {  	_ = 	snop  }
0x5: {  	_ = 	snop  }
0x6: {  	_ = 	snop  }
0x7: {  	_ = 	snop  }
__scs_overlays_trampoline_lowered:
0x8: {  	[smem:$0x3FA9] =	sst s0  }
0x9: {  	[smem:$0x3FAA] =	sst s1  }
0xa: {  	[smem:$0x3FAB] =	sst s2  }
0xb: {  	[smem:$0x3FAC] =	sst s3  }
0xc: {  	[smem:$0x3FAD] =	sst s4  }
0xd: {  	[smem:$0x3FAE] =	sst s5  }
0xe: {  	[smem:$0x3FAF] =	sst s6  }
0xf: {  	[smem:$0x3FB0] =	sst s7  }
0x10: {  	[smem:$0x3FB1] =	sst s8  }
0x11: {  	[smem:$0x3FB2] =	sst s9;
	s0 =	simm.s32 @!p0 $0x0  }
0x12: {  	s1 =	sld [smem:$0x3F98];
	s0 =	simm.s32 @p0 $0x1  }
0x13: {  	[smem:$0x3FB3] =	sst s0;
	s0 =	simm.s32 @!p1 $0x0  }
0x14: {  	s2 =	sld [smem:$0x3F97];
	s0 =	simm.s32 @p1 $0x1  }
0x15: {  	[smem:$0x3FB4] =	sst s0;
	s0 =	simm.s32 @!p2 $0x0  }
0x16: {  	s3 =	sld [smem:$0x3FDB];
	s0 =	simm.s32 @p2 $0x1  }
0x17: {  	s4 =	simm.s32 $0x1BF5;
	[smem:$0x3FB6] =	sst s0  }
0x18: {  	s0 =	sld [smem:$0x3F99];
	_ =	swait.ge [sflag:s4], $0x0  }
0x19: {  	s7 =	sld [smem:$0x3F9A]  }
0x1a: {  	s8 =	sadd.s32 $0xFFFFE003, lr  }
0x1b: {  	s9 =	sadd.s32 $0xFFFFFEF7, lr;
	s5 =	simm.s32 $0xFFFFFFFF;
	p2 =	slt.u32 s8, $0xFFFFF086  }
0x1c: {  	p1 =	slt.u32 s9, $0xF7A;
	s5 =	simm.s32 @!p2 $0x0  }
0x1d: {  	s5 =	simm.s32 @p1 $0x1;
	p0 =	seq.s32 s7, s2  }
0x1e: {  	s7 =	smul.u32 @!p0 $0xF7A, s2;
	p2 =	seq.s32 @!p0 s5, $0x0  }
0x1f: {  	s9 =	smul.u32 $0xF7A, s1;
	s8 =	simm.s32 @!p0 $0x1BF5;
	p2 =	por !p2, p0  }
0x20: {  	[sflag:s8] =	ssyncset.s32 @!p0 $0xFFFFF086;
	s6 =	sadd.s32 @!p0 s3, s7;
	s7 =	simm.s32 @!p0 $0x108  }
0x21: {  	s3 =	sadd.s32 s3, s9;
	s6 =	sadd.s32 @!p0 $0x88, s6;
	s7 =	simm.s32 @p2 $0x1082  }
0x22: {  	[simem:s7], [sflag:s8] =	dma.local @!p0 [hbm:s6], $0xF7A  }
0x23: {  	s9 =	sor.u32 $0xD0000000, s2;
	s6 =	simm.s32 $0x108;
	_ =	swait.ge @!p0 [sflag:s8], $0x0  }
0x24: {  	s3 =	sadd.s32 $0x88, s3;
	s6 =	simm.s32 @!p1 $0x1082;
	[sflag:s4] =	ssyncset.s32 $0xFFFFF086  }
0x25: {  	[simem:s6], [sflag:s4] =	dma.local [hbm:s3], $0xF7A  }
0x26: {  	[smem:$0x3F9A] =	sst s1;
	(tag) =	ssettag s2;
	_ =	strace s9  }
0x27: {  	s1 =	sld [smem:$0x3FAA]  }
0x28: {  	s2 =	sld [smem:$0x3FAB]  }
0x29: {  	s4 =	sld [smem:$0x3FAD]  }
0x2a: {  	p0 =	seq.s32 s5, $0x0;
	s5 =	sld [smem:$0x3FAE]  }
0x2b: {  	s6 =	sld [smem:$0x3FAF]  }
0x2c: {  	s7 =	sld [smem:$0x3FB0]  }
0x2d: {  	s3 =	simm.s32 $0x108;
	s8 =	sld [smem:$0x3FB1]  }
0x2e: {  	s3 =	simm.s32 @!p0 $0x1082;
	s9 =	sld [smem:$0x3FB2]  }
0x2f: {  	lr =	sadd.s32 s0, s3;
	s0 =	sld [smem:$0x3FA9]  }
0x30: {  	s3 =	sld [smem:$0x3FAC]  }
0x31: {  	[smem:$0x3FB5] =	sst s10  }
0x32: {  	s10 =	sld [smem:$0x3FB3];
	_ =	sdelay $0x3  }
0x33: {  	p0 =	seq.s32 s10, $0x1;
	s10 =	sld [smem:$0x3FB5];
	_ =	sdelay $0x3  }
0x34: {  	[smem:$0x3FB5] =	sst s10  }
0x35: {  	s10 =	sld [smem:$0x3FB4];
	_ =	sdelay $0x3  }
0x36: {  	p1 =	seq.s32 s10, $0x1;
	s10 =	sld [smem:$0x3FB5];
	_ =	sdelay $0x3  }
0x37: {  	[smem:$0x3FB5] =	sst s10  }
0x38: {  	s10 =	sld [smem:$0x3FB6]  }
0x39: {  	_ = 	snop;
	(pc) =	sbr.ind lr, $3  }
0x3a: {  	_ = 	snop  }
0x3b: {  	_ = 	snop  }
0x3c: {  	p2 =	seq.s32 s10, $0x1;
	s10 =	sld [smem:$0x3FB5]  }
0x3d: {  	_ =	shalt  }
0x3e: {  	_ =	shalt  }
0x3f: {  	_ =	shalt  }
0x40: {  	_ =	shalt  }
0x41: {  	_ =	shalt  }
0x42: {  	_ =	shalt  }
0x43: {  	_ =	shalt  }
0x44: {  	_ =	shalt  }
0x45: {  	_ =	shalt  }
0x46: {  	_ =	shalt  }
0x47: {  	_ =	shalt  }
0x48: {  	_ =	shalt  }
0x49: {  	_ =	shalt  }
0x4a: {  	_ =	shalt  }
0x4b: {  	_ =	shalt  }
0x4c: {  	_ =	shalt  }
0x4d: {  	_ =	shalt  }
0x4e: {  	_ =	shalt  }
0x4f: {  	_ =	shalt  }
0x50: {  	_ =	shalt  }
0x51: {  	_ =	shalt  }
0x52: {  	_ =	shalt  }
0x53: {  	_ =	shalt  }
0x54: {  	_ =	shalt  }
0x55: {  	_ =	shalt  }
0x56: {  	_ =	shalt  }
0x57: {  	_ =	shalt  }
0x58: {  	_ =	shalt  }
0x59: {  	_ =	shalt  }
0x5a: {  	_ =	shalt  }
0x5b: {  	_ =	shalt  }
0x5c: {  	_ =	shalt  }
0x5d: {  	_ =	shalt  }
0x5e: {  	_ =	shalt  }
0x5f: {  	_ =	shalt  }
0x60: {  	_ =	shalt  }
0x61: {  	_ =	shalt  }
0x62: {  	_ =	shalt  }
0x63: {  	_ =	shalt  }
0x64: {  	_ =	shalt  }
0x65: {  	_ =	shalt  }
0x66: {  	_ =	shalt  }
0x67: {  	_ =	shalt  }
0x68: {  	_ =	shalt  }
0x69: {  	_ =	shalt  }
0x6a: {  	_ =	shalt  }
0x6b: {  	_ =	shalt  }
0x6c: {  	_ =	shalt  }
0x6d: {  	_ =	shalt  }
0x6e: {  	_ =	shalt  }
0x6f: {  	_ =	shalt  }
0x70: {  	_ =	shalt  }
0x71: {  	_ =	shalt  }
0x72: {  	_ =	shalt  }
0x73: {  	_ =	shalt  }
0x74: {  	_ =	shalt  }
0x75: {  	_ =	shalt  }
0x76: {  	_ =	shalt  }
0x77: {  	_ =	shalt  }
0x78: {  	_ =	shalt  }
0x79: {  	_ =	shalt  }
0x7a: {  	_ =	shalt  }
0x7b: {  	_ =	shalt  }
0x7c: {  	_ =	shalt  }
0x7d: {  	_ =	shalt  }
0x7e: {  	_ =	shalt  }
0x7f: {  	_ =	shalt  }
0x80: {  	_ =	shalt  }
0x81: {  	_ =	shalt  }
0x82: {  	_ =	shalt  }
0x83: {  	_ =	shalt  }
0x84: {  	_ =	shalt  }
0x85: {  	_ =	shalt  }
0x86: {  	_ =	shalt  }
0x87: {  	_ =	shalt  }
.Lfunc_end0:
.L_simem_size_0:
called_computation_lowered:
.L_overlay_start_0:
0x88: {  	s2 =	sld [smem:$0x3FD9]  }
0x89: {  	s3 =	sld [smem:$0x3FFE];
	_ =	sdelay $0x1  }
0x8a: {  	s1 =	srdreg.scid  }
0x8b: {  	s0 =	sand.u32 $0x1, s1  }
0x8c: {  	s17 =	sshll.u32 s0, $0xA;
	s2 =	sadd.s32 s3, s2  }
0x8d: {  	s2 =	sadd.s32 s2, s17  }
0x8e: {  	[smem:$0x3FC1] =	sst s2  }
0x8f: {  	_ = 	snop  }
0x90: {  	s2 =	sld [smem:$0x3FD0];
	(tm) =	ssettm $0x1  }
0x91: {  	s18 =	sld [smem:$0x3FFB];
	_ =	sdelay $0x3  }
0x92: {  	_ =	strace s18  }
0x93: {  	s3 =	sld [smem:$0x3FFC];
	_ =	sdelay $0x3  }
0x94: {  	_ =	strace s3  }
0x95: {  	s3 =	sld [smem:$0x3FFD];
	_ =	sdelay $0x3  }
0x96: {  	_ =	strace s3  }
0x97: {  	_ =	strace $0x8FFFFFFF  }
0x98: {  	s19 =	sld [smem:$0x3FDB];
	_ =	sdelay $0x1  }
0x99: {  	s4 =	simm.s32 $_scs_section_size  }
0x9a: {  	s5 =	simm.s32 $_size__tile_overlayer_lowered;
	s6 =	simm.s32 $_tile_overlayer_lowered  }
0x9b: {  	s22 =	simm.s32 $0x1BFF;
	s21 =	sshll.u32 s6, $0x1;
	s3 =	sadd.s32 s4, s19  }
0x9c: {  	s7 =	simm.s32 $0x0;
	s20 =	sshll.u32 s5, $0x1;
	s5 =	sadd.s32 s21, s3  }
0x9d: {  	[timem:s7], [sflag:s22] =	dma.local [hbm:s5], s20  }
0x9e: {  	_ =	swait.ge [sflag:s22], s20  }
0x9f: {  	s4 =	ssub.s32 $0x0, s20;
	[sflag:s22] =	ssyncset.done $0x0  }
0xa0: {  	[sflag:s22] =	ssyncadd.s32 s4;
	_ =	sdelay $0x1  }
0xa1: {  	s23 =	simm.s32 $0x1B8B  }
0xa2: {  	_ =	swait.ge [sflag:s23], $0x1  }
0xa3: {  	[sflag:s23] =	ssyncset.done $0x0  }
0xa4: {  	s25 =	simm.s32 $0x1B8E;
	s24 =	sld [smem:$0x3FFE];
	[sflag:s23] =	ssyncadd.s32 $0xFFFFFFFF  }
0xa5: {  	s26 =	simm.s32 $execute0_lowered;
	[smem:$0x3FD2] =	sst s25  }
0xa6: {  	s5 =	sshll.u32 s26, $0x1;
	_ =	strace $0x80000046;
	[dreg:$0x1] =	wrdreg $0xFFFFFFFF  }
0xa7: {  	s28 =	simm.s32 $_size_execute0_lowered;
	s3 =	sadd.s32 s3, s5;
	[dreg:$0x0] =	wrdreg $0x0  }
0xa8: {  	s5 =	sshll.u32 s28, $0x1;
	[dreg:$0x2] =	wrdreg s3  }
0xa9: {  	[dreg:$0x3] =	wrdreg s5  }
0xaa: {  	[dreg:$0x4] =	wrdreg $0xC0  }
0xab: {  	_ =	task [dreg:s7], $0x5FFFF  }
0xac: {  	[dreg:$0x1] =	wrdreg $0xFFFFFFFF  }
0xad: {  	[dreg:$0x0] =	wrdreg $0x60  }
0xae: {  	[dreg:$0x2] =	wrdreg s24  }
0xaf: {  	[dreg:$0x3] =	wrdreg s2  }
0xb0: {  	[dreg:$0x4] =	wrdreg $0x50000  }
0xb1: {  	[dreg:$0x5] =	wrdreg $0x9  }
0xb2: {  	_ =	task.clear_ibuf [dreg:s7], $0x6FFFF;
	_ =	strace $0x90000046  }
0xb3: {  	s29 =	simm.s32 $0x9;
	_ =	strace $0x80000048  }
0xb4: {  	_ =	swait.ge [sflag:s29], $0x1  }
0xb5: {  	[sflag:s29] =	ssyncadd.s32 $0xFFFFFFFF  }
0xb6: {  	_ =	strace $0x90000048  }
0xb7: {  	_ =	sfence  }
0xb8: {  	s30 =	sld [smem:$0x0];
	_ =	sdelay $0x2  }
0xb9: {  	s31 =	sshll.u32 s1, $0xD;
	s1 =	sshrl.u32 s1, $0x2  }
0xba: {  	s3 =	sand.u32 $0x4000, s31;
	s1 =	sadd.s32 s1, s30  }
0xbb: {  	s0 =	sor.u32 s3, s0;
	s1 =	sshll.u32 s1, $0x11  }
0xbc: {  	s0 =	sor.u32 s1, s0  }
0xbd: {  	s0 =	sadd.s32 $0x8F2B, s0  }
0xbe: {  	[sflag:s0] =	ssyncadd.remote.s32 $0x1  }
0xbf: {  	_ =	sfence.sel $0xFFFF  }
0xc0: {  	[dreg:$0x0] =	wrdreg $0xFFFFFFFF;
	(pc) =	sbr.abs _section_cstart, $3  }
0xc1: {  	[dreg:$0x1] =	wrdreg $0xFFFFFFFF  }
0xc2: {  	_ =	task.clear_ibuf [dreg:s7], $0x2FFFF;
	_ =	strace $0x9FFFFFFF  }
0xc3: {  	(tm) =	ssettm $0x7FFFFFFF  }
tec
execute0_lowered:
.L_overlay_start_1:
0x0: {  	(tag) =	ssettag $0x1  }
0x1: {  	s5 =	rddreg [dreg:$0x0]  }
0x2: {  	s6 =	rddreg [dreg:$0x1]  }
0x3: {  	s2 =	rddreg [dreg:$0x2];
	s3 =	simm.s32 $0x0  }
0x4: {  	s10 =	simm.s32 $0x5280;
	[smem:$0x7FF] =	sst s3  }
0x5: {  	s11 =	simm.s32 $0x2880;
	_ =	strace $0x80000047;
	[dreg:$0x7] =	wrdreg s10  }
0x6: {  	s12 =	simm.s32 $0x100;
	[dreg:$0x8] =	wrdreg s11  }
0x7: {  	s13 =	simm.s32 $0x2900;
	[dreg:$0x9] =	wrdreg s12  }
0x8: {  	s14 =	simm.s32 $0x180;
	[dreg:$0xa] =	wrdreg s13  }
0x9: {  	s15 =	simm.s32 $0x2980;
	[dreg:$0xb] =	wrdreg s14  }
0xa: {  	s16 =	simm.s32 $0x200;
	[dreg:$0xc] =	wrdreg s15  }
0xb: {  	s17 =	simm.s32 $0x2A00;
	[dreg:$0xd] =	wrdreg s16  }
0xc: {  	s18 =	simm.s32 $0x280;
	[dreg:$0xe] =	wrdreg s17  }
0xd: {  	s19 =	simm.s32 $0x2A80;
	[dreg:$0xf] =	wrdreg s18  }
0xe: {  	s20 =	simm.s32 $0x300;
	[dreg:$0x10] =	wrdreg s19  }
0xf: {  	s21 =	simm.s32 $0x2B00;
	[dreg:$0x11] =	wrdreg s20  }
0x10: {  	s22 =	simm.s32 $0x380;
	[dreg:$0x12] =	wrdreg s21  }
0x11: {  	s23 =	simm.s32 $0x2B80;
	[dreg:$0x13] =	wrdreg s22  }
0x12: {  	s24 =	simm.s32 $0x400;
	[dreg:$0x14] =	wrdreg s23  }
0x13: {  	s25 =	simm.s32 $0x2C00;
	[dreg:$0x15] =	wrdreg s24  }
0x14: {  	s26 =	simm.s32 $0x480;
	[dreg:$0x16] =	wrdreg s25  }
0x15: {  	s29 =	simm.s32 $0x2C80;
	[dreg:$0x17] =	wrdreg s26  }
0x16: {  	s30 =	simm.s32 $0x500;
	[dreg:$0x18] =	wrdreg s29  }
0x17: {  	s31 =	simm.s32 $0x2D00;
	[dreg:$0x19] =	wrdreg s30  }
0x18: {  	[dreg:$0x1a] =	wrdreg s31;
	s10 =	simm.s32 $0x2E80  }
0x19: {  	s11 =	simm.s32 $0x700;
	[smem:$0x789] =	sst s10  }
0x1a: {  	s12 =	simm.s32 $0x2F00;
	[smem:$0x78A] =	sst s11  }
0x1b: {  	s13 =	simm.s32 $0x780;
	[smem:$0x78B] =	sst s12  }
0x1c: {  	s14 =	simm.s32 $0x2F80;
	[smem:$0x78C] =	sst s13  }
0x1d: {  	s15 =	simm.s32 $0x800;
	[smem:$0x78D] =	sst s14  }
0x1e: {  	s16 =	simm.s32 $0x3000;
	[smem:$0x78E] =	sst s15  }
0x1f: {  	s17 =	simm.s32 $0x880;
	[smem:$0x78F] =	sst s16  }
0x20: {  	s18 =	simm.s32 $0x3080;
	[smem:$0x790] =	sst s17  }
0x21: {  	s19 =	simm.s32 $0x900;
	[smem:$0x791] =	sst s18  }
0x22: {  	s20 =	simm.s32 $0x3100;
	[smem:$0x792] =	sst s19  }
0x23: {  	s21 =	simm.s32 $0x980;
	[smem:$0x793] =	sst s20  }
0x24: {  	s22 =	simm.s32 $0x3180;
	[smem:$0x794] =	sst s21  }
0x25: {  	s23 =	simm.s32 $0xA00;
	[smem:$0x795] =	sst s22  }
0x26: {  	s24 =	simm.s32 $0x3200;
	[smem:$0x796] =	sst s23  }
0x27: {  	s25 =	simm.s32 $0xA80;
	[smem:$0x797] =	sst s24  }
0x28: {  	s26 =	simm.s32 $0x3280;
	[smem:$0x798] =	sst s25  }
0x29: {  	s29 =	simm.s32 $0xB00;
	[smem:$0x799] =	sst s26  }
0x2a: {  	s30 =	simm.s32 $0x3300;
	[smem:$0x79A] =	sst s29  }
0x2b: {  	s31 =	simm.s32 $0xB80;
	[smem:$0x79B] =	sst s30  }
0x2c: {  	[smem:$0x79C] =	sst s31;
	s10 =	simm.s32 $0xD00  }
0x2d: {  	s11 =	simm.s32 $0x3500;
	[smem:$0x7A2] =	sst s10  }
0x2e: {  	s12 =	simm.s32 $0xD80;
	[smem:$0x7A3] =	sst s11  }
0x2f: {  	s13 =	simm.s32 $0x3580;
	[smem:$0x7A4] =	sst s12  }
0x30: {  	s14 =	simm.s32 $0xE00;
	[smem:$0x7A5] =	sst s13  }
0x31: {  	s15 =	simm.s32 $0x3600;
	[smem:$0x7A6] =	sst s14  }
0x32: {  	s16 =	simm.s32 $0xE80;
	[smem:$0x7A7] =	sst s15  }
0x33: {  	s17 =	simm.s32 $0x3680;
	[smem:$0x7A8] =	sst s16  }
0x34: {  	s18 =	simm.s32 $0xF00;
	[smem:$0x7A9] =	sst s17  }
0x35: {  	s19 =	simm.s32 $0x3700;
	[smem:$0x7AA] =	sst s18  }
0x36: {  	s20 =	simm.s32 $0xF80;
	[smem:$0x7AB] =	sst s19  }
0x37: {  	s21 =	simm.s32 $0x3780;
	[smem:$0x7AC] =	sst s20  }
0x38: {  	s22 =	simm.s32 $0x1000;
	[smem:$0x7AD] =	sst s21  }
0x39: {  	s23 =	simm.s32 $0x3800;
	[smem:$0x7AE] =	sst s22  }
0x3a: {  	s24 =	simm.s32 $0x1080;
	[smem:$0x7AF] =	sst s23  }
0x3b: {  	s25 =	simm.s32 $0x3880;
	[smem:$0x7B0] =	sst s24  }
0x3c: {  	s26 =	simm.s32 $0x1100;
	[smem:$0x7B1] =	sst s25  }
0x3d: {  	s29 =	simm.s32 $0x3900;
	[smem:$0x7B2] =	sst s26  }
0x3e: {  	s30 =	simm.s32 $0x1180;
	[smem:$0x7B3] =	sst s29  }
0x3f: {  	s31 =	simm.s32 $0x3980;
	[smem:$0x7B4] =	sst s30  }
0x40: {  	[smem:$0x7B5] =	sst s31;
	s10 =	simm.s32 $0x3B00  }
0x41: {  	s11 =	simm.s32 $0x1380;
	[smem:$0x7BB] =	sst s10  }
0x42: {  	s12 =	simm.s32 $0x3B80;
	[smem:$0x7BC] =	sst s11  }
0x43: {  	s13 =	simm.s32 $0x1400;
	[smem:$0x7BD] =	sst s12  }
0x44: {  	s14 =	simm.s32 $0x3C00;
	[smem:$0x7BE] =	sst s13  }
0x45: {  	s15 =	simm.s32 $0x1480;
	[smem:$0x7BF] =	sst s14  }
0x46: {  	s16 =	simm.s32 $0x3C80;
	[smem:$0x7C0] =	sst s15  }
0x47: {  	s17 =	simm.s32 $0x1500;
	[smem:$0x7C1] =	sst s16  }
0x48: {  	s18 =	simm.s32 $0x3D00;
	[smem:$0x7C2] =	sst s17  }
0x49: {  	s19 =	simm.s32 $0x1580;
	[smem:$0x7C3] =	sst s18  }
0x4a: {  	s20 =	simm.s32 $0x3D80;
	[smem:$0x7C4] =	sst s19  }
0x4b: {  	s21 =	simm.s32 $0x1600;
	[smem:$0x7C5] =	sst s20  }
0x4c: {  	s22 =	simm.s32 $0x3E00;
	[smem:$0x7C6] =	sst s21  }
0x4d: {  	s23 =	simm.s32 $0x1680;
	[smem:$0x7C7] =	sst s22  }
0x4e: {  	s24 =	simm.s32 $0x3E80;
	[smem:$0x7C8] =	sst s23  }
0x4f: {  	s25 =	simm.s32 $0x1700;
	[smem:$0x7C9] =	sst s24  }
0x50: {  	s26 =	simm.s32 $0x3F00;
	[smem:$0x7CA] =	sst s25  }
0x51: {  	s29 =	simm.s32 $0x1780;
	[smem:$0x7CB] =	sst s26  }
0x52: {  	s30 =	simm.s32 $0x3F80;
	[smem:$0x7CC] =	sst s29  }
0x53: {  	s31 =	simm.s32 $0x1800;
	[smem:$0x7CD] =	sst s30  }
0x54: {  	[smem:$0x7CE] =	sst s31;
	s10 =	simm.s32 $0x1980  }
0x55: {  	s11 =	simm.s32 $0x4180;
	[smem:$0x7D4] =	sst s10  }
0x56: {  	s12 =	simm.s32 $0x1A00;
	[smem:$0x7D5] =	sst s11  }
0x57: {  	s13 =	simm.s32 $0x4200;
	[smem:$0x7D6] =	sst s12  }
0x58: {  	s14 =	simm.s32 $0x1A80;
	[smem:$0x7D7] =	sst s13  }
0x59: {  	s15 =	simm.s32 $0x4280;
	[smem:$0x7D8] =	sst s14  }
0x5a: {  	s16 =	simm.s32 $0x1B00;
	[smem:$0x7D9] =	sst s15  }
0x5b: {  	s17 =	simm.s32 $0x4300;
	[smem:$0x7DA] =	sst s16  }
0x5c: {  	s18 =	simm.s32 $0x1B80;
	[smem:$0x7DB] =	sst s17  }
0x5d: {  	s19 =	simm.s32 $0x4380;
	[smem:$0x7DC] =	sst s18  }
0x5e: {  	s20 =	simm.s32 $0x1C00;
	[smem:$0x7DD] =	sst s19  }
0x5f: {  	s0 =	srdreg.scid;
	s21 =	simm.s32 $0x4400;
	[smem:$0x7DE] =	sst s20  }
0x60: {  	s4 =	sand.u32 $0x1, s0;
	s22 =	simm.s32 $0x1C80;
	[smem:$0x7DF] =	sst s21  }
0x61: {  	s0 =	stileid.u32;
	s23 =	simm.s32 $0x4480;
	[smem:$0x7E0] =	sst s22  }
0x62: {  	s1 =	sshll.u32 s4, $0x4;
	s24 =	simm.s32 $0x1D00;
	[smem:$0x7E1] =	sst s23  }
0x63: {  	s8 =	smul.u32 $0x500, s0;
	s25 =	simm.s32 $0x4500;
	[smem:$0x7E2] =	sst s24  }
0x64: {  	s1 =	sor.u32 s0, s1;
	s26 =	simm.s32 $0x1D80;
	[smem:$0x7E3] =	sst s25  }
0x65: {  	s7 =	smul.u32 $0x500, s1;
	s29 =	simm.s32 $0x4580;
	[smem:$0x7E4] =	sst s26  }
0x66: {  	s1 =	sshll.u32 s4, $0x7;
	s30 =	simm.s32 $0x1E00;
	[smem:$0x7E5] =	sst s29  }
0x67: {  	s31 =	simm.s32 $0x4600;
	s5 =	sadd.s32 s7, s5;
	[smem:$0x7E6] =	sst s30  }
0x68: {  	s7 =	sor.u32 s1, s8;
	s1 =	simm.s32 $0x580;
	[smem:$0x7E7] =	sst s31  }
0x69: {  	s8 =	simm.s32 $0x2E00;
	[dreg:$0x1b] =	wrdreg s1  }
0x6a: {  	s10 =	simm.s32 $0x4780;
	[dreg:$0x1e] =	wrdreg s8  }
0x6b: {  	s11 =	simm.s32 $0x2000;
	[smem:$0x7ED] =	sst s10  }
0x6c: {  	s12 =	simm.s32 $0x4800;
	[smem:$0x7EE] =	sst s11  }
0x6d: {  	s13 =	simm.s32 $0x2080;
	[smem:$0x7EF] =	sst s12  }
0x6e: {  	s14 =	simm.s32 $0x4880;
	[smem:$0x7F0] =	sst s13  }
0x6f: {  	s15 =	simm.s32 $0x2100;
	[smem:$0x7F1] =	sst s14  }
0x70: {  	s16 =	simm.s32 $0x4900;
	[smem:$0x7F2] =	sst s15  }
0x71: {  	s17 =	simm.s32 $0x2180;
	[smem:$0x7F3] =	sst s16  }
0x72: {  	s18 =	simm.s32 $0x4980;
	[smem:$0x7F4] =	sst s17  }
0x73: {  	s20 =	simm.s32 $0x2200;
	[smem:$0x7F5] =	sst s18  }
0x74: {  	s22 =	simm.s32 $0x4A00;
	[smem:$0x7F6] =	sst s20  }
0x75: {  	s23 =	simm.s32 $0x2280;
	[smem:$0x7F7] =	sst s22  }
0x76: {  	s25 =	simm.s32 $0x4A80;
	[smem:$0x7F8] =	sst s23  }
0x77: {  	s26 =	simm.s32 $0x2300;
	[smem:$0x7F9] =	sst s25  }
0x78: {  	s29 =	simm.s32 $0x4B00;
	[smem:$0x7FA] =	sst s26  }
0x79: {  	s30 =	simm.s32 $0x2380;
	[smem:$0x7FB] =	sst s29  }
0x7a: {  	s31 =	simm.s32 $0x4B80;
	[smem:$0x7FC] =	sst s30  }
0x7b: {  	s9 =	sadd.s32 $0x1C00, s5;
	[smem:$0x7FD] =	sst s31  }
0x7c: {  	s5 =	sadd.s32 $0xBC00, s5;
	[dreg:$0x4] =	wrdreg s9  }
0x7d: {  	s1 =	simm.s32 $0x3380;
	[dreg:$0x5] =	wrdreg s5  }
0x7e: {  	s7 =	sshrl.u32 s7, $0x3;
	s8 =	simm.s32 $0xC80;
	[smem:$0x79D] =	sst s1  }
0x7f: {  	s9 =	sadd.s32 s6, s7;
	[smem:$0x7A0] =	sst s8  }
0x80: {  	s28 =	simm.s32 $0x10;
	s6 =	simm.s32 $0x2D80;
	[dreg:$0x6] =	wrdreg s9  }
0x81: {  	s4 =	ssub.s32 $0x2, s4;
	s7 =	simm.s32 $0x600;
	[dreg:$0x1c] =	wrdreg s6  }
0x82: {  	s19 =	sshrl.u32 s4, $0x1;
	s1 =	simm.s32 $0x1200;
	[dreg:$0x1d] =	wrdreg s7  }
0x83: {  	s21 =	smul.u32 $0xA00, s0;
	s8 =	simm.s32 $0x3A80;
	[smem:$0x7B6] =	sst s1  }
0x84: {  	s10 =	simm.s32 $0x4C00;
	s9 =	simm.s32 $0x680;
	[smem:$0x7B9] =	sst s8  }
0x85: {  	s11 =	simm.s32 $0x2480;
	s6 =	simm.s32 $0xC00;
	[dreg:$0x1f] =	wrdreg s9  }
0x86: {  	s12 =	simm.s32 $0x4C80;
	s7 =	simm.s32 $0x3400;
	[smem:$0x79E] =	sst s6  }
0x87: {  	s13 =	simm.s32 $0x2500;
	s1 =	simm.s32 $0x4000;
	[smem:$0x79F] =	sst s7  }
0x88: {  	s14 =	simm.s32 $0x4D00;
	s8 =	simm.s32 $0x1900;
	[smem:$0x7CF] =	sst s1  }
0x89: {  	s15 =	simm.s32 $0x2580;
	s9 =	simm.s32 $0x3480;
	[smem:$0x7D2] =	sst s8  }
0x8a: {  	s16 =	simm.s32 $0x4D80;
	s6 =	simm.s32 $0x3A00;
	[smem:$0x7A1] =	sst s9  }
0x8b: {  	s17 =	simm.s32 $0x2600;
	s7 =	simm.s32 $0x1280;
	[smem:$0x7B7] =	sst s6  }
0x8c: {  	s18 =	simm.s32 $0x4E00;
	s1 =	simm.s32 $0x1E80;
	[smem:$0x7B8] =	sst s7  }
0x8d: {  	s20 =	simm.s32 $0x4E80;
	s8 =	simm.s32 $0x4700;
	[smem:$0x7E8] =	sst s1  }
0x8e: {  	s22 =	simm.s32 $0x4F00;
	s9 =	simm.s32 $0x1300;
	[smem:$0x7EB] =	sst s8  }
0x8f: {  	s23 =	simm.s32 $0x2780;
	s6 =	simm.s32 $0x1880;
	[smem:$0x7BA] =	sst s9  }
0x90: {  	s25 =	simm.s32 $0x1;
	s7 =	simm.s32 $0x4080;
	[smem:$0x7D0] =	sst s6  }
0x91: {  	s26 =	simm.s32 $0x20;
	[smem:$0x7D1] =	sst s7;
	s9 =	simm.s32 $0x4100  }
0x92: {  	s24 =	sshrl.u32 s21, $0x2;
	s6 =	simm.s32 $0x4680;
	[smem:$0x7D3] =	sst s9  }
0x93: {  	s21 =	simm.s32 $0x2700;
	s7 =	simm.s32 $0x1F00;
	[smem:$0x7E9] =	sst s6  }
0x94: {  	s8 =	simm.s32 $0x80;
	[smem:$0x7EA] =	sst s7;
	s9 =	simm.s32 $0x1F80  }
0x95: {  	s6 =	ssub.s32 s4, s19;
	s4 =	sadd.s32 s24, s2;
	s7 =	simm.s32 $0x2800  }
0x96: {  	s19 =	simm.s32 $0x2680;
	s24 =	simm.s32 $0x4F80;
	[smem:$0x7EC] =	sst s9  }
0x97: {  	v0 =	vimm.f32 $0.0e+00;
	s5 =	smax.u32 s6, $0x1;
	s6 =	simm.s32 $0x2;
	s9 =	simm.s32 $0x2400  }
.LBB2_1:
0x98: {  	s29 =	rddreg [dreg:$0x4]  }
0x99: {  	[tilespmem:s3], [sflag:$0x2] =	stream.linear.gather [hbm4b:s29+s3], $0x2800, $0x38;
	[tilespmem:$0x5500] =	vst v63  }
0x9a: {  	_ =	swait.ge [sflag:s6], $0x2800  }
0x9b: {  	[sflag:s6] =	ssyncset.done $0x0  }
0x9c: {  	s30 =	rddreg [dreg:$0x5];
	[sflag:s6] =	ssyncadd.s32 $0xFFFFD800  }
0x9d: {  	[tilespmem:s7], [sflag:$0x2] =	stream.linear.gather [hbm4b:s30+s3], $0x2800, $0x38;
	[tilespmem:$0x5500] =	vst v63  }
0x9e: {  	_ =	swait.ge [sflag:s6], $0x2800  }
0x9f: {  	[sflag:s6] =	ssyncset.done $0x0  }
0xa0: {  	[sflag:s6] =	ssyncadd.s32 $0xFFFFD800  }
0xa1: {  	[tilespmem:$0x5280] =	vst v0  }
0xa2: {  	[tilespmem:$0x5290] =	vst v0  }
0xa3: {  	[tilespmem:$0x52A0] =	vst v0  }
0xa4: {  	[tilespmem:$0x52B0] =	vst v0  }
0xa5: {  	[tilespmem:$0x52C0] =	vst v0  }
0xa6: {  	[tilespmem:$0x52D0] =	vst v0  }
0xa7: {  	[tilespmem:$0x52E0] =	vst v0  }
0xa8: {  	[tilespmem:$0x52F0] =	vst v0  }
0xa9: {  	[tilespmem:$0x5300] =	vst v0  }
0xaa: {  	[tilespmem:$0x5310] =	vst v0  }
0xab: {  	[tilespmem:$0x5320] =	vst v0  }
0xac: {  	[tilespmem:$0x5330] =	vst v0  }
0xad: {  	[tilespmem:$0x5340] =	vst v0  }
0xae: {  	[tilespmem:$0x5350] =	vst v0  }
0xaf: {  	[tilespmem:$0x5360] =	vst v0  }
0xb0: {  	[tilespmem:$0x5370] =	vst v0  }
0xb1: {  	[tilespmem:$0x5380] =	vst v0  }
0xb2: {  	[tilespmem:$0x5390] =	vst v0  }
0xb3: {  	[tilespmem:$0x53A0] =	vst v0  }
0xb4: {  	[tilespmem:$0x53B0] =	vst v0  }
0xb5: {  	[tilespmem:$0x53C0] =	vst v0  }
0xb6: {  	[tilespmem:$0x53D0] =	vst v0  }
0xb7: {  	[tilespmem:$0x53E0] =	vst v0  }
0xb8: {  	[tilespmem:$0x53F0] =	vst v0  }
0xb9: {  	[tilespmem:$0x5400] =	vst v0  }
0xba: {  	[tilespmem:$0x5410] =	vst v0  }
0xbb: {  	[tilespmem:$0x5420] =	vst v0  }
0xbc: {  	[tilespmem:$0x5430] =	vst v0  }
0xbd: {  	[tilespmem:$0x5440] =	vst v0  }
0xbe: {  	[tilespmem:$0x5450] =	vst v0  }
0xbf: {  	[tilespmem:$0x5460] =	vst v0  }
0xc0: {  	[tilespmem:$0x5470] =	vst v0  }
0xc1: {  	[tilespmem:$0x5480] =	vst v0  }
0xc2: {  	[tilespmem:$0x5490] =	vst v0  }
0xc3: {  	[tilespmem:$0x54A0] =	vst v0  }
0xc4: {  	[tilespmem:$0x54B0] =	vst v0  }
0xc5: {  	[tilespmem:$0x54C0] =	vst v0  }
0xc6: {  	[tilespmem:$0x54D0] =	vst v0  }
0xc7: {  	[tilespmem:$0x54E0] =	vst v0  }
0xc8: {  	s31 =	rddreg [dreg:$0x7];
	[tilespmem:$0x54F0] =	vst v0  }
0xc9: {  	[spmem:s4] =	stream.linear.scatter [tilespmem:s31], [sflag:$0x2], $0x280, $0x38;
	[tilespmem:$0x5500] =	vst v63  }
0xca: {  	_ =	swait.ge [sflag:s6], $0x280  }
0xcb: {  	[sflag:s6] =	ssyncset.done $0x0  }
0xcc: {  	[sflag:s6] =	ssyncadd.s32 $0xFFFFFD80  }
0xcd: {  	[bflag:$0x0] =	sbarrier.arrive $0xFFFF  }
0xce: {  	s1 =	rddreg [dreg:$0x8]  }
0xcf: {  	[spmem:s2] =	stream.indirect.scatter.add.f32 [tilespmem:s7], [sflag:$0x1], $0x1, s3, s8, $0xb8;
	[tilespmem:$0x5500] =	vst v63  }
0xd0: {  	s29 =	rddreg [dreg:$0x9]  }
0xd1: {  	s30 =	rddreg [dreg:$0xa]  }
0xd2: {  	s31 =	rddreg [dreg:$0xb]  }
0xd3: {  	[spmem:s2] =	stream.indirect.scatter.add.f32 [tilespmem:s1], [sflag:$0x1], $0x1, s8, s8, $0xb8;
	[tilespmem:$0x5500] =	vst v63  }
0xd4: {  	s1 =	rddreg [dreg:$0xc]  }
0xd5: {  	[spmem:s2] =	stream.indirect.scatter.add.f32 [tilespmem:s30], [sflag:$0x1], $0x1, s29, s8, $0xb8;
	[tilespmem:$0x5500] =	vst v63  }
0xd6: {  	s29 =	rddreg [dreg:$0xe]  }
0xd7: {  	s30 =	rddreg [dreg:$0xf]  }
0xd8: {  	[spmem:s2] =	stream.indirect.scatter.add.f32 [tilespmem:s1], [sflag:$0x1], $0x1, s31, s8, $0xb8;
	[tilespmem:$0x5500] =	vst v63  }
0xd9: {  	s1 =	rddreg [dreg:$0xd]  }
0xda: {  	s31 =	rddreg [dreg:$0x10]  }
0xdb: {  	[spmem:s2] =	stream.indirect.scatter.add.f32 [tilespmem:s29], [sflag:$0x1], $0x1, s1, s8, $0xb8;
	[tilespmem:$0x5500] =	vst v63  }
0xdc: {  	s1 =	rddreg [dreg:$0x11]  }
0xdd: {  	s29 =	rddreg [dreg:$0x12]  }
0xde: {  	[spmem:s2] =	stream.indirect.scatter.add.f32 [tilespmem:s31], [sflag:$0x1], $0x1, s30, s8, $0xb8;
	[tilespmem:$0x5500] =	vst v63  }
0xdf: {  	s30 =	rddreg [dreg:$0x13]  }
0xe0: {  	s31 =	rddreg [dreg:$0x14]  }
0xe1: {  	[spmem:s2] =	stream.indirect.scatter.add.f32 [tilespmem:s29], [sflag:$0x1], $0x1, s1, s8, $0xb8;
	[tilespmem:$0x5500] =	vst v63  }
0xe2: {  	s1 =	rddreg [dreg:$0x15]  }
0xe3: {  	s29 =	rddreg [dreg:$0x16]  }
0xe4: {  	[spmem:s2] =	stream.indirect.scatter.add.f32 [tilespmem:s31], [sflag:$0x1], $0x1, s30, s8, $0xb8;
	[tilespmem:$0x5500] =	vst v63  }
0xe5: {  	s30 =	rddreg [dreg:$0x17]  }
0xe6: {  	s31 =	rddreg [dreg:$0x18]  }
0xe7: {  	[spmem:s2] =	stream.indirect.scatter.add.f32 [tilespmem:s29], [sflag:$0x1], $0x1, s1, s8, $0xb8;
	[tilespmem:$0x5500] =	vst v63  }
0xe8: {  	s1 =	rddreg [dreg:$0x19]  }
0xe9: {  	s29 =	rddreg [dreg:$0x1a]  }
0xea: {  	[spmem:s2] =	stream.indirect.scatter.add.f32 [tilespmem:s31], [sflag:$0x1], $0x1, s30, s8, $0xb8;
	[tilespmem:$0x5500] =	vst v63  }
0xeb: {  	s30 =	rddreg [dreg:$0x1b]  }
0xec: {  	s31 =	rddreg [dreg:$0x1c]  }
0xed: {  	[spmem:s2] =	stream.indirect.scatter.add.f32 [tilespmem:s29], [sflag:$0x1], $0x1, s1, s8, $0xb8;
	[tilespmem:$0x5500] =	vst v63  }
0xee: {  	s1 =	rddreg [dreg:$0x1d]  }
0xef: {  	s29 =	rddreg [dreg:$0x1e]  }
0xf0: {  	[spmem:s2] =	stream.indirect.scatter.add.f32 [tilespmem:s31], [sflag:$0x1], $0x1, s30, s8, $0xb8;
	[tilespmem:$0x5500] =	vst v63  }
0xf1: {  	s30 =	rddreg [dreg:$0x1f]  }
0xf2: {  	s31 =	sld [smem:$0x789]  }
0xf3: {  	[spmem:s2] =	stream.indirect.scatter.add.f32 [tilespmem:s29], [sflag:$0x1], $0x1, s1, s8, $0xb8;
	[tilespmem:$0x5500] =	vst v63  }
0xf4: {  	s1 =	sld [smem:$0x78A]  }
0xf5: {  	s29 =	sld [smem:$0x78B]  }
0xf6: {  	[spmem:s2] =	stream.indirect.scatter.add.f32 [tilespmem:s31], [sflag:$0x1], $0x1, s30, s8, $0xb8;
	[tilespmem:$0x5500] =	vst v63  }
0xf7: {  	s30 =	sld [smem:$0x78C]  }
0xf8: {  	s31 =	sld [smem:$0x78D]  }
0xf9: {  	[spmem:s2] =	stream.indirect.scatter.add.f32 [tilespmem:s29], [sflag:$0x1], $0x1, s1, s8, $0xb8;
	[tilespmem:$0x5500] =	vst v63  }
0xfa: {  	s1 =	sld [smem:$0x78E]  }
0xfb: {  	s29 =	sld [smem:$0x78F]  }
0xfc: {  	[spmem:s2] =	stream.indirect.scatter.add.f32 [tilespmem:s31], [sflag:$0x1], $0x1, s30, s8, $0xb8;
	[tilespmem:$0x5500] =	vst v63  }
0xfd: {  	s30 =	sld [smem:$0x790]  }
0xfe: {  	s31 =	sld [smem:$0x791]  }
0xff: {  	[spmem:s2] =	stream.indirect.scatter.add.f32 [tilespmem:s29], [sflag:$0x1], $0x1, s1, s8, $0xb8;
	[tilespmem:$0x5500] =	vst v63  }
0x100: {  	s1 =	sld [smem:$0x792]  }
0x101: {  	s29 =	sld [smem:$0x793]  }
0x102: {  	[spmem:s2] =	stream.indirect.scatter.add.f32 [tilespmem:s31], [sflag:$0x1], $0x1, s30, s8, $0xb8;
	[tilespmem:$0x5500] =	vst v63  }
0x103: {  	s30 =	sld [smem:$0x794]  }
0x104: {  	s31 =	sld [smem:$0x795]  }
0x105: {  	[spmem:s2] =	stream.indirect.scatter.add.f32 [tilespmem:s29], [sflag:$0x1], $0x1, s1, s8, $0xb8;
	[tilespmem:$0x5500] =	vst v63  }
0x106: {  	s1 =	sld [smem:$0x796]  }
0x107: {  	s29 =	sld [smem:$0x797]  }
0x108: {  	[spmem:s2] =	stream.indirect.scatter.add.f32 [tilespmem:s31], [sflag:$0x1], $0x1, s30, s8, $0xb8;
	[tilespmem:$0x5500] =	vst v63  }
0x109: {  	s30 =	sld [smem:$0x798]  }
0x10a: {  	s31 =	sld [smem:$0x799]  }
0x10b: {  	[spmem:s2] =	stream.indirect.scatter.add.f32 [tilespmem:s29], [sflag:$0x1], $0x1, s1, s8, $0xb8;
	[tilespmem:$0x5500] =	vst v63  }
0x10c: {  	s1 =	sld [smem:$0x79A]  }
0x10d: {  	s29 =	sld [smem:$0x79B]  }
0x10e: {  	[spmem:s2] =	stream.indirect.scatter.add.f32 [tilespmem:s31], [sflag:$0x1], $0x1, s30, s8, $0xb8;
	[tilespmem:$0x5500] =	vst v63  }
0x10f: {  	s30 =	sld [smem:$0x79C]  }
0x110: {  	s31 =	sld [smem:$0x79D]  }
0x111: {  	[spmem:s2] =	stream.indirect.scatter.add.f32 [tilespmem:s29], [sflag:$0x1], $0x1, s1, s8, $0xb8;
	[tilespmem:$0x5500] =	vst v63  }
0x112: {  	s1 =	sld [smem:$0x79E]  }
0x113: {  	s29 =	sld [smem:$0x79F]  }
0x114: {  	[spmem:s2] =	stream.indirect.scatter.add.f32 [tilespmem:s31], [sflag:$0x1], $0x1, s30, s8, $0xb8;
	[tilespmem:$0x5500] =	vst v63  }
0x115: {  	s30 =	sld [smem:$0x7A0]  }
0x116: {  	s31 =	sld [smem:$0x7A1]  }
0x117: {  	[spmem:s2] =	stream.indirect.scatter.add.f32 [tilespmem:s29], [sflag:$0x1], $0x1, s1, s8, $0xb8;
	[tilespmem:$0x5500] =	vst v63  }
0x118: {  	s1 =	sld [smem:$0x7A2]  }
0x119: {  	s29 =	sld [smem:$0x7A3]  }
0x11a: {  	[spmem:s2] =	stream.indirect.scatter.add.f32 [tilespmem:s31], [sflag:$0x1], $0x1, s30, s8, $0xb8;
	[tilespmem:$0x5500] =	vst v63  }
0x11b: {  	s30 =	sld [smem:$0x7A4]  }
0x11c: {  	s31 =	sld [smem:$0x7A5]  }
0x11d: {  	[spmem:s2] =	stream.indirect.scatter.add.f32 [tilespmem:s29], [sflag:$0x1], $0x1, s1, s8, $0xb8;
	[tilespmem:$0x5500] =	vst v63  }
0x11e: {  	s1 =	sld [smem:$0x7A6]  }
0x11f: {  	s29 =	sld [smem:$0x7A7]  }
0x120: {  	[spmem:s2] =	stream.indirect.scatter.add.f32 [tilespmem:s31], [sflag:$0x1], $0x1, s30, s8, $0xb8;
	[tilespmem:$0x5500] =	vst v63  }
0x121: {  	s30 =	sld [smem:$0x7A8]  }
0x122: {  	s31 =	sld [smem:$0x7A9]  }
0x123: {  	[spmem:s2] =	stream.indirect.scatter.add.f32 [tilespmem:s29], [sflag:$0x1], $0x1, s1, s8, $0xb8;
	[tilespmem:$0x5500] =	vst v63  }
0x124: {  	s1 =	sld [smem:$0x7AA]  }
0x125: {  	s29 =	sld [smem:$0x7AB]  }
0x126: {  	[spmem:s2] =	stream.indirect.scatter.add.f32 [tilespmem:s31], [sflag:$0x1], $0x1, s30, s8, $0xb8;
	[tilespmem:$0x5500] =	vst v63  }
0x127: {  	s30 =	sld [smem:$0x7AC]  }
0x128: {  	s31 =	sld [smem:$0x7AD]  }
0x129: {  	[spmem:s2] =	stream.indirect.scatter.add.f32 [tilespmem:s29], [sflag:$0x1], $0x1, s1, s8, $0xb8;
	[tilespmem:$0x5500] =	vst v63  }
0x12a: {  	s1 =	sld [smem:$0x7AE]  }
0x12b: {  	s29 =	sld [smem:$0x7AF]  }
0x12c: {  	[spmem:s2] =	stream.indirect.scatter.add.f32 [tilespmem:s31], [sflag:$0x1], $0x1, s30, s8, $0xb8;
	[tilespmem:$0x5500] =	vst v63  }
0x12d: {  	s30 =	sld [smem:$0x7B0]  }
0x12e: {  	s31 =	sld [smem:$0x7B1]  }
0x12f: {  	[spmem:s2] =	stream.indirect.scatter.add.f32 [tilespmem:s29], [sflag:$0x1], $0x1, s1, s8, $0xb8;
	[tilespmem:$0x5500] =	vst v63  }
0x130: {  	s1 =	sld [smem:$0x7B2]  }
0x131: {  	s29 =	sld [smem:$0x7B3]  }
0x132: {  	[spmem:s2] =	stream.indirect.scatter.add.f32 [tilespmem:s31], [sflag:$0x1], $0x1, s30, s8, $0xb8;
	[tilespmem:$0x5500] =	vst v63  }
0x133: {  	s30 =	sld [smem:$0x7B4]  }
0x134: {  	s31 =	sld [smem:$0x7B5]  }
0x135: {  	[spmem:s2] =	stream.indirect.scatter.add.f32 [tilespmem:s29], [sflag:$0x1], $0x1, s1, s8, $0xb8;
	[tilespmem:$0x5500] =	vst v63  }
0x136: {  	s1 =	sld [smem:$0x7B6]  }
0x137: {  	s29 =	sld [smem:$0x7B7]  }
0x138: {  	[spmem:s2] =	stream.indirect.scatter.add.f32 [tilespmem:s31], [sflag:$0x1], $0x1, s30, s8, $0xb8;
	[tilespmem:$0x5500] =	vst v63  }
0x139: {  	s30 =	sld [smem:$0x7B8]  }
0x13a: {  	s31 =	sld [smem:$0x7B9]  }
0x13b: {  	[spmem:s2] =	stream.indirect.scatter.add.f32 [tilespmem:s29], [sflag:$0x1], $0x1, s1, s8, $0xb8;
	[tilespmem:$0x5500] =	vst v63  }
0x13c: {  	s1 =	sld [smem:$0x7BA]  }
0x13d: {  	s29 =	sld [smem:$0x7BB]  }
0x13e: {  	[spmem:s2] =	stream.indirect.scatter.add.f32 [tilespmem:s31], [sflag:$0x1], $0x1, s30, s8, $0xb8;
	[tilespmem:$0x5500] =	vst v63  }
0x13f: {  	s30 =	sld [smem:$0x7BC]  }
0x140: {  	s31 =	sld [smem:$0x7BD]  }
0x141: {  	[spmem:s2] =	stream.indirect.scatter.add.f32 [tilespmem:s29], [sflag:$0x1], $0x1, s1, s8, $0xb8;
	[tilespmem:$0x5500] =	vst v63  }
0x142: {  	s1 =	sld [smem:$0x7BE]  }
0x143: {  	s29 =	sld [smem:$0x7BF]  }
0x144: {  	[spmem:s2] =	stream.indirect.scatter.add.f32 [tilespmem:s31], [sflag:$0x1], $0x1, s30, s8, $0xb8;
	[tilespmem:$0x5500] =	vst v63  }
0x145: {  	s30 =	sld [smem:$0x7C0]  }
0x146: {  	s31 =	sld [smem:$0x7C1]  }
0x147: {  	[spmem:s2] =	stream.indirect.scatter.add.f32 [tilespmem:s29], [sflag:$0x1], $0x1, s1, s8, $0xb8;
	[tilespmem:$0x5500] =	vst v63  }
0x148: {  	s1 =	sld [smem:$0x7C2]  }
0x149: {  	s29 =	sld [smem:$0x7C3]  }
0x14a: {  	[spmem:s2] =	stream.indirect.scatter.add.f32 [tilespmem:s31], [sflag:$0x1], $0x1, s30, s8, $0xb8;
	[tilespmem:$0x5500] =	vst v63  }
0x14b: {  	s30 =	sld [smem:$0x7C4]  }
0x14c: {  	s31 =	sld [smem:$0x7C5]  }
0x14d: {  	[spmem:s2] =	stream.indirect.scatter.add.f32 [tilespmem:s29], [sflag:$0x1], $0x1, s1, s8, $0xb8;
	[tilespmem:$0x5500] =	vst v63  }
0x14e: {  	s1 =	sld [smem:$0x7C6]  }
0x14f: {  	s29 =	sld [smem:$0x7C7]  }
0x150: {  	[spmem:s2] =	stream.indirect.scatter.add.f32 [tilespmem:s31], [sflag:$0x1], $0x1, s30, s8, $0xb8;
	[tilespmem:$0x5500] =	vst v63  }
0x151: {  	s30 =	sld [smem:$0x7C8]  }
0x152: {  	s31 =	sld [smem:$0x7C9]  }
0x153: {  	[spmem:s2] =	stream.indirect.scatter.add.f32 [tilespmem:s29], [sflag:$0x1], $0x1, s1, s8, $0xb8;
	[tilespmem:$0x5500] =	vst v63  }
0x154: {  	s1 =	sld [smem:$0x7CA]  }
0x155: {  	s29 =	sld [smem:$0x7CB]  }
0x156: {  	[spmem:s2] =	stream.indirect.scatter.add.f32 [tilespmem:s31], [sflag:$0x1], $0x1, s30, s8, $0xb8;
	[tilespmem:$0x5500] =	vst v63  }
0x157: {  	s30 =	sld [smem:$0x7CC]  }
0x158: {  	s31 =	sld [smem:$0x7CD]  }
0x159: {  	[spmem:s2] =	stream.indirect.scatter.add.f32 [tilespmem:s29], [sflag:$0x1], $0x1, s1, s8, $0xb8;
	[tilespmem:$0x5500] =	vst v63  }
0x15a: {  	s1 =	sld [smem:$0x7CE]  }
0x15b: {  	s29 =	sld [smem:$0x7CF]  }
0x15c: {  	[spmem:s2] =	stream.indirect.scatter.add.f32 [tilespmem:s31], [sflag:$0x1], $0x1, s30, s8, $0xb8;
	[tilespmem:$0x5500] =	vst v63  }
0x15d: {  	s30 =	sld [smem:$0x7D0]  }
0x15e: {  	s31 =	sld [smem:$0x7D1]  }
0x15f: {  	[spmem:s2] =	stream.indirect.scatter.add.f32 [tilespmem:s29], [sflag:$0x1], $0x1, s1, s8, $0xb8;
	[tilespmem:$0x5500] =	vst v63  }
0x160: {  	s1 =	sld [smem:$0x7D2]  }
0x161: {  	s29 =	sld [smem:$0x7D3]  }
0x162: {  	[spmem:s2] =	stream.indirect.scatter.add.f32 [tilespmem:s31], [sflag:$0x1], $0x1, s30, s8, $0xb8;
	[tilespmem:$0x5500] =	vst v63  }
0x163: {  	s30 =	sld [smem:$0x7D4]  }
0x164: {  	s31 =	sld [smem:$0x7D5]  }
0x165: {  	[spmem:s2] =	stream.indirect.scatter.add.f32 [tilespmem:s29], [sflag:$0x1], $0x1, s1, s8, $0xb8;
	[tilespmem:$0x5500] =	vst v63  }
0x166: {  	s1 =	sld [smem:$0x7D6]  }
0x167: {  	s29 =	sld [smem:$0x7D7]  }
0x168: {  	[spmem:s2] =	stream.indirect.scatter.add.f32 [tilespmem:s31], [sflag:$0x1], $0x1, s30, s8, $0xb8;
	[tilespmem:$0x5500] =	vst v63  }
0x169: {  	s30 =	sld [smem:$0x7D8]  }
0x16a: {  	s31 =	sld [smem:$0x7D9]  }
0x16b: {  	[spmem:s2] =	stream.indirect.scatter.add.f32 [tilespmem:s29], [sflag:$0x1], $0x1, s1, s8, $0xb8;
	[tilespmem:$0x5500] =	vst v63  }
0x16c: {  	s1 =	sld [smem:$0x7DA]  }
0x16d: {  	s29 =	sld [smem:$0x7DB]  }
0x16e: {  	[spmem:s2] =	stream.indirect.scatter.add.f32 [tilespmem:s31], [sflag:$0x1], $0x1, s30, s8, $0xb8;
	[tilespmem:$0x5500] =	vst v63  }
0x16f: {  	s30 =	sld [smem:$0x7DC]  }
0x170: {  	s31 =	sld [smem:$0x7DD]  }
0x171: {  	[spmem:s2] =	stream.indirect.scatter.add.f32 [tilespmem:s29], [sflag:$0x1], $0x1, s1, s8, $0xb8;
	[tilespmem:$0x5500] =	vst v63  }
0x172: {  	s1 =	sld [smem:$0x7DE]  }
0x173: {  	s29 =	sld [smem:$0x7DF]  }
0x174: {  	[spmem:s2] =	stream.indirect.scatter.add.f32 [tilespmem:s31], [sflag:$0x1], $0x1, s30, s8, $0xb8;
	[tilespmem:$0x5500] =	vst v63  }
0x175: {  	s30 =	sld [smem:$0x7E0]  }
0x176: {  	s31 =	sld [smem:$0x7E1]  }
0x177: {  	[spmem:s2] =	stream.indirect.scatter.add.f32 [tilespmem:s29], [sflag:$0x1], $0x1, s1, s8, $0xb8;
	[tilespmem:$0x5500] =	vst v63  }
0x178: {  	s1 =	sld [smem:$0x7E2]  }
0x179: {  	s29 =	sld [smem:$0x7E3]  }
0x17a: {  	[spmem:s2] =	stream.indirect.scatter.add.f32 [tilespmem:s31], [sflag:$0x1], $0x1, s30, s8, $0xb8;
	[tilespmem:$0x5500] =	vst v63  }
0x17b: {  	s30 =	sld [smem:$0x7E4]  }
0x17c: {  	s31 =	sld [smem:$0x7E5]  }
0x17d: {  	[spmem:s2] =	stream.indirect.scatter.add.f32 [tilespmem:s29], [sflag:$0x1], $0x1, s1, s8, $0xb8;
	[tilespmem:$0x5500] =	vst v63  }
0x17e: {  	s1 =	sld [smem:$0x7E6]  }
0x17f: {  	s29 =	sld [smem:$0x7E7]  }
0x180: {  	[spmem:s2] =	stream.indirect.scatter.add.f32 [tilespmem:s31], [sflag:$0x1], $0x1, s30, s8, $0xb8;
	[tilespmem:$0x5500] =	vst v63  }
0x181: {  	s30 =	sld [smem:$0x7E8]  }
0x182: {  	s31 =	sld [smem:$0x7E9]  }
0x183: {  	[spmem:s2] =	stream.indirect.scatter.add.f32 [tilespmem:s29], [sflag:$0x1], $0x1, s1, s8, $0xb8;
	[tilespmem:$0x5500] =	vst v63  }
0x184: {  	s1 =	sld [smem:$0x7EA]  }
0x185: {  	s29 =	sld [smem:$0x7EB]  }
0x186: {  	[spmem:s2] =	stream.indirect.scatter.add.f32 [tilespmem:s31], [sflag:$0x1], $0x1, s30, s8, $0xb8;
	[tilespmem:$0x5500] =	vst v63  }
0x187: {  	s30 =	sld [smem:$0x7EC]  }
0x188: {  	s31 =	sld [smem:$0x7ED]  }
0x189: {  	[spmem:s2] =	stream.indirect.scatter.add.f32 [tilespmem:s29], [sflag:$0x1], $0x1, s1, s8, $0xb8;
	[tilespmem:$0x5500] =	vst v63  }
0x18a: {  	s1 =	sld [smem:$0x7EE]  }
0x18b: {  	s29 =	sld [smem:$0x7EF]  }
0x18c: {  	[spmem:s2] =	stream.indirect.scatter.add.f32 [tilespmem:s31], [sflag:$0x1], $0x1, s30, s8, $0xb8;
	[tilespmem:$0x5500] =	vst v63  }
0x18d: {  	s30 =	sld [smem:$0x7F0]  }
0x18e: {  	s31 =	sld [smem:$0x7F1]  }
0x18f: {  	[spmem:s2] =	stream.indirect.scatter.add.f32 [tilespmem:s29], [sflag:$0x1], $0x1, s1, s8, $0xb8;
	[tilespmem:$0x5500] =	vst v63  }
0x190: {  	s1 =	sld [smem:$0x7F2]  }
0x191: {  	s29 =	sld [smem:$0x7F3]  }
0x192: {  	[spmem:s2] =	stream.indirect.scatter.add.f32 [tilespmem:s31], [sflag:$0x1], $0x1, s30, s8, $0xb8;
	[tilespmem:$0x5500] =	vst v63  }
0x193: {  	s30 =	sld [smem:$0x7F4]  }
0x194: {  	s31 =	sld [smem:$0x7F5]  }
0x195: {  	[spmem:s2] =	stream.indirect.scatter.add.f32 [tilespmem:s29], [sflag:$0x1], $0x1, s1, s8, $0xb8;
	[tilespmem:$0x5500] =	vst v63  }
0x196: {  	s1 =	sld [smem:$0x7F6]  }
0x197: {  	s29 =	sld [smem:$0x7F7]  }
0x198: {  	[spmem:s2] =	stream.indirect.scatter.add.f32 [tilespmem:s31], [sflag:$0x1], $0x1, s30, s8, $0xb8;
	[tilespmem:$0x5500] =	vst v63  }
0x199: {  	s30 =	sld [smem:$0x7F8]  }
0x19a: {  	s31 =	sld [smem:$0x7F9]  }
0x19b: {  	[spmem:s2] =	stream.indirect.scatter.add.f32 [tilespmem:s29], [sflag:$0x1], $0x1, s1, s8, $0xb8;
	[tilespmem:$0x5500] =	vst v63  }
0x19c: {  	s1 =	sld [smem:$0x7FA]  }
0x19d: {  	s29 =	sld [smem:$0x7FB]  }
0x19e: {  	[spmem:s2] =	stream.indirect.scatter.add.f32 [tilespmem:s31], [sflag:$0x1], $0x1, s30, s8, $0xb8;
	[tilespmem:$0x5500] =	vst v63  }
0x19f: {  	s30 =	sld [smem:$0x7FC]  }
0x1a0: {  	s31 =	sld [smem:$0x7FD]  }
0x1a1: {  	[spmem:s2] =	stream.indirect.scatter.add.f32 [tilespmem:s29], [sflag:$0x1], $0x1, s1, s8, $0xb8;
	[tilespmem:$0x5500] =	vst v63  }
0x1a2: {  	_ = 	snop  }
0x1a3: {  	[spmem:s2] =	stream.indirect.scatter.add.f32 [tilespmem:s31], [sflag:$0x1], $0x1, s30, s8, $0xb8;
	[tilespmem:$0x5500] =	vst v63  }
0x1a4: {  	_ = 	snop  }
0x1a5: {  	[spmem:s2] =	stream.indirect.scatter.add.f32 [tilespmem:s10], [sflag:$0x1], $0x1, s9, s8, $0xb8;
	[tilespmem:$0x5500] =	vst v63  }
0x1a6: {  	_ = 	snop  }
0x1a7: {  	[spmem:s2] =	stream.indirect.scatter.add.f32 [tilespmem:s12], [sflag:$0x1], $0x1, s11, s8, $0xb8;
	[tilespmem:$0x5500] =	vst v63  }
0x1a8: {  	_ = 	snop  }
0x1a9: {  	[spmem:s2] =	stream.indirect.scatter.add.f32 [tilespmem:s14], [sflag:$0x1], $0x1, s13, s8, $0xb8;
	[tilespmem:$0x5500] =	vst v63  }
0x1aa: {  	_ = 	snop  }
0x1ab: {  	[spmem:s2] =	stream.indirect.scatter.add.f32 [tilespmem:s16], [sflag:$0x1], $0x1, s15, s8, $0xb8;
	[tilespmem:$0x5500] =	vst v63  }
0x1ac: {  	_ = 	snop  }
0x1ad: {  	[spmem:s2] =	stream.indirect.scatter.add.f32 [tilespmem:s18], [sflag:$0x1], $0x1, s17, s8, $0xb8;
	[tilespmem:$0x5500] =	vst v63  }
0x1ae: {  	_ = 	snop  }
0x1af: {  	[spmem:s2] =	stream.indirect.scatter.add.f32 [tilespmem:s20], [sflag:$0x1], $0x1, s19, s8, $0xb8;
	[tilespmem:$0x5500] =	vst v63  }
0x1b0: {  	_ = 	snop  }
0x1b1: {  	[spmem:s2] =	stream.indirect.scatter.add.f32 [tilespmem:s22], [sflag:$0x1], $0x1, s21, s8, $0xb8;
	[tilespmem:$0x5500] =	vst v63  }
0x1b2: {  	_ = 	snop  }
0x1b3: {  	[spmem:s2] =	stream.indirect.scatter.add.f32 [tilespmem:s24], [sflag:$0x1], $0x1, s23, s8, $0xb8;
	[tilespmem:$0x5500] =	vst v63  }
0x1b4: {  	_ =	swait.ge [sflag:s25], $0x80  }
0x1b5: {  	[sflag:s25] =	ssyncset.done $0x0  }
0x1b6: {  	[sflag:s25] =	ssyncadd.s32 $0xFFFFFF80  }
0x1b7: {  	_ =	swait.ge [sflag:s25], $0x80  }
0x1b8: {  	[sflag:s25] =	ssyncset.done $0x0  }
0x1b9: {  	[sflag:s25] =	ssyncadd.s32 $0xFFFFFF80  }
0x1ba: {  	_ =	swait.ge [sflag:s25], $0x80  }
0x1bb: {  	[sflag:s25] =	ssyncset.done $0x0  }
0x1bc: {  	[sflag:s25] =	ssyncadd.s32 $0xFFFFFF80  }
0x1bd: {  	_ =	swait.ge [sflag:s25], $0x80  }
0x1be: {  	[sflag:s25] =	ssyncset.done $0x0  }
0x1bf: {  	[sflag:s25] =	ssyncadd.s32 $0xFFFFFF80  }
0x1c0: {  	_ =	swait.ge [sflag:s25], $0x80  }
0x1c1: {  	[sflag:s25] =	ssyncset.done $0x0  }
0x1c2: {  	[sflag:s25] =	ssyncadd.s32 $0xFFFFFF80  }
0x1c3: {  	_ =	swait.ge [sflag:s25], $0x80  }
0x1c4: {  	[sflag:s25] =	ssyncset.done $0x0  }
0x1c5: {  	[sflag:s25] =	ssyncadd.s32 $0xFFFFFF80  }
0x1c6: {  	_ =	swait.ge [sflag:s25], $0x80  }
0x1c7: {  	[sflag:s25] =	ssyncset.done $0x0  }
0x1c8: {  	[sflag:s25] =	ssyncadd.s32 $0xFFFFFF80  }
0x1c9: {  	_ =	swait.ge [sflag:s25], $0x80  }
0x1ca: {  	[sflag:s25] =	ssyncset.done $0x0  }
0x1cb: {  	[sflag:s25] =	ssyncadd.s32 $0xFFFFFF80  }
0x1cc: {  	_ =	swait.ge [sflag:s25], $0x80  }
0x1cd: {  	[sflag:s25] =	ssyncset.done $0x0  }
0x1ce: {  	[sflag:s25] =	ssyncadd.s32 $0xFFFFFF80  }
0x1cf: {  	_ =	swait.ge [sflag:s25], $0x80  }
0x1d0: {  	[sflag:s25] =	ssyncset.done $0x0  }
0x1d1: {  	[sflag:s25] =	ssyncadd.s32 $0xFFFFFF80  }
0x1d2: {  	_ =	swait.ge [sflag:s25], $0x80  }
0x1d3: {  	[sflag:s25] =	ssyncset.done $0x0  }
0x1d4: {  	[sflag:s25] =	ssyncadd.s32 $0xFFFFFF80  }
0x1d5: {  	_ =	swait.ge [sflag:s25], $0x80  }
0x1d6: {  	[sflag:s25] =	ssyncset.done $0x0  }
0x1d7: {  	[sflag:s25] =	ssyncadd.s32 $0xFFFFFF80  }
0x1d8: {  	_ =	swait.ge [sflag:s25], $0x80  }
0x1d9: {  	[sflag:s25] =	ssyncset.done $0x0  }
0x1da: {  	[sflag:s25] =	ssyncadd.s32 $0xFFFFFF80  }
0x1db: {  	_ =	swait.ge [sflag:s25], $0x80  }
0x1dc: {  	[sflag:s25] =	ssyncset.done $0x0  }
0x1dd: {  	[sflag:s25] =	ssyncadd.s32 $0xFFFFFF80  }
0x1de: {  	_ =	swait.ge [sflag:s25], $0x80  }
0x1df: {  	[sflag:s25] =	ssyncset.done $0x0  }
0x1e0: {  	[sflag:s25] =	ssyncadd.s32 $0xFFFFFF80  }
0x1e1: {  	_ =	swait.ge [sflag:s25], $0x80  }
0x1e2: {  	[sflag:s25] =	ssyncset.done $0x0  }
0x1e3: {  	[sflag:s25] =	ssyncadd.s32 $0xFFFFFF80  }
0x1e4: {  	_ =	swait.ge [sflag:s25], $0x80  }
0x1e5: {  	[sflag:s25] =	ssyncset.done $0x0  }
0x1e6: {  	[sflag:s25] =	ssyncadd.s32 $0xFFFFFF80  }
0x1e7: {  	_ =	swait.ge [sflag:s25], $0x80  }
0x1e8: {  	[sflag:s25] =	ssyncset.done $0x0  }
0x1e9: {  	[sflag:s25] =	ssyncadd.s32 $0xFFFFFF80  }
0x1ea: {  	_ =	swait.ge [sflag:s25], $0x80  }
0x1eb: {  	[sflag:s25] =	ssyncset.done $0x0  }
0x1ec: {  	[sflag:s25] =	ssyncadd.s32 $0xFFFFFF80  }
0x1ed: {  	_ =	swait.ge [sflag:s25], $0x80  }
0x1ee: {  	[sflag:s25] =	ssyncset.done $0x0  }
0x1ef: {  	[sflag:s25] =	ssyncadd.s32 $0xFFFFFF80  }
0x1f0: {  	_ =	swait.ge [sflag:s25], $0x80  }
0x1f1: {  	[sflag:s25] =	ssyncset.done $0x0  }
0x1f2: {  	[sflag:s25] =	ssyncadd.s32 $0xFFFFFF80  }
0x1f3: {  	_ =	swait.ge [sflag:s25], $0x80  }
0x1f4: {  	[sflag:s25] =	ssyncset.done $0x0  }
0x1f5: {  	[sflag:s25] =	ssyncadd.s32 $0xFFFFFF80  }
0x1f6: {  	_ =	swait.ge [sflag:s25], $0x80  }
0x1f7: {  	[sflag:s25] =	ssyncset.done $0x0  }
0x1f8: {  	[sflag:s25] =	ssyncadd.s32 $0xFFFFFF80  }
0x1f9: {  	_ =	swait.ge [sflag:s25], $0x80  }
0x1fa: {  	[sflag:s25] =	ssyncset.done $0x0  }
0x1fb: {  	[sflag:s25] =	ssyncadd.s32 $0xFFFFFF80  }
0x1fc: {  	_ =	swait.ge [sflag:s25], $0x80  }
0x1fd: {  	[sflag:s25] =	ssyncset.done $0x0  }
0x1fe: {  	[sflag:s25] =	ssyncadd.s32 $0xFFFFFF80  }
0x1ff: {  	_ =	swait.ge [sflag:s25], $0x80  }
0x200: {  	[sflag:s25] =	ssyncset.done $0x0  }
0x201: {  	[sflag:s25] =	ssyncadd.s32 $0xFFFFFF80  }
0x202: {  	_ =	swait.ge [sflag:s25], $0x80  }
0x203: {  	[sflag:s25] =	ssyncset.done $0x0  }
0x204: {  	[sflag:s25] =	ssyncadd.s32 $0xFFFFFF80  }
0x205: {  	_ =	swait.ge [sflag:s25], $0x80  }
0x206: {  	[sflag:s25] =	ssyncset.done $0x0  }
0x207: {  	[sflag:s25] =	ssyncadd.s32 $0xFFFFFF80  }
0x208: {  	_ =	swait.ge [sflag:s25], $0x80  }
0x209: {  	[sflag:s25] =	ssyncset.done $0x0  }
0x20a: {  	[sflag:s25] =	ssyncadd.s32 $0xFFFFFF80  }
0x20b: {  	_ =	swait.ge [sflag:s25], $0x80  }
0x20c: {  	[sflag:s25] =	ssyncset.done $0x0  }
0x20d: {  	[sflag:s25] =	ssyncadd.s32 $0xFFFFFF80  }
0x20e: {  	_ =	swait.ge [sflag:s25], $0x80  }
0x20f: {  	[sflag:s25] =	ssyncset.done $0x0  }
0x210: {  	[sflag:s25] =	ssyncadd.s32 $0xFFFFFF80  }
0x211: {  	_ =	swait.ge [sflag:s25], $0x80  }
0x212: {  	[sflag:s25] =	ssyncset.done $0x0  }
0x213: {  	[sflag:s25] =	ssyncadd.s32 $0xFFFFFF80  }
0x214: {  	_ =	swait.ge [sflag:s25], $0x80  }
0x215: {  	[sflag:s25] =	ssyncset.done $0x0  }
0x216: {  	[sflag:s25] =	ssyncadd.s32 $0xFFFFFF80  }
0x217: {  	_ =	swait.ge [sflag:s25], $0x80  }
0x218: {  	[sflag:s25] =	ssyncset.done $0x0  }
0x219: {  	[sflag:s25] =	ssyncadd.s32 $0xFFFFFF80  }
0x21a: {  	_ =	swait.ge [sflag:s25], $0x80  }
0x21b: {  	[sflag:s25] =	ssyncset.done $0x0  }
0x21c: {  	[sflag:s25] =	ssyncadd.s32 $0xFFFFFF80  }
0x21d: {  	_ =	swait.ge [sflag:s25], $0x80  }
0x21e: {  	[sflag:s25] =	ssyncset.done $0x0  }
0x21f: {  	[sflag:s25] =	ssyncadd.s32 $0xFFFFFF80  }
0x220: {  	_ =	swait.ge [sflag:s25], $0x80  }
0x221: {  	[sflag:s25] =	ssyncset.done $0x0  }
0x222: {  	[sflag:s25] =	ssyncadd.s32 $0xFFFFFF80  }
0x223: {  	_ =	swait.ge [sflag:s25], $0x80  }
0x224: {  	[sflag:s25] =	ssyncset.done $0x0  }
0x225: {  	[sflag:s25] =	ssyncadd.s32 $0xFFFFFF80  }
0x226: {  	_ =	swait.ge [sflag:s25], $0x80  }
0x227: {  	[sflag:s25] =	ssyncset.done $0x0  }
0x228: {  	[sflag:s25] =	ssyncadd.s32 $0xFFFFFF80  }
0x229: {  	_ =	swait.ge [sflag:s25], $0x80  }
0x22a: {  	[sflag:s25] =	ssyncset.done $0x0  }
0x22b: {  	[sflag:s25] =	ssyncadd.s32 $0xFFFFFF80  }
0x22c: {  	_ =	swait.ge [sflag:s25], $0x80  }
0x22d: {  	[sflag:s25] =	ssyncset.done $0x0  }
0x22e: {  	[sflag:s25] =	ssyncadd.s32 $0xFFFFFF80  }
0x22f: {  	_ =	swait.ge [sflag:s25], $0x80  }
0x230: {  	[sflag:s25] =	ssyncset.done $0x0  }
0x231: {  	[sflag:s25] =	ssyncadd.s32 $0xFFFFFF80  }
0x232: {  	_ =	swait.ge [sflag:s25], $0x80  }
0x233: {  	[sflag:s25] =	ssyncset.done $0x0  }
0x234: {  	[sflag:s25] =	ssyncadd.s32 $0xFFFFFF80  }
0x235: {  	_ =	swait.ge [sflag:s25], $0x80  }
0x236: {  	[sflag:s25] =	ssyncset.done $0x0  }
0x237: {  	[sflag:s25] =	ssyncadd.s32 $0xFFFFFF80  }
0x238: {  	_ =	swait.ge [sflag:s25], $0x80  }
0x239: {  	[sflag:s25] =	ssyncset.done $0x0  }
0x23a: {  	[sflag:s25] =	ssyncadd.s32 $0xFFFFFF80  }
0x23b: {  	_ =	swait.ge [sflag:s25], $0x80  }
0x23c: {  	[sflag:s25] =	ssyncset.done $0x0  }
0x23d: {  	[sflag:s25] =	ssyncadd.s32 $0xFFFFFF80  }
0x23e: {  	_ =	swait.ge [sflag:s25], $0x80  }
0x23f: {  	[sflag:s25] =	ssyncset.done $0x0  }
0x240: {  	[sflag:s25] =	ssyncadd.s32 $0xFFFFFF80  }
0x241: {  	_ =	swait.ge [sflag:s25], $0x80  }
0x242: {  	[sflag:s25] =	ssyncset.done $0x0  }
0x243: {  	[sflag:s25] =	ssyncadd.s32 $0xFFFFFF80  }
0x244: {  	_ =	swait.ge [sflag:s25], $0x80  }
0x245: {  	[sflag:s25] =	ssyncset.done $0x0  }
0x246: {  	[sflag:s25] =	ssyncadd.s32 $0xFFFFFF80  }
0x247: {  	_ =	swait.ge [sflag:s25], $0x80  }
0x248: {  	[sflag:s25] =	ssyncset.done $0x0  }
0x249: {  	[sflag:s25] =	ssyncadd.s32 $0xFFFFFF80  }
0x24a: {  	_ =	swait.ge [sflag:s25], $0x80  }
0x24b: {  	[sflag:s25] =	ssyncset.done $0x0  }
0x24c: {  	[sflag:s25] =	ssyncadd.s32 $0xFFFFFF80  }
0x24d: {  	_ =	swait.ge [sflag:s25], $0x80  }
0x24e: {  	[sflag:s25] =	ssyncset.done $0x0  }
0x24f: {  	[sflag:s25] =	ssyncadd.s32 $0xFFFFFF80  }
0x250: {  	_ =	swait.ge [sflag:s25], $0x80  }
0x251: {  	[sflag:s25] =	ssyncset.done $0x0  }
0x252: {  	[sflag:s25] =	ssyncadd.s32 $0xFFFFFF80  }
0x253: {  	_ =	swait.ge [sflag:s25], $0x80  }
0x254: {  	[sflag:s25] =	ssyncset.done $0x0  }
0x255: {  	[sflag:s25] =	ssyncadd.s32 $0xFFFFFF80  }
0x256: {  	_ =	swait.ge [sflag:s25], $0x80  }
0x257: {  	[sflag:s25] =	ssyncset.done $0x0  }
0x258: {  	[sflag:s25] =	ssyncadd.s32 $0xFFFFFF80  }
0x259: {  	_ =	swait.ge [sflag:s25], $0x80  }
0x25a: {  	[sflag:s25] =	ssyncset.done $0x0  }
0x25b: {  	[sflag:s25] =	ssyncadd.s32 $0xFFFFFF80  }
0x25c: {  	_ =	swait.ge [sflag:s25], $0x80  }
0x25d: {  	[sflag:s25] =	ssyncset.done $0x0  }
0x25e: {  	[sflag:s25] =	ssyncadd.s32 $0xFFFFFF80  }
0x25f: {  	_ =	swait.ge [sflag:s25], $0x80  }
0x260: {  	[sflag:s25] =	ssyncset.done $0x0  }
0x261: {  	[sflag:s25] =	ssyncadd.s32 $0xFFFFFF80  }
0x262: {  	_ =	swait.ge [sflag:s25], $0x80  }
0x263: {  	[sflag:s25] =	ssyncset.done $0x0  }
0x264: {  	[sflag:s25] =	ssyncadd.s32 $0xFFFFFF80  }
0x265: {  	_ =	swait.ge [sflag:s25], $0x80  }
0x266: {  	[sflag:s25] =	ssyncset.done $0x0  }
0x267: {  	[sflag:s25] =	ssyncadd.s32 $0xFFFFFF80  }
0x268: {  	_ =	swait.ge [sflag:s25], $0x80  }
0x269: {  	[sflag:s25] =	ssyncset.done $0x0  }
0x26a: {  	[sflag:s25] =	ssyncadd.s32 $0xFFFFFF80  }
0x26b: {  	_ =	swait.ge [sflag:s25], $0x80  }
0x26c: {  	[sflag:s25] =	ssyncset.done $0x0  }
0x26d: {  	[sflag:s25] =	ssyncadd.s32 $0xFFFFFF80  }
0x26e: {  	_ =	swait.ge [sflag:s25], $0x80  }
0x26f: {  	[sflag:s25] =	ssyncset.done $0x0  }
0x270: {  	[sflag:s25] =	ssyncadd.s32 $0xFFFFFF80  }
0x271: {  	_ =	swait.ge [sflag:s25], $0x80  }
0x272: {  	[sflag:s25] =	ssyncset.done $0x0  }
0x273: {  	[sflag:s25] =	ssyncadd.s32 $0xFFFFFF80  }
0x274: {  	_ =	swait.ge [sflag:s25], $0x80  }
0x275: {  	[sflag:s25] =	ssyncset.done $0x0  }
0x276: {  	[sflag:s25] =	ssyncadd.s32 $0xFFFFFF80  }
0x277: {  	_ =	swait.ge [sflag:s25], $0x80  }
0x278: {  	[sflag:s25] =	ssyncset.done $0x0  }
0x279: {  	[sflag:s25] =	ssyncadd.s32 $0xFFFFFF80  }
0x27a: {  	_ =	swait.ge [sflag:s25], $0x80  }
0x27b: {  	[sflag:s25] =	ssyncset.done $0x0  }
0x27c: {  	[sflag:s25] =	ssyncadd.s32 $0xFFFFFF80  }
0x27d: {  	_ =	swait.ge [sflag:s25], $0x80  }
0x27e: {  	[sflag:s25] =	ssyncset.done $0x0  }
0x27f: {  	[sflag:s25] =	ssyncadd.s32 $0xFFFFFF80  }
0x280: {  	_ =	swait.ge [sflag:s25], $0x80  }
0x281: {  	[sflag:s25] =	ssyncset.done $0x0  }
0x282: {  	[sflag:s25] =	ssyncadd.s32 $0xFFFFFF80  }
0x283: {  	_ =	swait.ge [sflag:s25], $0x80  }
0x284: {  	[sflag:s25] =	ssyncset.done $0x0  }
0x285: {  	[sflag:s25] =	ssyncadd.s32 $0xFFFFFF80  }
0x286: {  	_ =	swait.ge [sflag:s25], $0x80  }
0x287: {  	[sflag:s25] =	ssyncset.done $0x0  }
0x288: {  	[sflag:s25] =	ssyncadd.s32 $0xFFFFFF80  }
0x289: {  	_ =	swait.ge [sflag:s25], $0x80  }
0x28a: {  	[sflag:s25] =	ssyncset.done $0x0  }
0x28b: {  	[sflag:s25] =	ssyncadd.s32 $0xFFFFFF80  }
0x28c: {  	_ =	swait.ge [sflag:s25], $0x80  }
0x28d: {  	[sflag:s25] =	ssyncset.done $0x0  }
0x28e: {  	[sflag:s25] =	ssyncadd.s32 $0xFFFFFF80  }
0x28f: {  	_ =	swait.ge [sflag:s25], $0x80  }
0x290: {  	[sflag:s25] =	ssyncset.done $0x0  }
0x291: {  	[sflag:s25] =	ssyncadd.s32 $0xFFFFFF80  }
0x292: {  	_ =	swait.ge [sflag:s25], $0x80  }
0x293: {  	[sflag:s25] =	ssyncset.done $0x0  }
0x294: {  	[sflag:s25] =	ssyncadd.s32 $0xFFFFFF80  }
0x295: {  	_ =	swait.ge [sflag:s25], $0x80  }
0x296: {  	[sflag:s25] =	ssyncset.done $0x0  }
0x297: {  	[sflag:s25] =	ssyncadd.s32 $0xFFFFFF80  }
0x298: {  	_ =	swait.ge [sflag:s25], $0x80  }
0x299: {  	[sflag:s25] =	ssyncset.done $0x0  }
0x29a: {  	[sflag:s25] =	ssyncadd.s32 $0xFFFFFF80  }
0x29b: {  	_ =	swait.ge [sflag:s25], $0x80  }
0x29c: {  	[sflag:s25] =	ssyncset.done $0x0  }
0x29d: {  	[sflag:s25] =	ssyncadd.s32 $0xFFFFFF80  }
0x29e: {  	_ =	swait.ge [sflag:s25], $0x80  }
0x29f: {  	[sflag:s25] =	ssyncset.done $0x0  }
0x2a0: {  	[sflag:s25] =	ssyncadd.s32 $0xFFFFFF80  }
0x2a1: {  	_ =	swait.ge [sflag:s25], $0x80  }
0x2a2: {  	[sflag:s25] =	ssyncset.done $0x0  }
0x2a3: {  	p0 =	sne.s32 s5, $0x1;
	[sflag:s25] =	ssyncadd.s32 $0xFFFFFF80  }
0x2a4: {  	s30 =	sshll.u32 s0, $0x6;
	s31 =	sshrl.u32 s4, $0x3;
	[bflag:$0x0] =	sbarrier.arrive $0xFFFF  }
.Ltmp0:
0x2a5: {  	s29 =	sor.u32 $0x1C02, s30;
	s1 =	rddreg [dreg:$0x6];
	(pc) =	sbr.rel @p0 .LBB2_1-.Ltmp0, $4  }
0x2a6: {  	[hbm:s1@s26], [sflag:s29] =	dma.strided [spmem:s31@s28], $0x50, s25, $0x10   }
0x2a7: {  	_ =	swait.ge [sflag:s6], $0x50  }
0x2a8: {  	[sflag:s6] =	ssyncset.done $0x0  }
0x2a9: {  	s5 =	sadd.s32 $0xFFFFFFFF, s5;
	[sflag:s6] =	ssyncadd.s32 $0xFFFFFFB0  }
0x2aa: {  	_ =	sfence.sel $0x180000  }
0x2ab: {  	[bflag:$0x0] =	sbarrier.arrive $0xFFFF  }
0x2ac: {  	_ =	strace $0x90000047  }
0x2ad: {  	[bflag:$0x2] =	sbarrier.arrive $0xFFFF  }
0x2ae: {  	p0 =	sne.s32 s0, $0x0;
	s0 =	rddreg [dreg:$0x3]  }
0x2af: {  	s0 =	sadd.s32 @!p0 $0x100000, s0  }
0x2b0: {  	[sflag:s0] =	ssyncadd.tile.s32 @!p0 $0x1;
	_ =	shalt  }
.Lfunc_end2:
_tile_overlayer_lowered:
.L_overlay_start_2:
0x2b1: {  	(tag) =	ssettag $0x2  }
0x2b2: {  	s0 =	rddreg [dreg:$0x0];
	s2 =	stileid.u32  }
0x2b3: {  	s1 =	rddreg [dreg:$0x1];
	p0 =	sne.s32 s2, $0x0  }
0x2b4: {  	s3 =	rddreg [dreg:$0x2];
	[bflag:$0x3] =	sbarrier.arrive $0xFFFF;
	s2 =	simm.s32 @!p0 $0x1C02  }
0x2b5: {  	[timem:s3], [sflag:s2] =	dma.local @!p0 [hbm:s0], s1  }
0x2b6: {  	s0 =	simm.s32 @!p0 $0x2  }
0x2b7: {  	_ =	swait.ge @!p0 [sflag:s0], s1  }
0x2b8: {  	s1 =	ssub.s32 @!p0 $0x0, s1;
	[sflag:s0] =	ssyncset.done @!p0 $0x0  }
0x2b9: {  	[sflag:s0] =	ssyncadd.s32 @!p0 s1  }
0x2ba: {  	[bflag:$0x3] =	sbarrier.arrive $0xFFFF  }
0x2bb: {  	_ =	shalt  }

</sc_bundles>
